<compile_context>
chip_gen: v7x
topology: tpu7x:2x2x1
jax: 0.10.2.dev20260603
libtpu: 0.0.44.dev20260713+nightly
codegen_flags: <defaults>
</compile_context>

<pallas_src>
import functools

import jax
import jax.numpy as jnp
from jax import lax
from jax.experimental import pallas as pl
from jax.experimental.pallas import tpu as pltpu
from jax.experimental.pallas import tpu_sc as plsc

N = 10000
E = 160000
D = 128
K = 16
DW = D // 2

_info = plsc.get_sparse_core_info()
_NC = _info.num_cores
_NS = _info.num_subcores
_NW = _NC * _NS

_CH = 8


def _mesh():
    return plsc.VectorSubcoreMesh(core_axis_name="c", subcore_axis_name="s")



def _split_word(w):
    a = lax.bitcast_convert_type(lax.shift_left(w, 16), jnp.float32)
    b = lax.bitcast_convert_type(w, jnp.float32)
    return a, b


def _acc4_pair(load, n):
    aa, bb = [None] * 4, [None] * 4
    for kk in range(n):
        a, b = load(kk)
        j = kk % 4
        aa[j] = a if kk < 4 else aa[j] + a
        bb[j] = b if kk < 4 else bb[j] + b
    return (aa[0] + aa[1]) + (aa[2] + aa[3]), (bb[0] + bb[1]) + (bb[2] + bb[3])


@functools.partial(jax.jit, static_argnames=("rows", "with_p"))
def _sc_gather_fused(tabA, tabB, idxA, idxB, ptable, pidx, *, rows, with_p):
    nch = rows // _CH
    q, rem = divmod(nch, _NW)
    scratch = [
        pltpu.VMEM((_CH * K,), jnp.int32),
        pltpu.VMEM((_CH * K, DW), jnp.int32),
        pltpu.VMEM((_CH * K,), jnp.int32),
        pltpu.VMEM((_CH * K, DW), jnp.int32),
        pltpu.VMEM((_CH, D), jnp.float32),
        pltpu.SemaphoreType.DMA,
        pltpu.SemaphoreType.DMA,
        pltpu.SemaphoreType.DMA,
    ]
    if with_p:
        scratch += [
            pltpu.VMEM((_CH,), jnp.int32),
            pltpu.VMEM((_CH, D), jnp.float32),
            pltpu.SemaphoreType.DMA,
        ]

    def k(tabA_ref, tabB_ref, idxA_ref, idxB_ref, *rest):
        if with_p:
            (ptab_ref, pidx_ref, out,
             iA_v, rA_v, iB_v, rB_v, o_v, semA, semB, semO,
             iP_v, rP_v, semP) = rest
        else:
            (out, iA_v, rA_v, iB_v, rB_v, o_v, semA, semB, semO) = rest
        wid = lax.axis_index("s") * _NC + lax.axis_index("c")
        cnt = q + jnp.where(wid < rem, 1, 0)

        def start(ch, tab_ref, idx_ref, idx_v, rows_v, sem):
            pltpu.sync_copy(idx_ref.at[pl.ds(ch * _CH * K, _CH * K)], idx_v)
            pltpu.async_copy(tab_ref.at[idx_v], rows_v, sem)

        def startp(ch):
            pltpu.sync_copy(pidx_ref.at[pl.ds(ch * _CH, _CH)], iP_v)
            pltpu.async_copy(ptab_ref.at[iP_v], rP_v, semP)

        @pl.when(cnt > 0)
        def _():
            start(wid, tabA_ref, idxA_ref, iA_v, rA_v, semA)
            start(wid, tabB_ref, idxB_ref, iB_v, rB_v, semB)
            if with_p:
                startp(wid)

        def reduce_list(rows_v, first):
            @pl.loop(0, _CH)
            def _(r):
                for c in range(4):
                    sl = pl.ds(c * 16, 16)
                    sh = pl.ds(64 + c * 16, 16)
                    lo, hi = _acc4_pair(
                        lambda kk: _split_word(rows_v[r * K + kk, sl]), K)
                    if first:
                        o_v[r, sl] = lo
                        o_v[r, sh] = hi
                    else:
                        o_v[r, sl] = o_v[r, sl] + lo
                        o_v[r, sh] = o_v[r, sh] + hi

        @pl.loop(0, cnt)
        def _(i):
            ch = wid + i * _NW
            nxt = ch + _NW

            pltpu.make_async_copy(tabA_ref.at[iA_v], rA_v, semA).wait()

            @pl.when(i > 0)
            def _():
                pltpu.make_async_copy(
                    o_v, out.at[pl.ds((ch - _NW) * _CH, _CH)], semO).wait()

            reduce_list(rA_v, True)

            @pl.when(i + 1 < cnt)
            def _():
                start(nxt, tabA_ref, idxA_ref, iA_v, rA_v, semA)

            pltpu.make_async_copy(tabB_ref.at[iB_v], rB_v, semB).wait()
            reduce_list(rB_v, False)

            @pl.when(i + 1 < cnt)
            def _():
                start(nxt, tabB_ref, idxB_ref, iB_v, rB_v, semB)

            if with_p:
                pltpu.make_async_copy(ptab_ref.at[iP_v], rP_v, semP).wait()

                @pl.loop(0, _CH)
                def _(r):
                    for c in range(8):
                        sl = pl.ds(c * 16, 16)
                        o_v[r, sl] = o_v[r, sl] + rP_v[r, sl]

                @pl.when(i + 1 < cnt)
                def _():
                    startp(nxt)

            pltpu.async_copy(o_v, out.at[pl.ds(ch * _CH, _CH)], semO)

        @pl.when(cnt > 0)
        def _():
            last = wid + (cnt - 1) * _NW
            pltpu.make_async_copy(
                o_v, out.at[pl.ds(last * _CH, _CH)], semO).wait()

    built = pl.kernel(k,
                      out_type=jax.ShapeDtypeStruct((rows, D), jnp.float32),
                      mesh=_mesh(), scratch_types=scratch,
                      compiler_params=pltpu.CompilerParams(
                          use_tc_tiling_on_sc=False))
    if with_p:
        return built(tabA, tabB, idxA, idxB, ptable, pidx)
    return built(tabA, tabB, idxA, idxB)


_IB = 25


@jax.jit
def _sc_gather_e(tabA, tabB, idxA, idxB, ptable, pidx):
    cnt = E // _CH // _NW
    nb = cnt // _IB
    BR = _IB * _CH

    @functools.partial(
        pl.kernel,
        out_type=jax.ShapeDtypeStruct((E, D), jnp.float32),
        mesh=_mesh(),
        compiler_params=pltpu.CompilerParams(use_tc_tiling_on_sc=False),
        scratch_types=[
            pltpu.VMEM((_IB * _CH * K,), jnp.int32),
            pltpu.VMEM((_IB * _CH * K,), jnp.int32),
            pltpu.VMEM((BR,), jnp.int32),
            pltpu.VMEM((_CH * K, DW), jnp.int32),
            pltpu.VMEM((_CH * K, DW), jnp.int32),
            pltpu.VMEM((_CH * K, DW), jnp.int32),
            pltpu.VMEM((_CH * K, DW), jnp.int32),
            pltpu.VMEM((BR, DW), jnp.int32),
            pltpu.VMEM((BR, D), jnp.float32),
            pltpu.SemaphoreType.DMA,
            pltpu.SemaphoreType.DMA,
            pltpu.SemaphoreType.DMA,
            pltpu.SemaphoreType.DMA,
            pltpu.SemaphoreType.DMA,
            pltpu.SemaphoreType.DMA,
        ],
    )
    def k(tabA_ref, tabB_ref, idxA_ref, idxB_ref, ptab_ref, pidx_ref, out,
          iA_v, iB_v, iP_v, rA0_v, rA1_v, rB0_v, rB1_v, rP_v, o_v,
          semA0, semA1, semB0, semB1, semP, semO):
        wid = lax.axis_index("s") * _NC + lax.axis_index("c")
        s0 = wid * cnt

        def startA(t, buf, sem):
            pltpu.async_copy(tabA_ref.at[iA_v.at[pl.ds(t * _CH * K,
                                                       _CH * K)]],
                             buf, sem)

        def startB(t, buf, sem):
            pltpu.async_copy(tabB_ref.at[iB_v.at[pl.ds(t * _CH * K,
                                                       _CH * K)]],
                             buf, sem)

        def red_first(buf, t):
            @pl.loop(0, _CH)
            def _(r):
                for c in range(4):
                    sl = pl.ds(c * 16, 16)
                    sh = pl.ds(64 + c * 16, 16)
                    lo, hi = _acc4_pair(
                        lambda kk: _split_word(buf[r * K + kk, sl]), K)
                    o_v[t * _CH + r, sl] = lo
                    o_v[t * _CH + r, sh] = hi

        def red_add(buf, t):
            @pl.loop(0, _CH)
            def _(r):
                for c in range(4):
                    sl = pl.ds(c * 16, 16)
                    sh = pl.ds(64 + c * 16, 16)
                    lo, hi = _acc4_pair(
                        lambda kk: _split_word(buf[r * K + kk, sl]), K)
                    o_v[t * _CH + r, sl] = o_v[t * _CH + r, sl] + lo
                    o_v[t * _CH + r, sh] = o_v[t * _CH + r, sh] + hi

        def padd(t):
            @pl.loop(0, _CH)
            def _(r):
                for c in range(4):
                    sl = pl.ds(c * 16, 16)
                    sh = pl.ds(64 + c * 16, 16)
                    lo, hi = _split_word(rP_v[t * _CH + r, sl])
                    o_v[t * _CH + r, sl] = o_v[t * _CH + r, sl] + lo
                    o_v[t * _CH + r, sh] = o_v[t * _CH + r, sh] + hi

        def slot(t, rA_v, semA, rB_v, semB):
            pltpu.make_async_copy(
                tabA_ref.at[iA_v.at[pl.ds(t * _CH * K, _CH * K)]],
                rA_v, semA).wait()
            red_first(rA_v, t)

            @pl.when(t + 2 < _IB)
            def _():
                startA(t + 2, rA_v, semA)

            pltpu.make_async_copy(
                tabB_ref.at[iB_v.at[pl.ds(t * _CH * K, _CH * K)]],
                rB_v, semB).wait()
            red_add(rB_v, t)

            @pl.when(t + 2 < _IB)
            def _():
                startB(t + 2, rB_v, semB)

            padd(t)

        @pl.loop(0, nb)
        def _(b):
            bc = s0 + b * _IB

            @pl.when(b > 0)
            def _():
                pltpu.make_async_copy(
                    o_v, out.at[pl.ds((bc - _IB) * _CH, BR)], semO).wait()

            pltpu.sync_copy(idxA_ref.at[pl.ds(bc * _CH * K, _IB * _CH * K)],
                            iA_v)
            pltpu.sync_copy(idxB_ref.at[pl.ds(bc * _CH * K, _IB * _CH * K)],
                            iB_v)
            pltpu.sync_copy(pidx_ref.at[pl.ds(bc * _CH, BR)], iP_v)
            startA(0, rA0_v, semA0)
            startA(1, rA1_v, semA1)
            startB(0, rB0_v, semB0)
            startB(1, rB1_v, semB1)
            pltpu.async_copy(ptab_ref.at[iP_v.at[pl.ds(0, 128)]],
                             rP_v.at[pl.ds(0, 128)], semP)
            pltpu.async_copy(ptab_ref.at[iP_v.at[pl.ds(128, BR - 128)]],
                             rP_v.at[pl.ds(128, BR - 128)], semP)
            pltpu.make_async_copy(
                ptab_ref.at[iP_v.at[pl.ds(128, BR - 128)]],
                rP_v.at[pl.ds(128, BR - 128)], semP).wait()
            pltpu.make_async_copy(
                ptab_ref.at[iP_v.at[pl.ds(0, 128)]],
                rP_v.at[pl.ds(0, 128)], semP).wait()

            @pl.loop(0, _IB, step=2)
            def _(t):
                slot(t, rA0_v, semA0, rB0_v, semB0)

                @pl.when(t + 1 < _IB)
                def _():
                    slot(t + 1, rA1_v, semA1, rB1_v, semB1)

            pltpu.async_copy(o_v, out.at[pl.ds(bc * _CH, BR)], semO)

        pltpu.make_async_copy(
            o_v, out.at[pl.ds((s0 + (nb - 1) * _IB) * _CH, BR)], semO).wait()

    return k(tabA, tabB, idxA, idxB, ptable, pidx)


@jax.jit
def _sc_scatter_add(vals, dst):
    CH = 64
    nch = E // CH
    q, rem = divmod(nch, _NW)
    RB = 16
    nrch = N // RB
    rq, rrem = divmod(nrch, _NS)

    @functools.partial(
        pl.kernel,
        out_type=jax.ShapeDtypeStruct((_NC, N, D), jnp.float32),
        mesh=_mesh(),
        scratch_types=[
            pltpu.VMEM((CH,), jnp.int32),
            pltpu.VMEM((CH, D), jnp.float32),
            pltpu.VMEM((CH,), jnp.int32),
            pltpu.VMEM((CH, D), jnp.float32),
            pltpu.VMEM((RB, D), jnp.float32),
            pltpu.VMEM((RB, D), jnp.float32),
            pltpu.VMEM_SHARED((N, D), jnp.float32),
            pltpu.SemaphoreType.DMA,
            pltpu.SemaphoreType.DMA,
            pltpu.SemaphoreType.DMA,
            pltpu.SemaphoreType.DMA,
            pltpu.SemaphoreType.DMA,
            pltpu.SemaphoreType.DMA,
        ],
    )
    def k(vals_ref, dst_ref, out_ref, idx0_v, rows0_v, idx1_v, rows1_v,
          zbuf, obuf, acc, semI0, semR0, semS0, semI1, semR1, semS1):
        cid = lax.axis_index("c")
        sid = lax.axis_index("s")
        wid = sid * _NC + cid
        rcnt = rq + jnp.where(sid < rrem, 1, 0)

        for r in range(RB):
            for c in range(D // 16):
                zbuf[r, pl.ds(c * 16, 16)] = jnp.zeros((16,), jnp.float32)

        @pl.loop(0, rcnt)
        def _(j):
            pltpu.sync_copy(zbuf, acc.at[pl.ds((sid + j * _NS) * RB, RB)])

        plsc.subcore_barrier()

        cnt = q + jnp.where(wid < rem, 1, 0)
        cnt0 = (cnt + 1) // 2
        cnt1 = cnt // 2
        streams = ((cnt0, 0, idx0_v, rows0_v, semI0, semR0, semS0),
                   (cnt1, 1, idx1_v, rows1_v, semI1, semR1, semS1))

        def load(s, idx_v, rows_v, semI, semR, j):
            ch = wid + (2 * j + s) * _NW
            pltpu.async_copy(dst_ref.at[pl.ds(ch * CH, CH)], idx_v, semI)
            pltpu.async_copy(vals_ref.at[pl.ds(ch * CH, CH)], rows_v, semR)

        for cs, s, idx_v, rows_v, semI, semR, semS in streams:
            @pl.when(cs > 0)
            def _():
                load(s, idx_v, rows_v, semI, semR, 0)

        @pl.loop(0, cnt0)
        def _(j):
            for cs, s, idx_v, rows_v, semI, semR, semS in streams:
                @pl.when(j < cs)
                def _():
                    ch = wid + (2 * j + s) * _NW
                    pltpu.make_async_copy(
                        dst_ref.at[pl.ds(ch * CH, CH)], idx_v, semI).wait()
                    pltpu.make_async_copy(
                        vals_ref.at[pl.ds(ch * CH, CH)], rows_v, semR).wait()
                    pltpu.async_copy(rows_v, acc.at[idx_v], semS, add=True)

            for cs, s, idx_v, rows_v, semI, semR, semS in streams:
                @pl.when(j < cs)
                def _():
                    pltpu.make_async_copy(rows_v, acc.at[idx_v], semS).wait()

                    @pl.when(j + 1 < cs)
                    def _():
                        load(s, idx_v, rows_v, semI, semR, j + 1)

        plsc.subcore_barrier()

        @pl.loop(0, rcnt)
        def _(j):
            off = (sid + j * _NS) * RB
            pltpu.sync_copy(acc.at[pl.ds(off, RB)], obuf)
            pltpu.sync_copy(obuf, out_ref.at[cid, pl.ds(off, RB)])

    return k(vals, dst)



def _dot(a, b):
    return jnp.dot(a, b, preferred_element_type=jnp.float32)


def _pack_rows(z):
    t = lax.bitcast_convert_type(z, jnp.int32)
    rnd = jnp.bitwise_and(lax.shift_right_logical(t, 16), 1)
    bits = lax.shift_right_logical(t + 0x7FFF + rnd, 16)
    lo = bits[:, :DW]
    hi = bits[:, DW:]
    return jnp.bitwise_or(lo, lax.shift_left(hi, 16))


def _tc_pre_y(y, deg, wgy, wgd, wty, w0, w1, bias, *, blk):
    rows = y.shape[0]

    def body(y_ref, d_ref, wgy_r, wgd_r, wty_r, w0_r, w1_r, b_ref,
             ay_ref, wy_ref, z0_ref, z1_ref):
        yb = y_ref[...]
        ay_ref[...] = (_dot(yb, wgy_r[...]) + _dot(yb * d_ref[...], wgd_r[...])
                       + b_ref[...])
        wy_ref[...] = _dot(yb, wty_r[...])
        z0_ref[...] = _pack_rows(_dot(yb, w0_r[...]))
        z1_ref[...] = _pack_rows(_dot(yb, w1_r[...]))

    row = pl.BlockSpec((blk, D), lambda i: (i, 0))
    roww = pl.BlockSpec((blk, DW), lambda i: (i, 0))
    full = pl.BlockSpec((D, D), lambda i: (0, 0))
    vec = pl.BlockSpec((1, D), lambda i: (0, 0))
    return pl.pallas_call(
        body,
        grid=(rows // blk,),
        in_specs=[row, pl.BlockSpec((blk, 1), lambda i: (i, 0)),
                  full, full, full, full, full, vec],
        out_specs=[row, row, roww, roww],
        out_shape=[jax.ShapeDtypeStruct((rows, D), jnp.float32),
                   jax.ShapeDtypeStruct((rows, D), jnp.float32),
                   jax.ShapeDtypeStruct((rows, DW), jnp.int32),
                   jax.ShapeDtypeStruct((rows, DW), jnp.int32)],
    )(y, deg, wgy, wgd, wty, w0, w1, bias)


def _tc_pre_x(x, deg, wtx, wtd, w0, w1, wx, bias, *, blk):
    rows = x.shape[0]

    def body(x_ref, d_ref, wtx_r, wtd_r, w0_r, w1_r, wx_r, b_ref,
             ax_ref, u0_ref, u1_ref, zx_ref):
        xb = x_ref[...]
        ax_ref[...] = (_dot(xb, wtx_r[...]) + _dot(xb * d_ref[...], wtd_r[...])
                       + b_ref[...])
        u0_ref[...] = _pack_rows(_dot(xb, w0_r[...]))
        u1_ref[...] = _pack_rows(_dot(xb, w1_r[...]))
        zx_ref[...] = _pack_rows(_dot(xb, wx_r[...]))

    row = pl.BlockSpec((blk, D), lambda i: (i, 0))
    roww = pl.BlockSpec((blk, DW), lambda i: (i, 0))
    full = pl.BlockSpec((D, D), lambda i: (0, 0))
    vec = pl.BlockSpec((1, D), lambda i: (0, 0))
    return pl.pallas_call(
        body,
        grid=(rows // blk,),
        in_specs=[row, pl.BlockSpec((blk, 1), lambda i: (i, 0)),
                  full, full, full, full, full, vec],
        out_specs=[row, roww, roww, roww],
        out_shape=[jax.ShapeDtypeStruct((rows, D), jnp.float32),
                   jax.ShapeDtypeStruct((rows, DW), jnp.int32),
                   jax.ShapeDtypeStruct((rows, DW), jnp.int32),
                   jax.ShapeDtypeStruct((rows, DW), jnp.int32)],
    )(x, deg, wtx, wtd, w0, w1, wx, bias)


def _relu_half(h):
    col = lax.broadcasted_iota(jnp.int32, h.shape, 1)
    return jnp.where(col >= D // 2, jnp.maximum(h, 0.0), h)


def _tc_stats(parts, *, blk):
    rows = parts[0].shape[0]
    n = len(parts)

    def body(*refs):
        in_refs, h_ref, stats_ref = refs[:n], refs[n], refs[n + 1]
        h = in_refs[0][...].astype(jnp.float32)
        for r in in_refs[1:]:
            h = h + r[...].astype(jnp.float32)
        h = _relu_half(h)
        h_ref[...] = h

        @pl.when(pl.program_id(0) == 0)
        def _():
            stats_ref[...] = jnp.zeros_like(stats_ref)

        stats_ref[0:1, :] = stats_ref[0:1, :] + jnp.sum(h, 0, keepdims=True)
        stats_ref[1:2, :] = stats_ref[1:2, :] + jnp.sum(h * h, 0,
                                                        keepdims=True)

    row = pl.BlockSpec((blk, D), lambda i: (i, 0))
    return pl.pallas_call(
        body,
        grid=(rows // blk,),
        in_specs=[row] * n,
        out_specs=[row, pl.BlockSpec((8, D), lambda i: (0, 0))],
        out_shape=[jax.ShapeDtypeStruct((rows, D), jnp.float32),
                   jax.ShapeDtypeStruct((8, D), jnp.float32)],
    )(*parts)


def _tc_bn(h, stats, s, b, *, blk):
    rows = h.shape[0]
    inv_n = 1.0 / rows

    def body(h_ref, stats_ref, s_ref, b_ref, o_ref):
        m = stats_ref[0:1, :] * inv_n
        v = stats_ref[1:2, :] * inv_n - m * m
        scale = lax.rsqrt(v + 1e-5) * s_ref[...]
        o_ref[...] = (h_ref[...] - m) * scale + b_ref[...]

    row = pl.BlockSpec((blk, D), lambda i: (i, 0))
    vec = pl.BlockSpec((1, D), lambda i: (0, 0))
    return pl.pallas_call(
        body,
        grid=(rows // blk,),
        in_specs=[row, pl.BlockSpec((8, D), lambda i: (0, 0)), vec, vec],
        out_specs=row,
        out_shape=jax.ShapeDtypeStruct((rows, D), jnp.float32),
    )(h, stats, s.reshape(1, D), b.reshape(1, D))



def kernel(x, y, deg_g, deg_lg, pm_pd, g_t, g_tt, lg_t, lg_tt, edge_dst,
           W_tx, b_tx, W_td, b_td, W_ty, b_ty, W_t0, b_t0, W_t1, b_t1,
           W_gy, b_gy, W_gd, b_gd, W_gx, b_gx, W_g0, b_g0, W_g1, b_g1,
           bnx_s, bnx_b, bny_s, bny_b):
    bias_x = (b_tx + b_td + b_t0 + b_t1 + b_ty).reshape(1, D)
    bias_y = (b_gy + b_gd + b_g0 + b_g1 + b_gx).reshape(1, D)

    ay, wy, z0p, z1p = _tc_pre_y(y, deg_lg, W_gy.T, W_gd.T, W_ty.T,
                                 W_g0.T, W_g1.T, bias_y, blk=2000)
    ax, u0p, u1p, zxp = _tc_pre_x(x, deg_g, W_tx.T, W_td.T,
                                  W_t0.T, W_t1.T, W_gx.T, bias_x, blk=2000)

    sx = _sc_gather_fused(u0p, u1p, g_t.reshape(-1), g_tt.reshape(-1),
                          zxp, pm_pd, rows=N, with_p=False)
    py = _sc_scatter_add(wy, edge_dst)
    sy = _sc_gather_e(z0p, z1p, lg_t.reshape(-1), lg_tt.reshape(-1),
                      zxp, pm_pd)

    hx, stx = _tc_stats([ax, sx, py[0], py[1]], blk=2000)
    hy, sty = _tc_stats([ay, sy], blk=2000)
    xn = _tc_bn(hx, stx, bnx_s, bnx_b, blk=2000)
    yn = _tc_bn(hy, sty, bny_s, bny_b, blk=2000)
    return (xn, yn)

# --- scband reference (transcript-rebuilt; emitter-appended) ---
"""Pipeline reference for scband-gnnmodule-17935783428737 (READ-ONLY COPY).

The authoritative reference and input builder live on the scoring server;
editing this copy changes nothing except your own understanding.
"""

import jax, jax.numpy as jnp
import numpy as np

N = 10000
E = 160000
D = 128
K = 16


def _lin(h, W, b):
    return h @ W.T + b


def _sum_nbrs(z, t):
    out = z[t[:, 0]]
    for k in range(1, t.shape[1]):
        out = out + z[t[:, k]]
    return out


def _bn(h, s, b):
    m = jnp.mean(h, axis=0)
    v = jnp.var(h, axis=0)
    return (h - m) / jnp.sqrt(v + 1e-5) * s + b


def _fwd(x, y, deg_g, deg_lg, pm_pd, g_t, g_tt, lg_t, lg_tt, edge_dst,
         W_tx, b_tx, W_td, b_td, W_ty, b_ty, W_t0, b_t0, W_t1, b_t1,
         W_gy, b_gy, W_gd, b_gd, W_gx, b_gx, W_g0, b_g0, W_g1, b_g1,
         bnx_s, bnx_b, bny_s, bny_b):
    # pmpd_x = F.embedding(pm_pd, x)
    pmpd_x = jnp.take(x, pm_pd, axis=0)
    # aggregate over g using neighbor index lists t and tt (radius=2 -> two hops lists)
    sum_x = _lin(_sum_nbrs(x, g_t), W_t0, b_t0) + _lin(_sum_nbrs(x, g_tt), W_t1, b_t1)
    # g.update_all(copy_edge(y) -> sum per dst node)
    pmpd_y = jnp.zeros((x.shape[0], y.shape[1]), y.dtype).at[edge_dst].add(y)
    xn = _lin(x, W_tx, b_tx) + _lin(deg_g * x, W_td, b_td) + sum_x + _lin(pmpd_y, W_ty, b_ty)
    n = xn.shape[1] // 2
    xn = jnp.concatenate([xn[:, :n], jax.nn.relu(xn[:, n:])], axis=1)
    xn = _bn(xn, bnx_s, bnx_b)
    # line-graph branch
    sum_y = _lin(_sum_nbrs(y, lg_t), W_g0, b_g0) + _lin(_sum_nbrs(y, lg_tt), W_g1, b_g1)
    yn = _lin(y, W_gy, b_gy) + _lin(deg_lg * y, W_gd, b_gd) + sum_y + _lin(pmpd_x, W_gx, b_gx)
    yn = jnp.concatenate([yn[:, :n], jax.nn.relu(yn[:, n:])], axis=1)
    yn = _bn(yn, bny_s, bny_b)
    return (xn, yn)


def setup_inputs(seed: int = 0) -> dict:
    key = jax.random.key(seed)
    ks = list(jax.random.split(key, 40))
    sc = 1.0 / np.sqrt(D)
    inp = {}
    inp["x"] = jax.random.normal(ks[0], (N, D), jnp.float32)
    inp["y"] = jax.random.normal(ks[1], (E, D), jnp.float32)
    inp["deg_g"] = jax.random.uniform(ks[2], (N, 1), jnp.float32)
    inp["deg_lg"] = jax.random.uniform(ks[3], (E, 1), jnp.float32)
    inp["pm_pd"] = jax.random.randint(ks[4], (E,), 0, N)
    inp["g_t"] = jax.random.randint(ks[5], (N, K), 0, N)
    inp["g_tt"] = jax.random.randint(ks[6], (N, K), 0, N)
    inp["lg_t"] = jax.random.randint(ks[7], (E, K), 0, E)
    inp["lg_tt"] = jax.random.randint(ks[8], (E, K), 0, E)
    inp["edge_dst"] = jax.random.randint(ks[9], (E,), 0, N)
    for i, nm in enumerate(["tx", "td", "ty", "t0", "t1", "gy", "gd", "gx", "g0", "g1"]):
        inp["W_" + nm] = jax.random.uniform(ks[10 + 2 * i], (D, D), jnp.float32, -sc, sc)
        inp["b_" + nm] = jax.random.uniform(ks[11 + 2 * i], (D,), jnp.float32, -sc, sc)
    inp["bnx_s"] = jnp.ones((D,), jnp.float32)
    inp["bnx_b"] = jnp.zeros((D,), jnp.float32)
    inp["bny_s"] = jnp.ones((D,), jnp.float32)
    inp["bny_b"] = jnp.zeros((D,), jnp.float32)
    return inp


def reference(x, y, deg_g, deg_lg, pm_pd, g_t, g_tt, lg_t, lg_tt, edge_dst,
              W_tx, b_tx, W_td, b_td, W_ty, b_ty, W_t0, b_t0, W_t1, b_t1,
              W_gy, b_gy, W_gd, b_gd, W_gx, b_gx, W_g0, b_g0, W_g1, b_g1,
              bnx_s, bnx_b, bny_s, bny_b):
    return _fwd(x, y, deg_g, deg_lg, pm_pd, g_t, g_tt, lg_t, lg_tt, edge_dst,
                W_tx, b_tx, W_td, b_td, W_ty, b_ty, W_t0, b_t0, W_t1, b_t1,
                W_gy, b_gy, W_gd, b_gd, W_gx, b_gx, W_g0, b_g0, W_g1, b_g1,
                bnx_s, bnx_b, bny_s, bny_b)

if __name__ == "__main__":
    import jax
    _d = setup_inputs()
    print(jax.jit(kernel)(*tuple(_d.values())))

</pallas_src>

<mosaic_0001>
#map = affine_map<(d0, d1) -> (0, 0)>
#map1 = affine_map<(d0, d1) -> (0)>
module attributes {stable_mosaic.version = 14 : i64} {
  func.func @k(%arg0: i32, %arg1: i32, %arg2: memref<10000x64xi32, #tpu.memory_space<hbm>>, %arg3: memref<10000x64xi32, #tpu.memory_space<hbm>>, %arg4: memref<160000xi32, #tpu.memory_space<hbm>>, %arg5: memref<160000xi32, #tpu.memory_space<hbm>>, %arg6: memref<10000x128xf32, #tpu.memory_space<hbm>>, %arg7: memref<128xi32, #tpu.memory_space<vmem>>, %arg8: memref<128x64xi32, #tpu.memory_space<vmem>>, %arg9: memref<128xi32, #tpu.memory_space<vmem>>, %arg10: memref<128x64xi32, #tpu.memory_space<vmem>>, %arg11: memref<8x128xf32, #tpu.memory_space<vmem>>, %arg12: memref<!tpu.dma_semaphore, #tpu.memory_space<semaphore_mem>>, %arg13: memref<!tpu.dma_semaphore, #tpu.memory_space<semaphore_mem>>, %arg14: memref<!tpu.dma_semaphore, #tpu.memory_space<semaphore_mem>>) attributes {dimension_semantics = [#tpu.dimension_semantics<core_parallel>, #tpu.dimension_semantics<subcore_parallel>], iteration_bounds = array<i64: 2, 16>, scalar_prefetch = 0 : i64, scratch_operands = 8 : i64, tpu.core_type = #tpu.core_type<sc_vector_subcore>, window_params = [{transform_indices = #map}, {transform_indices = #map}, {transform_indices = #map1}, {transform_indices = #map1}, {transform_indices = #map}]} {
    %mul3A = arith.constant 2 : i32
    %mul3A_0 = arith.muli %arg1, %mul3A : i32
    %add3A = arith.addi %mul3A_0, %arg0 : i32
    %lt3A = arith.constant 2 : i32
    %lt3A_1 = arith.cmpi slt, %add3A, %lt3A : i32
    %jit3A = arith.constant 1 : i32
    %jit3A_2 = arith.constant 0 : i32
    %select_n3A = arith.select %lt3A_1, %jit3A, %jit3A_2 : i32
    %add3A_3 = arith.constant 39 : i32
    %add3A_4 = arith.addi %add3A_3, %select_n3A : i32
    %gt3A = arith.constant 0 : i32
    %gt3A_5 = arith.cmpi sgt, %add3A_4, %gt3A : i32
    %convert_element_type3A = arith.extui %gt3A_5 : i1 to i32
    %cond3A = arith.constant 0 : i32
    %cond3A_6 = arith.cmpi ne, %convert_element_type3A, %cond3A : i32
    scf.if %cond3A_6 {
      %mul3A_28 = arith.constant 8 : i32
      %mul3A_29 = arith.muli %add3A, %mul3A_28 : i32
      %mul3A_30 = arith.constant 16 : i32
      %mul3A_31 = arith.muli %mul3A_29, %mul3A_30 : i32
      "tpu.region"() ({
        %run_scoped3A = tpu.sem_alloc : memref<!tpu.dma_semaphore, #tpu.memory_space<semaphore_mem>>
        %dma_start3A_41 = tpu.memref_slice %arg4[%mul3A_31] : memref<160000xi32, #tpu.memory_space<hbm>> -> memref<128xi32, #tpu.memory_space<hbm>>
        %dma_start3A_42 = tpu.memref_slice %arg4[%mul3A_31] : memref<160000xi32, #tpu.memory_space<hbm>> -> memref<128xi32, #tpu.memory_space<hbm>>
        tpu.enqueue_dma source(%dma_start3A_42 : memref<128xi32, #tpu.memory_space<hbm>>) target(%arg7 : memref<128xi32, #tpu.memory_space<vmem>>) target_semaphore(%run_scoped3A : memref<!tpu.dma_semaphore, #tpu.memory_space<semaphore_mem>>)
        %dma_wait3A = tpu.memref_slice %arg4[%mul3A_31] : memref<160000xi32, #tpu.memory_space<hbm>> -> memref<128xi32, #tpu.memory_space<hbm>>
        %dma_wait3A_43 = tpu.memref_slice %arg4[%mul3A_31] : memref<160000xi32, #tpu.memory_space<hbm>> -> memref<128xi32, #tpu.memory_space<hbm>>
        tpu.wait_dma2 semaphore(%run_scoped3A : memref<!tpu.dma_semaphore, #tpu.memory_space<semaphore_mem>>) src(%dma_wait3A_43 : memref<128xi32, #tpu.memory_space<hbm>>) dst(%arg7 : memref<128xi32, #tpu.memory_space<vmem>>)
        tpu.yield
      }) : () -> ()
      %dma_start3A = arith.constant 0 : i32
      %dma_start3A_32 = arith.constant 0 : i32
      %dma_start3A_33 = tpu.memref_slice %arg2[%dma_start3A, %dma_start3A_32] : memref<10000x64xi32, #tpu.memory_space<hbm>> -> memref<10000x64xi32, #tpu.memory_space<hbm>>
      tpu.enqueue_indirect_dma source(%dma_start3A_33 : memref<10000x64xi32, #tpu.memory_space<hbm>>) target(%arg8 : memref<128x64xi32, #tpu.memory_space<vmem>>) offsets(%arg7 : memref<128xi32, #tpu.memory_space<vmem>>) semaphore(%arg12 : memref<!tpu.dma_semaphore, #tpu.memory_space<semaphore_mem>>)
      %mul3A_34 = arith.constant 8 : i32
      %mul3A_35 = arith.muli %add3A, %mul3A_34 : i32
      %mul3A_36 = arith.constant 16 : i32
      %mul3A_37 = arith.muli %mul3A_35, %mul3A_36 : i32
      "tpu.region"() ({
        %run_scoped3A = tpu.sem_alloc : memref<!tpu.dma_semaphore, #tpu.memory_space<semaphore_mem>>
        %dma_start3A_41 = tpu.memref_slice %arg5[%mul3A_37] : memref<160000xi32, #tpu.memory_space<hbm>> -> memref<128xi32, #tpu.memory_space<hbm>>
        %dma_start3A_42 = tpu.memref_slice %arg5[%mul3A_37] : memref<160000xi32, #tpu.memory_space<hbm>> -> memref<128xi32, #tpu.memory_space<hbm>>
        tpu.enqueue_dma source(%dma_start3A_42 : memref<128xi32, #tpu.memory_space<hbm>>) target(%arg9 : memref<128xi32, #tpu.memory_space<vmem>>) target_semaphore(%run_scoped3A : memref<!tpu.dma_semaphore, #tpu.memory_space<semaphore_mem>>)
        %dma_wait3A = tpu.memref_slice %arg5[%mul3A_37] : memref<160000xi32, #tpu.memory_space<hbm>> -> memref<128xi32, #tpu.memory_space<hbm>>
        %dma_wait3A_43 = tpu.memref_slice %arg5[%mul3A_37] : memref<160000xi32, #tpu.memory_space<hbm>> -> memref<128xi32, #tpu.memory_space<hbm>>
        tpu.wait_dma2 semaphore(%run_scoped3A : memref<!tpu.dma_semaphore, #tpu.memory_space<semaphore_mem>>) src(%dma_wait3A_43 : memref<128xi32, #tpu.memory_space<hbm>>) dst(%arg9 : memref<128xi32, #tpu.memory_space<vmem>>)
        tpu.yield
      }) : () -> ()
      %dma_start3A_38 = arith.constant 0 : i32
      %dma_start3A_39 = arith.constant 0 : i32
      %dma_start3A_40 = tpu.memref_slice %arg3[%dma_start3A_38, %dma_start3A_39] : memref<10000x64xi32, #tpu.memory_space<hbm>> -> memref<10000x64xi32, #tpu.memory_space<hbm>>
      tpu.enqueue_indirect_dma source(%dma_start3A_40 : memref<10000x64xi32, #tpu.memory_space<hbm>>) target(%arg10 : memref<128x64xi32, #tpu.memory_space<vmem>>) offsets(%arg9 : memref<128xi32, #tpu.memory_space<vmem>>) semaphore(%arg13 : memref<!tpu.dma_semaphore, #tpu.memory_space<semaphore_mem>>)
    } else {
    }
    %sub3A = arith.constant 0 : i32
    %sub3A_7 = arith.subi %add3A_4, %sub3A : i32
    %sub3A_8 = arith.constant 1 : i32
    %sub3A_9 = arith.constant 1 : i32
    %sub3A_10 = arith.subi %sub3A_8, %sub3A_9 : i32
    %add3A_11 = arith.addi %sub3A_7, %sub3A_10 : i32
    %div3A = arith.constant 1 : i32
    %div3A_12 = arith.divsi %add3A_11, %div3A : i32
    %while3A = arith.constant 1 : i32
    %while3A_13 = arith.constant 0 : i32
    %while3A_14 = arith.constant 0 : i32
    %while3A_15 = arith.subi %div3A_12, %while3A_14 : i32
    %while3A_16 = arith.addi %while3A_14, %while3A_15 : i32
    %while3A_17 = arith.constant 1 : i32
    %while3A_18 = arith.divsi %while3A_15, %while3A_17 : i32
    %while3A_19 = arith.muli %while3A_18, %while3A_17 : i32
    %while3A_20 = arith.addi %while3A_14, %while3A_19 : i32
    %while3A_21 = arith.constant 1 : i32
    scf.for %while3A_28 = %while3A_14 to %while3A_20 step %while3A_21  : i32 {
      %mul3A_29 = arith.muli %while3A_28, %while3A : i32
      %add3A_30 = arith.addi %while3A_13, %mul3A_29 : i32
      %mul3A_31 = arith.constant 32 : i32
      %mul3A_32 = arith.muli %add3A_30, %mul3A_31 : i32
      %add3A_33 = arith.addi %add3A, %mul3A_32 : i32
      %add3A_34 = arith.constant 32 : i32
      %add3A_35 = arith.addi %add3A_33, %add3A_34 : i32
      %dma_wait3A = arith.constant 0 : i32
      %dma_wait3A_36 = arith.constant 0 : i32
      %dma_wait3A_37 = tpu.memref_slice %arg2[%dma_wait3A, %dma_wait3A_36] : memref<10000x64xi32, #tpu.memory_space<hbm>> -> memref<10000x64xi32, #tpu.memory_space<hbm>>
      tpu.wait_indirect_dma semaphore(%arg12 : memref<!tpu.dma_semaphore, #tpu.memory_space<semaphore_mem>>) src(%dma_wait3A_37 : memref<10000x64xi32, #tpu.memory_space<hbm>>) dst(%arg8 : memref<128x64xi32, #tpu.memory_space<vmem>>)
      %gt3A_38 = arith.constant 0 : i32
      %gt3A_39 = arith.cmpi sgt, %add3A_30, %gt3A_38 : i32
      %convert_element_type3A_40 = arith.extui %gt3A_39 : i1 to i32
      %cond3A_41 = arith.constant 0 : i32
      %cond3A_42 = arith.cmpi ne, %convert_element_type3A_40, %cond3A_41 : i32
      scf.if %cond3A_42 {
        %sub3A_72 = arith.constant 32 : i32
        %sub3A_73 = arith.subi %add3A_33, %sub3A_72 : i32
        %mul3A_74 = arith.constant 8 : i32
        %mul3A_75 = arith.muli %sub3A_73, %mul3A_74 : i32
        %dma_wait3A_76 = arith.constant 0 : i32
        %dma_wait3A_77 = tpu.memref_slice %arg6[%mul3A_75, %dma_wait3A_76] : memref<10000x128xf32, #tpu.memory_space<hbm>> -> memref<8x128xf32, #tpu.memory_space<hbm>>
        %dma_wait3A_78 = arith.constant 0 : i32
        %dma_wait3A_79 = tpu.memref_slice %arg6[%mul3A_75, %dma_wait3A_78] : memref<10000x128xf32, #tpu.memory_space<hbm>> -> memref<8x128xf32, #tpu.memory_space<hbm>>
        tpu.wait_dma2 semaphore(%arg14 : memref<!tpu.dma_semaphore, #tpu.memory_space<semaphore_mem>>) src(%arg11 : memref<8x128xf32, #tpu.memory_space<vmem>>) dst(%dma_wait3A_79 : memref<8x128xf32, #tpu.memory_space<hbm>>)
      } else {
      }
      %scan3A = arith.constant 0 : i32
      %scan3A_43 = arith.constant 8 : i32
      %scan3A_44 = arith.addi %scan3A, %scan3A_43 : i32
      %scan3A_45 = arith.constant 1 : i32
      scf.for %scan3A_72 = %scan3A to %scan3A_44 step %scan3A_45  : i32 {
        %mul3A_73 = arith.constant 1 : i32
        %mul3A_74 = arith.muli %scan3A_72, %mul3A_73 : i32
        %add3A_75 = arith.constant 0 : i32
        %add3A_76 = arith.addi %add3A_75, %mul3A_74 : i32
        %mul3A_77 = arith.constant 16 : i32
        %mul3A_78 = arith.muli %add3A_76, %mul3A_77 : i32
        %add3A_79 = arith.constant 0 : i32
        %add3A_80 = arith.addi %mul3A_78, %add3A_79 : i32
        %get3A = arith.index_cast %add3A_80 : i32 to index
        %get3A_81 = arith.constant 0 : index
        %get3A_82 = tpu.vector_load %arg8[%get3A, %get3A_81] {strides = array<i32>} : memref<128x64xi32, #tpu.memory_space<vmem>>, vector<1x16xi32>,
        %get3A_83 = vector.shape_cast %get3A_82 : vector<1x16xi32> to vector<16xi32>
        %shift_left3A = arith.constant 16 : i32
        %shift_left3A_84 = vector.broadcast %shift_left3A : i32 to vector<16xi32>
        %shift_left3A_85 = arith.shli %get3A_83, %shift_left3A_84 : vector<16xi32>
        %bitcast_convert_type3A = tpu.bitcast %shift_left3A_85 : vector<16xi32> -> vector<16xf32>
        %bitcast_convert_type3A_86 = tpu.bitcast %get3A_83 : vector<16xi32> -> vector<16xf32>
        %mul3A_87 = arith.constant 16 : i32
        %mul3A_88 = arith.muli %add3A_76, %mul3A_87 : i32
        %add3A_89 = arith.constant 1 : i32
        %add3A_90 = arith.addi %mul3A_88, %add3A_89 : i32
        %get3A_91 = arith.index_cast %add3A_90 : i32 to index
        %get3A_92 = arith.constant 0 : index
        %get3A_93 = tpu.vector_load %arg8[%get3A_91, %get3A_92] {strides = array<i32>} : memref<128x64xi32, #tpu.memory_space<vmem>>, vector<1x16xi32>,
        %get3A_94 = vector.shape_cast %get3A_93 : vector<1x16xi32> to vector<16xi32>
        %shift_left3A_95 = arith.constant 16 : i32
        %shift_left3A_96 = vector.broadcast %shift_left3A_95 : i32 to vector<16xi32>
        %shift_left3A_97 = arith.shli %get3A_94, %shift_left3A_96 : vector<16xi32>
        %bitcast_convert_type3A_98 = tpu.bitcast %shift_left3A_97 : vector<16xi32> -> vector<16xf32>
        %bitcast_convert_type3A_99 = tpu.bitcast %get3A_94 : vector<16xi32> -> vector<16xf32>
        %mul3A_100 = arith.constant 16 : i32
        %mul3A_101 = arith.muli %add3A_76, %mul3A_100 : i32
        %add3A_102 = arith.constant 2 : i32
        %add3A_103 = arith.addi %mul3A_101, %add3A_102 : i32
        %get3A_104 = arith.index_cast %add3A_103 : i32 to index
        %get3A_105 = arith.constant 0 : index
        %get3A_106 = tpu.vector_load %arg8[%get3A_104, %get3A_105] {strides = array<i32>} : memref<128x64xi32, #tpu.memory_space<vmem>>, vector<1x16xi32>,
        %get3A_107 = vector.shape_cast %get3A_106 : vector<1x16xi32> to vector<16xi32>
        %shift_left3A_108 = arith.constant 16 : i32
        %shift_left3A_109 = vector.broadcast %shift_left3A_108 : i32 to vector<16xi32>
        %shift_left3A_110 = arith.shli %get3A_107, %shift_left3A_109 : vector<16xi32>
        %bitcast_convert_type3A_111 = tpu.bitcast %shift_left3A_110 : vector<16xi32> -> vector<16xf32>
        %bitcast_convert_type3A_112 = tpu.bitcast %get3A_107 : vector<16xi32> -> vector<16xf32>
        %mul3A_113 = arith.constant 16 : i32
        %mul3A_114 = arith.muli %add3A_76, %mul3A_113 : i32
        %add3A_115 = arith.constant 3 : i32
        %add3A_116 = arith.addi %mul3A_114, %add3A_115 : i32
        %get3A_117 = arith.index_cast %add3A_116 : i32 to index
        %get3A_118 = arith.constant 0 : index
        %get3A_119 = tpu.vector_load %arg8[%get3A_117, %get3A_118] {strides = array<i32>} : memref<128x64xi32, #tpu.memory_space<vmem>>, vector<1x16xi32>,
        %get3A_120 = vector.shape_cast %get3A_119 : vector<1x16xi32> to vector<16xi32>
        %shift_left3A_121 = arith.constant 16 : i32
        %shift_left3A_122 = vector.broadcast %shift_left3A_121 : i32 to vector<16xi32>
        %shift_left3A_123 = arith.shli %get3A_120, %shift_left3A_122 : vector<16xi32>
        %bitcast_convert_type3A_124 = tpu.bitcast %shift_left3A_123 : vector<16xi32> -> vector<16xf32>
        %bitcast_convert_type3A_125 = tpu.bitcast %get3A_120 : vector<16xi32> -> vector<16xf32>
        %mul3A_126 = arith.constant 16 : i32
        %mul3A_127 = arith.muli %add3A_76, %mul3A_126 : i32
        %add3A_128 = arith.constant 4 : i32
        %add3A_129 = arith.addi %mul3A_127, %add3A_128 : i32
        %get3A_130 = arith.index_cast %add3A_129 : i32 to index
        %get3A_131 = arith.constant 0 : index
        %get3A_132 = tpu.vector_load %arg8[%get3A_130, %get3A_131] {strides = array<i32>} : memref<128x64xi32, #tpu.memory_space<vmem>>, vector<1x16xi32>,
        %get3A_133 = vector.shape_cast %get3A_132 : vector<1x16xi32> to vector<16xi32>
        %shift_left3A_134 = arith.constant 16 : i32
        %shift_left3A_135 = vector.broadcast %shift_left3A_134 : i32 to vector<16xi32>
        %shift_left3A_136 = arith.shli %get3A_133, %shift_left3A_135 : vector<16xi32>
        %bitcast_convert_type3A_137 = tpu.bitcast %shift_left3A_136 : vector<16xi32> -> vector<16xf32>
        %bitcast_convert_type3A_138 = tpu.bitcast %get3A_133 : vector<16xi32> -> vector<16xf32>
        %add3A_139 = arith.addf %bitcast_convert_type3A, %bitcast_convert_type3A_137 : vector<16xf32>
        %add3A_140 = arith.addf %bitcast_convert_type3A_86, %bitcast_convert_type3A_138 : vector<16xf32>
        %mul3A_141 = arith.constant 16 : i32
        %mul3A_142 = arith.muli %add3A_76, %mul3A_141 : i32
        %add3A_143 = arith.constant 5 : i32
        %add3A_144 = arith.addi %mul3A_142, %add3A_143 : i32
        %get3A_145 = arith.index_cast %add3A_144 : i32 to index
        %get3A_146 = arith.constant 0 : index
        %get3A_147 = tpu.vector_load %arg8[%get3A_145, %get3A_146] {strides = array<i32>} : memref<128x64xi32, #tpu.memory_space<vmem>>, vector<1x16xi32>,
        %get3A_148 = vector.shape_cast %get3A_147 : vector<1x16xi32> to vector<16xi32>
        %shift_left3A_149 = arith.constant 16 : i32
        %shift_left3A_150 = vector.broadcast %shift_left3A_149 : i32 to vector<16xi32>
        %shift_left3A_151 = arith.shli %get3A_148, %shift_left3A_150 : vector<16xi32>
        %bitcast_convert_type3A_152 = tpu.bitcast %shift_left3A_151 : vector<16xi32> -> vector<16xf32>
        %bitcast_convert_type3A_153 = tpu.bitcast %get3A_148 : vector<16xi32> -> vector<16xf32>
        %add3A_154 = arith.addf %bitcast_convert_type3A_98, %bitcast_convert_type3A_152 : vector<16xf32>
        %add3A_155 = arith.addf %bitcast_convert_type3A_99, %bitcast_convert_type3A_153 : vector<16xf32>
        %mul3A_156 = arith.constant 16 : i32
        %mul3A_157 = arith.muli %add3A_76, %mul3A_156 : i32
        %add3A_158 = arith.constant 6 : i32
        %add3A_159 = arith.addi %mul3A_157, %add3A_158 : i32
        %get3A_160 = arith.index_cast %add3A_159 : i32 to index
        %get3A_161 = arith.constant 0 : index
        %get3A_162 = tpu.vector_load %arg8[%get3A_160, %get3A_161] {strides = array<i32>} : memref<128x64xi32, #tpu.memory_space<vmem>>, vector<1x16xi32>,
        %get3A_163 = vector.shape_cast %get3A_162 : vector<1x16xi32> to vector<16xi32>
        %shift_left3A_164 = arith.constant 16 : i32
        %shift_left3A_165 = vector.broadcast %shift_left3A_164 : i32 to vector<16xi32>
        %shift_left3A_166 = arith.shli %get3A_163, %shift_left3A_165 : vector<16xi32>
        %bitcast_convert_type3A_167 = tpu.bitcast %shift_left3A_166 : vector<16xi32> -> vector<16xf32>
        %bitcast_convert_type3A_168 = tpu.bitcast %get3A_163 : vector<16xi32> -> vector<16xf32>
        %add3A_169 = arith.addf %bitcast_convert_type3A_111, %bitcast_convert_type3A_167 : vector<16xf32>
        %add3A_170 = arith.addf %bitcast_convert_type3A_112, %bitcast_convert_type3A_168 : vector<16xf32>
        %mul3A_171 = arith.constant 16 : i32
        %mul3A_172 = arith.muli %add3A_76, %mul3A_171 : i32
        %add3A_173 = arith.constant 7 : i32
        %add3A_174 = arith.addi %mul3A_172, %add3A_173 : i32
        %get3A_175 = arith.index_cast %add3A_174 : i32 to index
        %get3A_176 = arith.constant 0 : index
        %get3A_177 = tpu.vector_load %arg8[%get3A_175, %get3A_176] {strides = array<i32>} : memref<128x64xi32, #tpu.memory_space<vmem>>, vector<1x16xi32>,
        %get3A_178 = vector.shape_cast %get3A_177 : vector<1x16xi32> to vector<16xi32>
        %shift_left3A_179 = arith.constant 16 : i32
        %shift_left3A_180 = vector.broadcast %shift_left3A_179 : i32 to vector<16xi32>
        %shift_left3A_181 = arith.shli %get3A_178, %shift_left3A_180 : vector<16xi32>
        %bitcast_convert_type3A_182 = tpu.bitcast %shift_left3A_181 : vector<16xi32> -> vector<16xf32>
        %bitcast_convert_type3A_183 = tpu.bitcast %get3A_178 : vector<16xi32> -> vector<16xf32>
        %add3A_184 = arith.addf %bitcast_convert_type3A_124, %bitcast_convert_type3A_182 : vector<16xf32>
        %add3A_185 = arith.addf %bitcast_convert_type3A_125, %bitcast_convert_type3A_183 : vector<16xf32>
        %mul3A_186 = arith.constant 16 : i32
        %mul3A_187 = arith.muli %add3A_76, %mul3A_186 : i32
        %add3A_188 = arith.constant 8 : i32
        %add3A_189 = arith.addi %mul3A_187, %add3A_188 : i32
        %get3A_190 = arith.index_cast %add3A_189 : i32 to index
        %get3A_191 = arith.constant 0 : index
        %get3A_192 = tpu.vector_load %arg8[%get3A_190, %get3A_191] {strides = array<i32>} : memref<128x64xi32, #tpu.memory_space<vmem>>, vector<1x16xi32>,
        %get3A_193 = vector.shape_cast %get3A_192 : vector<1x16xi32> to vector<16xi32>
        %shift_left3A_194 = arith.constant 16 : i32
        %shift_left3A_195 = vector.broadcast %shift_left3A_194 : i32 to vector<16xi32>
        %shift_left3A_196 = arith.shli %get3A_193, %shift_left3A_195 : vector<16xi32>
        %bitcast_convert_type3A_197 = tpu.bitcast %shift_left3A_196 : vector<16xi32> -> vector<16xf32>
        %bitcast_convert_type3A_198 = tpu.bitcast %get3A_193 : vector<16xi32> -> vector<16xf32>
        %add3A_199 = arith.addf %add3A_139, %bitcast_convert_type3A_197 : vector<16xf32>
        %add3A_200 = arith.addf %add3A_140, %bitcast_convert_type3A_198 : vector<16xf32>
        %mul3A_201 = arith.constant 16 : i32
        %mul3A_202 = arith.muli %add3A_76, %mul3A_201 : i32
        %add3A_203 = arith.constant 9 : i32
        %add3A_204 = arith.addi %mul3A_202, %add3A_203 : i32
        %get3A_205 = arith.index_cast %add3A_204 : i32 to index
        %get3A_206 = arith.constant 0 : index
        %get3A_207 = tpu.vector_load %arg8[%get3A_205, %get3A_206] {strides = array<i32>} : memref<128x64xi32, #tpu.memory_space<vmem>>, vector<1x16xi32>,
        %get3A_208 = vector.shape_cast %get3A_207 : vector<1x16xi32> to vector<16xi32>
        %shift_left3A_209 = arith.constant 16 : i32
        %shift_left3A_210 = vector.broadcast %shift_left3A_209 : i32 to vector<16xi32>
        %shift_left3A_211 = arith.shli %get3A_208, %shift_left3A_210 : vector<16xi32>
        %bitcast_convert_type3A_212 = tpu.bitcast %shift_left3A_211 : vector<16xi32> -> vector<16xf32>
        %bitcast_convert_type3A_213 = tpu.bitcast %get3A_208 : vector<16xi32> -> vector<16xf32>
        %add3A_214 = arith.addf %add3A_154, %bitcast_convert_type3A_212 : vector<16xf32>
        %add3A_215 = arith.addf %add3A_155, %bitcast_convert_type3A_213 : vector<16xf32>
        %mul3A_216 = arith.constant 16 : i32
        %mul3A_217 = arith.muli %add3A_76, %mul3A_216 : i32
        %add3A_218 = arith.constant 10 : i32
        %add3A_219 = arith.addi %mul3A_217, %add3A_218 : i32
        %get3A_220 = arith.index_cast %add3A_219 : i32 to index
        %get3A_221 = arith.constant 0 : index
        %get3A_222 = tpu.vector_load %arg8[%get3A_220, %get3A_221] {strides = array<i32>} : memref<128x64xi32, #tpu.memory_space<vmem>>, vector<1x16xi32>,
        %get3A_223 = vector.shape_cast %get3A_222 : vector<1x16xi32> to vector<16xi32>
        %shift_left3A_224 = arith.constant 16 : i32
        %shift_left3A_225 = vector.broadcast %shift_left3A_224 : i32 to vector<16xi32>
        %shift_left3A_226 = arith.shli %get3A_223, %shift_left3A_225 : vector<16xi32>
        %bitcast_convert_type3A_227 = tpu.bitcast %shift_left3A_226 : vector<16xi32> -> vector<16xf32>
        %bitcast_convert_type3A_228 = tpu.bitcast %get3A_223 : vector<16xi32> -> vector<16xf32>
        %add3A_229 = arith.addf %add3A_169, %bitcast_convert_type3A_227 : vector<16xf32>
        %add3A_230 = arith.addf %add3A_170, %bitcast_convert_type3A_228 : vector<16xf32>
        %mul3A_231 = arith.constant 16 : i32
        %mul3A_232 = arith.muli %add3A_76, %mul3A_231 : i32
        %add3A_233 = arith.constant 11 : i32
        %add3A_234 = arith.addi %mul3A_232, %add3A_233 : i32
        %get3A_235 = arith.index_cast %add3A_234 : i32 to index
        %get3A_236 = arith.constant 0 : index
        %get3A_237 = tpu.vector_load %arg8[%get3A_235, %get3A_236] {strides = array<i32>} : memref<128x64xi32, #tpu.memory_space<vmem>>, vector<1x16xi32>,
        %get3A_238 = vector.shape_cast %get3A_237 : vector<1x16xi32> to vector<16xi32>
        %shift_left3A_239 = arith.constant 16 : i32
        %shift_left3A_240 = vector.broadcast %shift_left3A_239 : i32 to vector<16xi32>
        %shift_left3A_241 = arith.shli %get3A_238, %shift_left3A_240 : vector<16xi32>
        %bitcast_convert_type3A_242 = tpu.bitcast %shift_left3A_241 : vector<16xi32> -> vector<16xf32>
        %bitcast_convert_type3A_243 = tpu.bitcast %get3A_238 : vector<16xi32> -> vector<16xf32>
        %add3A_244 = arith.addf %add3A_184, %bitcast_convert_type3A_242 : vector<16xf32>
        %add3A_245 = arith.addf %add3A_185, %bitcast_convert_type3A_243 : vector<16xf32>
        %mul3A_246 = arith.constant 16 : i32
        %mul3A_247 = arith.muli %add3A_76, %mul3A_246 : i32
        %add3A_248 = arith.constant 12 : i32
        %add3A_249 = arith.addi %mul3A_247, %add3A_248 : i32
        %get3A_250 = arith.index_cast %add3A_249 : i32 to index
        %get3A_251 = arith.constant 0 : index
        %get3A_252 = tpu.vector_load %arg8[%get3A_250, %get3A_251] {strides = array<i32>} : memref<128x64xi32, #tpu.memory_space<vmem>>, vector<1x16xi32>,
        %get3A_253 = vector.shape_cast %get3A_252 : vector<1x16xi32> to vector<16xi32>
        %shift_left3A_254 = arith.constant 16 : i32
        %shift_left3A_255 = vector.broadcast %shift_left3A_254 : i32 to vector<16xi32>
        %shift_left3A_256 = arith.shli %get3A_253, %shift_left3A_255 : vector<16xi32>
        %bitcast_convert_type3A_257 = tpu.bitcast %shift_left3A_256 : vector<16xi32> -> vector<16xf32>
        %bitcast_convert_type3A_258 = tpu.bitcast %get3A_253 : vector<16xi32> -> vector<16xf32>
        %add3A_259 = arith.addf %add3A_199, %bitcast_convert_type3A_257 : vector<16xf32>
        %add3A_260 = arith.addf %add3A_200, %bitcast_convert_type3A_258 : vector<16xf32>
        %mul3A_261 = arith.constant 16 : i32
        %mul3A_262 = arith.muli %add3A_76, %mul3A_261 : i32
        %add3A_263 = arith.constant 13 : i32
        %add3A_264 = arith.addi %mul3A_262, %add3A_263 : i32
        %get3A_265 = arith.index_cast %add3A_264 : i32 to index
        %get3A_266 = arith.constant 0 : index
        %get3A_267 = tpu.vector_load %arg8[%get3A_265, %get3A_266] {strides = array<i32>} : memref<128x64xi32, #tpu.memory_space<vmem>>, vector<1x16xi32>,
        %get3A_268 = vector.shape_cast %get3A_267 : vector<1x16xi32> to vector<16xi32>
        %shift_left3A_269 = arith.constant 16 : i32
        %shift_left3A_270 = vector.broadcast %shift_left3A_269 : i32 to vector<16xi32>
        %shift_left3A_271 = arith.shli %get3A_268, %shift_left3A_270 : vector<16xi32>
        %bitcast_convert_type3A_272 = tpu.bitcast %shift_left3A_271 : vector<16xi32> -> vector<16xf32>
        %bitcast_convert_type3A_273 = tpu.bitcast %get3A_268 : vector<16xi32> -> vector<16xf32>
        %add3A_274 = arith.addf %add3A_214, %bitcast_convert_type3A_272 : vector<16xf32>
        %add3A_275 = arith.addf %add3A_215, %bitcast_convert_type3A_273 : vector<16xf32>
        %mul3A_276 = arith.constant 16 : i32
        %mul3A_277 = arith.muli %add3A_76, %mul3A_276 : i32
        %add3A_278 = arith.constant 14 : i32
        %add3A_279 = arith.addi %mul3A_277, %add3A_278 : i32
        %get3A_280 = arith.index_cast %add3A_279 : i32 to index
        %get3A_281 = arith.constant 0 : index
        %get3A_282 = tpu.vector_load %arg8[%get3A_280, %get3A_281] {strides = array<i32>} : memref<128x64xi32, #tpu.memory_space<vmem>>, vector<1x16xi32>,
        %get3A_283 = vector.shape_cast %get3A_282 : vector<1x16xi32> to vector<16xi32>
        %shift_left3A_284 = arith.constant 16 : i32
        %shift_left3A_285 = vector.broadcast %shift_left3A_284 : i32 to vector<16xi32>
        %shift_left3A_286 = arith.shli %get3A_283, %shift_left3A_285 : vector<16xi32>
        %bitcast_convert_type3A_287 = tpu.bitcast %shift_left3A_286 : vector<16xi32> -> vector<16xf32>
        %bitcast_convert_type3A_288 = tpu.bitcast %get3A_283 : vector<16xi32> -> vector<16xf32>
        %add3A_289 = arith.addf %add3A_229, %bitcast_convert_type3A_287 : vector<16xf32>
        %add3A_290 = arith.addf %add3A_230, %bitcast_convert_type3A_288 : vector<16xf32>
        %mul3A_291 = arith.constant 16 : i32
        %mul3A_292 = arith.muli %add3A_76, %mul3A_291 : i32
        %add3A_293 = arith.constant 15 : i32
        %add3A_294 = arith.addi %mul3A_292, %add3A_293 : i32
        %get3A_295 = arith.index_cast %add3A_294 : i32 to index
        %get3A_296 = arith.constant 0 : index
        %get3A_297 = tpu.vector_load %arg8[%get3A_295, %get3A_296] {strides = array<i32>} : memref<128x64xi32, #tpu.memory_space<vmem>>, vector<1x16xi32>,
        %get3A_298 = vector.shape_cast %get3A_297 : vector<1x16xi32> to vector<16xi32>
        %shift_left3A_299 = arith.constant 16 : i32
        %shift_left3A_300 = vector.broadcast %shift_left3A_299 : i32 to vector<16xi32>
        %shift_left3A_301 = arith.shli %get3A_298, %shift_left3A_300 : vector<16xi32>
        %bitcast_convert_type3A_302 = tpu.bitcast %shift_left3A_301 : vector<16xi32> -> vector<16xf32>
        %bitcast_convert_type3A_303 = tpu.bitcast %get3A_298 : vector<16xi32> -> vector<16xf32>
        %add3A_304 = arith.addf %add3A_244, %bitcast_convert_type3A_302 : vector<16xf32>
        %add3A_305 = arith.addf %add3A_245, %bitcast_convert_type3A_303 : vector<16xf32>
        %add3A_306 = arith.addf %add3A_259, %add3A_274 : vector<16xf32>
        %add3A_307 = arith.addf %add3A_289, %add3A_304 : vector<16xf32>
        %add3A_308 = arith.addf %add3A_306, %add3A_307 : vector<16xf32>
        %add3A_309 = arith.addf %add3A_260, %add3A_275 : vector<16xf32>
        %add3A_310 = arith.addf %add3A_290, %add3A_305 : vector<16xf32>
        %add3A_311 = arith.addf %add3A_309, %add3A_310 : vector<16xf32>
        %swap3A = arith.index_cast %add3A_76 : i32 to index
        %swap3A_312 = arith.constant 0 : index
        %swap3A_313 = tpu.vector_load %arg11[%swap3A, %swap3A_312] {strides = array<i32>} : memref<8x128xf32, #tpu.memory_space<vmem>>, vector<1x16xf32>,
        %swap3A_314 = vector.shape_cast %swap3A_313 : vector<1x16xf32> to vector<16xf32>
        %swap3A_315 = vector.shape_cast %add3A_308 : vector<16xf32> to vector<1x16xf32>
        tpu.vector_store %arg11[%swap3A, %swap3A_312], %swap3A_315 {strides = array<i32>} : memref<8x128xf32, #tpu.memory_space<vmem>>, vector<1x16xf32>,
        %swap3A_316 = arith.index_cast %add3A_76 : i32 to index
        %swap3A_317 = arith.constant 64 : index
        %swap3A_318 = tpu.vector_load %arg11[%swap3A_316, %swap3A_317] {strides = array<i32>} : memref<8x128xf32, #tpu.memory_space<vmem>>, vector<1x16xf32>,
        %swap3A_319 = vector.shape_cast %swap3A_318 : vector<1x16xf32> to vector<16xf32>
        %swap3A_320 = vector.shape_cast %add3A_311 : vector<16xf32> to vector<1x16xf32>
        tpu.vector_store %arg11[%swap3A_316, %swap3A_317], %swap3A_320 {strides = array<i32>} : memref<8x128xf32, #tpu.memory_space<vmem>>, vector<1x16xf32>,
        %mul3A_321 = arith.constant 16 : i32
        %mul3A_322 = arith.muli %add3A_76, %mul3A_321 : i32
        %add3A_323 = arith.constant 0 : i32
        %add3A_324 = arith.addi %mul3A_322, %add3A_323 : i32
        %get3A_325 = arith.index_cast %add3A_324 : i32 to index
        %get3A_326 = arith.constant 16 : index
        %get3A_327 = tpu.vector_load %arg8[%get3A_325, %get3A_326] {strides = array<i32>} : memref<128x64xi32, #tpu.memory_space<vmem>>, vector<1x16xi32>,
        %get3A_328 = vector.shape_cast %get3A_327 : vector<1x16xi32> to vector<16xi32>
        %shift_left3A_329 = arith.constant 16 : i32
        %shift_left3A_330 = vector.broadcast %shift_left3A_329 : i32 to vector<16xi32>
        %shift_left3A_331 = arith.shli %get3A_328, %shift_left3A_330 : vector<16xi32>
        %bitcast_convert_type3A_332 = tpu.bitcast %shift_left3A_331 : vector<16xi32> -> vector<16xf32>
        %bitcast_convert_type3A_333 = tpu.bitcast %get3A_328 : vector<16xi32> -> vector<16xf32>
        %mul3A_334 = arith.constant 16 : i32
        %mul3A_335 = arith.muli %add3A_76, %mul3A_334 : i32
        %add3A_336 = arith.constant 1 : i32
        %add3A_337 = arith.addi %mul3A_335, %add3A_336 : i32
        %get3A_338 = arith.index_cast %add3A_337 : i32 to index
        %get3A_339 = arith.constant 16 : index
        %get3A_340 = tpu.vector_load %arg8[%get3A_338, %get3A_339] {strides = array<i32>} : memref<128x64xi32, #tpu.memory_space<vmem>>, vector<1x16xi32>,
        %get3A_341 = vector.shape_cast %get3A_340 : vector<1x16xi32> to vector<16xi32>
        %shift_left3A_342 = arith.constant 16 : i32
        %shift_left3A_343 = vector.broadcast %shift_left3A_342 : i32 to vector<16xi32>
        %shift_left3A_344 = arith.shli %get3A_341, %shift_left3A_343 : vector<16xi32>
        %bitcast_convert_type3A_345 = tpu.bitcast %shift_left3A_344 : vector<16xi32> -> vector<16xf32>
        %bitcast_convert_type3A_346 = tpu.bitcast %get3A_341 : vector<16xi32> -> vector<16xf32>
        %mul3A_347 = arith.constant 16 : i32
        %mul3A_348 = arith.muli %add3A_76, %mul3A_347 : i32
        %add3A_349 = arith.constant 2 : i32
        %add3A_350 = arith.addi %mul3A_348, %add3A_349 : i32
        %get3A_351 = arith.index_cast %add3A_350 : i32 to index
        %get3A_352 = arith.constant 16 : index
        %get3A_353 = tpu.vector_load %arg8[%get3A_351, %get3A_352] {strides = array<i32>} : memref<128x64xi32, #tpu.memory_space<vmem>>, vector<1x16xi32>,
        %get3A_354 = vector.shape_cast %get3A_353 : vector<1x16xi32> to vector<16xi32>
        %shift_left3A_355 = arith.constant 16 : i32
        %shift_left3A_356 = vector.broadcast %shift_left3A_355 : i32 to vector<16xi32>
        %shift_left3A_357 = arith.shli %get3A_354, %shift_left3A_356 : vector<16xi32>
        %bitcast_convert_type3A_358 = tpu.bitcast %shift_left3A_357 : vector<16xi32> -> vector<16xf32>
        %bitcast_convert_type3A_359 = tpu.bitcast %get3A_354 : vector<16xi32> -> vector<16xf32>
        %mul3A_360 = arith.constant 16 : i32
        %mul3A_361 = arith.muli %add3A_76, %mul3A_360 : i32
        %add3A_362 = arith.constant 3 : i32
        %add3A_363 = arith.addi %mul3A_361, %add3A_362 : i32
        %get3A_364 = arith.index_cast %add3A_363 : i32 to index
        %get3A_365 = arith.constant 16 : index
        %get3A_366 = tpu.vector_load %arg8[%get3A_364, %get3A_365] {strides = array<i32>} : memref<128x64xi32, #tpu.memory_space<vmem>>, vector<1x16xi32>,
        %get3A_367 = vector.shape_cast %get3A_366 : vector<1x16xi32> to vector<16xi32>
        %shift_left3A_368 = arith.constant 16 : i32
        %shift_left3A_369 = vector.broadcast %shift_left3A_368 : i32 to vector<16xi32>
        %shift_left3A_370 = arith.shli %get3A_367, %shift_left3A_369 : vector<16xi32>
        %bitcast_convert_type3A_371 = tpu.bitcast %shift_left3A_370 : vector<16xi32> -> vector<16xf32>
        %bitcast_convert_type3A_372 = tpu.bitcast %get3A_367 : vector<16xi32> -> vector<16xf32>
        %mul3A_373 = arith.constant 16 : i32
        %mul3A_374 = arith.muli %add3A_76, %mul3A_373 : i32
        %add3A_375 = arith.constant 4 : i32
        %add3A_376 = arith.addi %mul3A_374, %add3A_375 : i32
        %get3A_377 = arith.index_cast %add3A_376 : i32 to index
        %get3A_378 = arith.constant 16 : index
        %get3A_379 = tpu.vector_load %arg8[%get3A_377, %get3A_378] {strides = array<i32>} : memref<128x64xi32, #tpu.memory_space<vmem>>, vector<1x16xi32>,
        %get3A_380 = vector.shape_cast %get3A_379 : vector<1x16xi32> to vector<16xi32>
        %shift_left3A_381 = arith.constant 16 : i32
        %shift_left3A_382 = vector.broadcast %shift_left3A_381 : i32 to vector<16xi32>
        %shift_left3A_383 = arith.shli %get3A_380, %shift_left3A_382 : vector<16xi32>
        %bitcast_convert_type3A_384 = tpu.bitcast %shift_left3A_383 : vector<16xi32> -> vector<16xf32>
        %bitcast_convert_type3A_385 = tpu.bitcast %get3A_380 : vector<16xi32> -> vector<16xf32>
        %add3A_386 = arith.addf %bitcast_convert_type3A_332, %bitcast_convert_type3A_384 : vector<16xf32>
        %add3A_387 = arith.addf %bitcast_convert_type3A_333, %bitcast_convert_type3A_385 : vector<16xf32>
        %mul3A_388 = arith.constant 16 : i32
        %mul3A_389 = arith.muli %add3A_76, %mul3A_388 : i32
        %add3A_390 = arith.constant 5 : i32
        %add3A_391 = arith.addi %mul3A_389, %add3A_390 : i32
        %get3A_392 = arith.index_cast %add3A_391 : i32 to index
        %get3A_393 = arith.constant 16 : index
        %get3A_394 = tpu.vector_load %arg8[%get3A_392, %get3A_393] {strides = array<i32>} : memref<128x64xi32, #tpu.memory_space<vmem>>, vector<1x16xi32>,
        %get3A_395 = vector.shape_cast %get3A_394 : vector<1x16xi32> to vector<16xi32>
        %shift_left3A_396 = arith.constant 16 : i32
        %shift_left3A_397 = vector.broadcast %shift_left3A_396 : i32 to vector<16xi32>
        %shift_left3A_398 = arith.shli %get3A_395, %shift_left3A_397 : vector<16xi32>
        %bitcast_convert_type3A_399 = tpu.bitcast %shift_left3A_398 : vector<16xi32> -> vector<16xf32>
        %bitcast_convert_type3A_400 = tpu.bitcast %get3A_395 : vector<16xi32> -> vector<16xf32>
        %add3A_401 = arith.addf %bitcast_convert_type3A_345, %bitcast_convert_type3A_399 : vector<16xf32>
        %add3A_402 = arith.addf %bitcast_convert_type3A_346, %bitcast_convert_type3A_400 : vector<16xf32>
        %mul3A_403 = arith.constant 16 : i32
        %mul3A_404 = arith.muli %add3A_76, %mul3A_403 : i32
        %add3A_405 = arith.constant 6 : i32
        %add3A_406 = arith.addi %mul3A_404, %add3A_405 : i32
        %get3A_407 = arith.index_cast %add3A_406 : i32 to index
        %get3A_408 = arith.constant 16 : index
        %get3A_409 = tpu.vector_load %arg8[%get3A_407, %get3A_408] {strides = array<i32>} : memref<128x64xi32, #tpu.memory_space<vmem>>, vector<1x16xi32>,
        %get3A_410 = vector.shape_cast %get3A_409 : vector<1x16xi32> to vector<16xi32>
        %shift_left3A_411 = arith.constant 16 : i32
        %shift_left3A_412 = vector.broadcast %shift_left3A_411 : i32 to vector<16xi32>
        %shift_left3A_413 = arith.shli %get3A_410, %shift_left3A_412 : vector<16xi32>
        %bitcast_convert_type3A_414 = tpu.bitcast %shift_left3A_413 : vector<16xi32> -> vector<16xf32>
        %bitcast_convert_type3A_415 = tpu.bitcast %get3A_410 : vector<16xi32> -> vector<16xf32>
        %add3A_416 = arith.addf %bitcast_convert_type3A_358, %bitcast_convert_type3A_414 : vector<16xf32>
        %add3A_417 = arith.addf %bitcast_convert_type3A_359, %bitcast_convert_type3A_415 : vector<16xf32>
        %mul3A_418 = arith.constant 16 : i32
        %mul3A_419 = arith.muli %add3A_76, %mul3A_418 : i32
        %add3A_420 = arith.constant 7 : i32
        %add3A_421 = arith.addi %mul3A_419, %add3A_420 : i32
        %get3A_422 = arith.index_cast %add3A_421 : i32 to index
        %get3A_423 = arith.constant 16 : index
        %get3A_424 = tpu.vector_load %arg8[%get3A_422, %get3A_423] {strides = array<i32>} : memref<128x64xi32, #tpu.memory_space<vmem>>, vector<1x16xi32>,
        %get3A_425 = vector.shape_cast %get3A_424 : vector<1x16xi32> to vector<16xi32>
        %shift_left3A_426 = arith.constant 16 : i32
        %shift_left3A_427 = vector.broadcast %shift_left3A_426 : i32 to vector<16xi32>
        %shift_left3A_428 = arith.shli %get3A_425, %shift_left3A_427 : vector<16xi32>
        %bitcast_convert_type3A_429 = tpu.bitcast %shift_left3A_428 : vector<16xi32> -> vector<16xf32>
        %bitcast_convert_type3A_430 = tpu.bitcast %get3A_425 : vector<16xi32> -> vector<16xf32>
        %add3A_431 = arith.addf %bitcast_convert_type3A_371, %bitcast_convert_type3A_429 : vector<16xf32>
        %add3A_432 = arith.addf %bitcast_convert_type3A_372, %bitcast_convert_type3A_430 : vector<16xf32>
        %mul3A_433 = arith.constant 16 : i32
        %mul3A_434 = arith.muli %add3A_76, %mul3A_433 : i32
        %add3A_435 = arith.constant 8 : i32
        %add3A_436 = arith.addi %mul3A_434, %add3A_435 : i32
        %get3A_437 = arith.index_cast %add3A_436 : i32 to index
        %get3A_438 = arith.constant 16 : index
        %get3A_439 = tpu.vector_load %arg8[%get3A_437, %get3A_438] {strides = array<i32>} : memref<128x64xi32, #tpu.memory_space<vmem>>, vector<1x16xi32>,
        %get3A_440 = vector.shape_cast %get3A_439 : vector<1x16xi32> to vector<16xi32>
        %shift_left3A_441 = arith.constant 16 : i32
        %shift_left3A_442 = vector.broadcast %shift_left3A_441 : i32 to vector<16xi32>
        %shift_left3A_443 = arith.shli %get3A_440, %shift_left3A_442 : vector<16xi32>
        %bitcast_convert_type3A_444 = tpu.bitcast %shift_left3A_443 : vector<16xi32> -> vector<16xf32>
        %bitcast_convert_type3A_445 = tpu.bitcast %get3A_440 : vector<16xi32> -> vector<16xf32>
        %add3A_446 = arith.addf %add3A_386, %bitcast_convert_type3A_444 : vector<16xf32>
        %add3A_447 = arith.addf %add3A_387, %bitcast_convert_type3A_445 : vector<16xf32>
        %mul3A_448 = arith.constant 16 : i32
        %mul3A_449 = arith.muli %add3A_76, %mul3A_448 : i32
        %add3A_450 = arith.constant 9 : i32
        %add3A_451 = arith.addi %mul3A_449, %add3A_450 : i32
        %get3A_452 = arith.index_cast %add3A_451 : i32 to index
        %get3A_453 = arith.constant 16 : index
        %get3A_454 = tpu.vector_load %arg8[%get3A_452, %get3A_453] {strides = array<i32>} : memref<128x64xi32, #tpu.memory_space<vmem>>, vector<1x16xi32>,
        %get3A_455 = vector.shape_cast %get3A_454 : vector<1x16xi32> to vector<16xi32>
        %shift_left3A_456 = arith.constant 16 : i32
        %shift_left3A_457 = vector.broadcast %shift_left3A_456 : i32 to vector<16xi32>
        %shift_left3A_458 = arith.shli %get3A_455, %shift_left3A_457 : vector<16xi32>
        %bitcast_convert_type3A_459 = tpu.bitcast %shift_left3A_458 : vector<16xi32> -> vector<16xf32>
        %bitcast_convert_type3A_460 = tpu.bitcast %get3A_455 : vector<16xi32> -> vector<16xf32>
        %add3A_461 = arith.addf %add3A_401, %bitcast_convert_type3A_459 : vector<16xf32>
        %add3A_462 = arith.addf %add3A_402, %bitcast_convert_type3A_460 : vector<16xf32>
        %mul3A_463 = arith.constant 16 : i32
        %mul3A_464 = arith.muli %add3A_76, %mul3A_463 : i32
        %add3A_465 = arith.constant 10 : i32
        %add3A_466 = arith.addi %mul3A_464, %add3A_465 : i32
        %get3A_467 = arith.index_cast %add3A_466 : i32 to index
        %get3A_468 = arith.constant 16 : index
        %get3A_469 = tpu.vector_load %arg8[%get3A_467, %get3A_468] {strides = array<i32>} : memref<128x64xi32, #tpu.memory_space<vmem>>, vector<1x16xi32>,
        %get3A_470 = vector.shape_cast %get3A_469 : vector<1x16xi32> to vector<16xi32>
        %shift_left3A_471 = arith.constant 16 : i32
        %shift_left3A_472 = vector.broadcast %shift_left3A_471 : i32 to vector<16xi32>
        %shift_left3A_473 = arith.shli %get3A_470, %shift_left3A_472 : vector<16xi32>
        %bitcast_convert_type3A_474 = tpu.bitcast %shift_left3A_473 : vector<16xi32> -> vector<16xf32>
        %bitcast_convert_type3A_475 = tpu.bitcast %get3A_470 : vector<16xi32> -> vector<16xf32>
        %add3A_476 = arith.addf %add3A_416, %bitcast_convert_type3A_474 : vector<16xf32>
        %add3A_477 = arith.addf %add3A_417, %bitcast_convert_type3A_475 : vector<16xf32>
        %mul3A_478 = arith.constant 16 : i32
        %mul3A_479 = arith.muli %add3A_76, %mul3A_478 : i32
        %add3A_480 = arith.constant 11 : i32
        %add3A_481 = arith.addi %mul3A_479, %add3A_480 : i32
        %get3A_482 = arith.index_cast %add3A_481 : i32 to index
        %get3A_483 = arith.constant 16 : index
        %get3A_484 = tpu.vector_load %arg8[%get3A_482, %get3A_483] {strides = array<i32>} : memref<128x64xi32, #tpu.memory_space<vmem>>, vector<1x16xi32>,
        %get3A_485 = vector.shape_cast %get3A_484 : vector<1x16xi32> to vector<16xi32>
        %shift_left3A_486 = arith.constant 16 : i32
        %shift_left3A_487 = vector.broadcast %shift_left3A_486 : i32 to vector<16xi32>
        %shift_left3A_488 = arith.shli %get3A_485, %shift_left3A_487 : vector<16xi32>
        %bitcast_convert_type3A_489 = tpu.bitcast %shift_left3A_488 : vector<16xi32> -> vector<16xf32>
        %bitcast_convert_type3A_490 = tpu.bitcast %get3A_485 : vector<16xi32> -> vector<16xf32>
        %add3A_491 = arith.addf %add3A_431, %bitcast_convert_type3A_489 : vector<16xf32>
        %add3A_492 = arith.addf %add3A_432, %bitcast_convert_type3A_490 : vector<16xf32>
        %mul3A_493 = arith.constant 16 : i32
        %mul3A_494 = arith.muli %add3A_76, %mul3A_493 : i32
        %add3A_495 = arith.constant 12 : i32
        %add3A_496 = arith.addi %mul3A_494, %add3A_495 : i32
        %get3A_497 = arith.index_cast %add3A_496 : i32 to index
        %get3A_498 = arith.constant 16 : index
        %get3A_499 = tpu.vector_load %arg8[%get3A_497, %get3A_498] {strides = array<i32>} : memref<128x64xi32, #tpu.memory_space<vmem>>, vector<1x16xi32>,
        %get3A_500 = vector.shape_cast %get3A_499 : vector<1x16xi32> to vector<16xi32>
        %shift_left3A_501 = arith.constant 16 : i32
        %shift_left3A_502 = vector.broadcast %shift_left3A_501 : i32 to vector<16xi32>
        %shift_left3A_503 = arith.shli %get3A_500, %shift_left3A_502 : vector<16xi32>
        %bitcast_convert_type3A_504 = tpu.bitcast %shift_left3A_503 : vector<16xi32> -> vector<16xf32>
        %bitcast_convert_type3A_505 = tpu.bitcast %get3A_500 : vector<16xi32> -> vector<16xf32>
        %add3A_506 = arith.addf %add3A_446, %bitcast_convert_type3A_504 : vector<16xf32>
        %add3A_507 = arith.addf %add3A_447, %bitcast_convert_type3A_505 : vector<16xf32>
        %mul3A_508 = arith.constant 16 : i32
        %mul3A_509 = arith.muli %add3A_76, %mul3A_508 : i32
        %add3A_510 = arith.constant 13 : i32
        %add3A_511 = arith.addi %mul3A_509, %add3A_510 : i32
        %get3A_512 = arith.index_cast %add3A_511 : i32 to index
        %get3A_513 = arith.constant 16 : index
        %get3A_514 = tpu.vector_load %arg8[%get3A_512, %get3A_513] {strides = array<i32>} : memref<128x64xi32, #tpu.memory_space<vmem>>, vector<1x16xi32>,
        %get3A_515 = vector.shape_cast %get3A_514 : vector<1x16xi32> to vector<16xi32>
        %shift_left3A_516 = arith.constant 16 : i32
        %shift_left3A_517 = vector.broadcast %shift_left3A_516 : i32 to vector<16xi32>
        %shift_left3A_518 = arith.shli %get3A_515, %shift_left3A_517 : vector<16xi32>
        %bitcast_convert_type3A_519 = tpu.bitcast %shift_left3A_518 : vector<16xi32> -> vector<16xf32>
        %bitcast_convert_type3A_520 = tpu.bitcast %get3A_515 : vector<16xi32> -> vector<16xf32>
        %add3A_521 = arith.addf %add3A_461, %bitcast_convert_type3A_519 : vector<16xf32>
        %add3A_522 = arith.addf %add3A_462, %bitcast_convert_type3A_520 : vector<16xf32>
        %mul3A_523 = arith.constant 16 : i32
        %mul3A_524 = arith.muli %add3A_76, %mul3A_523 : i32
        %add3A_525 = arith.constant 14 : i32
        %add3A_526 = arith.addi %mul3A_524, %add3A_525 : i32
        %get3A_527 = arith.index_cast %add3A_526 : i32 to index
        %get3A_528 = arith.constant 16 : index
        %get3A_529 = tpu.vector_load %arg8[%get3A_527, %get3A_528] {strides = array<i32>} : memref<128x64xi32, #tpu.memory_space<vmem>>, vector<1x16xi32>,
        %get3A_530 = vector.shape_cast %get3A_529 : vector<1x16xi32> to vector<16xi32>
        %shift_left3A_531 = arith.constant 16 : i32
        %shift_left3A_532 = vector.broadcast %shift_left3A_531 : i32 to vector<16xi32>
        %shift_left3A_533 = arith.shli %get3A_530, %shift_left3A_532 : vector<16xi32>
        %bitcast_convert_type3A_534 = tpu.bitcast %shift_left3A_533 : vector<16xi32> -> vector<16xf32>
        %bitcast_convert_type3A_535 = tpu.bitcast %get3A_530 : vector<16xi32> -> vector<16xf32>
        %add3A_536 = arith.addf %add3A_476, %bitcast_convert_type3A_534 : vector<16xf32>
        %add3A_537 = arith.addf %add3A_477, %bitcast_convert_type3A_535 : vector<16xf32>
        %mul3A_538 = arith.constant 16 : i32
        %mul3A_539 = arith.muli %add3A_76, %mul3A_538 : i32
        %add3A_540 = arith.constant 15 : i32
        %add3A_541 = arith.addi %mul3A_539, %add3A_540 : i32
        %get3A_542 = arith.index_cast %add3A_541 : i32 to index
        %get3A_543 = arith.constant 16 : index
        %get3A_544 = tpu.vector_load %arg8[%get3A_542, %get3A_543] {strides = array<i32>} : memref<128x64xi32, #tpu.memory_space<vmem>>, vector<1x16xi32>,
        %get3A_545 = vector.shape_cast %get3A_544 : vector<1x16xi32> to vector<16xi32>
        %shift_left3A_546 = arith.constant 16 : i32
        %shift_left3A_547 = vector.broadcast %shift_left3A_546 : i32 to vector<16xi32>
        %shift_left3A_548 = arith.shli %get3A_545, %shift_left3A_547 : vector<16xi32>
        %bitcast_convert_type3A_549 = tpu.bitcast %shift_left3A_548 : vector<16xi32> -> vector<16xf32>
        %bitcast_convert_type3A_550 = tpu.bitcast %get3A_545 : vector<16xi32> -> vector<16xf32>
        %add3A_551 = arith.addf %add3A_491, %bitcast_convert_type3A_549 : vector<16xf32>
        %add3A_552 = arith.addf %add3A_492, %bitcast_convert_type3A_550 : vector<16xf32>
        %add3A_553 = arith.addf %add3A_506, %add3A_521 : vector<16xf32>
        %add3A_554 = arith.addf %add3A_536, %add3A_551 : vector<16xf32>
        %add3A_555 = arith.addf %add3A_553, %add3A_554 : vector<16xf32>
        %add3A_556 = arith.addf %add3A_507, %add3A_522 : vector<16xf32>
        %add3A_557 = arith.addf %add3A_537, %add3A_552 : vector<16xf32>
        %add3A_558 = arith.addf %add3A_556, %add3A_557 : vector<16xf32>
        %swap3A_559 = arith.index_cast %add3A_76 : i32 to index
        %swap3A_560 = arith.constant 16 : index
        %swap3A_561 = tpu.vector_load %arg11[%swap3A_559, %swap3A_560] {strides = array<i32>} : memref<8x128xf32, #tpu.memory_space<vmem>>, vector<1x16xf32>,
        %swap3A_562 = vector.shape_cast %swap3A_561 : vector<1x16xf32> to vector<16xf32>
        %swap3A_563 = vector.shape_cast %add3A_555 : vector<16xf32> to vector<1x16xf32>
        tpu.vector_store %arg11[%swap3A_559, %swap3A_560], %swap3A_563 {strides = array<i32>} : memref<8x128xf32, #tpu.memory_space<vmem>>, vector<1x16xf32>,
        %swap3A_564 = arith.index_cast %add3A_76 : i32 to index
        %swap3A_565 = arith.constant 80 : index
        %swap3A_566 = tpu.vector_load %arg11[%swap3A_564, %swap3A_565] {strides = array<i32>} : memref<8x128xf32, #tpu.memory_space<vmem>>, vector<1x16xf32>,
        %swap3A_567 = vector.shape_cast %swap3A_566 : vector<1x16xf32> to vector<16xf32>
        %swap3A_568 = vector.shape_cast %add3A_558 : vector<16xf32> to vector<1x16xf32>
        tpu.vector_store %arg11[%swap3A_564, %swap3A_565], %swap3A_568 {strides = array<i32>} : memref<8x128xf32, #tpu.memory_space<vmem>>, vector<1x16xf32>,
        %mul3A_569 = arith.constant 16 : i32
        %mul3A_570 = arith.muli %add3A_76, %mul3A_569 : i32
        %add3A_571 = arith.constant 0 : i32
        %add3A_572 = arith.addi %mul3A_570, %add3A_571 : i32
        %get3A_573 = arith.index_cast %add3A_572 : i32 to index
        %get3A_574 = arith.constant 32 : index
        %get3A_575 = tpu.vector_load %arg8[%get3A_573, %get3A_574] {strides = array<i32>} : memref<128x64xi32, #tpu.memory_space<vmem>>, vector<1x16xi32>,
        %get3A_576 = vector.shape_cast %get3A_575 : vector<1x16xi32> to vector<16xi32>
        %shift_left3A_577 = arith.constant 16 : i32
        %shift_left3A_578 = vector.broadcast %shift_left3A_577 : i32 to vector<16xi32>
        %shift_left3A_579 = arith.shli %get3A_576, %shift_left3A_578 : vector<16xi32>
        %bitcast_convert_type3A_580 = tpu.bitcast %shift_left3A_579 : vector<16xi32> -> vector<16xf32>
        %bitcast_convert_type3A_581 = tpu.bitcast %get3A_576 : vector<16xi32> -> vector<16xf32>
        %mul3A_582 = arith.constant 16 : i32
        %mul3A_583 = arith.muli %add3A_76, %mul3A_582 : i32
        %add3A_584 = arith.constant 1 : i32
        %add3A_585 = arith.addi %mul3A_583, %add3A_584 : i32
        %get3A_586 = arith.index_cast %add3A_585 : i32 to index
        %get3A_587 = arith.constant 32 : index
        %get3A_588 = tpu.vector_load %arg8[%get3A_586, %get3A_587] {strides = array<i32>} : memref<128x64xi32, #tpu.memory_space<vmem>>, vector<1x16xi32>,
        %get3A_589 = vector.shape_cast %get3A_588 : vector<1x16xi32> to vector<16xi32>
        %shift_left3A_590 = arith.constant 16 : i32
        %shift_left3A_591 = vector.broadcast %shift_left3A_590 : i32 to vector<16xi32>
        %shift_left3A_592 = arith.shli %get3A_589, %shift_left3A_591 : vector<16xi32>
        %bitcast_convert_type3A_593 = tpu.bitcast %shift_left3A_592 : vector<16xi32> -> vector<16xf32>
        %bitcast_convert_type3A_594 = tpu.bitcast %get3A_589 : vector<16xi32> -> vector<16xf32>
        %mul3A_595 = arith.constant 16 : i32
        %mul3A_596 = arith.muli %add3A_76, %mul3A_595 : i32
        %add3A_597 = arith.constant 2 : i32
        %add3A_598 = arith.addi %mul3A_596, %add3A_597 : i32
        %get3A_599 = arith.index_cast %add3A_598 : i32 to index
        %get3A_600 = arith.constant 32 : index
        %get3A_601 = tpu.vector_load %arg8[%get3A_599, %get3A_600] {strides = array<i32>} : memref<128x64xi32, #tpu.memory_space<vmem>>, vector<1x16xi32>,
        %get3A_602 = vector.shape_cast %get3A_601 : vector<1x16xi32> to vector<16xi32>
        %shift_left3A_603 = arith.constant 16 : i32
        %shift_left3A_604 = vector.broadcast %shift_left3A_603 : i32 to vector<16xi32>
        %shift_left3A_605 = arith.shli %get3A_602, %shift_left3A_604 : vector<16xi32>
        %bitcast_convert_type3A_606 = tpu.bitcast %shift_left3A_605 : vector<16xi32> -> vector<16xf32>
        %bitcast_convert_type3A_607 = tpu.bitcast %get3A_602 : vector<16xi32> -> vector<16xf32>
        %mul3A_608 = arith.constant 16 : i32
        %mul3A_609 = arith.muli %add3A_76, %mul3A_608 : i32
        %add3A_610 = arith.constant 3 : i32
        %add3A_611 = arith.addi %mul3A_609, %add3A_610 : i32
        %get3A_612 = arith.index_cast %add3A_611 : i32 to index
        %get3A_613 = arith.constant 32 : index
        %get3A_614 = tpu.vector_load %arg8[%get3A_612, %get3A_613] {strides = array<i32>} : memref<128x64xi32, #tpu.memory_space<vmem>>, vector<1x16xi32>,
        %get3A_615 = vector.shape_cast %get3A_614 : vector<1x16xi32> to vector<16xi32>
        %shift_left3A_616 = arith.constant 16 : i32
        %shift_left3A_617 = vector.broadcast %shift_left3A_616 : i32 to vector<16xi32>
        %shift_left3A_618 = arith.shli %get3A_615, %shift_left3A_617 : vector<16xi32>
        %bitcast_convert_type3A_619 = tpu.bitcast %shift_left3A_618 : vector<16xi32> -> vector<16xf32>
        %bitcast_convert_type3A_620 = tpu.bitcast %get3A_615 : vector<16xi32> -> vector<16xf32>
        %mul3A_621 = arith.constant 16 : i32
        %mul3A_622 = arith.muli %add3A_76, %mul3A_621 : i32
        %add3A_623 = arith.constant 4 : i32
        %add3A_624 = arith.addi %mul3A_622, %add3A_623 : i32
        %get3A_625 = arith.index_cast %add3A_624 : i32 to index
        %get3A_626 = arith.constant 32 : index
        %get3A_627 = tpu.vector_load %arg8[%get3A_625, %get3A_626] {strides = array<i32>} : memref<128x64xi32, #tpu.memory_space<vmem>>, vector<1x16xi32>,
        %get3A_628 = vector.shape_cast %get3A_627 : vector<1x16xi32> to vector<16xi32>
        %shift_left3A_629 = arith.constant 16 : i32
        %shift_left3A_630 = vector.broadcast %shift_left3A_629 : i32 to vector<16xi32>
        %shift_left3A_631 = arith.shli %get3A_628, %shift_left3A_630 : vector<16xi32>
        %bitcast_convert_type3A_632 = tpu.bitcast %shift_left3A_631 : vector<16xi32> -> vector<16xf32>
        %bitcast_convert_type3A_633 = tpu.bitcast %get3A_628 : vector<16xi32> -> vector<16xf32>
        %add3A_634 = arith.addf %bitcast_convert_type3A_580, %bitcast_convert_type3A_632 : vector<16xf32>
        %add3A_635 = arith.addf %bitcast_convert_type3A_581, %bitcast_convert_type3A_633 : vector<16xf32>
        %mul3A_636 = arith.constant 16 : i32
        %mul3A_637 = arith.muli %add3A_76, %mul3A_636 : i32
        %add3A_638 = arith.constant 5 : i32
        %add3A_639 = arith.addi %mul3A_637, %add3A_638 : i32
        %get3A_640 = arith.index_cast %add3A_639 : i32 to index
        %get3A_641 = arith.constant 32 : index
        %get3A_642 = tpu.vector_load %arg8[%get3A_640, %get3A_641] {strides = array<i32>} : memref<128x64xi32, #tpu.memory_space<vmem>>, vector<1x16xi32>,
        %get3A_643 = vector.shape_cast %get3A_642 : vector<1x16xi32> to vector<16xi32>
        %shift_left3A_644 = arith.constant 16 : i32
        %shift_left3A_645 = vector.broadcast %shift_left3A_644 : i32 to vector<16xi32>
        %shift_left3A_646 = arith.shli %get3A_643, %shift_left3A_645 : vector<16xi32>
        %bitcast_convert_type3A_647 = tpu.bitcast %shift_left3A_646 : vector<16xi32> -> vector<16xf32>
        %bitcast_convert_type3A_648 = tpu.bitcast %get3A_643 : vector<16xi32> -> vector<16xf32>
        %add3A_649 = arith.addf %bitcast_convert_type3A_593, %bitcast_convert_type3A_647 : vector<16xf32>
        %add3A_650 = arith.addf %bitcast_convert_type3A_594, %bitcast_convert_type3A_648 : vector<16xf32>
        %mul3A_651 = arith.constant 16 : i32
        %mul3A_652 = arith.muli %add3A_76, %mul3A_651 : i32
        %add3A_653 = arith.constant 6 : i32
        %add3A_654 = arith.addi %mul3A_652, %add3A_653 : i32
        %get3A_655 = arith.index_cast %add3A_654 : i32 to index
        %get3A_656 = arith.constant 32 : index
        %get3A_657 = tpu.vector_load %arg8[%get3A_655, %get3A_656] {strides = array<i32>} : memref<128x64xi32, #tpu.memory_space<vmem>>, vector<1x16xi32>,
        %get3A_658 = vector.shape_cast %get3A_657 : vector<1x16xi32> to vector<16xi32>
        %shift_left3A_659 = arith.constant 16 : i32
        %shift_left3A_660 = vector.broadcast %shift_left3A_659 : i32 to vector<16xi32>
        %shift_left3A_661 = arith.shli %get3A_658, %shift_left3A_660 : vector<16xi32>
        %bitcast_convert_type3A_662 = tpu.bitcast %shift_left3A_661 : vector<16xi32> -> vector<16xf32>
        %bitcast_convert_type3A_663 = tpu.bitcast %get3A_658 : vector<16xi32> -> vector<16xf32>
        %add3A_664 = arith.addf %bitcast_convert_type3A_606, %bitcast_convert_type3A_662 : vector<16xf32>
        %add3A_665 = arith.addf %bitcast_convert_type3A_607, %bitcast_convert_type3A_663 : vector<16xf32>
        %mul3A_666 = arith.constant 16 : i32
        %mul3A_667 = arith.muli %add3A_76, %mul3A_666 : i32
        %add3A_668 = arith.constant 7 : i32
        %add3A_669 = arith.addi %mul3A_667, %add3A_668 : i32
        %get3A_670 = arith.index_cast %add3A_669 : i32 to index
        %get3A_671 = arith.constant 32 : index
        %get3A_672 = tpu.vector_load %arg8[%get3A_670, %get3A_671] {strides = array<i32>} : memref<128x64xi32, #tpu.memory_space<vmem>>, vector<1x16xi32>,
        %get3A_673 = vector.shape_cast %get3A_672 : vector<1x16xi32> to vector<16xi32>
        %shift_left3A_674 = arith.constant 16 : i32
        %shift_left3A_675 = vector.broadcast %shift_left3A_674 : i32 to vector<16xi32>
        %shift_left3A_676 = arith.shli %get3A_673, %shift_left3A_675 : vector<16xi32>
        %bitcast_convert_type3A_677 = tpu.bitcast %shift_left3A_676 : vector<16xi32> -> vector<16xf32>
        %bitcast_convert_type3A_678 = tpu.bitcast %get3A_673 : vector<16xi32> -> vector<16xf32>
        %add3A_679 = arith.addf %bitcast_convert_type3A_619, %bitcast_convert_type3A_677 : vector<16xf32>
        %add3A_680 = arith.addf %bitcast_convert_type3A_620, %bitcast_convert_type3A_678 : vector<16xf32>
        %mul3A_681 = arith.constant 16 : i32
        %mul3A_682 = arith.muli %add3A_76, %mul3A_681 : i32
        %add3A_683 = arith.constant 8 : i32
        %add3A_684 = arith.addi %mul3A_682, %add3A_683 : i32
        %get3A_685 = arith.index_cast %add3A_684 : i32 to index
        %get3A_686 = arith.constant 32 : index
        %get3A_687 = tpu.vector_load %arg8[%get3A_685, %get3A_686] {strides = array<i32>} : memref<128x64xi32, #tpu.memory_space<vmem>>, vector<1x16xi32>,
        %get3A_688 = vector.shape_cast %get3A_687 : vector<1x16xi32> to vector<16xi32>
        %shift_left3A_689 = arith.constant 16 : i32
        %shift_left3A_690 = vector.broadcast %shift_left3A_689 : i32 to vector<16xi32>
        %shift_left3A_691 = arith.shli %get3A_688, %shift_left3A_690 : vector<16xi32>
        %bitcast_convert_type3A_692 = tpu.bitcast %shift_left3A_691 : vector<16xi32> -> vector<16xf32>
        %bitcast_convert_type3A_693 = tpu.bitcast %get3A_688 : vector<16xi32> -> vector<16xf32>
        %add3A_694 = arith.addf %add3A_634, %bitcast_convert_type3A_692 : vector<16xf32>
        %add3A_695 = arith.addf %add3A_635, %bitcast_convert_type3A_693 : vector<16xf32>
        %mul3A_696 = arith.constant 16 : i32
        %mul3A_697 = arith.muli %add3A_76, %mul3A_696 : i32
        %add3A_698 = arith.constant 9 : i32
        %add3A_699 = arith.addi %mul3A_697, %add3A_698 : i32
        %get3A_700 = arith.index_cast %add3A_699 : i32 to index
        %get3A_701 = arith.constant 32 : index
        %get3A_702 = tpu.vector_load %arg8[%get3A_700, %get3A_701] {strides = array<i32>} : memref<128x64xi32, #tpu.memory_space<vmem>>, vector<1x16xi32>,
        %get3A_703 = vector.shape_cast %get3A_702 : vector<1x16xi32> to vector<16xi32>
        %shift_left3A_704 = arith.constant 16 : i32
        %shift_left3A_705 = vector.broadcast %shift_left3A_704 : i32 to vector<16xi32>
        %shift_left3A_706 = arith.shli %get3A_703, %shift_left3A_705 : vector<16xi32>
        %bitcast_convert_type3A_707 = tpu.bitcast %shift_left3A_706 : vector<16xi32> -> vector<16xf32>
        %bitcast_convert_type3A_708 = tpu.bitcast %get3A_703 : vector<16xi32> -> vector<16xf32>
        %add3A_709 = arith.addf %add3A_649, %bitcast_convert_type3A_707 : vector<16xf32>
        %add3A_710 = arith.addf %add3A_650, %bitcast_convert_type3A_708 : vector<16xf32>
        %mul3A_711 = arith.constant 16 : i32
        %mul3A_712 = arith.muli %add3A_76, %mul3A_711 : i32
        %add3A_713 = arith.constant 10 : i32
        %add3A_714 = arith.addi %mul3A_712, %add3A_713 : i32
        %get3A_715 = arith.index_cast %add3A_714 : i32 to index
        %get3A_716 = arith.constant 32 : index
        %get3A_717 = tpu.vector_load %arg8[%get3A_715, %get3A_716] {strides = array<i32>} : memref<128x64xi32, #tpu.memory_space<vmem>>, vector<1x16xi32>,
        %get3A_718 = vector.shape_cast %get3A_717 : vector<1x16xi32> to vector<16xi32>
        %shift_left3A_719 = arith.constant 16 : i32
        %shift_left3A_720 = vector.broadcast %shift_left3A_719 : i32 to vector<16xi32>
        %shift_left3A_721 = arith.shli %get3A_718, %shift_left3A_720 : vector<16xi32>
        %bitcast_convert_type3A_722 = tpu.bitcast %shift_left3A_721 : vector<16xi32> -> vector<16xf32>
        %bitcast_convert_type3A_723 = tpu.bitcast %get3A_718 : vector<16xi32> -> vector<16xf32>
        %add3A_724 = arith.addf %add3A_664, %bitcast_convert_type3A_722 : vector<16xf32>
        %add3A_725 = arith.addf %add3A_665, %bitcast_convert_type3A_723 : vector<16xf32>
        %mul3A_726 = arith.constant 16 : i32
        %mul3A_727 = arith.muli %add3A_76, %mul3A_726 : i32
        %add3A_728 = arith.constant 11 : i32
        %add3A_729 = arith.addi %mul3A_727, %add3A_728 : i32
        %get3A_730 = arith.index_cast %add3A_729 : i32 to index
        %get3A_731 = arith.constant 32 : index
        %get3A_732 = tpu.vector_load %arg8[%get3A_730, %get3A_731] {strides = array<i32>} : memref<128x64xi32, #tpu.memory_space<vmem>>, vector<1x16xi32>,
        %get3A_733 = vector.shape_cast %get3A_732 : vector<1x16xi32> to vector<16xi32>
        %shift_left3A_734 = arith.constant 16 : i32
        %shift_left3A_735 = vector.broadcast %shift_left3A_734 : i32 to vector<16xi32>
        %shift_left3A_736 = arith.shli %get3A_733, %shift_left3A_735 : vector<16xi32>
        %bitcast_convert_type3A_737 = tpu.bitcast %shift_left3A_736 : vector<16xi32> -> vector<16xf32>
        %bitcast_convert_type3A_738 = tpu.bitcast %get3A_733 : vector<16xi32> -> vector<16xf32>
        %add3A_739 = arith.addf %add3A_679, %bitcast_convert_type3A_737 : vector<16xf32>
        %add3A_740 = arith.addf %add3A_680, %bitcast_convert_type3A_738 : vector<16xf32>
        %mul3A_741 = arith.constant 16 : i32
        %mul3A_742 = arith.muli %add3A_76, %mul3A_741 : i32
        %add3A_743 = arith.constant 12 : i32
        %add3A_744 = arith.addi %mul3A_742, %add3A_743 : i32
        %get3A_745 = arith.index_cast %add3A_744 : i32 to index
        %get3A_746 = arith.constant 32 : index
        %get3A_747 = tpu.vector_load %arg8[%get3A_745, %get3A_746] {strides = array<i32>} : memref<128x64xi32, #tpu.memory_space<vmem>>, vector<1x16xi32>,
        %get3A_748 = vector.shape_cast %get3A_747 : vector<1x16xi32> to vector<16xi32>
        %shift_left3A_749 = arith.constant 16 : i32
        %shift_left3A_750 = vector.broadcast %shift_left3A_749 : i32 to vector<16xi32>
        %shift_left3A_751 = arith.shli %get3A_748, %shift_left3A_750 : vector<16xi32>
        %bitcast_convert_type3A_752 = tpu.bitcast %shift_left3A_751 : vector<16xi32> -> vector<16xf32>
        %bitcast_convert_type3A_753 = tpu.bitcast %get3A_748 : vector<16xi32> -> vector<16xf32>
        %add3A_754 = arith.addf %add3A_694, %bitcast_convert_type3A_752 : vector<16xf32>
        %add3A_755 = arith.addf %add3A_695, %bitcast_convert_type3A_753 : vector<16xf32>
        %mul3A_756 = arith.constant 16 : i32
        %mul3A_757 = arith.muli %add3A_76, %mul3A_756 : i32
        %add3A_758 = arith.constant 13 : i32
        %add3A_759 = arith.addi %mul3A_757, %add3A_758 : i32
        %get3A_760 = arith.index_cast %add3A_759 : i32 to index
        %get3A_761 = arith.constant 32 : index
        %get3A_762 = tpu.vector_load %arg8[%get3A_760, %get3A_761] {strides = array<i32>} : memref<128x64xi32, #tpu.memory_space<vmem>>, vector<1x16xi32>,
        %get3A_763 = vector.shape_cast %get3A_762 : vector<1x16xi32> to vector<16xi32>
        %shift_left3A_764 = arith.constant 16 : i32
        %shift_left3A_765 = vector.broadcast %shift_left3A_764 : i32 to vector<16xi32>
        %shift_left3A_766 = arith.shli %get3A_763, %shift_left3A_765 : vector<16xi32>
        %bitcast_convert_type3A_767 = tpu.bitcast %shift_left3A_766 : vector<16xi32> -> vector<16xf32>
        %bitcast_convert_type3A_768 = tpu.bitcast %get3A_763 : vector<16xi32> -> vector<16xf32>
        %add3A_769 = arith.addf %add3A_709, %bitcast_convert_type3A_767 : vector<16xf32>
        %add3A_770 = arith.addf %add3A_710, %bitcast_convert_type3A_768 : vector<16xf32>
        %mul3A_771 = arith.constant 16 : i32
        %mul3A_772 = arith.muli %add3A_76, %mul3A_771 : i32
        %add3A_773 = arith.constant 14 : i32
        %add3A_774 = arith.addi %mul3A_772, %add3A_773 : i32
        %get3A_775 = arith.index_cast %add3A_774 : i32 to index
        %get3A_776 = arith.constant 32 : index
        %get3A_777 = tpu.vector_load %arg8[%get3A_775, %get3A_776] {strides = array<i32>} : memref<128x64xi32, #tpu.memory_space<vmem>>, vector<1x16xi32>,
        %get3A_778 = vector.shape_cast %get3A_777 : vector<1x16xi32> to vector<16xi32>
        %shift_left3A_779 = arith.constant 16 : i32
        %shift_left3A_780 = vector.broadcast %shift_left3A_779 : i32 to vector<16xi32>
        %shift_left3A_781 = arith.shli %get3A_778, %shift_left3A_780 : vector<16xi32>
        %bitcast_convert_type3A_782 = tpu.bitcast %shift_left3A_781 : vector<16xi32> -> vector<16xf32>
        %bitcast_convert_type3A_783 = tpu.bitcast %get3A_778 : vector<16xi32> -> vector<16xf32>
        %add3A_784 = arith.addf %add3A_724, %bitcast_convert_type3A_782 : vector<16xf32>
        %add3A_785 = arith.addf %add3A_725, %bitcast_convert_type3A_783 : vector<16xf32>
        %mul3A_786 = arith.constant 16 : i32
        %mul3A_787 = arith.muli %add3A_76, %mul3A_786 : i32
        %add3A_788 = arith.constant 15 : i32
        %add3A_789 = arith.addi %mul3A_787, %add3A_788 : i32
        %get3A_790 = arith.index_cast %add3A_789 : i32 to index
        %get3A_791 = arith.constant 32 : index
        %get3A_792 = tpu.vector_load %arg8[%get3A_790, %get3A_791] {strides = array<i32>} : memref<128x64xi32, #tpu.memory_space<vmem>>, vector<1x16xi32>,
        %get3A_793 = vector.shape_cast %get3A_792 : vector<1x16xi32> to vector<16xi32>
        %shift_left3A_794 = arith.constant 16 : i32
        %shift_left3A_795 = vector.broadcast %shift_left3A_794 : i32 to vector<16xi32>
        %shift_left3A_796 = arith.shli %get3A_793, %shift_left3A_795 : vector<16xi32>
        %bitcast_convert_type3A_797 = tpu.bitcast %shift_left3A_796 : vector<16xi32> -> vector<16xf32>
        %bitcast_convert_type3A_798 = tpu.bitcast %get3A_793 : vector<16xi32> -> vector<16xf32>
        %add3A_799 = arith.addf %add3A_739, %bitcast_convert_type3A_797 : vector<16xf32>
        %add3A_800 = arith.addf %add3A_740, %bitcast_convert_type3A_798 : vector<16xf32>
        %add3A_801 = arith.addf %add3A_754, %add3A_769 : vector<16xf32>
        %add3A_802 = arith.addf %add3A_784, %add3A_799 : vector<16xf32>
        %add3A_803 = arith.addf %add3A_801, %add3A_802 : vector<16xf32>
        %add3A_804 = arith.addf %add3A_755, %add3A_770 : vector<16xf32>
        %add3A_805 = arith.addf %add3A_785, %add3A_800 : vector<16xf32>
        %add3A_806 = arith.addf %add3A_804, %add3A_805 : vector<16xf32>
        %swap3A_807 = arith.index_cast %add3A_76 : i32 to index
        %swap3A_808 = arith.constant 32 : index
        %swap3A_809 = tpu.vector_load %arg11[%swap3A_807, %swap3A_808] {strides = array<i32>} : memref<8x128xf32, #tpu.memory_space<vmem>>, vector<1x16xf32>,
        %swap3A_810 = vector.shape_cast %swap3A_809 : vector<1x16xf32> to vector<16xf32>
        %swap3A_811 = vector.shape_cast %add3A_803 : vector<16xf32> to vector<1x16xf32>
        tpu.vector_store %arg11[%swap3A_807, %swap3A_808], %swap3A_811 {strides = array<i32>} : memref<8x128xf32, #tpu.memory_space<vmem>>, vector<1x16xf32>,
        %swap3A_812 = arith.index_cast %add3A_76 : i32 to index
        %swap3A_813 = arith.constant 96 : index
        %swap3A_814 = tpu.vector_load %arg11[%swap3A_812, %swap3A_813] {strides = array<i32>} : memref<8x128xf32, #tpu.memory_space<vmem>>, vector<1x16xf32>,
        %swap3A_815 = vector.shape_cast %swap3A_814 : vector<1x16xf32> to vector<16xf32>
        %swap3A_816 = vector.shape_cast %add3A_806 : vector<16xf32> to vector<1x16xf32>
        tpu.vector_store %arg11[%swap3A_812, %swap3A_813], %swap3A_816 {strides = array<i32>} : memref<8x128xf32, #tpu.memory_space<vmem>>, vector<1x16xf32>,
        %mul3A_817 = arith.constant 16 : i32
        %mul3A_818 = arith.muli %add3A_76, %mul3A_817 : i32
        %add3A_819 = arith.constant 0 : i32
        %add3A_820 = arith.addi %mul3A_818, %add3A_819 : i32
        %get3A_821 = arith.index_cast %add3A_820 : i32 to index
        %get3A_822 = arith.constant 48 : index
        %get3A_823 = tpu.vector_load %arg8[%get3A_821, %get3A_822] {strides = array<i32>} : memref<128x64xi32, #tpu.memory_space<vmem>>, vector<1x16xi32>,
        %get3A_824 = vector.shape_cast %get3A_823 : vector<1x16xi32> to vector<16xi32>
        %shift_left3A_825 = arith.constant 16 : i32
        %shift_left3A_826 = vector.broadcast %shift_left3A_825 : i32 to vector<16xi32>
        %shift_left3A_827 = arith.shli %get3A_824, %shift_left3A_826 : vector<16xi32>
        %bitcast_convert_type3A_828 = tpu.bitcast %shift_left3A_827 : vector<16xi32> -> vector<16xf32>
        %bitcast_convert_type3A_829 = tpu.bitcast %get3A_824 : vector<16xi32> -> vector<16xf32>
        %mul3A_830 = arith.constant 16 : i32
        %mul3A_831 = arith.muli %add3A_76, %mul3A_830 : i32
        %add3A_832 = arith.constant 1 : i32
        %add3A_833 = arith.addi %mul3A_831, %add3A_832 : i32
        %get3A_834 = arith.index_cast %add3A_833 : i32 to index
        %get3A_835 = arith.constant 48 : index
        %get3A_836 = tpu.vector_load %arg8[%get3A_834, %get3A_835] {strides = array<i32>} : memref<128x64xi32, #tpu.memory_space<vmem>>, vector<1x16xi32>,
        %get3A_837 = vector.shape_cast %get3A_836 : vector<1x16xi32> to vector<16xi32>
        %shift_left3A_838 = arith.constant 16 : i32
        %shift_left3A_839 = vector.broadcast %shift_left3A_838 : i32 to vector<16xi32>
        %shift_left3A_840 = arith.shli %get3A_837, %shift_left3A_839 : vector<16xi32>
        %bitcast_convert_type3A_841 = tpu.bitcast %shift_left3A_840 : vector<16xi32> -> vector<16xf32>
        %bitcast_convert_type3A_842 = tpu.bitcast %get3A_837 : vector<16xi32> -> vector<16xf32>
        %mul3A_843 = arith.constant 16 : i32
        %mul3A_844 = arith.muli %add3A_76, %mul3A_843 : i32
        %add3A_845 = arith.constant 2 : i32
        %add3A_846 = arith.addi %mul3A_844, %add3A_845 : i32
        %get3A_847 = arith.index_cast %add3A_846 : i32 to index
        %get3A_848 = arith.constant 48 : index
        %get3A_849 = tpu.vector_load %arg8[%get3A_847, %get3A_848] {strides = array<i32>} : memref<128x64xi32, #tpu.memory_space<vmem>>, vector<1x16xi32>,
        %get3A_850 = vector.shape_cast %get3A_849 : vector<1x16xi32> to vector<16xi32>
        %shift_left3A_851 = arith.constant 16 : i32
        %shift_left3A_852 = vector.broadcast %shift_left3A_851 : i32 to vector<16xi32>
        %shift_left3A_853 = arith.shli %get3A_850, %shift_left3A_852 : vector<16xi32>
        %bitcast_convert_type3A_854 = tpu.bitcast %shift_left3A_853 : vector<16xi32> -> vector<16xf32>
        %bitcast_convert_type3A_855 = tpu.bitcast %get3A_850 : vector<16xi32> -> vector<16xf32>
        %mul3A_856 = arith.constant 16 : i32
        %mul3A_857 = arith.muli %add3A_76, %mul3A_856 : i32
        %add3A_858 = arith.constant 3 : i32
        %add3A_859 = arith.addi %mul3A_857, %add3A_858 : i32
        %get3A_860 = arith.index_cast %add3A_859 : i32 to index
        %get3A_861 = arith.constant 48 : index
        %get3A_862 = tpu.vector_load %arg8[%get3A_860, %get3A_861] {strides = array<i32>} : memref<128x64xi32, #tpu.memory_space<vmem>>, vector<1x16xi32>,
        %get3A_863 = vector.shape_cast %get3A_862 : vector<1x16xi32> to vector<16xi32>
        %shift_left3A_864 = arith.constant 16 : i32
        %shift_left3A_865 = vector.broadcast %shift_left3A_864 : i32 to vector<16xi32>
        %shift_left3A_866 = arith.shli %get3A_863, %shift_left3A_865 : vector<16xi32>
        %bitcast_convert_type3A_867 = tpu.bitcast %shift_left3A_866 : vector<16xi32> -> vector<16xf32>
        %bitcast_convert_type3A_868 = tpu.bitcast %get3A_863 : vector<16xi32> -> vector<16xf32>
        %mul3A_869 = arith.constant 16 : i32
        %mul3A_870 = arith.muli %add3A_76, %mul3A_869 : i32
        %add3A_871 = arith.constant 4 : i32
        %add3A_872 = arith.addi %mul3A_870, %add3A_871 : i32
        %get3A_873 = arith.index_cast %add3A_872 : i32 to index
        %get3A_874 = arith.constant 48 : index
        %get3A_875 = tpu.vector_load %arg8[%get3A_873, %get3A_874] {strides = array<i32>} : memref<128x64xi32, #tpu.memory_space<vmem>>, vector<1x16xi32>,
        %get3A_876 = vector.shape_cast %get3A_875 : vector<1x16xi32> to vector<16xi32>
        %shift_left3A_877 = arith.constant 16 : i32
        %shift_left3A_878 = vector.broadcast %shift_left3A_877 : i32 to vector<16xi32>
        %shift_left3A_879 = arith.shli %get3A_876, %shift_left3A_878 : vector<16xi32>
        %bitcast_convert_type3A_880 = tpu.bitcast %shift_left3A_879 : vector<16xi32> -> vector<16xf32>
        %bitcast_convert_type3A_881 = tpu.bitcast %get3A_876 : vector<16xi32> -> vector<16xf32>
        %add3A_882 = arith.addf %bitcast_convert_type3A_828, %bitcast_convert_type3A_880 : vector<16xf32>
        %add3A_883 = arith.addf %bitcast_convert_type3A_829, %bitcast_convert_type3A_881 : vector<16xf32>
        %mul3A_884 = arith.constant 16 : i32
        %mul3A_885 = arith.muli %add3A_76, %mul3A_884 : i32
        %add3A_886 = arith.constant 5 : i32
        %add3A_887 = arith.addi %mul3A_885, %add3A_886 : i32
        %get3A_888 = arith.index_cast %add3A_887 : i32 to index
        %get3A_889 = arith.constant 48 : index
        %get3A_890 = tpu.vector_load %arg8[%get3A_888, %get3A_889] {strides = array<i32>} : memref<128x64xi32, #tpu.memory_space<vmem>>, vector<1x16xi32>,
        %get3A_891 = vector.shape_cast %get3A_890 : vector<1x16xi32> to vector<16xi32>
        %shift_left3A_892 = arith.constant 16 : i32
        %shift_left3A_893 = vector.broadcast %shift_left3A_892 : i32 to vector<16xi32>
        %shift_left3A_894 = arith.shli %get3A_891, %shift_left3A_893 : vector<16xi32>
        %bitcast_convert_type3A_895 = tpu.bitcast %shift_left3A_894 : vector<16xi32> -> vector<16xf32>
        %bitcast_convert_type3A_896 = tpu.bitcast %get3A_891 : vector<16xi32> -> vector<16xf32>
        %add3A_897 = arith.addf %bitcast_convert_type3A_841, %bitcast_convert_type3A_895 : vector<16xf32>
        %add3A_898 = arith.addf %bitcast_convert_type3A_842, %bitcast_convert_type3A_896 : vector<16xf32>
        %mul3A_899 = arith.constant 16 : i32
        %mul3A_900 = arith.muli %add3A_76, %mul3A_899 : i32
        %add3A_901 = arith.constant 6 : i32
        %add3A_902 = arith.addi %mul3A_900, %add3A_901 : i32
        %get3A_903 = arith.index_cast %add3A_902 : i32 to index
        %get3A_904 = arith.constant 48 : index
        %get3A_905 = tpu.vector_load %arg8[%get3A_903, %get3A_904] {strides = array<i32>} : memref<128x64xi32, #tpu.memory_space<vmem>>, vector<1x16xi32>,
        %get3A_906 = vector.shape_cast %get3A_905 : vector<1x16xi32> to vector<16xi32>
        %shift_left3A_907 = arith.constant 16 : i32
        %shift_left3A_908 = vector.broadcast %shift_left3A_907 : i32 to vector<16xi32>
        %shift_left3A_909 = arith.shli %get3A_906, %shift_left3A_908 : vector<16xi32>
        %bitcast_convert_type3A_910 = tpu.bitcast %shift_left3A_909 : vector<16xi32> -> vector<16xf32>
        %bitcast_convert_type3A_911 = tpu.bitcast %get3A_906 : vector<16xi32> -> vector<16xf32>
        %add3A_912 = arith.addf %bitcast_convert_type3A_854, %bitcast_convert_type3A_910 : vector<16xf32>
        %add3A_913 = arith.addf %bitcast_convert_type3A_855, %bitcast_convert_type3A_911 : vector<16xf32>
        %mul3A_914 = arith.constant 16 : i32
        %mul3A_915 = arith.muli %add3A_76, %mul3A_914 : i32
        %add3A_916 = arith.constant 7 : i32
        %add3A_917 = arith.addi %mul3A_915, %add3A_916 : i32
        %get3A_918 = arith.index_cast %add3A_917 : i32 to index
        %get3A_919 = arith.constant 48 : index
        %get3A_920 = tpu.vector_load %arg8[%get3A_918, %get3A_919] {strides = array<i32>} : memref<128x64xi32, #tpu.memory_space<vmem>>, vector<1x16xi32>,
        %get3A_921 = vector.shape_cast %get3A_920 : vector<1x16xi32> to vector<16xi32>
        %shift_left3A_922 = arith.constant 16 : i32
        %shift_left3A_923 = vector.broadcast %shift_left3A_922 : i32 to vector<16xi32>
        %shift_left3A_924 = arith.shli %get3A_921, %shift_left3A_923 : vector<16xi32>
        %bitcast_convert_type3A_925 = tpu.bitcast %shift_left3A_924 : vector<16xi32> -> vector<16xf32>
        %bitcast_convert_type3A_926 = tpu.bitcast %get3A_921 : vector<16xi32> -> vector<16xf32>
        %add3A_927 = arith.addf %bitcast_convert_type3A_867, %bitcast_convert_type3A_925 : vector<16xf32>
        %add3A_928 = arith.addf %bitcast_convert_type3A_868, %bitcast_convert_type3A_926 : vector<16xf32>
        %mul3A_929 = arith.constant 16 : i32
        %mul3A_930 = arith.muli %add3A_76, %mul3A_929 : i32
        %add3A_931 = arith.constant 8 : i32
        %add3A_932 = arith.addi %mul3A_930, %add3A_931 : i32
        %get3A_933 = arith.index_cast %add3A_932 : i32 to index
        %get3A_934 = arith.constant 48 : index
        %get3A_935 = tpu.vector_load %arg8[%get3A_933, %get3A_934] {strides = array<i32>} : memref<128x64xi32, #tpu.memory_space<vmem>>, vector<1x16xi32>,
        %get3A_936 = vector.shape_cast %get3A_935 : vector<1x16xi32> to vector<16xi32>
        %shift_left3A_937 = arith.constant 16 : i32
        %shift_left3A_938 = vector.broadcast %shift_left3A_937 : i32 to vector<16xi32>
        %shift_left3A_939 = arith.shli %get3A_936, %shift_left3A_938 : vector<16xi32>
        %bitcast_convert_type3A_940 = tpu.bitcast %shift_left3A_939 : vector<16xi32> -> vector<16xf32>
        %bitcast_convert_type3A_941 = tpu.bitcast %get3A_936 : vector<16xi32> -> vector<16xf32>
        %add3A_942 = arith.addf %add3A_882, %bitcast_convert_type3A_940 : vector<16xf32>
        %add3A_943 = arith.addf %add3A_883, %bitcast_convert_type3A_941 : vector<16xf32>
        %mul3A_944 = arith.constant 16 : i32
        %mul3A_945 = arith.muli %add3A_76, %mul3A_944 : i32
        %add3A_946 = arith.constant 9 : i32
        %add3A_947 = arith.addi %mul3A_945, %add3A_946 : i32
        %get3A_948 = arith.index_cast %add3A_947 : i32 to index
        %get3A_949 = arith.constant 48 : index
        %get3A_950 = tpu.vector_load %arg8[%get3A_948, %get3A_949] {strides = array<i32>} : memref<128x64xi32, #tpu.memory_space<vmem>>, vector<1x16xi32>,
        %get3A_951 = vector.shape_cast %get3A_950 : vector<1x16xi32> to vector<16xi32>
        %shift_left3A_952 = arith.constant 16 : i32
        %shift_left3A_953 = vector.broadcast %shift_left3A_952 : i32 to vector<16xi32>
        %shift_left3A_954 = arith.shli %get3A_951, %shift_left3A_953 : vector<16xi32>
        %bitcast_convert_type3A_955 = tpu.bitcast %shift_left3A_954 : vector<16xi32> -> vector<16xf32>
        %bitcast_convert_type3A_956 = tpu.bitcast %get3A_951 : vector<16xi32> -> vector<16xf32>
        %add3A_957 = arith.addf %add3A_897, %bitcast_convert_type3A_955 : vector<16xf32>
        %add3A_958 = arith.addf %add3A_898, %bitcast_convert_type3A_956 : vector<16xf32>
        %mul3A_959 = arith.constant 16 : i32
        %mul3A_960 = arith.muli %add3A_76, %mul3A_959 : i32
        %add3A_961 = arith.constant 10 : i32
        %add3A_962 = arith.addi %mul3A_960, %add3A_961 : i32
        %get3A_963 = arith.index_cast %add3A_962 : i32 to index
        %get3A_964 = arith.constant 48 : index
        %get3A_965 = tpu.vector_load %arg8[%get3A_963, %get3A_964] {strides = array<i32>} : memref<128x64xi32, #tpu.memory_space<vmem>>, vector<1x16xi32>,
        %get3A_966 = vector.shape_cast %get3A_965 : vector<1x16xi32> to vector<16xi32>
        %shift_left3A_967 = arith.constant 16 : i32
        %shift_left3A_968 = vector.broadcast %shift_left3A_967 : i32 to vector<16xi32>
        %shift_left3A_969 = arith.shli %get3A_966, %shift_left3A_968 : vector<16xi32>
        %bitcast_convert_type3A_970 = tpu.bitcast %shift_left3A_969 : vector<16xi32> -> vector<16xf32>
        %bitcast_convert_type3A_971 = tpu.bitcast %get3A_966 : vector<16xi32> -> vector<16xf32>
        %add3A_972 = arith.addf %add3A_912, %bitcast_convert_type3A_970 : vector<16xf32>
        %add3A_973 = arith.addf %add3A_913, %bitcast_convert_type3A_971 : vector<16xf32>
        %mul3A_974 = arith.constant 16 : i32
        %mul3A_975 = arith.muli %add3A_76, %mul3A_974 : i32
        %add3A_976 = arith.constant 11 : i32
        %add3A_977 = arith.addi %mul3A_975, %add3A_976 : i32
        %get3A_978 = arith.index_cast %add3A_977 : i32 to index
        %get3A_979 = arith.constant 48 : index
        %get3A_980 = tpu.vector_load %arg8[%get3A_978, %get3A_979] {strides = array<i32>} : memref<128x64xi32, #tpu.memory_space<vmem>>, vector<1x16xi32>,
        %get3A_981 = vector.shape_cast %get3A_980 : vector<1x16xi32> to vector<16xi32>
        %shift_left3A_982 = arith.constant 16 : i32
        %shift_left3A_983 = vector.broadcast %shift_left3A_982 : i32 to vector<16xi32>
        %shift_left3A_984 = arith.shli %get3A_981, %shift_left3A_983 : vector<16xi32>
        %bitcast_convert_type3A_985 = tpu.bitcast %shift_left3A_984 : vector<16xi32> -> vector<16xf32>
        %bitcast_convert_type3A_986 = tpu.bitcast %get3A_981 : vector<16xi32> -> vector<16xf32>
        %add3A_987 = arith.addf %add3A_927, %bitcast_convert_type3A_985 : vector<16xf32>
        %add3A_988 = arith.addf %add3A_928, %bitcast_convert_type3A_986 : vector<16xf32>
        %mul3A_989 = arith.constant 16 : i32
        %mul3A_990 = arith.muli %add3A_76, %mul3A_989 : i32
        %add3A_991 = arith.constant 12 : i32
        %add3A_992 = arith.addi %mul3A_990, %add3A_991 : i32
        %get3A_993 = arith.index_cast %add3A_992 : i32 to index
        %get3A_994 = arith.constant 48 : index
        %get3A_995 = tpu.vector_load %arg8[%get3A_993, %get3A_994] {strides = array<i32>} : memref<128x64xi32, #tpu.memory_space<vmem>>, vector<1x16xi32>,
        %get3A_996 = vector.shape_cast %get3A_995 : vector<1x16xi32> to vector<16xi32>
        %shift_left3A_997 = arith.constant 16 : i32
        %shift_left3A_998 = vector.broadcast %shift_left3A_997 : i32 to vector<16xi32>
        %shift_left3A_999 = arith.shli %get3A_996, %shift_left3A_998 : vector<16xi32>
        %bitcast_convert_type3A_1000 = tpu.bitcast %shift_left3A_999 : vector<16xi32> -> vector<16xf32>
        %bitcast_convert_type3A_1001 = tpu.bitcast %get3A_996 : vector<16xi32> -> vector<16xf32>
        %add3A_1002 = arith.addf %add3A_942, %bitcast_convert_type3A_1000 : vector<16xf32>
        %add3A_1003 = arith.addf %add3A_943, %bitcast_convert_type3A_1001 : vector<16xf32>
        %mul3A_1004 = arith.constant 16 : i32
        %mul3A_1005 = arith.muli %add3A_76, %mul3A_1004 : i32
        %add3A_1006 = arith.constant 13 : i32
        %add3A_1007 = arith.addi %mul3A_1005, %add3A_1006 : i32
        %get3A_1008 = arith.index_cast %add3A_1007 : i32 to index
        %get3A_1009 = arith.constant 48 : index
        %get3A_1010 = tpu.vector_load %arg8[%get3A_1008, %get3A_1009] {strides = array<i32>} : memref<128x64xi32, #tpu.memory_space<vmem>>, vector<1x16xi32>,
        %get3A_1011 = vector.shape_cast %get3A_1010 : vector<1x16xi32> to vector<16xi32>
        %shift_left3A_1012 = arith.constant 16 : i32
        %shift_left3A_1013 = vector.broadcast %shift_left3A_1012 : i32 to vector<16xi32>
        %shift_left3A_1014 = arith.shli %get3A_1011, %shift_left3A_1013 : vector<16xi32>
        %bitcast_convert_type3A_1015 = tpu.bitcast %shift_left3A_1014 : vector<16xi32> -> vector<16xf32>
        %bitcast_convert_type3A_1016 = tpu.bitcast %get3A_1011 : vector<16xi32> -> vector<16xf32>
        %add3A_1017 = arith.addf %add3A_957, %bitcast_convert_type3A_1015 : vector<16xf32>
        %add3A_1018 = arith.addf %add3A_958, %bitcast_convert_type3A_1016 : vector<16xf32>
        %mul3A_1019 = arith.constant 16 : i32
        %mul3A_1020 = arith.muli %add3A_76, %mul3A_1019 : i32
        %add3A_1021 = arith.constant 14 : i32
        %add3A_1022 = arith.addi %mul3A_1020, %add3A_1021 : i32
        %get3A_1023 = arith.index_cast %add3A_1022 : i32 to index
        %get3A_1024 = arith.constant 48 : index
        %get3A_1025 = tpu.vector_load %arg8[%get3A_1023, %get3A_1024] {strides = array<i32>} : memref<128x64xi32, #tpu.memory_space<vmem>>, vector<1x16xi32>,
        %get3A_1026 = vector.shape_cast %get3A_1025 : vector<1x16xi32> to vector<16xi32>
        %shift_left3A_1027 = arith.constant 16 : i32
        %shift_left3A_1028 = vector.broadcast %shift_left3A_1027 : i32 to vector<16xi32>
        %shift_left3A_1029 = arith.shli %get3A_1026, %shift_left3A_1028 : vector<16xi32>
        %bitcast_convert_type3A_1030 = tpu.bitcast %shift_left3A_1029 : vector<16xi32> -> vector<16xf32>
        %bitcast_convert_type3A_1031 = tpu.bitcast %get3A_1026 : vector<16xi32> -> vector<16xf32>
        %add3A_1032 = arith.addf %add3A_972, %bitcast_convert_type3A_1030 : vector<16xf32>
        %add3A_1033 = arith.addf %add3A_973, %bitcast_convert_type3A_1031 : vector<16xf32>
        %mul3A_1034 = arith.constant 16 : i32
        %mul3A_1035 = arith.muli %add3A_76, %mul3A_1034 : i32
        %add3A_1036 = arith.constant 15 : i32
        %add3A_1037 = arith.addi %mul3A_1035, %add3A_1036 : i32
        %get3A_1038 = arith.index_cast %add3A_1037 : i32 to index
        %get3A_1039 = arith.constant 48 : index
        %get3A_1040 = tpu.vector_load %arg8[%get3A_1038, %get3A_1039] {strides = array<i32>} : memref<128x64xi32, #tpu.memory_space<vmem>>, vector<1x16xi32>,
        %get3A_1041 = vector.shape_cast %get3A_1040 : vector<1x16xi32> to vector<16xi32>
        %shift_left3A_1042 = arith.constant 16 : i32
        %shift_left3A_1043 = vector.broadcast %shift_left3A_1042 : i32 to vector<16xi32>
        %shift_left3A_1044 = arith.shli %get3A_1041, %shift_left3A_1043 : vector<16xi32>
        %bitcast_convert_type3A_1045 = tpu.bitcast %shift_left3A_1044 : vector<16xi32> -> vector<16xf32>
        %bitcast_convert_type3A_1046 = tpu.bitcast %get3A_1041 : vector<16xi32> -> vector<16xf32>
        %add3A_1047 = arith.addf %add3A_987, %bitcast_convert_type3A_1045 : vector<16xf32>
        %add3A_1048 = arith.addf %add3A_988, %bitcast_convert_type3A_1046 : vector<16xf32>
        %add3A_1049 = arith.addf %add3A_1002, %add3A_1017 : vector<16xf32>
        %add3A_1050 = arith.addf %add3A_1032, %add3A_1047 : vector<16xf32>
        %add3A_1051 = arith.addf %add3A_1049, %add3A_1050 : vector<16xf32>
        %add3A_1052 = arith.addf %add3A_1003, %add3A_1018 : vector<16xf32>
        %add3A_1053 = arith.addf %add3A_1033, %add3A_1048 : vector<16xf32>
        %add3A_1054 = arith.addf %add3A_1052, %add3A_1053 : vector<16xf32>
        %swap3A_1055 = arith.index_cast %add3A_76 : i32 to index
        %swap3A_1056 = arith.constant 48 : index
        %swap3A_1057 = tpu.vector_load %arg11[%swap3A_1055, %swap3A_1056] {strides = array<i32>} : memref<8x128xf32, #tpu.memory_space<vmem>>, vector<1x16xf32>,
        %swap3A_1058 = vector.shape_cast %swap3A_1057 : vector<1x16xf32> to vector<16xf32>
        %swap3A_1059 = vector.shape_cast %add3A_1051 : vector<16xf32> to vector<1x16xf32>
        tpu.vector_store %arg11[%swap3A_1055, %swap3A_1056], %swap3A_1059 {strides = array<i32>} : memref<8x128xf32, #tpu.memory_space<vmem>>, vector<1x16xf32>,
        %swap3A_1060 = arith.index_cast %add3A_76 : i32 to index
        %swap3A_1061 = arith.constant 112 : index
        %swap3A_1062 = tpu.vector_load %arg11[%swap3A_1060, %swap3A_1061] {strides = array<i32>} : memref<8x128xf32, #tpu.memory_space<vmem>>, vector<1x16xf32>,
        %swap3A_1063 = vector.shape_cast %swap3A_1062 : vector<1x16xf32> to vector<16xf32>
        %swap3A_1064 = vector.shape_cast %add3A_1054 : vector<16xf32> to vector<1x16xf32>
        tpu.vector_store %arg11[%swap3A_1060, %swap3A_1061], %swap3A_1064 {strides = array<i32>} : memref<8x128xf32, #tpu.memory_space<vmem>>, vector<1x16xf32>,
      }
      %scan3A_46 = arith.constant 8 : i32
      %add3A_47 = arith.constant 1 : i32
      %add3A_48 = arith.addi %add3A_30, %add3A_47 : i32
      %lt3A_49 = arith.cmpi slt, %add3A_48, %add3A_4 : i32
      %convert_element_type3A_50 = arith.extui %lt3A_49 : i1 to i32
      %cond3A_51 = arith.constant 0 : i32
      %cond3A_52 = arith.cmpi ne, %convert_element_type3A_50, %cond3A_51 : i32
      scf.if %cond3A_52 {
        %mul3A_72 = arith.constant 8 : i32
        %mul3A_73 = arith.muli %add3A_35, %mul3A_72 : i32
        %mul3A_74 = arith.constant 16 : i32
        %mul3A_75 = arith.muli %mul3A_73, %mul3A_74 : i32
        "tpu.region"() ({
          %run_scoped3A = tpu.sem_alloc : memref<!tpu.dma_semaphore, #tpu.memory_space<semaphore_mem>>
          %dma_start3A_79 = tpu.memref_slice %arg4[%mul3A_75] : memref<160000xi32, #tpu.memory_space<hbm>> -> memref<128xi32, #tpu.memory_space<hbm>>
          %dma_start3A_80 = tpu.memref_slice %arg4[%mul3A_75] : memref<160000xi32, #tpu.memory_space<hbm>> -> memref<128xi32, #tpu.memory_space<hbm>>
          tpu.enqueue_dma source(%dma_start3A_80 : memref<128xi32, #tpu.memory_space<hbm>>) target(%arg7 : memref<128xi32, #tpu.memory_space<vmem>>) target_semaphore(%run_scoped3A : memref<!tpu.dma_semaphore, #tpu.memory_space<semaphore_mem>>)
          %dma_wait3A_81 = tpu.memref_slice %arg4[%mul3A_75] : memref<160000xi32, #tpu.memory_space<hbm>> -> memref<128xi32, #tpu.memory_space<hbm>>
          %dma_wait3A_82 = tpu.memref_slice %arg4[%mul3A_75] : memref<160000xi32, #tpu.memory_space<hbm>> -> memref<128xi32, #tpu.memory_space<hbm>>
          tpu.wait_dma2 semaphore(%run_scoped3A : memref<!tpu.dma_semaphore, #tpu.memory_space<semaphore_mem>>) src(%dma_wait3A_82 : memref<128xi32, #tpu.memory_space<hbm>>) dst(%arg7 : memref<128xi32, #tpu.memory_space<vmem>>)
          tpu.yield
        }) : () -> ()
        %dma_start3A_76 = arith.constant 0 : i32
        %dma_start3A_77 = arith.constant 0 : i32
        %dma_start3A_78 = tpu.memref_slice %arg2[%dma_start3A_76, %dma_start3A_77] : memref<10000x64xi32, #tpu.memory_space<hbm>> -> memref<10000x64xi32, #tpu.memory_space<hbm>>
        tpu.enqueue_indirect_dma source(%dma_start3A_78 : memref<10000x64xi32, #tpu.memory_space<hbm>>) target(%arg8 : memref<128x64xi32, #tpu.memory_space<vmem>>) offsets(%arg7 : memref<128xi32, #tpu.memory_space<vmem>>) semaphore(%arg12 : memref<!tpu.dma_semaphore, #tpu.memory_space<semaphore_mem>>)
      } else {
      }
      %dma_wait3A_53 = arith.constant 0 : i32
      %dma_wait3A_54 = arith.constant 0 : i32
      %dma_wait3A_55 = tpu.memref_slice %arg3[%dma_wait3A_53, %dma_wait3A_54] : memref<10000x64xi32, #tpu.memory_space<hbm>> -> memref<10000x64xi32, #tpu.memory_space<hbm>>
      tpu.wait_indirect_dma semaphore(%arg13 : memref<!tpu.dma_semaphore, #tpu.memory_space<semaphore_mem>>) src(%dma_wait3A_55 : memref<10000x64xi32, #tpu.memory_space<hbm>>) dst(%arg10 : memref<128x64xi32, #tpu.memory_space<vmem>>)
      %scan3A_56 = arith.constant 0 : i32
      %scan3A_57 = arith.constant 8 : i32
      %scan3A_58 = arith.addi %scan3A_56, %scan3A_57 : i32
      %scan3A_59 = arith.constant 1 : i32
      scf.for %scan3A_72 = %scan3A_56 to %scan3A_58 step %scan3A_59  : i32 {
        %mul3A_73 = arith.constant 1 : i32
        %mul3A_74 = arith.muli %scan3A_72, %mul3A_73 : i32
        %add3A_75 = arith.constant 0 : i32
        %add3A_76 = arith.addi %add3A_75, %mul3A_74 : i32
        %mul3A_77 = arith.constant 16 : i32
        %mul3A_78 = arith.muli %add3A_76, %mul3A_77 : i32
        %add3A_79 = arith.constant 0 : i32
        %add3A_80 = arith.addi %mul3A_78, %add3A_79 : i32
        %get3A = arith.index_cast %add3A_80 : i32 to index
        %get3A_81 = arith.constant 0 : index
        %get3A_82 = tpu.vector_load %arg10[%get3A, %get3A_81] {strides = array<i32>} : memref<128x64xi32, #tpu.memory_space<vmem>>, vector<1x16xi32>,
        %get3A_83 = vector.shape_cast %get3A_82 : vector<1x16xi32> to vector<16xi32>
        %shift_left3A = arith.constant 16 : i32
        %shift_left3A_84 = vector.broadcast %shift_left3A : i32 to vector<16xi32>
        %shift_left3A_85 = arith.shli %get3A_83, %shift_left3A_84 : vector<16xi32>
        %bitcast_convert_type3A = tpu.bitcast %shift_left3A_85 : vector<16xi32> -> vector<16xf32>
        %bitcast_convert_type3A_86 = tpu.bitcast %get3A_83 : vector<16xi32> -> vector<16xf32>
        %mul3A_87 = arith.constant 16 : i32
        %mul3A_88 = arith.muli %add3A_76, %mul3A_87 : i32
        %add3A_89 = arith.constant 1 : i32
        %add3A_90 = arith.addi %mul3A_88, %add3A_89 : i32
        %get3A_91 = arith.index_cast %add3A_90 : i32 to index
        %get3A_92 = arith.constant 0 : index
        %get3A_93 = tpu.vector_load %arg10[%get3A_91, %get3A_92] {strides = array<i32>} : memref<128x64xi32, #tpu.memory_space<vmem>>, vector<1x16xi32>,
        %get3A_94 = vector.shape_cast %get3A_93 : vector<1x16xi32> to vector<16xi32>
        %shift_left3A_95 = arith.constant 16 : i32
        %shift_left3A_96 = vector.broadcast %shift_left3A_95 : i32 to vector<16xi32>
        %shift_left3A_97 = arith.shli %get3A_94, %shift_left3A_96 : vector<16xi32>
        %bitcast_convert_type3A_98 = tpu.bitcast %shift_left3A_97 : vector<16xi32> -> vector<16xf32>
        %bitcast_convert_type3A_99 = tpu.bitcast %get3A_94 : vector<16xi32> -> vector<16xf32>
        %mul3A_100 = arith.constant 16 : i32
        %mul3A_101 = arith.muli %add3A_76, %mul3A_100 : i32
        %add3A_102 = arith.constant 2 : i32
        %add3A_103 = arith.addi %mul3A_101, %add3A_102 : i32
        %get3A_104 = arith.index_cast %add3A_103 : i32 to index
        %get3A_105 = arith.constant 0 : index
        %get3A_106 = tpu.vector_load %arg10[%get3A_104, %get3A_105] {strides = array<i32>} : memref<128x64xi32, #tpu.memory_space<vmem>>, vector<1x16xi32>,
        %get3A_107 = vector.shape_cast %get3A_106 : vector<1x16xi32> to vector<16xi32>
        %shift_left3A_108 = arith.constant 16 : i32
        %shift_left3A_109 = vector.broadcast %shift_left3A_108 : i32 to vector<16xi32>
        %shift_left3A_110 = arith.shli %get3A_107, %shift_left3A_109 : vector<16xi32>
        %bitcast_convert_type3A_111 = tpu.bitcast %shift_left3A_110 : vector<16xi32> -> vector<16xf32>
        %bitcast_convert_type3A_112 = tpu.bitcast %get3A_107 : vector<16xi32> -> vector<16xf32>
        %mul3A_113 = arith.constant 16 : i32
        %mul3A_114 = arith.muli %add3A_76, %mul3A_113 : i32
        %add3A_115 = arith.constant 3 : i32
        %add3A_116 = arith.addi %mul3A_114, %add3A_115 : i32
        %get3A_117 = arith.index_cast %add3A_116 : i32 to index
        %get3A_118 = arith.constant 0 : index
        %get3A_119 = tpu.vector_load %arg10[%get3A_117, %get3A_118] {strides = array<i32>} : memref<128x64xi32, #tpu.memory_space<vmem>>, vector<1x16xi32>,
        %get3A_120 = vector.shape_cast %get3A_119 : vector<1x16xi32> to vector<16xi32>
        %shift_left3A_121 = arith.constant 16 : i32
        %shift_left3A_122 = vector.broadcast %shift_left3A_121 : i32 to vector<16xi32>
        %shift_left3A_123 = arith.shli %get3A_120, %shift_left3A_122 : vector<16xi32>
        %bitcast_convert_type3A_124 = tpu.bitcast %shift_left3A_123 : vector<16xi32> -> vector<16xf32>
        %bitcast_convert_type3A_125 = tpu.bitcast %get3A_120 : vector<16xi32> -> vector<16xf32>
        %mul3A_126 = arith.constant 16 : i32
        %mul3A_127 = arith.muli %add3A_76, %mul3A_126 : i32
        %add3A_128 = arith.constant 4 : i32
        %add3A_129 = arith.addi %mul3A_127, %add3A_128 : i32
        %get3A_130 = arith.index_cast %add3A_129 : i32 to index
        %get3A_131 = arith.constant 0 : index
        %get3A_132 = tpu.vector_load %arg10[%get3A_130, %get3A_131] {strides = array<i32>} : memref<128x64xi32, #tpu.memory_space<vmem>>, vector<1x16xi32>,
        %get3A_133 = vector.shape_cast %get3A_132 : vector<1x16xi32> to vector<16xi32>
        %shift_left3A_134 = arith.constant 16 : i32
        %shift_left3A_135 = vector.broadcast %shift_left3A_134 : i32 to vector<16xi32>
        %shift_left3A_136 = arith.shli %get3A_133, %shift_left3A_135 : vector<16xi32>
        %bitcast_convert_type3A_137 = tpu.bitcast %shift_left3A_136 : vector<16xi32> -> vector<16xf32>
        %bitcast_convert_type3A_138 = tpu.bitcast %get3A_133 : vector<16xi32> -> vector<16xf32>
        %add3A_139 = arith.addf %bitcast_convert_type3A, %bitcast_convert_type3A_137 : vector<16xf32>
        %add3A_140 = arith.addf %bitcast_convert_type3A_86, %bitcast_convert_type3A_138 : vector<16xf32>
        %mul3A_141 = arith.constant 16 : i32
        %mul3A_142 = arith.muli %add3A_76, %mul3A_141 : i32
        %add3A_143 = arith.constant 5 : i32
        %add3A_144 = arith.addi %mul3A_142, %add3A_143 : i32
        %get3A_145 = arith.index_cast %add3A_144 : i32 to index
        %get3A_146 = arith.constant 0 : index
        %get3A_147 = tpu.vector_load %arg10[%get3A_145, %get3A_146] {strides = array<i32>} : memref<128x64xi32, #tpu.memory_space<vmem>>, vector<1x16xi32>,
        %get3A_148 = vector.shape_cast %get3A_147 : vector<1x16xi32> to vector<16xi32>
        %shift_left3A_149 = arith.constant 16 : i32
        %shift_left3A_150 = vector.broadcast %shift_left3A_149 : i32 to vector<16xi32>
        %shift_left3A_151 = arith.shli %get3A_148, %shift_left3A_150 : vector<16xi32>
        %bitcast_convert_type3A_152 = tpu.bitcast %shift_left3A_151 : vector<16xi32> -> vector<16xf32>
        %bitcast_convert_type3A_153 = tpu.bitcast %get3A_148 : vector<16xi32> -> vector<16xf32>
        %add3A_154 = arith.addf %bitcast_convert_type3A_98, %bitcast_convert_type3A_152 : vector<16xf32>
        %add3A_155 = arith.addf %bitcast_convert_type3A_99, %bitcast_convert_type3A_153 : vector<16xf32>
        %mul3A_156 = arith.constant 16 : i32
        %mul3A_157 = arith.muli %add3A_76, %mul3A_156 : i32
        %add3A_158 = arith.constant 6 : i32
        %add3A_159 = arith.addi %mul3A_157, %add3A_158 : i32
        %get3A_160 = arith.index_cast %add3A_159 : i32 to index
        %get3A_161 = arith.constant 0 : index
        %get3A_162 = tpu.vector_load %arg10[%get3A_160, %get3A_161] {strides = array<i32>} : memref<128x64xi32, #tpu.memory_space<vmem>>, vector<1x16xi32>,
        %get3A_163 = vector.shape_cast %get3A_162 : vector<1x16xi32> to vector<16xi32>
        %shift_left3A_164 = arith.constant 16 : i32
        %shift_left3A_165 = vector.broadcast %shift_left3A_164 : i32 to vector<16xi32>
        %shift_left3A_166 = arith.shli %get3A_163, %shift_left3A_165 : vector<16xi32>
        %bitcast_convert_type3A_167 = tpu.bitcast %shift_left3A_166 : vector<16xi32> -> vector<16xf32>
        %bitcast_convert_type3A_168 = tpu.bitcast %get3A_163 : vector<16xi32> -> vector<16xf32>
        %add3A_169 = arith.addf %bitcast_convert_type3A_111, %bitcast_convert_type3A_167 : vector<16xf32>
        %add3A_170 = arith.addf %bitcast_convert_type3A_112, %bitcast_convert_type3A_168 : vector<16xf32>
        %mul3A_171 = arith.constant 16 : i32
        %mul3A_172 = arith.muli %add3A_76, %mul3A_171 : i32
        %add3A_173 = arith.constant 7 : i32
        %add3A_174 = arith.addi %mul3A_172, %add3A_173 : i32
        %get3A_175 = arith.index_cast %add3A_174 : i32 to index
        %get3A_176 = arith.constant 0 : index
        %get3A_177 = tpu.vector_load %arg10[%get3A_175, %get3A_176] {strides = array<i32>} : memref<128x64xi32, #tpu.memory_space<vmem>>, vector<1x16xi32>,
        %get3A_178 = vector.shape_cast %get3A_177 : vector<1x16xi32> to vector<16xi32>
        %shift_left3A_179 = arith.constant 16 : i32
        %shift_left3A_180 = vector.broadcast %shift_left3A_179 : i32 to vector<16xi32>
        %shift_left3A_181 = arith.shli %get3A_178, %shift_left3A_180 : vector<16xi32>
        %bitcast_convert_type3A_182 = tpu.bitcast %shift_left3A_181 : vector<16xi32> -> vector<16xf32>
        %bitcast_convert_type3A_183 = tpu.bitcast %get3A_178 : vector<16xi32> -> vector<16xf32>
        %add3A_184 = arith.addf %bitcast_convert_type3A_124, %bitcast_convert_type3A_182 : vector<16xf32>
        %add3A_185 = arith.addf %bitcast_convert_type3A_125, %bitcast_convert_type3A_183 : vector<16xf32>
        %mul3A_186 = arith.constant 16 : i32
        %mul3A_187 = arith.muli %add3A_76, %mul3A_186 : i32
        %add3A_188 = arith.constant 8 : i32
        %add3A_189 = arith.addi %mul3A_187, %add3A_188 : i32
        %get3A_190 = arith.index_cast %add3A_189 : i32 to index
        %get3A_191 = arith.constant 0 : index
        %get3A_192 = tpu.vector_load %arg10[%get3A_190, %get3A_191] {strides = array<i32>} : memref<128x64xi32, #tpu.memory_space<vmem>>, vector<1x16xi32>,
        %get3A_193 = vector.shape_cast %get3A_192 : vector<1x16xi32> to vector<16xi32>
        %shift_left3A_194 = arith.constant 16 : i32
        %shift_left3A_195 = vector.broadcast %shift_left3A_194 : i32 to vector<16xi32>
        %shift_left3A_196 = arith.shli %get3A_193, %shift_left3A_195 : vector<16xi32>
        %bitcast_convert_type3A_197 = tpu.bitcast %shift_left3A_196 : vector<16xi32> -> vector<16xf32>
        %bitcast_convert_type3A_198 = tpu.bitcast %get3A_193 : vector<16xi32> -> vector<16xf32>
        %add3A_199 = arith.addf %add3A_139, %bitcast_convert_type3A_197 : vector<16xf32>
        %add3A_200 = arith.addf %add3A_140, %bitcast_convert_type3A_198 : vector<16xf32>
        %mul3A_201 = arith.constant 16 : i32
        %mul3A_202 = arith.muli %add3A_76, %mul3A_201 : i32
        %add3A_203 = arith.constant 9 : i32
        %add3A_204 = arith.addi %mul3A_202, %add3A_203 : i32
        %get3A_205 = arith.index_cast %add3A_204 : i32 to index
        %get3A_206 = arith.constant 0 : index
        %get3A_207 = tpu.vector_load %arg10[%get3A_205, %get3A_206] {strides = array<i32>} : memref<128x64xi32, #tpu.memory_space<vmem>>, vector<1x16xi32>,
        %get3A_208 = vector.shape_cast %get3A_207 : vector<1x16xi32> to vector<16xi32>
        %shift_left3A_209 = arith.constant 16 : i32
        %shift_left3A_210 = vector.broadcast %shift_left3A_209 : i32 to vector<16xi32>
        %shift_left3A_211 = arith.shli %get3A_208, %shift_left3A_210 : vector<16xi32>
        %bitcast_convert_type3A_212 = tpu.bitcast %shift_left3A_211 : vector<16xi32> -> vector<16xf32>
        %bitcast_convert_type3A_213 = tpu.bitcast %get3A_208 : vector<16xi32> -> vector<16xf32>
        %add3A_214 = arith.addf %add3A_154, %bitcast_convert_type3A_212 : vector<16xf32>
        %add3A_215 = arith.addf %add3A_155, %bitcast_convert_type3A_213 : vector<16xf32>
        %mul3A_216 = arith.constant 16 : i32
        %mul3A_217 = arith.muli %add3A_76, %mul3A_216 : i32
        %add3A_218 = arith.constant 10 : i32
        %add3A_219 = arith.addi %mul3A_217, %add3A_218 : i32
        %get3A_220 = arith.index_cast %add3A_219 : i32 to index
        %get3A_221 = arith.constant 0 : index
        %get3A_222 = tpu.vector_load %arg10[%get3A_220, %get3A_221] {strides = array<i32>} : memref<128x64xi32, #tpu.memory_space<vmem>>, vector<1x16xi32>,
        %get3A_223 = vector.shape_cast %get3A_222 : vector<1x16xi32> to vector<16xi32>
        %shift_left3A_224 = arith.constant 16 : i32
        %shift_left3A_225 = vector.broadcast %shift_left3A_224 : i32 to vector<16xi32>
        %shift_left3A_226 = arith.shli %get3A_223, %shift_left3A_225 : vector<16xi32>
        %bitcast_convert_type3A_227 = tpu.bitcast %shift_left3A_226 : vector<16xi32> -> vector<16xf32>
        %bitcast_convert_type3A_228 = tpu.bitcast %get3A_223 : vector<16xi32> -> vector<16xf32>
        %add3A_229 = arith.addf %add3A_169, %bitcast_convert_type3A_227 : vector<16xf32>
        %add3A_230 = arith.addf %add3A_170, %bitcast_convert_type3A_228 : vector<16xf32>
        %mul3A_231 = arith.constant 16 : i32
        %mul3A_232 = arith.muli %add3A_76, %mul3A_231 : i32
        %add3A_233 = arith.constant 11 : i32
        %add3A_234 = arith.addi %mul3A_232, %add3A_233 : i32
        %get3A_235 = arith.index_cast %add3A_234 : i32 to index
        %get3A_236 = arith.constant 0 : index
        %get3A_237 = tpu.vector_load %arg10[%get3A_235, %get3A_236] {strides = array<i32>} : memref<128x64xi32, #tpu.memory_space<vmem>>, vector<1x16xi32>,
        %get3A_238 = vector.shape_cast %get3A_237 : vector<1x16xi32> to vector<16xi32>
        %shift_left3A_239 = arith.constant 16 : i32
        %shift_left3A_240 = vector.broadcast %shift_left3A_239 : i32 to vector<16xi32>
        %shift_left3A_241 = arith.shli %get3A_238, %shift_left3A_240 : vector<16xi32>
        %bitcast_convert_type3A_242 = tpu.bitcast %shift_left3A_241 : vector<16xi32> -> vector<16xf32>
        %bitcast_convert_type3A_243 = tpu.bitcast %get3A_238 : vector<16xi32> -> vector<16xf32>
        %add3A_244 = arith.addf %add3A_184, %bitcast_convert_type3A_242 : vector<16xf32>
        %add3A_245 = arith.addf %add3A_185, %bitcast_convert_type3A_243 : vector<16xf32>
        %mul3A_246 = arith.constant 16 : i32
        %mul3A_247 = arith.muli %add3A_76, %mul3A_246 : i32
        %add3A_248 = arith.constant 12 : i32
        %add3A_249 = arith.addi %mul3A_247, %add3A_248 : i32
        %get3A_250 = arith.index_cast %add3A_249 : i32 to index
        %get3A_251 = arith.constant 0 : index
        %get3A_252 = tpu.vector_load %arg10[%get3A_250, %get3A_251] {strides = array<i32>} : memref<128x64xi32, #tpu.memory_space<vmem>>, vector<1x16xi32>,
        %get3A_253 = vector.shape_cast %get3A_252 : vector<1x16xi32> to vector<16xi32>
        %shift_left3A_254 = arith.constant 16 : i32
        %shift_left3A_255 = vector.broadcast %shift_left3A_254 : i32 to vector<16xi32>
        %shift_left3A_256 = arith.shli %get3A_253, %shift_left3A_255 : vector<16xi32>
        %bitcast_convert_type3A_257 = tpu.bitcast %shift_left3A_256 : vector<16xi32> -> vector<16xf32>
        %bitcast_convert_type3A_258 = tpu.bitcast %get3A_253 : vector<16xi32> -> vector<16xf32>
        %add3A_259 = arith.addf %add3A_199, %bitcast_convert_type3A_257 : vector<16xf32>
        %add3A_260 = arith.addf %add3A_200, %bitcast_convert_type3A_258 : vector<16xf32>
        %mul3A_261 = arith.constant 16 : i32
        %mul3A_262 = arith.muli %add3A_76, %mul3A_261 : i32
        %add3A_263 = arith.constant 13 : i32
        %add3A_264 = arith.addi %mul3A_262, %add3A_263 : i32
        %get3A_265 = arith.index_cast %add3A_264 : i32 to index
        %get3A_266 = arith.constant 0 : index
        %get3A_267 = tpu.vector_load %arg10[%get3A_265, %get3A_266] {strides = array<i32>} : memref<128x64xi32, #tpu.memory_space<vmem>>, vector<1x16xi32>,
        %get3A_268 = vector.shape_cast %get3A_267 : vector<1x16xi32> to vector<16xi32>
        %shift_left3A_269 = arith.constant 16 : i32
        %shift_left3A_270 = vector.broadcast %shift_left3A_269 : i32 to vector<16xi32>
        %shift_left3A_271 = arith.shli %get3A_268, %shift_left3A_270 : vector<16xi32>
        %bitcast_convert_type3A_272 = tpu.bitcast %shift_left3A_271 : vector<16xi32> -> vector<16xf32>
        %bitcast_convert_type3A_273 = tpu.bitcast %get3A_268 : vector<16xi32> -> vector<16xf32>
        %add3A_274 = arith.addf %add3A_214, %bitcast_convert_type3A_272 : vector<16xf32>
        %add3A_275 = arith.addf %add3A_215, %bitcast_convert_type3A_273 : vector<16xf32>
        %mul3A_276 = arith.constant 16 : i32
        %mul3A_277 = arith.muli %add3A_76, %mul3A_276 : i32
        %add3A_278 = arith.constant 14 : i32
        %add3A_279 = arith.addi %mul3A_277, %add3A_278 : i32
        %get3A_280 = arith.index_cast %add3A_279 : i32 to index
        %get3A_281 = arith.constant 0 : index
        %get3A_282 = tpu.vector_load %arg10[%get3A_280, %get3A_281] {strides = array<i32>} : memref<128x64xi32, #tpu.memory_space<vmem>>, vector<1x16xi32>,
        %get3A_283 = vector.shape_cast %get3A_282 : vector<1x16xi32> to vector<16xi32>
        %shift_left3A_284 = arith.constant 16 : i32
        %shift_left3A_285 = vector.broadcast %shift_left3A_284 : i32 to vector<16xi32>
        %shift_left3A_286 = arith.shli %get3A_283, %shift_left3A_285 : vector<16xi32>
        %bitcast_convert_type3A_287 = tpu.bitcast %shift_left3A_286 : vector<16xi32> -> vector<16xf32>
        %bitcast_convert_type3A_288 = tpu.bitcast %get3A_283 : vector<16xi32> -> vector<16xf32>
        %add3A_289 = arith.addf %add3A_229, %bitcast_convert_type3A_287 : vector<16xf32>
        %add3A_290 = arith.addf %add3A_230, %bitcast_convert_type3A_288 : vector<16xf32>
        %mul3A_291 = arith.constant 16 : i32
        %mul3A_292 = arith.muli %add3A_76, %mul3A_291 : i32
        %add3A_293 = arith.constant 15 : i32
        %add3A_294 = arith.addi %mul3A_292, %add3A_293 : i32
        %get3A_295 = arith.index_cast %add3A_294 : i32 to index
        %get3A_296 = arith.constant 0 : index
        %get3A_297 = tpu.vector_load %arg10[%get3A_295, %get3A_296] {strides = array<i32>} : memref<128x64xi32, #tpu.memory_space<vmem>>, vector<1x16xi32>,
        %get3A_298 = vector.shape_cast %get3A_297 : vector<1x16xi32> to vector<16xi32>
        %shift_left3A_299 = arith.constant 16 : i32
        %shift_left3A_300 = vector.broadcast %shift_left3A_299 : i32 to vector<16xi32>
        %shift_left3A_301 = arith.shli %get3A_298, %shift_left3A_300 : vector<16xi32>
        %bitcast_convert_type3A_302 = tpu.bitcast %shift_left3A_301 : vector<16xi32> -> vector<16xf32>
        %bitcast_convert_type3A_303 = tpu.bitcast %get3A_298 : vector<16xi32> -> vector<16xf32>
        %add3A_304 = arith.addf %add3A_244, %bitcast_convert_type3A_302 : vector<16xf32>
        %add3A_305 = arith.addf %add3A_245, %bitcast_convert_type3A_303 : vector<16xf32>
        %add3A_306 = arith.addf %add3A_259, %add3A_274 : vector<16xf32>
        %add3A_307 = arith.addf %add3A_289, %add3A_304 : vector<16xf32>
        %add3A_308 = arith.addf %add3A_306, %add3A_307 : vector<16xf32>
        %add3A_309 = arith.addf %add3A_260, %add3A_275 : vector<16xf32>
        %add3A_310 = arith.addf %add3A_290, %add3A_305 : vector<16xf32>
        %add3A_311 = arith.addf %add3A_309, %add3A_310 : vector<16xf32>
        %get3A_312 = arith.index_cast %add3A_76 : i32 to index
        %get3A_313 = arith.constant 0 : index
        %get3A_314 = tpu.vector_load %arg11[%get3A_312, %get3A_313] {strides = array<i32>} : memref<8x128xf32, #tpu.memory_space<vmem>>, vector<1x16xf32>,
        %get3A_315 = vector.shape_cast %get3A_314 : vector<1x16xf32> to vector<16xf32>
        %add3A_316 = arith.addf %get3A_315, %add3A_308 : vector<16xf32>
        %swap3A = arith.index_cast %add3A_76 : i32 to index
        %swap3A_317 = arith.constant 0 : index
        %swap3A_318 = tpu.vector_load %arg11[%swap3A, %swap3A_317] {strides = array<i32>} : memref<8x128xf32, #tpu.memory_space<vmem>>, vector<1x16xf32>,
        %swap3A_319 = vector.shape_cast %swap3A_318 : vector<1x16xf32> to vector<16xf32>
        %swap3A_320 = vector.shape_cast %add3A_316 : vector<16xf32> to vector<1x16xf32>
        tpu.vector_store %arg11[%swap3A, %swap3A_317], %swap3A_320 {strides = array<i32>} : memref<8x128xf32, #tpu.memory_space<vmem>>, vector<1x16xf32>,
        %get3A_321 = arith.index_cast %add3A_76 : i32 to index
        %get3A_322 = arith.constant 64 : index
        %get3A_323 = tpu.vector_load %arg11[%get3A_321, %get3A_322] {strides = array<i32>} : memref<8x128xf32, #tpu.memory_space<vmem>>, vector<1x16xf32>,
        %get3A_324 = vector.shape_cast %get3A_323 : vector<1x16xf32> to vector<16xf32>
        %add3A_325 = arith.addf %get3A_324, %add3A_311 : vector<16xf32>
        %swap3A_326 = arith.index_cast %add3A_76 : i32 to index
        %swap3A_327 = arith.constant 64 : index
        %swap3A_328 = tpu.vector_load %arg11[%swap3A_326, %swap3A_327] {strides = array<i32>} : memref<8x128xf32, #tpu.memory_space<vmem>>, vector<1x16xf32>,
        %swap3A_329 = vector.shape_cast %swap3A_328 : vector<1x16xf32> to vector<16xf32>
        %swap3A_330 = vector.shape_cast %add3A_325 : vector<16xf32> to vector<1x16xf32>
        tpu.vector_store %arg11[%swap3A_326, %swap3A_327], %swap3A_330 {strides = array<i32>} : memref<8x128xf32, #tpu.memory_space<vmem>>, vector<1x16xf32>,
        %mul3A_331 = arith.constant 16 : i32
        %mul3A_332 = arith.muli %add3A_76, %mul3A_331 : i32
        %add3A_333 = arith.constant 0 : i32
        %add3A_334 = arith.addi %mul3A_332, %add3A_333 : i32
        %get3A_335 = arith.index_cast %add3A_334 : i32 to index
        %get3A_336 = arith.constant 16 : index
        %get3A_337 = tpu.vector_load %arg10[%get3A_335, %get3A_336] {strides = array<i32>} : memref<128x64xi32, #tpu.memory_space<vmem>>, vector<1x16xi32>,
        %get3A_338 = vector.shape_cast %get3A_337 : vector<1x16xi32> to vector<16xi32>
        %shift_left3A_339 = arith.constant 16 : i32
        %shift_left3A_340 = vector.broadcast %shift_left3A_339 : i32 to vector<16xi32>
        %shift_left3A_341 = arith.shli %get3A_338, %shift_left3A_340 : vector<16xi32>
        %bitcast_convert_type3A_342 = tpu.bitcast %shift_left3A_341 : vector<16xi32> -> vector<16xf32>
        %bitcast_convert_type3A_343 = tpu.bitcast %get3A_338 : vector<16xi32> -> vector<16xf32>
        %mul3A_344 = arith.constant 16 : i32
        %mul3A_345 = arith.muli %add3A_76, %mul3A_344 : i32
        %add3A_346 = arith.constant 1 : i32
        %add3A_347 = arith.addi %mul3A_345, %add3A_346 : i32
        %get3A_348 = arith.index_cast %add3A_347 : i32 to index
        %get3A_349 = arith.constant 16 : index
        %get3A_350 = tpu.vector_load %arg10[%get3A_348, %get3A_349] {strides = array<i32>} : memref<128x64xi32, #tpu.memory_space<vmem>>, vector<1x16xi32>,
        %get3A_351 = vector.shape_cast %get3A_350 : vector<1x16xi32> to vector<16xi32>
        %shift_left3A_352 = arith.constant 16 : i32
        %shift_left3A_353 = vector.broadcast %shift_left3A_352 : i32 to vector<16xi32>
        %shift_left3A_354 = arith.shli %get3A_351, %shift_left3A_353 : vector<16xi32>
        %bitcast_convert_type3A_355 = tpu.bitcast %shift_left3A_354 : vector<16xi32> -> vector<16xf32>
        %bitcast_convert_type3A_356 = tpu.bitcast %get3A_351 : vector<16xi32> -> vector<16xf32>
        %mul3A_357 = arith.constant 16 : i32
        %mul3A_358 = arith.muli %add3A_76, %mul3A_357 : i32
        %add3A_359 = arith.constant 2 : i32
        %add3A_360 = arith.addi %mul3A_358, %add3A_359 : i32
        %get3A_361 = arith.index_cast %add3A_360 : i32 to index
        %get3A_362 = arith.constant 16 : index
        %get3A_363 = tpu.vector_load %arg10[%get3A_361, %get3A_362] {strides = array<i32>} : memref<128x64xi32, #tpu.memory_space<vmem>>, vector<1x16xi32>,
        %get3A_364 = vector.shape_cast %get3A_363 : vector<1x16xi32> to vector<16xi32>
        %shift_left3A_365 = arith.constant 16 : i32
        %shift_left3A_366 = vector.broadcast %shift_left3A_365 : i32 to vector<16xi32>
        %shift_left3A_367 = arith.shli %get3A_364, %shift_left3A_366 : vector<16xi32>
        %bitcast_convert_type3A_368 = tpu.bitcast %shift_left3A_367 : vector<16xi32> -> vector<16xf32>
        %bitcast_convert_type3A_369 = tpu.bitcast %get3A_364 : vector<16xi32> -> vector<16xf32>
        %mul3A_370 = arith.constant 16 : i32
        %mul3A_371 = arith.muli %add3A_76, %mul3A_370 : i32
        %add3A_372 = arith.constant 3 : i32
        %add3A_373 = arith.addi %mul3A_371, %add3A_372 : i32
        %get3A_374 = arith.index_cast %add3A_373 : i32 to index
        %get3A_375 = arith.constant 16 : index
        %get3A_376 = tpu.vector_load %arg10[%get3A_374, %get3A_375] {strides = array<i32>} : memref<128x64xi32, #tpu.memory_space<vmem>>, vector<1x16xi32>,
        %get3A_377 = vector.shape_cast %get3A_376 : vector<1x16xi32> to vector<16xi32>
        %shift_left3A_378 = arith.constant 16 : i32
        %shift_left3A_379 = vector.broadcast %shift_left3A_378 : i32 to vector<16xi32>
        %shift_left3A_380 = arith.shli %get3A_377, %shift_left3A_379 : vector<16xi32>
        %bitcast_convert_type3A_381 = tpu.bitcast %shift_left3A_380 : vector<16xi32> -> vector<16xf32>
        %bitcast_convert_type3A_382 = tpu.bitcast %get3A_377 : vector<16xi32> -> vector<16xf32>
        %mul3A_383 = arith.constant 16 : i32
        %mul3A_384 = arith.muli %add3A_76, %mul3A_383 : i32
        %add3A_385 = arith.constant 4 : i32
        %add3A_386 = arith.addi %mul3A_384, %add3A_385 : i32
        %get3A_387 = arith.index_cast %add3A_386 : i32 to index
        %get3A_388 = arith.constant 16 : index
        %get3A_389 = tpu.vector_load %arg10[%get3A_387, %get3A_388] {strides = array<i32>} : memref<128x64xi32, #tpu.memory_space<vmem>>, vector<1x16xi32>,
        %get3A_390 = vector.shape_cast %get3A_389 : vector<1x16xi32> to vector<16xi32>
        %shift_left3A_391 = arith.constant 16 : i32
        %shift_left3A_392 = vector.broadcast %shift_left3A_391 : i32 to vector<16xi32>
        %shift_left3A_393 = arith.shli %get3A_390, %shift_left3A_392 : vector<16xi32>
        %bitcast_convert_type3A_394 = tpu.bitcast %shift_left3A_393 : vector<16xi32> -> vector<16xf32>
        %bitcast_convert_type3A_395 = tpu.bitcast %get3A_390 : vector<16xi32> -> vector<16xf32>
        %add3A_396 = arith.addf %bitcast_convert_type3A_342, %bitcast_convert_type3A_394 : vector<16xf32>
        %add3A_397 = arith.addf %bitcast_convert_type3A_343, %bitcast_convert_type3A_395 : vector<16xf32>
        %mul3A_398 = arith.constant 16 : i32
        %mul3A_399 = arith.muli %add3A_76, %mul3A_398 : i32
        %add3A_400 = arith.constant 5 : i32
        %add3A_401 = arith.addi %mul3A_399, %add3A_400 : i32
        %get3A_402 = arith.index_cast %add3A_401 : i32 to index
        %get3A_403 = arith.constant 16 : index
        %get3A_404 = tpu.vector_load %arg10[%get3A_402, %get3A_403] {strides = array<i32>} : memref<128x64xi32, #tpu.memory_space<vmem>>, vector<1x16xi32>,
        %get3A_405 = vector.shape_cast %get3A_404 : vector<1x16xi32> to vector<16xi32>
        %shift_left3A_406 = arith.constant 16 : i32
        %shift_left3A_407 = vector.broadcast %shift_left3A_406 : i32 to vector<16xi32>
        %shift_left3A_408 = arith.shli %get3A_405, %shift_left3A_407 : vector<16xi32>
        %bitcast_convert_type3A_409 = tpu.bitcast %shift_left3A_408 : vector<16xi32> -> vector<16xf32>
        %bitcast_convert_type3A_410 = tpu.bitcast %get3A_405 : vector<16xi32> -> vector<16xf32>
        %add3A_411 = arith.addf %bitcast_convert_type3A_355, %bitcast_convert_type3A_409 : vector<16xf32>
        %add3A_412 = arith.addf %bitcast_convert_type3A_356, %bitcast_convert_type3A_410 : vector<16xf32>
        %mul3A_413 = arith.constant 16 : i32
        %mul3A_414 = arith.muli %add3A_76, %mul3A_413 : i32
        %add3A_415 = arith.constant 6 : i32
        %add3A_416 = arith.addi %mul3A_414, %add3A_415 : i32
        %get3A_417 = arith.index_cast %add3A_416 : i32 to index
        %get3A_418 = arith.constant 16 : index
        %get3A_419 = tpu.vector_load %arg10[%get3A_417, %get3A_418] {strides = array<i32>} : memref<128x64xi32, #tpu.memory_space<vmem>>, vector<1x16xi32>,
        %get3A_420 = vector.shape_cast %get3A_419 : vector<1x16xi32> to vector<16xi32>
        %shift_left3A_421 = arith.constant 16 : i32
        %shift_left3A_422 = vector.broadcast %shift_left3A_421 : i32 to vector<16xi32>
        %shift_left3A_423 = arith.shli %get3A_420, %shift_left3A_422 : vector<16xi32>
        %bitcast_convert_type3A_424 = tpu.bitcast %shift_left3A_423 : vector<16xi32> -> vector<16xf32>
        %bitcast_convert_type3A_425 = tpu.bitcast %get3A_420 : vector<16xi32> -> vector<16xf32>
        %add3A_426 = arith.addf %bitcast_convert_type3A_368, %bitcast_convert_type3A_424 : vector<16xf32>
        %add3A_427 = arith.addf %bitcast_convert_type3A_369, %bitcast_convert_type3A_425 : vector<16xf32>
        %mul3A_428 = arith.constant 16 : i32
        %mul3A_429 = arith.muli %add3A_76, %mul3A_428 : i32
        %add3A_430 = arith.constant 7 : i32
        %add3A_431 = arith.addi %mul3A_429, %add3A_430 : i32
        %get3A_432 = arith.index_cast %add3A_431 : i32 to index
        %get3A_433 = arith.constant 16 : index
        %get3A_434 = tpu.vector_load %arg10[%get3A_432, %get3A_433] {strides = array<i32>} : memref<128x64xi32, #tpu.memory_space<vmem>>, vector<1x16xi32>,
        %get3A_435 = vector.shape_cast %get3A_434 : vector<1x16xi32> to vector<16xi32>
        %shift_left3A_436 = arith.constant 16 : i32
        %shift_left3A_437 = vector.broadcast %shift_left3A_436 : i32 to vector<16xi32>
        %shift_left3A_438 = arith.shli %get3A_435, %shift_left3A_437 : vector<16xi32>
        %bitcast_convert_type3A_439 = tpu.bitcast %shift_left3A_438 : vector<16xi32> -> vector<16xf32>
        %bitcast_convert_type3A_440 = tpu.bitcast %get3A_435 : vector<16xi32> -> vector<16xf32>
        %add3A_441 = arith.addf %bitcast_convert_type3A_381, %bitcast_convert_type3A_439 : vector<16xf32>
        %add3A_442 = arith.addf %bitcast_convert_type3A_382, %bitcast_convert_type3A_440 : vector<16xf32>
        %mul3A_443 = arith.constant 16 : i32
        %mul3A_444 = arith.muli %add3A_76, %mul3A_443 : i32
        %add3A_445 = arith.constant 8 : i32
        %add3A_446 = arith.addi %mul3A_444, %add3A_445 : i32
        %get3A_447 = arith.index_cast %add3A_446 : i32 to index
        %get3A_448 = arith.constant 16 : index
        %get3A_449 = tpu.vector_load %arg10[%get3A_447, %get3A_448] {strides = array<i32>} : memref<128x64xi32, #tpu.memory_space<vmem>>, vector<1x16xi32>,
        %get3A_450 = vector.shape_cast %get3A_449 : vector<1x16xi32> to vector<16xi32>
        %shift_left3A_451 = arith.constant 16 : i32
        %shift_left3A_452 = vector.broadcast %shift_left3A_451 : i32 to vector<16xi32>
        %shift_left3A_453 = arith.shli %get3A_450, %shift_left3A_452 : vector<16xi32>
        %bitcast_convert_type3A_454 = tpu.bitcast %shift_left3A_453 : vector<16xi32> -> vector<16xf32>
        %bitcast_convert_type3A_455 = tpu.bitcast %get3A_450 : vector<16xi32> -> vector<16xf32>
        %add3A_456 = arith.addf %add3A_396, %bitcast_convert_type3A_454 : vector<16xf32>
        %add3A_457 = arith.addf %add3A_397, %bitcast_convert_type3A_455 : vector<16xf32>
        %mul3A_458 = arith.constant 16 : i32
        %mul3A_459 = arith.muli %add3A_76, %mul3A_458 : i32
        %add3A_460 = arith.constant 9 : i32
        %add3A_461 = arith.addi %mul3A_459, %add3A_460 : i32
        %get3A_462 = arith.index_cast %add3A_461 : i32 to index
        %get3A_463 = arith.constant 16 : index
        %get3A_464 = tpu.vector_load %arg10[%get3A_462, %get3A_463] {strides = array<i32>} : memref<128x64xi32, #tpu.memory_space<vmem>>, vector<1x16xi32>,
        %get3A_465 = vector.shape_cast %get3A_464 : vector<1x16xi32> to vector<16xi32>
        %shift_left3A_466 = arith.constant 16 : i32
        %shift_left3A_467 = vector.broadcast %shift_left3A_466 : i32 to vector<16xi32>
        %shift_left3A_468 = arith.shli %get3A_465, %shift_left3A_467 : vector<16xi32>
        %bitcast_convert_type3A_469 = tpu.bitcast %shift_left3A_468 : vector<16xi32> -> vector<16xf32>
        %bitcast_convert_type3A_470 = tpu.bitcast %get3A_465 : vector<16xi32> -> vector<16xf32>
        %add3A_471 = arith.addf %add3A_411, %bitcast_convert_type3A_469 : vector<16xf32>
        %add3A_472 = arith.addf %add3A_412, %bitcast_convert_type3A_470 : vector<16xf32>
        %mul3A_473 = arith.constant 16 : i32
        %mul3A_474 = arith.muli %add3A_76, %mul3A_473 : i32
        %add3A_475 = arith.constant 10 : i32
        %add3A_476 = arith.addi %mul3A_474, %add3A_475 : i32
        %get3A_477 = arith.index_cast %add3A_476 : i32 to index
        %get3A_478 = arith.constant 16 : index
        %get3A_479 = tpu.vector_load %arg10[%get3A_477, %get3A_478] {strides = array<i32>} : memref<128x64xi32, #tpu.memory_space<vmem>>, vector<1x16xi32>,
        %get3A_480 = vector.shape_cast %get3A_479 : vector<1x16xi32> to vector<16xi32>
        %shift_left3A_481 = arith.constant 16 : i32
        %shift_left3A_482 = vector.broadcast %shift_left3A_481 : i32 to vector<16xi32>
        %shift_left3A_483 = arith.shli %get3A_480, %shift_left3A_482 : vector<16xi32>
        %bitcast_convert_type3A_484 = tpu.bitcast %shift_left3A_483 : vector<16xi32> -> vector<16xf32>
        %bitcast_convert_type3A_485 = tpu.bitcast %get3A_480 : vector<16xi32> -> vector<16xf32>
        %add3A_486 = arith.addf %add3A_426, %bitcast_convert_type3A_484 : vector<16xf32>
        %add3A_487 = arith.addf %add3A_427, %bitcast_convert_type3A_485 : vector<16xf32>
        %mul3A_488 = arith.constant 16 : i32
        %mul3A_489 = arith.muli %add3A_76, %mul3A_488 : i32
        %add3A_490 = arith.constant 11 : i32
        %add3A_491 = arith.addi %mul3A_489, %add3A_490 : i32
        %get3A_492 = arith.index_cast %add3A_491 : i32 to index
        %get3A_493 = arith.constant 16 : index
        %get3A_494 = tpu.vector_load %arg10[%get3A_492, %get3A_493] {strides = array<i32>} : memref<128x64xi32, #tpu.memory_space<vmem>>, vector<1x16xi32>,
        %get3A_495 = vector.shape_cast %get3A_494 : vector<1x16xi32> to vector<16xi32>
        %shift_left3A_496 = arith.constant 16 : i32
        %shift_left3A_497 = vector.broadcast %shift_left3A_496 : i32 to vector<16xi32>
        %shift_left3A_498 = arith.shli %get3A_495, %shift_left3A_497 : vector<16xi32>
        %bitcast_convert_type3A_499 = tpu.bitcast %shift_left3A_498 : vector<16xi32> -> vector<16xf32>
        %bitcast_convert_type3A_500 = tpu.bitcast %get3A_495 : vector<16xi32> -> vector<16xf32>
        %add3A_501 = arith.addf %add3A_441, %bitcast_convert_type3A_499 : vector<16xf32>
        %add3A_502 = arith.addf %add3A_442, %bitcast_convert_type3A_500 : vector<16xf32>
        %mul3A_503 = arith.constant 16 : i32
        %mul3A_504 = arith.muli %add3A_76, %mul3A_503 : i32
        %add3A_505 = arith.constant 12 : i32
        %add3A_506 = arith.addi %mul3A_504, %add3A_505 : i32
        %get3A_507 = arith.index_cast %add3A_506 : i32 to index
        %get3A_508 = arith.constant 16 : index
        %get3A_509 = tpu.vector_load %arg10[%get3A_507, %get3A_508] {strides = array<i32>} : memref<128x64xi32, #tpu.memory_space<vmem>>, vector<1x16xi32>,
        %get3A_510 = vector.shape_cast %get3A_509 : vector<1x16xi32> to vector<16xi32>
        %shift_left3A_511 = arith.constant 16 : i32
        %shift_left3A_512 = vector.broadcast %shift_left3A_511 : i32 to vector<16xi32>
        %shift_left3A_513 = arith.shli %get3A_510, %shift_left3A_512 : vector<16xi32>
        %bitcast_convert_type3A_514 = tpu.bitcast %shift_left3A_513 : vector<16xi32> -> vector<16xf32>
        %bitcast_convert_type3A_515 = tpu.bitcast %get3A_510 : vector<16xi32> -> vector<16xf32>
        %add3A_516 = arith.addf %add3A_456, %bitcast_convert_type3A_514 : vector<16xf32>
        %add3A_517 = arith.addf %add3A_457, %bitcast_convert_type3A_515 : vector<16xf32>
        %mul3A_518 = arith.constant 16 : i32
        %mul3A_519 = arith.muli %add3A_76, %mul3A_518 : i32
        %add3A_520 = arith.constant 13 : i32
        %add3A_521 = arith.addi %mul3A_519, %add3A_520 : i32
        %get3A_522 = arith.index_cast %add3A_521 : i32 to index
        %get3A_523 = arith.constant 16 : index
        %get3A_524 = tpu.vector_load %arg10[%get3A_522, %get3A_523] {strides = array<i32>} : memref<128x64xi32, #tpu.memory_space<vmem>>, vector<1x16xi32>,
        %get3A_525 = vector.shape_cast %get3A_524 : vector<1x16xi32> to vector<16xi32>
        %shift_left3A_526 = arith.constant 16 : i32
        %shift_left3A_527 = vector.broadcast %shift_left3A_526 : i32 to vector<16xi32>
        %shift_left3A_528 = arith.shli %get3A_525, %shift_left3A_527 : vector<16xi32>
        %bitcast_convert_type3A_529 = tpu.bitcast %shift_left3A_528 : vector<16xi32> -> vector<16xf32>
        %bitcast_convert_type3A_530 = tpu.bitcast %get3A_525 : vector<16xi32> -> vector<16xf32>
        %add3A_531 = arith.addf %add3A_471, %bitcast_convert_type3A_529 : vector<16xf32>
        %add3A_532 = arith.addf %add3A_472, %bitcast_convert_type3A_530 : vector<16xf32>
        %mul3A_533 = arith.constant 16 : i32
        %mul3A_534 = arith.muli %add3A_76, %mul3A_533 : i32
        %add3A_535 = arith.constant 14 : i32
        %add3A_536 = arith.addi %mul3A_534, %add3A_535 : i32
        %get3A_537 = arith.index_cast %add3A_536 : i32 to index
        %get3A_538 = arith.constant 16 : index
        %get3A_539 = tpu.vector_load %arg10[%get3A_537, %get3A_538] {strides = array<i32>} : memref<128x64xi32, #tpu.memory_space<vmem>>, vector<1x16xi32>,
        %get3A_540 = vector.shape_cast %get3A_539 : vector<1x16xi32> to vector<16xi32>
        %shift_left3A_541 = arith.constant 16 : i32
        %shift_left3A_542 = vector.broadcast %shift_left3A_541 : i32 to vector<16xi32>
        %shift_left3A_543 = arith.shli %get3A_540, %shift_left3A_542 : vector<16xi32>
        %bitcast_convert_type3A_544 = tpu.bitcast %shift_left3A_543 : vector<16xi32> -> vector<16xf32>
        %bitcast_convert_type3A_545 = tpu.bitcast %get3A_540 : vector<16xi32> -> vector<16xf32>
        %add3A_546 = arith.addf %add3A_486, %bitcast_convert_type3A_544 : vector<16xf32>
        %add3A_547 = arith.addf %add3A_487, %bitcast_convert_type3A_545 : vector<16xf32>
        %mul3A_548 = arith.constant 16 : i32
        %mul3A_549 = arith.muli %add3A_76, %mul3A_548 : i32
        %add3A_550 = arith.constant 15 : i32
        %add3A_551 = arith.addi %mul3A_549, %add3A_550 : i32
        %get3A_552 = arith.index_cast %add3A_551 : i32 to index
        %get3A_553 = arith.constant 16 : index
        %get3A_554 = tpu.vector_load %arg10[%get3A_552, %get3A_553] {strides = array<i32>} : memref<128x64xi32, #tpu.memory_space<vmem>>, vector<1x16xi32>,
        %get3A_555 = vector.shape_cast %get3A_554 : vector<1x16xi32> to vector<16xi32>
        %shift_left3A_556 = arith.constant 16 : i32
        %shift_left3A_557 = vector.broadcast %shift_left3A_556 : i32 to vector<16xi32>
        %shift_left3A_558 = arith.shli %get3A_555, %shift_left3A_557 : vector<16xi32>
        %bitcast_convert_type3A_559 = tpu.bitcast %shift_left3A_558 : vector<16xi32> -> vector<16xf32>
        %bitcast_convert_type3A_560 = tpu.bitcast %get3A_555 : vector<16xi32> -> vector<16xf32>
        %add3A_561 = arith.addf %add3A_501, %bitcast_convert_type3A_559 : vector<16xf32>
        %add3A_562 = arith.addf %add3A_502, %bitcast_convert_type3A_560 : vector<16xf32>
        %add3A_563 = arith.addf %add3A_516, %add3A_531 : vector<16xf32>
        %add3A_564 = arith.addf %add3A_546, %add3A_561 : vector<16xf32>
        %add3A_565 = arith.addf %add3A_563, %add3A_564 : vector<16xf32>
        %add3A_566 = arith.addf %add3A_517, %add3A_532 : vector<16xf32>
        %add3A_567 = arith.addf %add3A_547, %add3A_562 : vector<16xf32>
        %add3A_568 = arith.addf %add3A_566, %add3A_567 : vector<16xf32>
        %get3A_569 = arith.index_cast %add3A_76 : i32 to index
        %get3A_570 = arith.constant 16 : index
        %get3A_571 = tpu.vector_load %arg11[%get3A_569, %get3A_570] {strides = array<i32>} : memref<8x128xf32, #tpu.memory_space<vmem>>, vector<1x16xf32>,
        %get3A_572 = vector.shape_cast %get3A_571 : vector<1x16xf32> to vector<16xf32>
        %add3A_573 = arith.addf %get3A_572, %add3A_565 : vector<16xf32>
        %swap3A_574 = arith.index_cast %add3A_76 : i32 to index
        %swap3A_575 = arith.constant 16 : index
        %swap3A_576 = tpu.vector_load %arg11[%swap3A_574, %swap3A_575] {strides = array<i32>} : memref<8x128xf32, #tpu.memory_space<vmem>>, vector<1x16xf32>,
        %swap3A_577 = vector.shape_cast %swap3A_576 : vector<1x16xf32> to vector<16xf32>
        %swap3A_578 = vector.shape_cast %add3A_573 : vector<16xf32> to vector<1x16xf32>
        tpu.vector_store %arg11[%swap3A_574, %swap3A_575], %swap3A_578 {strides = array<i32>} : memref<8x128xf32, #tpu.memory_space<vmem>>, vector<1x16xf32>,
        %get3A_579 = arith.index_cast %add3A_76 : i32 to index
        %get3A_580 = arith.constant 80 : index
        %get3A_581 = tpu.vector_load %arg11[%get3A_579, %get3A_580] {strides = array<i32>} : memref<8x128xf32, #tpu.memory_space<vmem>>, vector<1x16xf32>,
        %get3A_582 = vector.shape_cast %get3A_581 : vector<1x16xf32> to vector<16xf32>
        %add3A_583 = arith.addf %get3A_582, %add3A_568 : vector<16xf32>
        %swap3A_584 = arith.index_cast %add3A_76 : i32 to index
        %swap3A_585 = arith.constant 80 : index
        %swap3A_586 = tpu.vector_load %arg11[%swap3A_584, %swap3A_585] {strides = array<i32>} : memref<8x128xf32, #tpu.memory_space<vmem>>, vector<1x16xf32>,
        %swap3A_587 = vector.shape_cast %swap3A_586 : vector<1x16xf32> to vector<16xf32>
        %swap3A_588 = vector.shape_cast %add3A_583 : vector<16xf32> to vector<1x16xf32>
        tpu.vector_store %arg11[%swap3A_584, %swap3A_585], %swap3A_588 {strides = array<i32>} : memref<8x128xf32, #tpu.memory_space<vmem>>, vector<1x16xf32>,
        %mul3A_589 = arith.constant 16 : i32
        %mul3A_590 = arith.muli %add3A_76, %mul3A_589 : i32
        %add3A_591 = arith.constant 0 : i32
        %add3A_592 = arith.addi %mul3A_590, %add3A_591 : i32
        %get3A_593 = arith.index_cast %add3A_592 : i32 to index
        %get3A_594 = arith.constant 32 : index
        %get3A_595 = tpu.vector_load %arg10[%get3A_593, %get3A_594] {strides = array<i32>} : memref<128x64xi32, #tpu.memory_space<vmem>>, vector<1x16xi32>,
        %get3A_596 = vector.shape_cast %get3A_595 : vector<1x16xi32> to vector<16xi32>
        %shift_left3A_597 = arith.constant 16 : i32
        %shift_left3A_598 = vector.broadcast %shift_left3A_597 : i32 to vector<16xi32>
        %shift_left3A_599 = arith.shli %get3A_596, %shift_left3A_598 : vector<16xi32>
        %bitcast_convert_type3A_600 = tpu.bitcast %shift_left3A_599 : vector<16xi32> -> vector<16xf32>
        %bitcast_convert_type3A_601 = tpu.bitcast %get3A_596 : vector<16xi32> -> vector<16xf32>
        %mul3A_602 = arith.constant 16 : i32
        %mul3A_603 = arith.muli %add3A_76, %mul3A_602 : i32
        %add3A_604 = arith.constant 1 : i32
        %add3A_605 = arith.addi %mul3A_603, %add3A_604 : i32
        %get3A_606 = arith.index_cast %add3A_605 : i32 to index
        %get3A_607 = arith.constant 32 : index
        %get3A_608 = tpu.vector_load %arg10[%get3A_606, %get3A_607] {strides = array<i32>} : memref<128x64xi32, #tpu.memory_space<vmem>>, vector<1x16xi32>,
        %get3A_609 = vector.shape_cast %get3A_608 : vector<1x16xi32> to vector<16xi32>
        %shift_left3A_610 = arith.constant 16 : i32
        %shift_left3A_611 = vector.broadcast %shift_left3A_610 : i32 to vector<16xi32>
        %shift_left3A_612 = arith.shli %get3A_609, %shift_left3A_611 : vector<16xi32>
        %bitcast_convert_type3A_613 = tpu.bitcast %shift_left3A_612 : vector<16xi32> -> vector<16xf32>
        %bitcast_convert_type3A_614 = tpu.bitcast %get3A_609 : vector<16xi32> -> vector<16xf32>
        %mul3A_615 = arith.constant 16 : i32
        %mul3A_616 = arith.muli %add3A_76, %mul3A_615 : i32
        %add3A_617 = arith.constant 2 : i32
        %add3A_618 = arith.addi %mul3A_616, %add3A_617 : i32
        %get3A_619 = arith.index_cast %add3A_618 : i32 to index
        %get3A_620 = arith.constant 32 : index
        %get3A_621 = tpu.vector_load %arg10[%get3A_619, %get3A_620] {strides = array<i32>} : memref<128x64xi32, #tpu.memory_space<vmem>>, vector<1x16xi32>,
        %get3A_622 = vector.shape_cast %get3A_621 : vector<1x16xi32> to vector<16xi32>
        %shift_left3A_623 = arith.constant 16 : i32
        %shift_left3A_624 = vector.broadcast %shift_left3A_623 : i32 to vector<16xi32>
        %shift_left3A_625 = arith.shli %get3A_622, %shift_left3A_624 : vector<16xi32>
        %bitcast_convert_type3A_626 = tpu.bitcast %shift_left3A_625 : vector<16xi32> -> vector<16xf32>
        %bitcast_convert_type3A_627 = tpu.bitcast %get3A_622 : vector<16xi32> -> vector<16xf32>
        %mul3A_628 = arith.constant 16 : i32
        %mul3A_629 = arith.muli %add3A_76, %mul3A_628 : i32
        %add3A_630 = arith.constant 3 : i32
        %add3A_631 = arith.addi %mul3A_629, %add3A_630 : i32
        %get3A_632 = arith.index_cast %add3A_631 : i32 to index
        %get3A_633 = arith.constant 32 : index
        %get3A_634 = tpu.vector_load %arg10[%get3A_632, %get3A_633] {strides = array<i32>} : memref<128x64xi32, #tpu.memory_space<vmem>>, vector<1x16xi32>,
        %get3A_635 = vector.shape_cast %get3A_634 : vector<1x16xi32> to vector<16xi32>
        %shift_left3A_636 = arith.constant 16 : i32
        %shift_left3A_637 = vector.broadcast %shift_left3A_636 : i32 to vector<16xi32>
        %shift_left3A_638 = arith.shli %get3A_635, %shift_left3A_637 : vector<16xi32>
        %bitcast_convert_type3A_639 = tpu.bitcast %shift_left3A_638 : vector<16xi32> -> vector<16xf32>
        %bitcast_convert_type3A_640 = tpu.bitcast %get3A_635 : vector<16xi32> -> vector<16xf32>
        %mul3A_641 = arith.constant 16 : i32
        %mul3A_642 = arith.muli %add3A_76, %mul3A_641 : i32
        %add3A_643 = arith.constant 4 : i32
        %add3A_644 = arith.addi %mul3A_642, %add3A_643 : i32
        %get3A_645 = arith.index_cast %add3A_644 : i32 to index
        %get3A_646 = arith.constant 32 : index
        %get3A_647 = tpu.vector_load %arg10[%get3A_645, %get3A_646] {strides = array<i32>} : memref<128x64xi32, #tpu.memory_space<vmem>>, vector<1x16xi32>,
        %get3A_648 = vector.shape_cast %get3A_647 : vector<1x16xi32> to vector<16xi32>
        %shift_left3A_649 = arith.constant 16 : i32
        %shift_left3A_650 = vector.broadcast %shift_left3A_649 : i32 to vector<16xi32>
        %shift_left3A_651 = arith.shli %get3A_648, %shift_left3A_650 : vector<16xi32>
        %bitcast_convert_type3A_652 = tpu.bitcast %shift_left3A_651 : vector<16xi32> -> vector<16xf32>
        %bitcast_convert_type3A_653 = tpu.bitcast %get3A_648 : vector<16xi32> -> vector<16xf32>
        %add3A_654 = arith.addf %bitcast_convert_type3A_600, %bitcast_convert_type3A_652 : vector<16xf32>
        %add3A_655 = arith.addf %bitcast_convert_type3A_601, %bitcast_convert_type3A_653 : vector<16xf32>
        %mul3A_656 = arith.constant 16 : i32
        %mul3A_657 = arith.muli %add3A_76, %mul3A_656 : i32
        %add3A_658 = arith.constant 5 : i32
        %add3A_659 = arith.addi %mul3A_657, %add3A_658 : i32
        %get3A_660 = arith.index_cast %add3A_659 : i32 to index
        %get3A_661 = arith.constant 32 : index
        %get3A_662 = tpu.vector_load %arg10[%get3A_660, %get3A_661] {strides = array<i32>} : memref<128x64xi32, #tpu.memory_space<vmem>>, vector<1x16xi32>,
        %get3A_663 = vector.shape_cast %get3A_662 : vector<1x16xi32> to vector<16xi32>
        %shift_left3A_664 = arith.constant 16 : i32
        %shift_left3A_665 = vector.broadcast %shift_left3A_664 : i32 to vector<16xi32>
        %shift_left3A_666 = arith.shli %get3A_663, %shift_left3A_665 : vector<16xi32>
        %bitcast_convert_type3A_667 = tpu.bitcast %shift_left3A_666 : vector<16xi32> -> vector<16xf32>
        %bitcast_convert_type3A_668 = tpu.bitcast %get3A_663 : vector<16xi32> -> vector<16xf32>
        %add3A_669 = arith.addf %bitcast_convert_type3A_613, %bitcast_convert_type3A_667 : vector<16xf32>
        %add3A_670 = arith.addf %bitcast_convert_type3A_614, %bitcast_convert_type3A_668 : vector<16xf32>
        %mul3A_671 = arith.constant 16 : i32
        %mul3A_672 = arith.muli %add3A_76, %mul3A_671 : i32
        %add3A_673 = arith.constant 6 : i32
        %add3A_674 = arith.addi %mul3A_672, %add3A_673 : i32
        %get3A_675 = arith.index_cast %add3A_674 : i32 to index
        %get3A_676 = arith.constant 32 : index
        %get3A_677 = tpu.vector_load %arg10[%get3A_675, %get3A_676] {strides = array<i32>} : memref<128x64xi32, #tpu.memory_space<vmem>>, vector<1x16xi32>,
        %get3A_678 = vector.shape_cast %get3A_677 : vector<1x16xi32> to vector<16xi32>
        %shift_left3A_679 = arith.constant 16 : i32
        %shift_left3A_680 = vector.broadcast %shift_left3A_679 : i32 to vector<16xi32>
        %shift_left3A_681 = arith.shli %get3A_678, %shift_left3A_680 : vector<16xi32>
        %bitcast_convert_type3A_682 = tpu.bitcast %shift_left3A_681 : vector<16xi32> -> vector<16xf32>
        %bitcast_convert_type3A_683 = tpu.bitcast %get3A_678 : vector<16xi32> -> vector<16xf32>
        %add3A_684 = arith.addf %bitcast_convert_type3A_626, %bitcast_convert_type3A_682 : vector<16xf32>
        %add3A_685 = arith.addf %bitcast_convert_type3A_627, %bitcast_convert_type3A_683 : vector<16xf32>
        %mul3A_686 = arith.constant 16 : i32
        %mul3A_687 = arith.muli %add3A_76, %mul3A_686 : i32
        %add3A_688 = arith.constant 7 : i32
        %add3A_689 = arith.addi %mul3A_687, %add3A_688 : i32
        %get3A_690 = arith.index_cast %add3A_689 : i32 to index
        %get3A_691 = arith.constant 32 : index
        %get3A_692 = tpu.vector_load %arg10[%get3A_690, %get3A_691] {strides = array<i32>} : memref<128x64xi32, #tpu.memory_space<vmem>>, vector<1x16xi32>,
        %get3A_693 = vector.shape_cast %get3A_692 : vector<1x16xi32> to vector<16xi32>
        %shift_left3A_694 = arith.constant 16 : i32
        %shift_left3A_695 = vector.broadcast %shift_left3A_694 : i32 to vector<16xi32>
        %shift_left3A_696 = arith.shli %get3A_693, %shift_left3A_695 : vector<16xi32>
        %bitcast_convert_type3A_697 = tpu.bitcast %shift_left3A_696 : vector<16xi32> -> vector<16xf32>
        %bitcast_convert_type3A_698 = tpu.bitcast %get3A_693 : vector<16xi32> -> vector<16xf32>
        %add3A_699 = arith.addf %bitcast_convert_type3A_639, %bitcast_convert_type3A_697 : vector<16xf32>
        %add3A_700 = arith.addf %bitcast_convert_type3A_640, %bitcast_convert_type3A_698 : vector<16xf32>
        %mul3A_701 = arith.constant 16 : i32
        %mul3A_702 = arith.muli %add3A_76, %mul3A_701 : i32
        %add3A_703 = arith.constant 8 : i32
        %add3A_704 = arith.addi %mul3A_702, %add3A_703 : i32
        %get3A_705 = arith.index_cast %add3A_704 : i32 to index
        %get3A_706 = arith.constant 32 : index
        %get3A_707 = tpu.vector_load %arg10[%get3A_705, %get3A_706] {strides = array<i32>} : memref<128x64xi32, #tpu.memory_space<vmem>>, vector<1x16xi32>,
        %get3A_708 = vector.shape_cast %get3A_707 : vector<1x16xi32> to vector<16xi32>
        %shift_left3A_709 = arith.constant 16 : i32
        %shift_left3A_710 = vector.broadcast %shift_left3A_709 : i32 to vector<16xi32>
        %shift_left3A_711 = arith.shli %get3A_708, %shift_left3A_710 : vector<16xi32>
        %bitcast_convert_type3A_712 = tpu.bitcast %shift_left3A_711 : vector<16xi32> -> vector<16xf32>
        %bitcast_convert_type3A_713 = tpu.bitcast %get3A_708 : vector<16xi32> -> vector<16xf32>
        %add3A_714 = arith.addf %add3A_654, %bitcast_convert_type3A_712 : vector<16xf32>
        %add3A_715 = arith.addf %add3A_655, %bitcast_convert_type3A_713 : vector<16xf32>
        %mul3A_716 = arith.constant 16 : i32
        %mul3A_717 = arith.muli %add3A_76, %mul3A_716 : i32
        %add3A_718 = arith.constant 9 : i32
        %add3A_719 = arith.addi %mul3A_717, %add3A_718 : i32
        %get3A_720 = arith.index_cast %add3A_719 : i32 to index
        %get3A_721 = arith.constant 32 : index
        %get3A_722 = tpu.vector_load %arg10[%get3A_720, %get3A_721] {strides = array<i32>} : memref<128x64xi32, #tpu.memory_space<vmem>>, vector<1x16xi32>,
        %get3A_723 = vector.shape_cast %get3A_722 : vector<1x16xi32> to vector<16xi32>
        %shift_left3A_724 = arith.constant 16 : i32
        %shift_left3A_725 = vector.broadcast %shift_left3A_724 : i32 to vector<16xi32>
        %shift_left3A_726 = arith.shli %get3A_723, %shift_left3A_725 : vector<16xi32>
        %bitcast_convert_type3A_727 = tpu.bitcast %shift_left3A_726 : vector<16xi32> -> vector<16xf32>
        %bitcast_convert_type3A_728 = tpu.bitcast %get3A_723 : vector<16xi32> -> vector<16xf32>
        %add3A_729 = arith.addf %add3A_669, %bitcast_convert_type3A_727 : vector<16xf32>
        %add3A_730 = arith.addf %add3A_670, %bitcast_convert_type3A_728 : vector<16xf32>
        %mul3A_731 = arith.constant 16 : i32
        %mul3A_732 = arith.muli %add3A_76, %mul3A_731 : i32
        %add3A_733 = arith.constant 10 : i32
        %add3A_734 = arith.addi %mul3A_732, %add3A_733 : i32
        %get3A_735 = arith.index_cast %add3A_734 : i32 to index
        %get3A_736 = arith.constant 32 : index
        %get3A_737 = tpu.vector_load %arg10[%get3A_735, %get3A_736] {strides = array<i32>} : memref<128x64xi32, #tpu.memory_space<vmem>>, vector<1x16xi32>,
        %get3A_738 = vector.shape_cast %get3A_737 : vector<1x16xi32> to vector<16xi32>
        %shift_left3A_739 = arith.constant 16 : i32
        %shift_left3A_740 = vector.broadcast %shift_left3A_739 : i32 to vector<16xi32>
        %shift_left3A_741 = arith.shli %get3A_738, %shift_left3A_740 : vector<16xi32>
        %bitcast_convert_type3A_742 = tpu.bitcast %shift_left3A_741 : vector<16xi32> -> vector<16xf32>
        %bitcast_convert_type3A_743 = tpu.bitcast %get3A_738 : vector<16xi32> -> vector<16xf32>
        %add3A_744 = arith.addf %add3A_684, %bitcast_convert_type3A_742 : vector<16xf32>
        %add3A_745 = arith.addf %add3A_685, %bitcast_convert_type3A_743 : vector<16xf32>
        %mul3A_746 = arith.constant 16 : i32
        %mul3A_747 = arith.muli %add3A_76, %mul3A_746 : i32
        %add3A_748 = arith.constant 11 : i32
        %add3A_749 = arith.addi %mul3A_747, %add3A_748 : i32
        %get3A_750 = arith.index_cast %add3A_749 : i32 to index
        %get3A_751 = arith.constant 32 : index
        %get3A_752 = tpu.vector_load %arg10[%get3A_750, %get3A_751] {strides = array<i32>} : memref<128x64xi32, #tpu.memory_space<vmem>>, vector<1x16xi32>,
        %get3A_753 = vector.shape_cast %get3A_752 : vector<1x16xi32> to vector<16xi32>
        %shift_left3A_754 = arith.constant 16 : i32
        %shift_left3A_755 = vector.broadcast %shift_left3A_754 : i32 to vector<16xi32>
        %shift_left3A_756 = arith.shli %get3A_753, %shift_left3A_755 : vector<16xi32>
        %bitcast_convert_type3A_757 = tpu.bitcast %shift_left3A_756 : vector<16xi32> -> vector<16xf32>
        %bitcast_convert_type3A_758 = tpu.bitcast %get3A_753 : vector<16xi32> -> vector<16xf32>
        %add3A_759 = arith.addf %add3A_699, %bitcast_convert_type3A_757 : vector<16xf32>
        %add3A_760 = arith.addf %add3A_700, %bitcast_convert_type3A_758 : vector<16xf32>
        %mul3A_761 = arith.constant 16 : i32
        %mul3A_762 = arith.muli %add3A_76, %mul3A_761 : i32
        %add3A_763 = arith.constant 12 : i32
        %add3A_764 = arith.addi %mul3A_762, %add3A_763 : i32
        %get3A_765 = arith.index_cast %add3A_764 : i32 to index
        %get3A_766 = arith.constant 32 : index
        %get3A_767 = tpu.vector_load %arg10[%get3A_765, %get3A_766] {strides = array<i32>} : memref<128x64xi32, #tpu.memory_space<vmem>>, vector<1x16xi32>,
        %get3A_768 = vector.shape_cast %get3A_767 : vector<1x16xi32> to vector<16xi32>
        %shift_left3A_769 = arith.constant 16 : i32
        %shift_left3A_770 = vector.broadcast %shift_left3A_769 : i32 to vector<16xi32>
        %shift_left3A_771 = arith.shli %get3A_768, %shift_left3A_770 : vector<16xi32>
        %bitcast_convert_type3A_772 = tpu.bitcast %shift_left3A_771 : vector<16xi32> -> vector<16xf32>
        %bitcast_convert_type3A_773 = tpu.bitcast %get3A_768 : vector<16xi32> -> vector<16xf32>
        %add3A_774 = arith.addf %add3A_714, %bitcast_convert_type3A_772 : vector<16xf32>
        %add3A_775 = arith.addf %add3A_715, %bitcast_convert_type3A_773 : vector<16xf32>
        %mul3A_776 = arith.constant 16 : i32
        %mul3A_777 = arith.muli %add3A_76, %mul3A_776 : i32
        %add3A_778 = arith.constant 13 : i32
        %add3A_779 = arith.addi %mul3A_777, %add3A_778 : i32
        %get3A_780 = arith.index_cast %add3A_779 : i32 to index
        %get3A_781 = arith.constant 32 : index
        %get3A_782 = tpu.vector_load %arg10[%get3A_780, %get3A_781] {strides = array<i32>} : memref<128x64xi32, #tpu.memory_space<vmem>>, vector<1x16xi32>,
        %get3A_783 = vector.shape_cast %get3A_782 : vector<1x16xi32> to vector<16xi32>
        %shift_left3A_784 = arith.constant 16 : i32
        %shift_left3A_785 = vector.broadcast %shift_left3A_784 : i32 to vector<16xi32>
        %shift_left3A_786 = arith.shli %get3A_783, %shift_left3A_785 : vector<16xi32>
        %bitcast_convert_type3A_787 = tpu.bitcast %shift_left3A_786 : vector<16xi32> -> vector<16xf32>
        %bitcast_convert_type3A_788 = tpu.bitcast %get3A_783 : vector<16xi32> -> vector<16xf32>
        %add3A_789 = arith.addf %add3A_729, %bitcast_convert_type3A_787 : vector<16xf32>
        %add3A_790 = arith.addf %add3A_730, %bitcast_convert_type3A_788 : vector<16xf32>
        %mul3A_791 = arith.constant 16 : i32
        %mul3A_792 = arith.muli %add3A_76, %mul3A_791 : i32
        %add3A_793 = arith.constant 14 : i32
        %add3A_794 = arith.addi %mul3A_792, %add3A_793 : i32
        %get3A_795 = arith.index_cast %add3A_794 : i32 to index
        %get3A_796 = arith.constant 32 : index
        %get3A_797 = tpu.vector_load %arg10[%get3A_795, %get3A_796] {strides = array<i32>} : memref<128x64xi32, #tpu.memory_space<vmem>>, vector<1x16xi32>,
        %get3A_798 = vector.shape_cast %get3A_797 : vector<1x16xi32> to vector<16xi32>
        %shift_left3A_799 = arith.constant 16 : i32
        %shift_left3A_800 = vector.broadcast %shift_left3A_799 : i32 to vector<16xi32>
        %shift_left3A_801 = arith.shli %get3A_798, %shift_left3A_800 : vector<16xi32>
        %bitcast_convert_type3A_802 = tpu.bitcast %shift_left3A_801 : vector<16xi32> -> vector<16xf32>
        %bitcast_convert_type3A_803 = tpu.bitcast %get3A_798 : vector<16xi32> -> vector<16xf32>
        %add3A_804 = arith.addf %add3A_744, %bitcast_convert_type3A_802 : vector<16xf32>
        %add3A_805 = arith.addf %add3A_745, %bitcast_convert_type3A_803 : vector<16xf32>
        %mul3A_806 = arith.constant 16 : i32
        %mul3A_807 = arith.muli %add3A_76, %mul3A_806 : i32
        %add3A_808 = arith.constant 15 : i32
        %add3A_809 = arith.addi %mul3A_807, %add3A_808 : i32
        %get3A_810 = arith.index_cast %add3A_809 : i32 to index
        %get3A_811 = arith.constant 32 : index
        %get3A_812 = tpu.vector_load %arg10[%get3A_810, %get3A_811] {strides = array<i32>} : memref<128x64xi32, #tpu.memory_space<vmem>>, vector<1x16xi32>,
        %get3A_813 = vector.shape_cast %get3A_812 : vector<1x16xi32> to vector<16xi32>
        %shift_left3A_814 = arith.constant 16 : i32
        %shift_left3A_815 = vector.broadcast %shift_left3A_814 : i32 to vector<16xi32>
        %shift_left3A_816 = arith.shli %get3A_813, %shift_left3A_815 : vector<16xi32>
        %bitcast_convert_type3A_817 = tpu.bitcast %shift_left3A_816 : vector<16xi32> -> vector<16xf32>
        %bitcast_convert_type3A_818 = tpu.bitcast %get3A_813 : vector<16xi32> -> vector<16xf32>
        %add3A_819 = arith.addf %add3A_759, %bitcast_convert_type3A_817 : vector<16xf32>
        %add3A_820 = arith.addf %add3A_760, %bitcast_convert_type3A_818 : vector<16xf32>
        %add3A_821 = arith.addf %add3A_774, %add3A_789 : vector<16xf32>
        %add3A_822 = arith.addf %add3A_804, %add3A_819 : vector<16xf32>
        %add3A_823 = arith.addf %add3A_821, %add3A_822 : vector<16xf32>
        %add3A_824 = arith.addf %add3A_775, %add3A_790 : vector<16xf32>
        %add3A_825 = arith.addf %add3A_805, %add3A_820 : vector<16xf32>
        %add3A_826 = arith.addf %add3A_824, %add3A_825 : vector<16xf32>
        %get3A_827 = arith.index_cast %add3A_76 : i32 to index
        %get3A_828 = arith.constant 32 : index
        %get3A_829 = tpu.vector_load %arg11[%get3A_827, %get3A_828] {strides = array<i32>} : memref<8x128xf32, #tpu.memory_space<vmem>>, vector<1x16xf32>,
        %get3A_830 = vector.shape_cast %get3A_829 : vector<1x16xf32> to vector<16xf32>
        %add3A_831 = arith.addf %get3A_830, %add3A_823 : vector<16xf32>
        %swap3A_832 = arith.index_cast %add3A_76 : i32 to index
        %swap3A_833 = arith.constant 32 : index
        %swap3A_834 = tpu.vector_load %arg11[%swap3A_832, %swap3A_833] {strides = array<i32>} : memref<8x128xf32, #tpu.memory_space<vmem>>, vector<1x16xf32>,
        %swap3A_835 = vector.shape_cast %swap3A_834 : vector<1x16xf32> to vector<16xf32>
        %swap3A_836 = vector.shape_cast %add3A_831 : vector<16xf32> to vector<1x16xf32>
        tpu.vector_store %arg11[%swap3A_832, %swap3A_833], %swap3A_836 {strides = array<i32>} : memref<8x128xf32, #tpu.memory_space<vmem>>, vector<1x16xf32>,
        %get3A_837 = arith.index_cast %add3A_76 : i32 to index
        %get3A_838 = arith.constant 96 : index
        %get3A_839 = tpu.vector_load %arg11[%get3A_837, %get3A_838] {strides = array<i32>} : memref<8x128xf32, #tpu.memory_space<vmem>>, vector<1x16xf32>,
        %get3A_840 = vector.shape_cast %get3A_839 : vector<1x16xf32> to vector<16xf32>
        %add3A_841 = arith.addf %get3A_840, %add3A_826 : vector<16xf32>
        %swap3A_842 = arith.index_cast %add3A_76 : i32 to index
        %swap3A_843 = arith.constant 96 : index
        %swap3A_844 = tpu.vector_load %arg11[%swap3A_842, %swap3A_843] {strides = array<i32>} : memref<8x128xf32, #tpu.memory_space<vmem>>, vector<1x16xf32>,
        %swap3A_845 = vector.shape_cast %swap3A_844 : vector<1x16xf32> to vector<16xf32>
        %swap3A_846 = vector.shape_cast %add3A_841 : vector<16xf32> to vector<1x16xf32>
        tpu.vector_store %arg11[%swap3A_842, %swap3A_843], %swap3A_846 {strides = array<i32>} : memref<8x128xf32, #tpu.memory_space<vmem>>, vector<1x16xf32>,
        %mul3A_847 = arith.constant 16 : i32
        %mul3A_848 = arith.muli %add3A_76, %mul3A_847 : i32
        %add3A_849 = arith.constant 0 : i32
        %add3A_850 = arith.addi %mul3A_848, %add3A_849 : i32
        %get3A_851 = arith.index_cast %add3A_850 : i32 to index
        %get3A_852 = arith.constant 48 : index
        %get3A_853 = tpu.vector_load %arg10[%get3A_851, %get3A_852] {strides = array<i32>} : memref<128x64xi32, #tpu.memory_space<vmem>>, vector<1x16xi32>,
        %get3A_854 = vector.shape_cast %get3A_853 : vector<1x16xi32> to vector<16xi32>
        %shift_left3A_855 = arith.constant 16 : i32
        %shift_left3A_856 = vector.broadcast %shift_left3A_855 : i32 to vector<16xi32>
        %shift_left3A_857 = arith.shli %get3A_854, %shift_left3A_856 : vector<16xi32>
        %bitcast_convert_type3A_858 = tpu.bitcast %shift_left3A_857 : vector<16xi32> -> vector<16xf32>
        %bitcast_convert_type3A_859 = tpu.bitcast %get3A_854 : vector<16xi32> -> vector<16xf32>
        %mul3A_860 = arith.constant 16 : i32
        %mul3A_861 = arith.muli %add3A_76, %mul3A_860 : i32
        %add3A_862 = arith.constant 1 : i32
        %add3A_863 = arith.addi %mul3A_861, %add3A_862 : i32
        %get3A_864 = arith.index_cast %add3A_863 : i32 to index
        %get3A_865 = arith.constant 48 : index
        %get3A_866 = tpu.vector_load %arg10[%get3A_864, %get3A_865] {strides = array<i32>} : memref<128x64xi32, #tpu.memory_space<vmem>>, vector<1x16xi32>,
        %get3A_867 = vector.shape_cast %get3A_866 : vector<1x16xi32> to vector<16xi32>
        %shift_left3A_868 = arith.constant 16 : i32
        %shift_left3A_869 = vector.broadcast %shift_left3A_868 : i32 to vector<16xi32>
        %shift_left3A_870 = arith.shli %get3A_867, %shift_left3A_869 : vector<16xi32>
        %bitcast_convert_type3A_871 = tpu.bitcast %shift_left3A_870 : vector<16xi32> -> vector<16xf32>
        %bitcast_convert_type3A_872 = tpu.bitcast %get3A_867 : vector<16xi32> -> vector<16xf32>
        %mul3A_873 = arith.constant 16 : i32
        %mul3A_874 = arith.muli %add3A_76, %mul3A_873 : i32
        %add3A_875 = arith.constant 2 : i32
        %add3A_876 = arith.addi %mul3A_874, %add3A_875 : i32
        %get3A_877 = arith.index_cast %add3A_876 : i32 to index
        %get3A_878 = arith.constant 48 : index
        %get3A_879 = tpu.vector_load %arg10[%get3A_877, %get3A_878] {strides = array<i32>} : memref<128x64xi32, #tpu.memory_space<vmem>>, vector<1x16xi32>,
        %get3A_880 = vector.shape_cast %get3A_879 : vector<1x16xi32> to vector<16xi32>
        %shift_left3A_881 = arith.constant 16 : i32
        %shift_left3A_882 = vector.broadcast %shift_left3A_881 : i32 to vector<16xi32>
        %shift_left3A_883 = arith.shli %get3A_880, %shift_left3A_882 : vector<16xi32>
        %bitcast_convert_type3A_884 = tpu.bitcast %shift_left3A_883 : vector<16xi32> -> vector<16xf32>
        %bitcast_convert_type3A_885 = tpu.bitcast %get3A_880 : vector<16xi32> -> vector<16xf32>
        %mul3A_886 = arith.constant 16 : i32
        %mul3A_887 = arith.muli %add3A_76, %mul3A_886 : i32
        %add3A_888 = arith.constant 3 : i32
        %add3A_889 = arith.addi %mul3A_887, %add3A_888 : i32
        %get3A_890 = arith.index_cast %add3A_889 : i32 to index
        %get3A_891 = arith.constant 48 : index
        %get3A_892 = tpu.vector_load %arg10[%get3A_890, %get3A_891] {strides = array<i32>} : memref<128x64xi32, #tpu.memory_space<vmem>>, vector<1x16xi32>,
        %get3A_893 = vector.shape_cast %get3A_892 : vector<1x16xi32> to vector<16xi32>
        %shift_left3A_894 = arith.constant 16 : i32
        %shift_left3A_895 = vector.broadcast %shift_left3A_894 : i32 to vector<16xi32>
        %shift_left3A_896 = arith.shli %get3A_893, %shift_left3A_895 : vector<16xi32>
        %bitcast_convert_type3A_897 = tpu.bitcast %shift_left3A_896 : vector<16xi32> -> vector<16xf32>
        %bitcast_convert_type3A_898 = tpu.bitcast %get3A_893 : vector<16xi32> -> vector<16xf32>
        %mul3A_899 = arith.constant 16 : i32
        %mul3A_900 = arith.muli %add3A_76, %mul3A_899 : i32
        %add3A_901 = arith.constant 4 : i32
        %add3A_902 = arith.addi %mul3A_900, %add3A_901 : i32
        %get3A_903 = arith.index_cast %add3A_902 : i32 to index
        %get3A_904 = arith.constant 48 : index
        %get3A_905 = tpu.vector_load %arg10[%get3A_903, %get3A_904] {strides = array<i32>} : memref<128x64xi32, #tpu.memory_space<vmem>>, vector<1x16xi32>,
        %get3A_906 = vector.shape_cast %get3A_905 : vector<1x16xi32> to vector<16xi32>
        %shift_left3A_907 = arith.constant 16 : i32
        %shift_left3A_908 = vector.broadcast %shift_left3A_907 : i32 to vector<16xi32>
        %shift_left3A_909 = arith.shli %get3A_906, %shift_left3A_908 : vector<16xi32>
        %bitcast_convert_type3A_910 = tpu.bitcast %shift_left3A_909 : vector<16xi32> -> vector<16xf32>
        %bitcast_convert_type3A_911 = tpu.bitcast %get3A_906 : vector<16xi32> -> vector<16xf32>
        %add3A_912 = arith.addf %bitcast_convert_type3A_858, %bitcast_convert_type3A_910 : vector<16xf32>
        %add3A_913 = arith.addf %bitcast_convert_type3A_859, %bitcast_convert_type3A_911 : vector<16xf32>
        %mul3A_914 = arith.constant 16 : i32
        %mul3A_915 = arith.muli %add3A_76, %mul3A_914 : i32
        %add3A_916 = arith.constant 5 : i32
        %add3A_917 = arith.addi %mul3A_915, %add3A_916 : i32
        %get3A_918 = arith.index_cast %add3A_917 : i32 to index
        %get3A_919 = arith.constant 48 : index
        %get3A_920 = tpu.vector_load %arg10[%get3A_918, %get3A_919] {strides = array<i32>} : memref<128x64xi32, #tpu.memory_space<vmem>>, vector<1x16xi32>,
        %get3A_921 = vector.shape_cast %get3A_920 : vector<1x16xi32> to vector<16xi32>
        %shift_left3A_922 = arith.constant 16 : i32
        %shift_left3A_923 = vector.broadcast %shift_left3A_922 : i32 to vector<16xi32>
        %shift_left3A_924 = arith.shli %get3A_921, %shift_left3A_923 : vector<16xi32>
        %bitcast_convert_type3A_925 = tpu.bitcast %shift_left3A_924 : vector<16xi32> -> vector<16xf32>
        %bitcast_convert_type3A_926 = tpu.bitcast %get3A_921 : vector<16xi32> -> vector<16xf32>
        %add3A_927 = arith.addf %bitcast_convert_type3A_871, %bitcast_convert_type3A_925 : vector<16xf32>
        %add3A_928 = arith.addf %bitcast_convert_type3A_872, %bitcast_convert_type3A_926 : vector<16xf32>
        %mul3A_929 = arith.constant 16 : i32
        %mul3A_930 = arith.muli %add3A_76, %mul3A_929 : i32
        %add3A_931 = arith.constant 6 : i32
        %add3A_932 = arith.addi %mul3A_930, %add3A_931 : i32
        %get3A_933 = arith.index_cast %add3A_932 : i32 to index
        %get3A_934 = arith.constant 48 : index
        %get3A_935 = tpu.vector_load %arg10[%get3A_933, %get3A_934] {strides = array<i32>} : memref<128x64xi32, #tpu.memory_space<vmem>>, vector<1x16xi32>,
        %get3A_936 = vector.shape_cast %get3A_935 : vector<1x16xi32> to vector<16xi32>
        %shift_left3A_937 = arith.constant 16 : i32
        %shift_left3A_938 = vector.broadcast %shift_left3A_937 : i32 to vector<16xi32>
        %shift_left3A_939 = arith.shli %get3A_936, %shift_left3A_938 : vector<16xi32>
        %bitcast_convert_type3A_940 = tpu.bitcast %shift_left3A_939 : vector<16xi32> -> vector<16xf32>
        %bitcast_convert_type3A_941 = tpu.bitcast %get3A_936 : vector<16xi32> -> vector<16xf32>
        %add3A_942 = arith.addf %bitcast_convert_type3A_884, %bitcast_convert_type3A_940 : vector<16xf32>
        %add3A_943 = arith.addf %bitcast_convert_type3A_885, %bitcast_convert_type3A_941 : vector<16xf32>
        %mul3A_944 = arith.constant 16 : i32
        %mul3A_945 = arith.muli %add3A_76, %mul3A_944 : i32
        %add3A_946 = arith.constant 7 : i32
        %add3A_947 = arith.addi %mul3A_945, %add3A_946 : i32
        %get3A_948 = arith.index_cast %add3A_947 : i32 to index
        %get3A_949 = arith.constant 48 : index
        %get3A_950 = tpu.vector_load %arg10[%get3A_948, %get3A_949] {strides = array<i32>} : memref<128x64xi32, #tpu.memory_space<vmem>>, vector<1x16xi32>,
        %get3A_951 = vector.shape_cast %get3A_950 : vector<1x16xi32> to vector<16xi32>
        %shift_left3A_952 = arith.constant 16 : i32
        %shift_left3A_953 = vector.broadcast %shift_left3A_952 : i32 to vector<16xi32>
        %shift_left3A_954 = arith.shli %get3A_951, %shift_left3A_953 : vector<16xi32>
        %bitcast_convert_type3A_955 = tpu.bitcast %shift_left3A_954 : vector<16xi32> -> vector<16xf32>
        %bitcast_convert_type3A_956 = tpu.bitcast %get3A_951 : vector<16xi32> -> vector<16xf32>
        %add3A_957 = arith.addf %bitcast_convert_type3A_897, %bitcast_convert_type3A_955 : vector<16xf32>
        %add3A_958 = arith.addf %bitcast_convert_type3A_898, %bitcast_convert_type3A_956 : vector<16xf32>
        %mul3A_959 = arith.constant 16 : i32
        %mul3A_960 = arith.muli %add3A_76, %mul3A_959 : i32
        %add3A_961 = arith.constant 8 : i32
        %add3A_962 = arith.addi %mul3A_960, %add3A_961 : i32
        %get3A_963 = arith.index_cast %add3A_962 : i32 to index
        %get3A_964 = arith.constant 48 : index
        %get3A_965 = tpu.vector_load %arg10[%get3A_963, %get3A_964] {strides = array<i32>} : memref<128x64xi32, #tpu.memory_space<vmem>>, vector<1x16xi32>,
        %get3A_966 = vector.shape_cast %get3A_965 : vector<1x16xi32> to vector<16xi32>
        %shift_left3A_967 = arith.constant 16 : i32
        %shift_left3A_968 = vector.broadcast %shift_left3A_967 : i32 to vector<16xi32>
        %shift_left3A_969 = arith.shli %get3A_966, %shift_left3A_968 : vector<16xi32>
        %bitcast_convert_type3A_970 = tpu.bitcast %shift_left3A_969 : vector<16xi32> -> vector<16xf32>
        %bitcast_convert_type3A_971 = tpu.bitcast %get3A_966 : vector<16xi32> -> vector<16xf32>
        %add3A_972 = arith.addf %add3A_912, %bitcast_convert_type3A_970 : vector<16xf32>
        %add3A_973 = arith.addf %add3A_913, %bitcast_convert_type3A_971 : vector<16xf32>
        %mul3A_974 = arith.constant 16 : i32
        %mul3A_975 = arith.muli %add3A_76, %mul3A_974 : i32
        %add3A_976 = arith.constant 9 : i32
        %add3A_977 = arith.addi %mul3A_975, %add3A_976 : i32
        %get3A_978 = arith.index_cast %add3A_977 : i32 to index
        %get3A_979 = arith.constant 48 : index
        %get3A_980 = tpu.vector_load %arg10[%get3A_978, %get3A_979] {strides = array<i32>} : memref<128x64xi32, #tpu.memory_space<vmem>>, vector<1x16xi32>,
        %get3A_981 = vector.shape_cast %get3A_980 : vector<1x16xi32> to vector<16xi32>
        %shift_left3A_982 = arith.constant 16 : i32
        %shift_left3A_983 = vector.broadcast %shift_left3A_982 : i32 to vector<16xi32>
        %shift_left3A_984 = arith.shli %get3A_981, %shift_left3A_983 : vector<16xi32>
        %bitcast_convert_type3A_985 = tpu.bitcast %shift_left3A_984 : vector<16xi32> -> vector<16xf32>
        %bitcast_convert_type3A_986 = tpu.bitcast %get3A_981 : vector<16xi32> -> vector<16xf32>
        %add3A_987 = arith.addf %add3A_927, %bitcast_convert_type3A_985 : vector<16xf32>
        %add3A_988 = arith.addf %add3A_928, %bitcast_convert_type3A_986 : vector<16xf32>
        %mul3A_989 = arith.constant 16 : i32
        %mul3A_990 = arith.muli %add3A_76, %mul3A_989 : i32
        %add3A_991 = arith.constant 10 : i32
        %add3A_992 = arith.addi %mul3A_990, %add3A_991 : i32
        %get3A_993 = arith.index_cast %add3A_992 : i32 to index
        %get3A_994 = arith.constant 48 : index
        %get3A_995 = tpu.vector_load %arg10[%get3A_993, %get3A_994] {strides = array<i32>} : memref<128x64xi32, #tpu.memory_space<vmem>>, vector<1x16xi32>,
        %get3A_996 = vector.shape_cast %get3A_995 : vector<1x16xi32> to vector<16xi32>
        %shift_left3A_997 = arith.constant 16 : i32
        %shift_left3A_998 = vector.broadcast %shift_left3A_997 : i32 to vector<16xi32>
        %shift_left3A_999 = arith.shli %get3A_996, %shift_left3A_998 : vector<16xi32>
        %bitcast_convert_type3A_1000 = tpu.bitcast %shift_left3A_999 : vector<16xi32> -> vector<16xf32>
        %bitcast_convert_type3A_1001 = tpu.bitcast %get3A_996 : vector<16xi32> -> vector<16xf32>
        %add3A_1002 = arith.addf %add3A_942, %bitcast_convert_type3A_1000 : vector<16xf32>
        %add3A_1003 = arith.addf %add3A_943, %bitcast_convert_type3A_1001 : vector<16xf32>
        %mul3A_1004 = arith.constant 16 : i32
        %mul3A_1005 = arith.muli %add3A_76, %mul3A_1004 : i32
        %add3A_1006 = arith.constant 11 : i32
        %add3A_1007 = arith.addi %mul3A_1005, %add3A_1006 : i32
        %get3A_1008 = arith.index_cast %add3A_1007 : i32 to index
        %get3A_1009 = arith.constant 48 : index
        %get3A_1010 = tpu.vector_load %arg10[%get3A_1008, %get3A_1009] {strides = array<i32>} : memref<128x64xi32, #tpu.memory_space<vmem>>, vector<1x16xi32>,
        %get3A_1011 = vector.shape_cast %get3A_1010 : vector<1x16xi32> to vector<16xi32>
        %shift_left3A_1012 = arith.constant 16 : i32
        %shift_left3A_1013 = vector.broadcast %shift_left3A_1012 : i32 to vector<16xi32>
        %shift_left3A_1014 = arith.shli %get3A_1011, %shift_left3A_1013 : vector<16xi32>
        %bitcast_convert_type3A_1015 = tpu.bitcast %shift_left3A_1014 : vector<16xi32> -> vector<16xf32>
        %bitcast_convert_type3A_1016 = tpu.bitcast %get3A_1011 : vector<16xi32> -> vector<16xf32>
        %add3A_1017 = arith.addf %add3A_957, %bitcast_convert_type3A_1015 : vector<16xf32>
        %add3A_1018 = arith.addf %add3A_958, %bitcast_convert_type3A_1016 : vector<16xf32>
        %mul3A_1019 = arith.constant 16 : i32
        %mul3A_1020 = arith.muli %add3A_76, %mul3A_1019 : i32
        %add3A_1021 = arith.constant 12 : i32
        %add3A_1022 = arith.addi %mul3A_1020, %add3A_1021 : i32
        %get3A_1023 = arith.index_cast %add3A_1022 : i32 to index
        %get3A_1024 = arith.constant 48 : index
        %get3A_1025 = tpu.vector_load %arg10[%get3A_1023, %get3A_1024] {strides = array<i32>} : memref<128x64xi32, #tpu.memory_space<vmem>>, vector<1x16xi32>,
        %get3A_1026 = vector.shape_cast %get3A_1025 : vector<1x16xi32> to vector<16xi32>
        %shift_left3A_1027 = arith.constant 16 : i32
        %shift_left3A_1028 = vector.broadcast %shift_left3A_1027 : i32 to vector<16xi32>
        %shift_left3A_1029 = arith.shli %get3A_1026, %shift_left3A_1028 : vector<16xi32>
        %bitcast_convert_type3A_1030 = tpu.bitcast %shift_left3A_1029 : vector<16xi32> -> vector<16xf32>
        %bitcast_convert_type3A_1031 = tpu.bitcast %get3A_1026 : vector<16xi32> -> vector<16xf32>
        %add3A_1032 = arith.addf %add3A_972, %bitcast_convert_type3A_1030 : vector<16xf32>
        %add3A_1033 = arith.addf %add3A_973, %bitcast_convert_type3A_1031 : vector<16xf32>
        %mul3A_1034 = arith.constant 16 : i32
        %mul3A_1035 = arith.muli %add3A_76, %mul3A_1034 : i32
        %add3A_1036 = arith.constant 13 : i32
        %add3A_1037 = arith.addi %mul3A_1035, %add3A_1036 : i32
        %get3A_1038 = arith.index_cast %add3A_1037 : i32 to index
        %get3A_1039 = arith.constant 48 : index
        %get3A_1040 = tpu.vector_load %arg10[%get3A_1038, %get3A_1039] {strides = array<i32>} : memref<128x64xi32, #tpu.memory_space<vmem>>, vector<1x16xi32>,
        %get3A_1041 = vector.shape_cast %get3A_1040 : vector<1x16xi32> to vector<16xi32>
        %shift_left3A_1042 = arith.constant 16 : i32
        %shift_left3A_1043 = vector.broadcast %shift_left3A_1042 : i32 to vector<16xi32>
        %shift_left3A_1044 = arith.shli %get3A_1041, %shift_left3A_1043 : vector<16xi32>
        %bitcast_convert_type3A_1045 = tpu.bitcast %shift_left3A_1044 : vector<16xi32> -> vector<16xf32>
        %bitcast_convert_type3A_1046 = tpu.bitcast %get3A_1041 : vector<16xi32> -> vector<16xf32>
        %add3A_1047 = arith.addf %add3A_987, %bitcast_convert_type3A_1045 : vector<16xf32>
        %add3A_1048 = arith.addf %add3A_988, %bitcast_convert_type3A_1046 : vector<16xf32>
        %mul3A_1049 = arith.constant 16 : i32
        %mul3A_1050 = arith.muli %add3A_76, %mul3A_1049 : i32
        %add3A_1051 = arith.constant 14 : i32
        %add3A_1052 = arith.addi %mul3A_1050, %add3A_1051 : i32
        %get3A_1053 = arith.index_cast %add3A_1052 : i32 to index
        %get3A_1054 = arith.constant 48 : index
        %get3A_1055 = tpu.vector_load %arg10[%get3A_1053, %get3A_1054] {strides = array<i32>} : memref<128x64xi32, #tpu.memory_space<vmem>>, vector<1x16xi32>,
        %get3A_1056 = vector.shape_cast %get3A_1055 : vector<1x16xi32> to vector<16xi32>
        %shift_left3A_1057 = arith.constant 16 : i32
        %shift_left3A_1058 = vector.broadcast %shift_left3A_1057 : i32 to vector<16xi32>
        %shift_left3A_1059 = arith.shli %get3A_1056, %shift_left3A_1058 : vector<16xi32>
        %bitcast_convert_type3A_1060 = tpu.bitcast %shift_left3A_1059 : vector<16xi32> -> vector<16xf32>
        %bitcast_convert_type3A_1061 = tpu.bitcast %get3A_1056 : vector<16xi32> -> vector<16xf32>
        %add3A_1062 = arith.addf %add3A_1002, %bitcast_convert_type3A_1060 : vector<16xf32>
        %add3A_1063 = arith.addf %add3A_1003, %bitcast_convert_type3A_1061 : vector<16xf32>
        %mul3A_1064 = arith.constant 16 : i32
        %mul3A_1065 = arith.muli %add3A_76, %mul3A_1064 : i32
        %add3A_1066 = arith.constant 15 : i32
        %add3A_1067 = arith.addi %mul3A_1065, %add3A_1066 : i32
        %get3A_1068 = arith.index_cast %add3A_1067 : i32 to index
        %get3A_1069 = arith.constant 48 : index
        %get3A_1070 = tpu.vector_load %arg10[%get3A_1068, %get3A_1069] {strides = array<i32>} : memref<128x64xi32, #tpu.memory_space<vmem>>, vector<1x16xi32>,
        %get3A_1071 = vector.shape_cast %get3A_1070 : vector<1x16xi32> to vector<16xi32>
        %shift_left3A_1072 = arith.constant 16 : i32
        %shift_left3A_1073 = vector.broadcast %shift_left3A_1072 : i32 to vector<16xi32>
        %shift_left3A_1074 = arith.shli %get3A_1071, %shift_left3A_1073 : vector<16xi32>
        %bitcast_convert_type3A_1075 = tpu.bitcast %shift_left3A_1074 : vector<16xi32> -> vector<16xf32>
        %bitcast_convert_type3A_1076 = tpu.bitcast %get3A_1071 : vector<16xi32> -> vector<16xf32>
        %add3A_1077 = arith.addf %add3A_1017, %bitcast_convert_type3A_1075 : vector<16xf32>
        %add3A_1078 = arith.addf %add3A_1018, %bitcast_convert_type3A_1076 : vector<16xf32>
        %add3A_1079 = arith.addf %add3A_1032, %add3A_1047 : vector<16xf32>
        %add3A_1080 = arith.addf %add3A_1062, %add3A_1077 : vector<16xf32>
        %add3A_1081 = arith.addf %add3A_1079, %add3A_1080 : vector<16xf32>
        %add3A_1082 = arith.addf %add3A_1033, %add3A_1048 : vector<16xf32>
        %add3A_1083 = arith.addf %add3A_1063, %add3A_1078 : vector<16xf32>
        %add3A_1084 = arith.addf %add3A_1082, %add3A_1083 : vector<16xf32>
        %get3A_1085 = arith.index_cast %add3A_76 : i32 to index
        %get3A_1086 = arith.constant 48 : index
        %get3A_1087 = tpu.vector_load %arg11[%get3A_1085, %get3A_1086] {strides = array<i32>} : memref<8x128xf32, #tpu.memory_space<vmem>>, vector<1x16xf32>,
        %get3A_1088 = vector.shape_cast %get3A_1087 : vector<1x16xf32> to vector<16xf32>
        %add3A_1089 = arith.addf %get3A_1088, %add3A_1081 : vector<16xf32>
        %swap3A_1090 = arith.index_cast %add3A_76 : i32 to index
        %swap3A_1091 = arith.constant 48 : index
        %swap3A_1092 = tpu.vector_load %arg11[%swap3A_1090, %swap3A_1091] {strides = array<i32>} : memref<8x128xf32, #tpu.memory_space<vmem>>, vector<1x16xf32>,
        %swap3A_1093 = vector.shape_cast %swap3A_1092 : vector<1x16xf32> to vector<16xf32>
        %swap3A_1094 = vector.shape_cast %add3A_1089 : vector<16xf32> to vector<1x16xf32>
        tpu.vector_store %arg11[%swap3A_1090, %swap3A_1091], %swap3A_1094 {strides = array<i32>} : memref<8x128xf32, #tpu.memory_space<vmem>>, vector<1x16xf32>,
        %get3A_1095 = arith.index_cast %add3A_76 : i32 to index
        %get3A_1096 = arith.constant 112 : index
        %get3A_1097 = tpu.vector_load %arg11[%get3A_1095, %get3A_1096] {strides = array<i32>} : memref<8x128xf32, #tpu.memory_space<vmem>>, vector<1x16xf32>,
        %get3A_1098 = vector.shape_cast %get3A_1097 : vector<1x16xf32> to vector<16xf32>
        %add3A_1099 = arith.addf %get3A_1098, %add3A_1084 : vector<16xf32>
        %swap3A_1100 = arith.index_cast %add3A_76 : i32 to index
        %swap3A_1101 = arith.constant 112 : index
        %swap3A_1102 = tpu.vector_load %arg11[%swap3A_1100, %swap3A_1101] {strides = array<i32>} : memref<8x128xf32, #tpu.memory_space<vmem>>, vector<1x16xf32>,
        %swap3A_1103 = vector.shape_cast %swap3A_1102 : vector<1x16xf32> to vector<16xf32>
        %swap3A_1104 = vector.shape_cast %add3A_1099 : vector<16xf32> to vector<1x16xf32>
        tpu.vector_store %arg11[%swap3A_1100, %swap3A_1101], %swap3A_1104 {strides = array<i32>} : memref<8x128xf32, #tpu.memory_space<vmem>>, vector<1x16xf32>,
      }
      %scan3A_60 = arith.constant 8 : i32
      %add3A_61 = arith.constant 1 : i32
      %add3A_62 = arith.addi %add3A_30, %add3A_61 : i32
      %lt3A_63 = arith.cmpi slt, %add3A_62, %add3A_4 : i32
      %convert_element_type3A_64 = arith.extui %lt3A_63 : i1 to i32
      %cond3A_65 = arith.constant 0 : i32
      %cond3A_66 = arith.cmpi ne, %convert_element_type3A_64, %cond3A_65 : i32
      scf.if %cond3A_66 {
        %mul3A_72 = arith.constant 8 : i32
        %mul3A_73 = arith.muli %add3A_35, %mul3A_72 : i32
        %mul3A_74 = arith.constant 16 : i32
        %mul3A_75 = arith.muli %mul3A_73, %mul3A_74 : i32
        "tpu.region"() ({
          %run_scoped3A = tpu.sem_alloc : memref<!tpu.dma_semaphore, #tpu.memory_space<semaphore_mem>>
          %dma_start3A_79 = tpu.memref_slice %arg5[%mul3A_75] : memref<160000xi32, #tpu.memory_space<hbm>> -> memref<128xi32, #tpu.memory_space<hbm>>
          %dma_start3A_80 = tpu.memref_slice %arg5[%mul3A_75] : memref<160000xi32, #tpu.memory_space<hbm>> -> memref<128xi32, #tpu.memory_space<hbm>>
          tpu.enqueue_dma source(%dma_start3A_80 : memref<128xi32, #tpu.memory_space<hbm>>) target(%arg9 : memref<128xi32, #tpu.memory_space<vmem>>) target_semaphore(%run_scoped3A : memref<!tpu.dma_semaphore, #tpu.memory_space<semaphore_mem>>)
          %dma_wait3A_81 = tpu.memref_slice %arg5[%mul3A_75] : memref<160000xi32, #tpu.memory_space<hbm>> -> memref<128xi32, #tpu.memory_space<hbm>>
          %dma_wait3A_82 = tpu.memref_slice %arg5[%mul3A_75] : memref<160000xi32, #tpu.memory_space<hbm>> -> memref<128xi32, #tpu.memory_space<hbm>>
          tpu.wait_dma2 semaphore(%run_scoped3A : memref<!tpu.dma_semaphore, #tpu.memory_space<semaphore_mem>>) src(%dma_wait3A_82 : memref<128xi32, #tpu.memory_space<hbm>>) dst(%arg9 : memref<128xi32, #tpu.memory_space<vmem>>)
          tpu.yield
        }) : () -> ()
        %dma_start3A_76 = arith.constant 0 : i32
        %dma_start3A_77 = arith.constant 0 : i32
        %dma_start3A_78 = tpu.memref_slice %arg3[%dma_start3A_76, %dma_start3A_77] : memref<10000x64xi32, #tpu.memory_space<hbm>> -> memref<10000x64xi32, #tpu.memory_space<hbm>>
        tpu.enqueue_indirect_dma source(%dma_start3A_78 : memref<10000x64xi32, #tpu.memory_space<hbm>>) target(%arg10 : memref<128x64xi32, #tpu.memory_space<vmem>>) offsets(%arg9 : memref<128xi32, #tpu.memory_space<vmem>>) semaphore(%arg13 : memref<!tpu.dma_semaphore, #tpu.memory_space<semaphore_mem>>)
      } else {
      }
      %mul3A_67 = arith.constant 8 : i32
      %mul3A_68 = arith.muli %add3A_33, %mul3A_67 : i32
      %dma_start3A = arith.constant 0 : i32
      %dma_start3A_69 = tpu.memref_slice %arg6[%mul3A_68, %dma_start3A] : memref<10000x128xf32, #tpu.memory_space<hbm>> -> memref<8x128xf32, #tpu.memory_space<hbm>>
      %dma_start3A_70 = arith.constant 0 : i32
      %dma_start3A_71 = tpu.memref_slice %arg6[%mul3A_68, %dma_start3A_70] : memref<10000x128xf32, #tpu.memory_space<hbm>> -> memref<8x128xf32, #tpu.memory_space<hbm>>
      tpu.enqueue_dma source(%arg11 : memref<8x128xf32, #tpu.memory_space<vmem>>) target(%dma_start3A_71 : memref<8x128xf32, #tpu.memory_space<hbm>>) target_semaphore(%arg14 : memref<!tpu.dma_semaphore, #tpu.memory_space<semaphore_mem>>)
    }
    %while3A_22 = arith.constant 1 : i32
    scf.for %while3A_28 = %while3A_20 to %while3A_16 step %while3A_22  : i32 {
      %mul3A_29 = arith.muli %while3A_28, %while3A : i32
      %add3A_30 = arith.addi %while3A_13, %mul3A_29 : i32
      %mul3A_31 = arith.constant 32 : i32
      %mul3A_32 = arith.muli %add3A_30, %mul3A_31 : i32
      %add3A_33 = arith.addi %add3A, %mul3A_32 : i32
      %add3A_34 = arith.constant 32 : i32
      %add3A_35 = arith.addi %add3A_33, %add3A_34 : i32
      %dma_wait3A = arith.constant 0 : i32
      %dma_wait3A_36 = arith.constant 0 : i32
      %dma_wait3A_37 = tpu.memref_slice %arg2[%dma_wait3A, %dma_wait3A_36] : memref<10000x64xi32, #tpu.memory_space<hbm>> -> memref<10000x64xi32, #tpu.memory_space<hbm>>
      tpu.wait_indirect_dma semaphore(%arg12 : memref<!tpu.dma_semaphore, #tpu.memory_space<semaphore_mem>>) src(%dma_wait3A_37 : memref<10000x64xi32, #tpu.memory_space<hbm>>) dst(%arg8 : memref<128x64xi32, #tpu.memory_space<vmem>>)
      %gt3A_38 = arith.constant 0 : i32
      %gt3A_39 = arith.cmpi sgt, %add3A_30, %gt3A_38 : i32
      %convert_element_type3A_40 = arith.extui %gt3A_39 : i1 to i32
      %cond3A_41 = arith.constant 0 : i32
      %cond3A_42 = arith.cmpi ne, %convert_element_type3A_40, %cond3A_41 : i32
      scf.if %cond3A_42 {
        %sub3A_72 = arith.constant 32 : i32
        %sub3A_73 = arith.subi %add3A_33, %sub3A_72 : i32
        %mul3A_74 = arith.constant 8 : i32
        %mul3A_75 = arith.muli %sub3A_73, %mul3A_74 : i32
        %dma_wait3A_76 = arith.constant 0 : i32
        %dma_wait3A_77 = tpu.memref_slice %arg6[%mul3A_75, %dma_wait3A_76] : memref<10000x128xf32, #tpu.memory_space<hbm>> -> memref<8x128xf32, #tpu.memory_space<hbm>>
        %dma_wait3A_78 = arith.constant 0 : i32
        %dma_wait3A_79 = tpu.memref_slice %arg6[%mul3A_75, %dma_wait3A_78] : memref<10000x128xf32, #tpu.memory_space<hbm>> -> memref<8x128xf32, #tpu.memory_space<hbm>>
        tpu.wait_dma2 semaphore(%arg14 : memref<!tpu.dma_semaphore, #tpu.memory_space<semaphore_mem>>) src(%arg11 : memref<8x128xf32, #tpu.memory_space<vmem>>) dst(%dma_wait3A_79 : memref<8x128xf32, #tpu.memory_space<hbm>>)
      } else {
      }
      %scan3A = arith.constant 0 : i32
      %scan3A_43 = arith.constant 8 : i32
      %scan3A_44 = arith.addi %scan3A, %scan3A_43 : i32
      %scan3A_45 = arith.constant 1 : i32
      scf.for %scan3A_72 = %scan3A to %scan3A_44 step %scan3A_45  : i32 {
        %mul3A_73 = arith.constant 1 : i32
        %mul3A_74 = arith.muli %scan3A_72, %mul3A_73 : i32
        %add3A_75 = arith.constant 0 : i32
        %add3A_76 = arith.addi %add3A_75, %mul3A_74 : i32
        %mul3A_77 = arith.constant 16 : i32
        %mul3A_78 = arith.muli %add3A_76, %mul3A_77 : i32
        %add3A_79 = arith.constant 0 : i32
        %add3A_80 = arith.addi %mul3A_78, %add3A_79 : i32
        %get3A = arith.index_cast %add3A_80 : i32 to index
        %get3A_81 = arith.constant 0 : index
        %get3A_82 = tpu.vector_load %arg8[%get3A, %get3A_81] {strides = array<i32>} : memref<128x64xi32, #tpu.memory_space<vmem>>, vector<1x16xi32>,
        %get3A_83 = vector.shape_cast %get3A_82 : vector<1x16xi32> to vector<16xi32>
        %shift_left3A = arith.constant 16 : i32
        %shift_left3A_84 = vector.broadcast %shift_left3A : i32 to vector<16xi32>
        %shift_left3A_85 = arith.shli %get3A_83, %shift_left3A_84 : vector<16xi32>
        %bitcast_convert_type3A = tpu.bitcast %shift_left3A_85 : vector<16xi32> -> vector<16xf32>
        %bitcast_convert_type3A_86 = tpu.bitcast %get3A_83 : vector<16xi32> -> vector<16xf32>
        %mul3A_87 = arith.constant 16 : i32
        %mul3A_88 = arith.muli %add3A_76, %mul3A_87 : i32
        %add3A_89 = arith.constant 1 : i32
        %add3A_90 = arith.addi %mul3A_88, %add3A_89 : i32
        %get3A_91 = arith.index_cast %add3A_90 : i32 to index
        %get3A_92 = arith.constant 0 : index
        %get3A_93 = tpu.vector_load %arg8[%get3A_91, %get3A_92] {strides = array<i32>} : memref<128x64xi32, #tpu.memory_space<vmem>>, vector<1x16xi32>,
        %get3A_94 = vector.shape_cast %get3A_93 : vector<1x16xi32> to vector<16xi32>
        %shift_left3A_95 = arith.constant 16 : i32
        %shift_left3A_96 = vector.broadcast %shift_left3A_95 : i32 to vector<16xi32>
        %shift_left3A_97 = arith.shli %get3A_94, %shift_left3A_96 : vector<16xi32>
        %bitcast_convert_type3A_98 = tpu.bitcast %shift_left3A_97 : vector<16xi32> -> vector<16xf32>
        %bitcast_convert_type3A_99 = tpu.bitcast %get3A_94 : vector<16xi32> -> vector<16xf32>
        %mul3A_100 = arith.constant 16 : i32
        %mul3A_101 = arith.muli %add3A_76, %mul3A_100 : i32
        %add3A_102 = arith.constant 2 : i32
        %add3A_103 = arith.addi %mul3A_101, %add3A_102 : i32
        %get3A_104 = arith.index_cast %add3A_103 : i32 to index
        %get3A_105 = arith.constant 0 : index
        %get3A_106 = tpu.vector_load %arg8[%get3A_104, %get3A_105] {strides = array<i32>} : memref<128x64xi32, #tpu.memory_space<vmem>>, vector<1x16xi32>,
        %get3A_107 = vector.shape_cast %get3A_106 : vector<1x16xi32> to vector<16xi32>
        %shift_left3A_108 = arith.constant 16 : i32
        %shift_left3A_109 = vector.broadcast %shift_left3A_108 : i32 to vector<16xi32>
        %shift_left3A_110 = arith.shli %get3A_107, %shift_left3A_109 : vector<16xi32>
        %bitcast_convert_type3A_111 = tpu.bitcast %shift_left3A_110 : vector<16xi32> -> vector<16xf32>
        %bitcast_convert_type3A_112 = tpu.bitcast %get3A_107 : vector<16xi32> -> vector<16xf32>
        %mul3A_113 = arith.constant 16 : i32
        %mul3A_114 = arith.muli %add3A_76, %mul3A_113 : i32
        %add3A_115 = arith.constant 3 : i32
        %add3A_116 = arith.addi %mul3A_114, %add3A_115 : i32
        %get3A_117 = arith.index_cast %add3A_116 : i32 to index
        %get3A_118 = arith.constant 0 : index
        %get3A_119 = tpu.vector_load %arg8[%get3A_117, %get3A_118] {strides = array<i32>} : memref<128x64xi32, #tpu.memory_space<vmem>>, vector<1x16xi32>,
        %get3A_120 = vector.shape_cast %get3A_119 : vector<1x16xi32> to vector<16xi32>
        %shift_left3A_121 = arith.constant 16 : i32
        %shift_left3A_122 = vector.broadcast %shift_left3A_121 : i32 to vector<16xi32>
        %shift_left3A_123 = arith.shli %get3A_120, %shift_left3A_122 : vector<16xi32>
        %bitcast_convert_type3A_124 = tpu.bitcast %shift_left3A_123 : vector<16xi32> -> vector<16xf32>
        %bitcast_convert_type3A_125 = tpu.bitcast %get3A_120 : vector<16xi32> -> vector<16xf32>
        %mul3A_126 = arith.constant 16 : i32
        %mul3A_127 = arith.muli %add3A_76, %mul3A_126 : i32
        %add3A_128 = arith.constant 4 : i32
        %add3A_129 = arith.addi %mul3A_127, %add3A_128 : i32
        %get3A_130 = arith.index_cast %add3A_129 : i32 to index
        %get3A_131 = arith.constant 0 : index
        %get3A_132 = tpu.vector_load %arg8[%get3A_130, %get3A_131] {strides = array<i32>} : memref<128x64xi32, #tpu.memory_space<vmem>>, vector<1x16xi32>,
        %get3A_133 = vector.shape_cast %get3A_132 : vector<1x16xi32> to vector<16xi32>
        %shift_left3A_134 = arith.constant 16 : i32
        %shift_left3A_135 = vector.broadcast %shift_left3A_134 : i32 to vector<16xi32>
        %shift_left3A_136 = arith.shli %get3A_133, %shift_left3A_135 : vector<16xi32>
        %bitcast_convert_type3A_137 = tpu.bitcast %shift_left3A_136 : vector<16xi32> -> vector<16xf32>
        %bitcast_convert_type3A_138 = tpu.bitcast %get3A_133 : vector<16xi32> -> vector<16xf32>
        %add3A_139 = arith.addf %bitcast_convert_type3A, %bitcast_convert_type3A_137 : vector<16xf32>
        %add3A_140 = arith.addf %bitcast_convert_type3A_86, %bitcast_convert_type3A_138 : vector<16xf32>
        %mul3A_141 = arith.constant 16 : i32
        %mul3A_142 = arith.muli %add3A_76, %mul3A_141 : i32
        %add3A_143 = arith.constant 5 : i32
        %add3A_144 = arith.addi %mul3A_142, %add3A_143 : i32
        %get3A_145 = arith.index_cast %add3A_144 : i32 to index
        %get3A_146 = arith.constant 0 : index
        %get3A_147 = tpu.vector_load %arg8[%get3A_145, %get3A_146] {strides = array<i32>} : memref<128x64xi32, #tpu.memory_space<vmem>>, vector<1x16xi32>,
        %get3A_148 = vector.shape_cast %get3A_147 : vector<1x16xi32> to vector<16xi32>
        %shift_left3A_149 = arith.constant 16 : i32
        %shift_left3A_150 = vector.broadcast %shift_left3A_149 : i32 to vector<16xi32>
        %shift_left3A_151 = arith.shli %get3A_148, %shift_left3A_150 : vector<16xi32>
        %bitcast_convert_type3A_152 = tpu.bitcast %shift_left3A_151 : vector<16xi32> -> vector<16xf32>
        %bitcast_convert_type3A_153 = tpu.bitcast %get3A_148 : vector<16xi32> -> vector<16xf32>
        %add3A_154 = arith.addf %bitcast_convert_type3A_98, %bitcast_convert_type3A_152 : vector<16xf32>
        %add3A_155 = arith.addf %bitcast_convert_type3A_99, %bitcast_convert_type3A_153 : vector<16xf32>
        %mul3A_156 = arith.constant 16 : i32
        %mul3A_157 = arith.muli %add3A_76, %mul3A_156 : i32
        %add3A_158 = arith.constant 6 : i32
        %add3A_159 = arith.addi %mul3A_157, %add3A_158 : i32
        %get3A_160 = arith.index_cast %add3A_159 : i32 to index
        %get3A_161 = arith.constant 0 : index
        %get3A_162 = tpu.vector_load %arg8[%get3A_160, %get3A_161] {strides = array<i32>} : memref<128x64xi32, #tpu.memory_space<vmem>>, vector<1x16xi32>,
        %get3A_163 = vector.shape_cast %get3A_162 : vector<1x16xi32> to vector<16xi32>
        %shift_left3A_164 = arith.constant 16 : i32
        %shift_left3A_165 = vector.broadcast %shift_left3A_164 : i32 to vector<16xi32>
        %shift_left3A_166 = arith.shli %get3A_163, %shift_left3A_165 : vector<16xi32>
        %bitcast_convert_type3A_167 = tpu.bitcast %shift_left3A_166 : vector<16xi32> -> vector<16xf32>
        %bitcast_convert_type3A_168 = tpu.bitcast %get3A_163 : vector<16xi32> -> vector<16xf32>
        %add3A_169 = arith.addf %bitcast_convert_type3A_111, %bitcast_convert_type3A_167 : vector<16xf32>
        %add3A_170 = arith.addf %bitcast_convert_type3A_112, %bitcast_convert_type3A_168 : vector<16xf32>
        %mul3A_171 = arith.constant 16 : i32
        %mul3A_172 = arith.muli %add3A_76, %mul3A_171 : i32
        %add3A_173 = arith.constant 7 : i32
        %add3A_174 = arith.addi %mul3A_172, %add3A_173 : i32
        %get3A_175 = arith.index_cast %add3A_174 : i32 to index
        %get3A_176 = arith.constant 0 : index
        %get3A_177 = tpu.vector_load %arg8[%get3A_175, %get3A_176] {strides = array<i32>} : memref<128x64xi32, #tpu.memory_space<vmem>>, vector<1x16xi32>,
        %get3A_178 = vector.shape_cast %get3A_177 : vector<1x16xi32> to vector<16xi32>
        %shift_left3A_179 = arith.constant 16 : i32
        %shift_left3A_180 = vector.broadcast %shift_left3A_179 : i32 to vector<16xi32>
        %shift_left3A_181 = arith.shli %get3A_178, %shift_left3A_180 : vector<16xi32>
        %bitcast_convert_type3A_182 = tpu.bitcast %shift_left3A_181 : vector<16xi32> -> vector<16xf32>
        %bitcast_convert_type3A_183 = tpu.bitcast %get3A_178 : vector<16xi32> -> vector<16xf32>
        %add3A_184 = arith.addf %bitcast_convert_type3A_124, %bitcast_convert_type3A_182 : vector<16xf32>
        %add3A_185 = arith.addf %bitcast_convert_type3A_125, %bitcast_convert_type3A_183 : vector<16xf32>
        %mul3A_186 = arith.constant 16 : i32
        %mul3A_187 = arith.muli %add3A_76, %mul3A_186 : i32
        %add3A_188 = arith.constant 8 : i32
        %add3A_189 = arith.addi %mul3A_187, %add3A_188 : i32
        %get3A_190 = arith.index_cast %add3A_189 : i32 to index
        %get3A_191 = arith.constant 0 : index
        %get3A_192 = tpu.vector_load %arg8[%get3A_190, %get3A_191] {strides = array<i32>} : memref<128x64xi32, #tpu.memory_space<vmem>>, vector<1x16xi32>,
        %get3A_193 = vector.shape_cast %get3A_192 : vector<1x16xi32> to vector<16xi32>
        %shift_left3A_194 = arith.constant 16 : i32
        %shift_left3A_195 = vector.broadcast %shift_left3A_194 : i32 to vector<16xi32>
        %shift_left3A_196 = arith.shli %get3A_193, %shift_left3A_195 : vector<16xi32>
        %bitcast_convert_type3A_197 = tpu.bitcast %shift_left3A_196 : vector<16xi32> -> vector<16xf32>
        %bitcast_convert_type3A_198 = tpu.bitcast %get3A_193 : vector<16xi32> -> vector<16xf32>
        %add3A_199 = arith.addf %add3A_139, %bitcast_convert_type3A_197 : vector<16xf32>
        %add3A_200 = arith.addf %add3A_140, %bitcast_convert_type3A_198 : vector<16xf32>
        %mul3A_201 = arith.constant 16 : i32
        %mul3A_202 = arith.muli %add3A_76, %mul3A_201 : i32
        %add3A_203 = arith.constant 9 : i32
        %add3A_204 = arith.addi %mul3A_202, %add3A_203 : i32
        %get3A_205 = arith.index_cast %add3A_204 : i32 to index
        %get3A_206 = arith.constant 0 : index
        %get3A_207 = tpu.vector_load %arg8[%get3A_205, %get3A_206] {strides = array<i32>} : memref<128x64xi32, #tpu.memory_space<vmem>>, vector<1x16xi32>,
        %get3A_208 = vector.shape_cast %get3A_207 : vector<1x16xi32> to vector<16xi32>
        %shift_left3A_209 = arith.constant 16 : i32
        %shift_left3A_210 = vector.broadcast %shift_left3A_209 : i32 to vector<16xi32>
        %shift_left3A_211 = arith.shli %get3A_208, %shift_left3A_210 : vector<16xi32>
        %bitcast_convert_type3A_212 = tpu.bitcast %shift_left3A_211 : vector<16xi32> -> vector<16xf32>
        %bitcast_convert_type3A_213 = tpu.bitcast %get3A_208 : vector<16xi32> -> vector<16xf32>
        %add3A_214 = arith.addf %add3A_154, %bitcast_convert_type3A_212 : vector<16xf32>
        %add3A_215 = arith.addf %add3A_155, %bitcast_convert_type3A_213 : vector<16xf32>
        %mul3A_216 = arith.constant 16 : i32
        %mul3A_217 = arith.muli %add3A_76, %mul3A_216 : i32
        %add3A_218 = arith.constant 10 : i32
        %add3A_219 = arith.addi %mul3A_217, %add3A_218 : i32
        %get3A_220 = arith.index_cast %add3A_219 : i32 to index
        %get3A_221 = arith.constant 0 : index
        %get3A_222 = tpu.vector_load %arg8[%get3A_220, %get3A_221] {strides = array<i32>} : memref<128x64xi32, #tpu.memory_space<vmem>>, vector<1x16xi32>,
        %get3A_223 = vector.shape_cast %get3A_222 : vector<1x16xi32> to vector<16xi32>
        %shift_left3A_224 = arith.constant 16 : i32
        %shift_left3A_225 = vector.broadcast %shift_left3A_224 : i32 to vector<16xi32>
        %shift_left3A_226 = arith.shli %get3A_223, %shift_left3A_225 : vector<16xi32>
        %bitcast_convert_type3A_227 = tpu.bitcast %shift_left3A_226 : vector<16xi32> -> vector<16xf32>
        %bitcast_convert_type3A_228 = tpu.bitcast %get3A_223 : vector<16xi32> -> vector<16xf32>
        %add3A_229 = arith.addf %add3A_169, %bitcast_convert_type3A_227 : vector<16xf32>
        %add3A_230 = arith.addf %add3A_170, %bitcast_convert_type3A_228 : vector<16xf32>
        %mul3A_231 = arith.constant 16 : i32
        %mul3A_232 = arith.muli %add3A_76, %mul3A_231 : i32
        %add3A_233 = arith.constant 11 : i32
        %add3A_234 = arith.addi %mul3A_232, %add3A_233 : i32
        %get3A_235 = arith.index_cast %add3A_234 : i32 to index
        %get3A_236 = arith.constant 0 : index
        %get3A_237 = tpu.vector_load %arg8[%get3A_235, %get3A_236] {strides = array<i32>} : memref<128x64xi32, #tpu.memory_space<vmem>>, vector<1x16xi32>,
        %get3A_238 = vector.shape_cast %get3A_237 : vector<1x16xi32> to vector<16xi32>
        %shift_left3A_239 = arith.constant 16 : i32
        %shift_left3A_240 = vector.broadcast %shift_left3A_239 : i32 to vector<16xi32>
        %shift_left3A_241 = arith.shli %get3A_238, %shift_left3A_240 : vector<16xi32>
        %bitcast_convert_type3A_242 = tpu.bitcast %shift_left3A_241 : vector<16xi32> -> vector<16xf32>
        %bitcast_convert_type3A_243 = tpu.bitcast %get3A_238 : vector<16xi32> -> vector<16xf32>
        %add3A_244 = arith.addf %add3A_184, %bitcast_convert_type3A_242 : vector<16xf32>
        %add3A_245 = arith.addf %add3A_185, %bitcast_convert_type3A_243 : vector<16xf32>
        %mul3A_246 = arith.constant 16 : i32
        %mul3A_247 = arith.muli %add3A_76, %mul3A_246 : i32
        %add3A_248 = arith.constant 12 : i32
        %add3A_249 = arith.addi %mul3A_247, %add3A_248 : i32
        %get3A_250 = arith.index_cast %add3A_249 : i32 to index
        %get3A_251 = arith.constant 0 : index
        %get3A_252 = tpu.vector_load %arg8[%get3A_250, %get3A_251] {strides = array<i32>} : memref<128x64xi32, #tpu.memory_space<vmem>>, vector<1x16xi32>,
        %get3A_253 = vector.shape_cast %get3A_252 : vector<1x16xi32> to vector<16xi32>
        %shift_left3A_254 = arith.constant 16 : i32
        %shift_left3A_255 = vector.broadcast %shift_left3A_254 : i32 to vector<16xi32>
        %shift_left3A_256 = arith.shli %get3A_253, %shift_left3A_255 : vector<16xi32>
        %bitcast_convert_type3A_257 = tpu.bitcast %shift_left3A_256 : vector<16xi32> -> vector<16xf32>
        %bitcast_convert_type3A_258 = tpu.bitcast %get3A_253 : vector<16xi32> -> vector<16xf32>
        %add3A_259 = arith.addf %add3A_199, %bitcast_convert_type3A_257 : vector<16xf32>
        %add3A_260 = arith.addf %add3A_200, %bitcast_convert_type3A_258 : vector<16xf32>
        %mul3A_261 = arith.constant 16 : i32
        %mul3A_262 = arith.muli %add3A_76, %mul3A_261 : i32
        %add3A_263 = arith.constant 13 : i32
        %add3A_264 = arith.addi %mul3A_262, %add3A_263 : i32
        %get3A_265 = arith.index_cast %add3A_264 : i32 to index
        %get3A_266 = arith.constant 0 : index
        %get3A_267 = tpu.vector_load %arg8[%get3A_265, %get3A_266] {strides = array<i32>} : memref<128x64xi32, #tpu.memory_space<vmem>>, vector<1x16xi32>,
        %get3A_268 = vector.shape_cast %get3A_267 : vector<1x16xi32> to vector<16xi32>
        %shift_left3A_269 = arith.constant 16 : i32
        %shift_left3A_270 = vector.broadcast %shift_left3A_269 : i32 to vector<16xi32>
        %shift_left3A_271 = arith.shli %get3A_268, %shift_left3A_270 : vector<16xi32>
        %bitcast_convert_type3A_272 = tpu.bitcast %shift_left3A_271 : vector<16xi32> -> vector<16xf32>
        %bitcast_convert_type3A_273 = tpu.bitcast %get3A_268 : vector<16xi32> -> vector<16xf32>
        %add3A_274 = arith.addf %add3A_214, %bitcast_convert_type3A_272 : vector<16xf32>
        %add3A_275 = arith.addf %add3A_215, %bitcast_convert_type3A_273 : vector<16xf32>
        %mul3A_276 = arith.constant 16 : i32
        %mul3A_277 = arith.muli %add3A_76, %mul3A_276 : i32
        %add3A_278 = arith.constant 14 : i32
        %add3A_279 = arith.addi %mul3A_277, %add3A_278 : i32
        %get3A_280 = arith.index_cast %add3A_279 : i32 to index
        %get3A_281 = arith.constant 0 : index
        %get3A_282 = tpu.vector_load %arg8[%get3A_280, %get3A_281] {strides = array<i32>} : memref<128x64xi32, #tpu.memory_space<vmem>>, vector<1x16xi32>,
        %get3A_283 = vector.shape_cast %get3A_282 : vector<1x16xi32> to vector<16xi32>
        %shift_left3A_284 = arith.constant 16 : i32
        %shift_left3A_285 = vector.broadcast %shift_left3A_284 : i32 to vector<16xi32>
        %shift_left3A_286 = arith.shli %get3A_283, %shift_left3A_285 : vector<16xi32>
        %bitcast_convert_type3A_287 = tpu.bitcast %shift_left3A_286 : vector<16xi32> -> vector<16xf32>
        %bitcast_convert_type3A_288 = tpu.bitcast %get3A_283 : vector<16xi32> -> vector<16xf32>
        %add3A_289 = arith.addf %add3A_229, %bitcast_convert_type3A_287 : vector<16xf32>
        %add3A_290 = arith.addf %add3A_230, %bitcast_convert_type3A_288 : vector<16xf32>
        %mul3A_291 = arith.constant 16 : i32
        %mul3A_292 = arith.muli %add3A_76, %mul3A_291 : i32
        %add3A_293 = arith.constant 15 : i32
        %add3A_294 = arith.addi %mul3A_292, %add3A_293 : i32
        %get3A_295 = arith.index_cast %add3A_294 : i32 to index
        %get3A_296 = arith.constant 0 : index
        %get3A_297 = tpu.vector_load %arg8[%get3A_295, %get3A_296] {strides = array<i32>} : memref<128x64xi32, #tpu.memory_space<vmem>>, vector<1x16xi32>,
        %get3A_298 = vector.shape_cast %get3A_297 : vector<1x16xi32> to vector<16xi32>
        %shift_left3A_299 = arith.constant 16 : i32
        %shift_left3A_300 = vector.broadcast %shift_left3A_299 : i32 to vector<16xi32>
        %shift_left3A_301 = arith.shli %get3A_298, %shift_left3A_300 : vector<16xi32>
        %bitcast_convert_type3A_302 = tpu.bitcast %shift_left3A_301 : vector<16xi32> -> vector<16xf32>
        %bitcast_convert_type3A_303 = tpu.bitcast %get3A_298 : vector<16xi32> -> vector<16xf32>
        %add3A_304 = arith.addf %add3A_244, %bitcast_convert_type3A_302 : vector<16xf32>
        %add3A_305 = arith.addf %add3A_245, %bitcast_convert_type3A_303 : vector<16xf32>
        %add3A_306 = arith.addf %add3A_259, %add3A_274 : vector<16xf32>
        %add3A_307 = arith.addf %add3A_289, %add3A_304 : vector<16xf32>
        %add3A_308 = arith.addf %add3A_306, %add3A_307 : vector<16xf32>
        %add3A_309 = arith.addf %add3A_260, %add3A_275 : vector<16xf32>
        %add3A_310 = arith.addf %add3A_290, %add3A_305 : vector<16xf32>
        %add3A_311 = arith.addf %add3A_309, %add3A_310 : vector<16xf32>
        %swap3A = arith.index_cast %add3A_76 : i32 to index
        %swap3A_312 = arith.constant 0 : index
        %swap3A_313 = tpu.vector_load %arg11[%swap3A, %swap3A_312] {strides = array<i32>} : memref<8x128xf32, #tpu.memory_space<vmem>>, vector<1x16xf32>,
        %swap3A_314 = vector.shape_cast %swap3A_313 : vector<1x16xf32> to vector<16xf32>
        %swap3A_315 = vector.shape_cast %add3A_308 : vector<16xf32> to vector<1x16xf32>
        tpu.vector_store %arg11[%swap3A, %swap3A_312], %swap3A_315 {strides = array<i32>} : memref<8x128xf32, #tpu.memory_space<vmem>>, vector<1x16xf32>,
        %swap3A_316 = arith.index_cast %add3A_76 : i32 to index
        %swap3A_317 = arith.constant 64 : index
        %swap3A_318 = tpu.vector_load %arg11[%swap3A_316, %swap3A_317] {strides = array<i32>} : memref<8x128xf32, #tpu.memory_space<vmem>>, vector<1x16xf32>,
        %swap3A_319 = vector.shape_cast %swap3A_318 : vector<1x16xf32> to vector<16xf32>
        %swap3A_320 = vector.shape_cast %add3A_311 : vector<16xf32> to vector<1x16xf32>
        tpu.vector_store %arg11[%swap3A_316, %swap3A_317], %swap3A_320 {strides = array<i32>} : memref<8x128xf32, #tpu.memory_space<vmem>>, vector<1x16xf32>,
        %mul3A_321 = arith.constant 16 : i32
        %mul3A_322 = arith.muli %add3A_76, %mul3A_321 : i32
        %add3A_323 = arith.constant 0 : i32
        %add3A_324 = arith.addi %mul3A_322, %add3A_323 : i32
        %get3A_325 = arith.index_cast %add3A_324 : i32 to index
        %get3A_326 = arith.constant 16 : index
        %get3A_327 = tpu.vector_load %arg8[%get3A_325, %get3A_326] {strides = array<i32>} : memref<128x64xi32, #tpu.memory_space<vmem>>, vector<1x16xi32>,
        %get3A_328 = vector.shape_cast %get3A_327 : vector<1x16xi32> to vector<16xi32>
        %shift_left3A_329 = arith.constant 16 : i32
        %shift_left3A_330 = vector.broadcast %shift_left3A_329 : i32 to vector<16xi32>
        %shift_left3A_331 = arith.shli %get3A_328, %shift_left3A_330 : vector<16xi32>
        %bitcast_convert_type3A_332 = tpu.bitcast %shift_left3A_331 : vector<16xi32> -> vector<16xf32>
        %bitcast_convert_type3A_333 = tpu.bitcast %get3A_328 : vector<16xi32> -> vector<16xf32>
        %mul3A_334 = arith.constant 16 : i32
        %mul3A_335 = arith.muli %add3A_76, %mul3A_334 : i32
        %add3A_336 = arith.constant 1 : i32
        %add3A_337 = arith.addi %mul3A_335, %add3A_336 : i32
        %get3A_338 = arith.index_cast %add3A_337 : i32 to index
        %get3A_339 = arith.constant 16 : index
        %get3A_340 = tpu.vector_load %arg8[%get3A_338, %get3A_339] {strides = array<i32>} : memref<128x64xi32, #tpu.memory_space<vmem>>, vector<1x16xi32>,
        %get3A_341 = vector.shape_cast %get3A_340 : vector<1x16xi32> to vector<16xi32>
        %shift_left3A_342 = arith.constant 16 : i32
        %shift_left3A_343 = vector.broadcast %shift_left3A_342 : i32 to vector<16xi32>
        %shift_left3A_344 = arith.shli %get3A_341, %shift_left3A_343 : vector<16xi32>
        %bitcast_convert_type3A_345 = tpu.bitcast %shift_left3A_344 : vector<16xi32> -> vector<16xf32>
        %bitcast_convert_type3A_346 = tpu.bitcast %get3A_341 : vector<16xi32> -> vector<16xf32>
        %mul3A_347 = arith.constant 16 : i32
        %mul3A_348 = arith.muli %add3A_76, %mul3A_347 : i32
        %add3A_349 = arith.constant 2 : i32
        %add3A_350 = arith.addi %mul3A_348, %add3A_349 : i32
        %get3A_351 = arith.index_cast %add3A_350 : i32 to index
        %get3A_352 = arith.constant 16 : index
        %get3A_353 = tpu.vector_load %arg8[%get3A_351, %get3A_352] {strides = array<i32>} : memref<128x64xi32, #tpu.memory_space<vmem>>, vector<1x16xi32>,
        %get3A_354 = vector.shape_cast %get3A_353 : vector<1x16xi32> to vector<16xi32>
        %shift_left3A_355 = arith.constant 16 : i32
        %shift_left3A_356 = vector.broadcast %shift_left3A_355 : i32 to vector<16xi32>
        %shift_left3A_357 = arith.shli %get3A_354, %shift_left3A_356 : vector<16xi32>
        %bitcast_convert_type3A_358 = tpu.bitcast %shift_left3A_357 : vector<16xi32> -> vector<16xf32>
        %bitcast_convert_type3A_359 = tpu.bitcast %get3A_354 : vector<16xi32> -> vector<16xf32>
        %mul3A_360 = arith.constant 16 : i32
        %mul3A_361 = arith.muli %add3A_76, %mul3A_360 : i32
        %add3A_362 = arith.constant 3 : i32
        %add3A_363 = arith.addi %mul3A_361, %add3A_362 : i32
        %get3A_364 = arith.index_cast %add3A_363 : i32 to index
        %get3A_365 = arith.constant 16 : index
        %get3A_366 = tpu.vector_load %arg8[%get3A_364, %get3A_365] {strides = array<i32>} : memref<128x64xi32, #tpu.memory_space<vmem>>, vector<1x16xi32>,
        %get3A_367 = vector.shape_cast %get3A_366 : vector<1x16xi32> to vector<16xi32>
        %shift_left3A_368 = arith.constant 16 : i32
        %shift_left3A_369 = vector.broadcast %shift_left3A_368 : i32 to vector<16xi32>
        %shift_left3A_370 = arith.shli %get3A_367, %shift_left3A_369 : vector<16xi32>
        %bitcast_convert_type3A_371 = tpu.bitcast %shift_left3A_370 : vector<16xi32> -> vector<16xf32>
        %bitcast_convert_type3A_372 = tpu.bitcast %get3A_367 : vector<16xi32> -> vector<16xf32>
        %mul3A_373 = arith.constant 16 : i32
        %mul3A_374 = arith.muli %add3A_76, %mul3A_373 : i32
        %add3A_375 = arith.constant 4 : i32
        %add3A_376 = arith.addi %mul3A_374, %add3A_375 : i32
        %get3A_377 = arith.index_cast %add3A_376 : i32 to index
        %get3A_378 = arith.constant 16 : index
        %get3A_379 = tpu.vector_load %arg8[%get3A_377, %get3A_378] {strides = array<i32>} : memref<128x64xi32, #tpu.memory_space<vmem>>, vector<1x16xi32>,
        %get3A_380 = vector.shape_cast %get3A_379 : vector<1x16xi32> to vector<16xi32>
        %shift_left3A_381 = arith.constant 16 : i32
        %shift_left3A_382 = vector.broadcast %shift_left3A_381 : i32 to vector<16xi32>
        %shift_left3A_383 = arith.shli %get3A_380, %shift_left3A_382 : vector<16xi32>
        %bitcast_convert_type3A_384 = tpu.bitcast %shift_left3A_383 : vector<16xi32> -> vector<16xf32>
        %bitcast_convert_type3A_385 = tpu.bitcast %get3A_380 : vector<16xi32> -> vector<16xf32>
        %add3A_386 = arith.addf %bitcast_convert_type3A_332, %bitcast_convert_type3A_384 : vector<16xf32>
        %add3A_387 = arith.addf %bitcast_convert_type3A_333, %bitcast_convert_type3A_385 : vector<16xf32>
        %mul3A_388 = arith.constant 16 : i32
        %mul3A_389 = arith.muli %add3A_76, %mul3A_388 : i32
        %add3A_390 = arith.constant 5 : i32
        %add3A_391 = arith.addi %mul3A_389, %add3A_390 : i32
        %get3A_392 = arith.index_cast %add3A_391 : i32 to index
        %get3A_393 = arith.constant 16 : index
        %get3A_394 = tpu.vector_load %arg8[%get3A_392, %get3A_393] {strides = array<i32>} : memref<128x64xi32, #tpu.memory_space<vmem>>, vector<1x16xi32>,
        %get3A_395 = vector.shape_cast %get3A_394 : vector<1x16xi32> to vector<16xi32>
        %shift_left3A_396 = arith.constant 16 : i32
        %shift_left3A_397 = vector.broadcast %shift_left3A_396 : i32 to vector<16xi32>
        %shift_left3A_398 = arith.shli %get3A_395, %shift_left3A_397 : vector<16xi32>
        %bitcast_convert_type3A_399 = tpu.bitcast %shift_left3A_398 : vector<16xi32> -> vector<16xf32>
        %bitcast_convert_type3A_400 = tpu.bitcast %get3A_395 : vector<16xi32> -> vector<16xf32>
        %add3A_401 = arith.addf %bitcast_convert_type3A_345, %bitcast_convert_type3A_399 : vector<16xf32>
        %add3A_402 = arith.addf %bitcast_convert_type3A_346, %bitcast_convert_type3A_400 : vector<16xf32>
        %mul3A_403 = arith.constant 16 : i32
        %mul3A_404 = arith.muli %add3A_76, %mul3A_403 : i32
        %add3A_405 = arith.constant 6 : i32
        %add3A_406 = arith.addi %mul3A_404, %add3A_405 : i32
        %get3A_407 = arith.index_cast %add3A_406 : i32 to index
        %get3A_408 = arith.constant 16 : index
        %get3A_409 = tpu.vector_load %arg8[%get3A_407, %get3A_408] {strides = array<i32>} : memref<128x64xi32, #tpu.memory_space<vmem>>, vector<1x16xi32>,
        %get3A_410 = vector.shape_cast %get3A_409 : vector<1x16xi32> to vector<16xi32>
        %shift_left3A_411 = arith.constant 16 : i32
        %shift_left3A_412 = vector.broadcast %shift_left3A_411 : i32 to vector<16xi32>
        %shift_left3A_413 = arith.shli %get3A_410, %shift_left3A_412 : vector<16xi32>
        %bitcast_convert_type3A_414 = tpu.bitcast %shift_left3A_413 : vector<16xi32> -> vector<16xf32>
        %bitcast_convert_type3A_415 = tpu.bitcast %get3A_410 : vector<16xi32> -> vector<16xf32>
        %add3A_416 = arith.addf %bitcast_convert_type3A_358, %bitcast_convert_type3A_414 : vector<16xf32>
        %add3A_417 = arith.addf %bitcast_convert_type3A_359, %bitcast_convert_type3A_415 : vector<16xf32>
        %mul3A_418 = arith.constant 16 : i32
        %mul3A_419 = arith.muli %add3A_76, %mul3A_418 : i32
        %add3A_420 = arith.constant 7 : i32
        %add3A_421 = arith.addi %mul3A_419, %add3A_420 : i32
        %get3A_422 = arith.index_cast %add3A_421 : i32 to index
        %get3A_423 = arith.constant 16 : index
        %get3A_424 = tpu.vector_load %arg8[%get3A_422, %get3A_423] {strides = array<i32>} : memref<128x64xi32, #tpu.memory_space<vmem>>, vector<1x16xi32>,
        %get3A_425 = vector.shape_cast %get3A_424 : vector<1x16xi32> to vector<16xi32>
        %shift_left3A_426 = arith.constant 16 : i32
        %shift_left3A_427 = vector.broadcast %shift_left3A_426 : i32 to vector<16xi32>
        %shift_left3A_428 = arith.shli %get3A_425, %shift_left3A_427 : vector<16xi32>
        %bitcast_convert_type3A_429 = tpu.bitcast %shift_left3A_428 : vector<16xi32> -> vector<16xf32>
        %bitcast_convert_type3A_430 = tpu.bitcast %get3A_425 : vector<16xi32> -> vector<16xf32>
        %add3A_431 = arith.addf %bitcast_convert_type3A_371, %bitcast_convert_type3A_429 : vector<16xf32>
        %add3A_432 = arith.addf %bitcast_convert_type3A_372, %bitcast_convert_type3A_430 : vector<16xf32>
        %mul3A_433 = arith.constant 16 : i32
        %mul3A_434 = arith.muli %add3A_76, %mul3A_433 : i32
        %add3A_435 = arith.constant 8 : i32
        %add3A_436 = arith.addi %mul3A_434, %add3A_435 : i32
        %get3A_437 = arith.index_cast %add3A_436 : i32 to index
        %get3A_438 = arith.constant 16 : index
        %get3A_439 = tpu.vector_load %arg8[%get3A_437, %get3A_438] {strides = array<i32>} : memref<128x64xi32, #tpu.memory_space<vmem>>, vector<1x16xi32>,
        %get3A_440 = vector.shape_cast %get3A_439 : vector<1x16xi32> to vector<16xi32>
        %shift_left3A_441 = arith.constant 16 : i32
        %shift_left3A_442 = vector.broadcast %shift_left3A_441 : i32 to vector<16xi32>
        %shift_left3A_443 = arith.shli %get3A_440, %shift_left3A_442 : vector<16xi32>
        %bitcast_convert_type3A_444 = tpu.bitcast %shift_left3A_443 : vector<16xi32> -> vector<16xf32>
        %bitcast_convert_type3A_445 = tpu.bitcast %get3A_440 : vector<16xi32> -> vector<16xf32>
        %add3A_446 = arith.addf %add3A_386, %bitcast_convert_type3A_444 : vector<16xf32>
        %add3A_447 = arith.addf %add3A_387, %bitcast_convert_type3A_445 : vector<16xf32>
        %mul3A_448 = arith.constant 16 : i32
        %mul3A_449 = arith.muli %add3A_76, %mul3A_448 : i32
        %add3A_450 = arith.constant 9 : i32
        %add3A_451 = arith.addi %mul3A_449, %add3A_450 : i32
        %get3A_452 = arith.index_cast %add3A_451 : i32 to index
        %get3A_453 = arith.constant 16 : index
        %get3A_454 = tpu.vector_load %arg8[%get3A_452, %get3A_453] {strides = array<i32>} : memref<128x64xi32, #tpu.memory_space<vmem>>, vector<1x16xi32>,
        %get3A_455 = vector.shape_cast %get3A_454 : vector<1x16xi32> to vector<16xi32>
        %shift_left3A_456 = arith.constant 16 : i32
        %shift_left3A_457 = vector.broadcast %shift_left3A_456 : i32 to vector<16xi32>
        %shift_left3A_458 = arith.shli %get3A_455, %shift_left3A_457 : vector<16xi32>
        %bitcast_convert_type3A_459 = tpu.bitcast %shift_left3A_458 : vector<16xi32> -> vector<16xf32>
        %bitcast_convert_type3A_460 = tpu.bitcast %get3A_455 : vector<16xi32> -> vector<16xf32>
        %add3A_461 = arith.addf %add3A_401, %bitcast_convert_type3A_459 : vector<16xf32>
        %add3A_462 = arith.addf %add3A_402, %bitcast_convert_type3A_460 : vector<16xf32>
        %mul3A_463 = arith.constant 16 : i32
        %mul3A_464 = arith.muli %add3A_76, %mul3A_463 : i32
        %add3A_465 = arith.constant 10 : i32
        %add3A_466 = arith.addi %mul3A_464, %add3A_465 : i32
        %get3A_467 = arith.index_cast %add3A_466 : i32 to index
        %get3A_468 = arith.constant 16 : index
        %get3A_469 = tpu.vector_load %arg8[%get3A_467, %get3A_468] {strides = array<i32>} : memref<128x64xi32, #tpu.memory_space<vmem>>, vector<1x16xi32>,
        %get3A_470 = vector.shape_cast %get3A_469 : vector<1x16xi32> to vector<16xi32>
        %shift_left3A_471 = arith.constant 16 : i32
        %shift_left3A_472 = vector.broadcast %shift_left3A_471 : i32 to vector<16xi32>
        %shift_left3A_473 = arith.shli %get3A_470, %shift_left3A_472 : vector<16xi32>
        %bitcast_convert_type3A_474 = tpu.bitcast %shift_left3A_473 : vector<16xi32> -> vector<16xf32>
        %bitcast_convert_type3A_475 = tpu.bitcast %get3A_470 : vector<16xi32> -> vector<16xf32>
        %add3A_476 = arith.addf %add3A_416, %bitcast_convert_type3A_474 : vector<16xf32>
        %add3A_477 = arith.addf %add3A_417, %bitcast_convert_type3A_475 : vector<16xf32>
        %mul3A_478 = arith.constant 16 : i32
        %mul3A_479 = arith.muli %add3A_76, %mul3A_478 : i32
        %add3A_480 = arith.constant 11 : i32
        %add3A_481 = arith.addi %mul3A_479, %add3A_480 : i32
        %get3A_482 = arith.index_cast %add3A_481 : i32 to index
        %get3A_483 = arith.constant 16 : index
        %get3A_484 = tpu.vector_load %arg8[%get3A_482, %get3A_483] {strides = array<i32>} : memref<128x64xi32, #tpu.memory_space<vmem>>, vector<1x16xi32>,
        %get3A_485 = vector.shape_cast %get3A_484 : vector<1x16xi32> to vector<16xi32>
        %shift_left3A_486 = arith.constant 16 : i32
        %shift_left3A_487 = vector.broadcast %shift_left3A_486 : i32 to vector<16xi32>
        %shift_left3A_488 = arith.shli %get3A_485, %shift_left3A_487 : vector<16xi32>
        %bitcast_convert_type3A_489 = tpu.bitcast %shift_left3A_488 : vector<16xi32> -> vector<16xf32>
        %bitcast_convert_type3A_490 = tpu.bitcast %get3A_485 : vector<16xi32> -> vector<16xf32>
        %add3A_491 = arith.addf %add3A_431, %bitcast_convert_type3A_489 : vector<16xf32>
        %add3A_492 = arith.addf %add3A_432, %bitcast_convert_type3A_490 : vector<16xf32>
        %mul3A_493 = arith.constant 16 : i32
        %mul3A_494 = arith.muli %add3A_76, %mul3A_493 : i32
        %add3A_495 = arith.constant 12 : i32
        %add3A_496 = arith.addi %mul3A_494, %add3A_495 : i32
        %get3A_497 = arith.index_cast %add3A_496 : i32 to index
        %get3A_498 = arith.constant 16 : index
        %get3A_499 = tpu.vector_load %arg8[%get3A_497, %get3A_498] {strides = array<i32>} : memref<128x64xi32, #tpu.memory_space<vmem>>, vector<1x16xi32>,
        %get3A_500 = vector.shape_cast %get3A_499 : vector<1x16xi32> to vector<16xi32>
        %shift_left3A_501 = arith.constant 16 : i32
        %shift_left3A_502 = vector.broadcast %shift_left3A_501 : i32 to vector<16xi32>
        %shift_left3A_503 = arith.shli %get3A_500, %shift_left3A_502 : vector<16xi32>
        %bitcast_convert_type3A_504 = tpu.bitcast %shift_left3A_503 : vector<16xi32> -> vector<16xf32>
        %bitcast_convert_type3A_505 = tpu.bitcast %get3A_500 : vector<16xi32> -> vector<16xf32>
        %add3A_506 = arith.addf %add3A_446, %bitcast_convert_type3A_504 : vector<16xf32>
        %add3A_507 = arith.addf %add3A_447, %bitcast_convert_type3A_505 : vector<16xf32>
        %mul3A_508 = arith.constant 16 : i32
        %mul3A_509 = arith.muli %add3A_76, %mul3A_508 : i32
        %add3A_510 = arith.constant 13 : i32
        %add3A_511 = arith.addi %mul3A_509, %add3A_510 : i32
        %get3A_512 = arith.index_cast %add3A_511 : i32 to index
        %get3A_513 = arith.constant 16 : index
        %get3A_514 = tpu.vector_load %arg8[%get3A_512, %get3A_513] {strides = array<i32>} : memref<128x64xi32, #tpu.memory_space<vmem>>, vector<1x16xi32>,
        %get3A_515 = vector.shape_cast %get3A_514 : vector<1x16xi32> to vector<16xi32>
        %shift_left3A_516 = arith.constant 16 : i32
        %shift_left3A_517 = vector.broadcast %shift_left3A_516 : i32 to vector<16xi32>
        %shift_left3A_518 = arith.shli %get3A_515, %shift_left3A_517 : vector<16xi32>
        %bitcast_convert_type3A_519 = tpu.bitcast %shift_left3A_518 : vector<16xi32> -> vector<16xf32>
        %bitcast_convert_type3A_520 = tpu.bitcast %get3A_515 : vector<16xi32> -> vector<16xf32>
        %add3A_521 = arith.addf %add3A_461, %bitcast_convert_type3A_519 : vector<16xf32>
        %add3A_522 = arith.addf %add3A_462, %bitcast_convert_type3A_520 : vector<16xf32>
        %mul3A_523 = arith.constant 16 : i32
        %mul3A_524 = arith.muli %add3A_76, %mul3A_523 : i32
        %add3A_525 = arith.constant 14 : i32
        %add3A_526 = arith.addi %mul3A_524, %add3A_525 : i32
        %get3A_527 = arith.index_cast %add3A_526 : i32 to index
        %get3A_528 = arith.constant 16 : index
        %get3A_529 = tpu.vector_load %arg8[%get3A_527, %get3A_528] {strides = array<i32>} : memref<128x64xi32, #tpu.memory_space<vmem>>, vector<1x16xi32>,
        %get3A_530 = vector.shape_cast %get3A_529 : vector<1x16xi32> to vector<16xi32>
        %shift_left3A_531 = arith.constant 16 : i32
        %shift_left3A_532 = vector.broadcast %shift_left3A_531 : i32 to vector<16xi32>
        %shift_left3A_533 = arith.shli %get3A_530, %shift_left3A_532 : vector<16xi32>
        %bitcast_convert_type3A_534 = tpu.bitcast %shift_left3A_533 : vector<16xi32> -> vector<16xf32>
        %bitcast_convert_type3A_535 = tpu.bitcast %get3A_530 : vector<16xi32> -> vector<16xf32>
        %add3A_536 = arith.addf %add3A_476, %bitcast_convert_type3A_534 : vector<16xf32>
        %add3A_537 = arith.addf %add3A_477, %bitcast_convert_type3A_535 : vector<16xf32>
        %mul3A_538 = arith.constant 16 : i32
        %mul3A_539 = arith.muli %add3A_76, %mul3A_538 : i32
        %add3A_540 = arith.constant 15 : i32
        %add3A_541 = arith.addi %mul3A_539, %add3A_540 : i32
        %get3A_542 = arith.index_cast %add3A_541 : i32 to index
        %get3A_543 = arith.constant 16 : index
        %get3A_544 = tpu.vector_load %arg8[%get3A_542, %get3A_543] {strides = array<i32>} : memref<128x64xi32, #tpu.memory_space<vmem>>, vector<1x16xi32>,
        %get3A_545 = vector.shape_cast %get3A_544 : vector<1x16xi32> to vector<16xi32>
        %shift_left3A_546 = arith.constant 16 : i32
        %shift_left3A_547 = vector.broadcast %shift_left3A_546 : i32 to vector<16xi32>
        %shift_left3A_548 = arith.shli %get3A_545, %shift_left3A_547 : vector<16xi32>
        %bitcast_convert_type3A_549 = tpu.bitcast %shift_left3A_548 : vector<16xi32> -> vector<16xf32>
        %bitcast_convert_type3A_550 = tpu.bitcast %get3A_545 : vector<16xi32> -> vector<16xf32>
        %add3A_551 = arith.addf %add3A_491, %bitcast_convert_type3A_549 : vector<16xf32>
        %add3A_552 = arith.addf %add3A_492, %bitcast_convert_type3A_550 : vector<16xf32>
        %add3A_553 = arith.addf %add3A_506, %add3A_521 : vector<16xf32>
        %add3A_554 = arith.addf %add3A_536, %add3A_551 : vector<16xf32>
        %add3A_555 = arith.addf %add3A_553, %add3A_554 : vector<16xf32>
        %add3A_556 = arith.addf %add3A_507, %add3A_522 : vector<16xf32>
        %add3A_557 = arith.addf %add3A_537, %add3A_552 : vector<16xf32>
        %add3A_558 = arith.addf %add3A_556, %add3A_557 : vector<16xf32>
        %swap3A_559 = arith.index_cast %add3A_76 : i32 to index
        %swap3A_560 = arith.constant 16 : index
        %swap3A_561 = tpu.vector_load %arg11[%swap3A_559, %swap3A_560] {strides = array<i32>} : memref<8x128xf32, #tpu.memory_space<vmem>>, vector<1x16xf32>,
        %swap3A_562 = vector.shape_cast %swap3A_561 : vector<1x16xf32> to vector<16xf32>
        %swap3A_563 = vector.shape_cast %add3A_555 : vector<16xf32> to vector<1x16xf32>
        tpu.vector_store %arg11[%swap3A_559, %swap3A_560], %swap3A_563 {strides = array<i32>} : memref<8x128xf32, #tpu.memory_space<vmem>>, vector<1x16xf32>,
        %swap3A_564 = arith.index_cast %add3A_76 : i32 to index
        %swap3A_565 = arith.constant 80 : index
        %swap3A_566 = tpu.vector_load %arg11[%swap3A_564, %swap3A_565] {strides = array<i32>} : memref<8x128xf32, #tpu.memory_space<vmem>>, vector<1x16xf32>,
        %swap3A_567 = vector.shape_cast %swap3A_566 : vector<1x16xf32> to vector<16xf32>
        %swap3A_568 = vector.shape_cast %add3A_558 : vector<16xf32> to vector<1x16xf32>
        tpu.vector_store %arg11[%swap3A_564, %swap3A_565], %swap3A_568 {strides = array<i32>} : memref<8x128xf32, #tpu.memory_space<vmem>>, vector<1x16xf32>,
        %mul3A_569 = arith.constant 16 : i32
        %mul3A_570 = arith.muli %add3A_76, %mul3A_569 : i32
        %add3A_571 = arith.constant 0 : i32
        %add3A_572 = arith.addi %mul3A_570, %add3A_571 : i32
        %get3A_573 = arith.index_cast %add3A_572 : i32 to index
        %get3A_574 = arith.constant 32 : index
        %get3A_575 = tpu.vector_load %arg8[%get3A_573, %get3A_574] {strides = array<i32>} : memref<128x64xi32, #tpu.memory_space<vmem>>, vector<1x16xi32>,
        %get3A_576 = vector.shape_cast %get3A_575 : vector<1x16xi32> to vector<16xi32>
        %shift_left3A_577 = arith.constant 16 : i32
        %shift_left3A_578 = vector.broadcast %shift_left3A_577 : i32 to vector<16xi32>
        %shift_left3A_579 = arith.shli %get3A_576, %shift_left3A_578 : vector<16xi32>
        %bitcast_convert_type3A_580 = tpu.bitcast %shift_left3A_579 : vector<16xi32> -> vector<16xf32>
        %bitcast_convert_type3A_581 = tpu.bitcast %get3A_576 : vector<16xi32> -> vector<16xf32>
        %mul3A_582 = arith.constant 16 : i32
        %mul3A_583 = arith.muli %add3A_76, %mul3A_582 : i32
        %add3A_584 = arith.constant 1 : i32
        %add3A_585 = arith.addi %mul3A_583, %add3A_584 : i32
        %get3A_586 = arith.index_cast %add3A_585 : i32 to index
        %get3A_587 = arith.constant 32 : index
        %get3A_588 = tpu.vector_load %arg8[%get3A_586, %get3A_587] {strides = array<i32>} : memref<128x64xi32, #tpu.memory_space<vmem>>, vector<1x16xi32>,
        %get3A_589 = vector.shape_cast %get3A_588 : vector<1x16xi32> to vector<16xi32>
        %shift_left3A_590 = arith.constant 16 : i32
        %shift_left3A_591 = vector.broadcast %shift_left3A_590 : i32 to vector<16xi32>
        %shift_left3A_592 = arith.shli %get3A_589, %shift_left3A_591 : vector<16xi32>
        %bitcast_convert_type3A_593 = tpu.bitcast %shift_left3A_592 : vector<16xi32> -> vector<16xf32>
        %bitcast_convert_type3A_594 = tpu.bitcast %get3A_589 : vector<16xi32> -> vector<16xf32>
        %mul3A_595 = arith.constant 16 : i32
        %mul3A_596 = arith.muli %add3A_76, %mul3A_595 : i32
        %add3A_597 = arith.constant 2 : i32
        %add3A_598 = arith.addi %mul3A_596, %add3A_597 : i32
        %get3A_599 = arith.index_cast %add3A_598 : i32 to index
        %get3A_600 = arith.constant 32 : index
        %get3A_601 = tpu.vector_load %arg8[%get3A_599, %get3A_600] {strides = array<i32>} : memref<128x64xi32, #tpu.memory_space<vmem>>, vector<1x16xi32>,
        %get3A_602 = vector.shape_cast %get3A_601 : vector<1x16xi32> to vector<16xi32>
        %shift_left3A_603 = arith.constant 16 : i32
        %shift_left3A_604 = vector.broadcast %shift_left3A_603 : i32 to vector<16xi32>
        %shift_left3A_605 = arith.shli %get3A_602, %shift_left3A_604 : vector<16xi32>
        %bitcast_convert_type3A_606 = tpu.bitcast %shift_left3A_605 : vector<16xi32> -> vector<16xf32>
        %bitcast_convert_type3A_607 = tpu.bitcast %get3A_602 : vector<16xi32> -> vector<16xf32>
        %mul3A_608 = arith.constant 16 : i32
        %mul3A_609 = arith.muli %add3A_76, %mul3A_608 : i32
        %add3A_610 = arith.constant 3 : i32
        %add3A_611 = arith.addi %mul3A_609, %add3A_610 : i32
        %get3A_612 = arith.index_cast %add3A_611 : i32 to index
        %get3A_613 = arith.constant 32 : index
        %get3A_614 = tpu.vector_load %arg8[%get3A_612, %get3A_613] {strides = array<i32>} : memref<128x64xi32, #tpu.memory_space<vmem>>, vector<1x16xi32>,
        %get3A_615 = vector.shape_cast %get3A_614 : vector<1x16xi32> to vector<16xi32>
        %shift_left3A_616 = arith.constant 16 : i32
        %shift_left3A_617 = vector.broadcast %shift_left3A_616 : i32 to vector<16xi32>
        %shift_left3A_618 = arith.shli %get3A_615, %shift_left3A_617 : vector<16xi32>
        %bitcast_convert_type3A_619 = tpu.bitcast %shift_left3A_618 : vector<16xi32> -> vector<16xf32>
        %bitcast_convert_type3A_620 = tpu.bitcast %get3A_615 : vector<16xi32> -> vector<16xf32>
        %mul3A_621 = arith.constant 16 : i32
        %mul3A_622 = arith.muli %add3A_76, %mul3A_621 : i32
        %add3A_623 = arith.constant 4 : i32
        %add3A_624 = arith.addi %mul3A_622, %add3A_623 : i32
        %get3A_625 = arith.index_cast %add3A_624 : i32 to index
        %get3A_626 = arith.constant 32 : index
        %get3A_627 = tpu.vector_load %arg8[%get3A_625, %get3A_626] {strides = array<i32>} : memref<128x64xi32, #tpu.memory_space<vmem>>, vector<1x16xi32>,
        %get3A_628 = vector.shape_cast %get3A_627 : vector<1x16xi32> to vector<16xi32>
        %shift_left3A_629 = arith.constant 16 : i32
        %shift_left3A_630 = vector.broadcast %shift_left3A_629 : i32 to vector<16xi32>
        %shift_left3A_631 = arith.shli %get3A_628, %shift_left3A_630 : vector<16xi32>
        %bitcast_convert_type3A_632 = tpu.bitcast %shift_left3A_631 : vector<16xi32> -> vector<16xf32>
        %bitcast_convert_type3A_633 = tpu.bitcast %get3A_628 : vector<16xi32> -> vector<16xf32>
        %add3A_634 = arith.addf %bitcast_convert_type3A_580, %bitcast_convert_type3A_632 : vector<16xf32>
        %add3A_635 = arith.addf %bitcast_convert_type3A_581, %bitcast_convert_type3A_633 : vector<16xf32>
        %mul3A_636 = arith.constant 16 : i32
        %mul3A_637 = arith.muli %add3A_76, %mul3A_636 : i32
        %add3A_638 = arith.constant 5 : i32
        %add3A_639 = arith.addi %mul3A_637, %add3A_638 : i32
        %get3A_640 = arith.index_cast %add3A_639 : i32 to index
        %get3A_641 = arith.constant 32 : index
        %get3A_642 = tpu.vector_load %arg8[%get3A_640, %get3A_641] {strides = array<i32>} : memref<128x64xi32, #tpu.memory_space<vmem>>, vector<1x16xi32>,
        %get3A_643 = vector.shape_cast %get3A_642 : vector<1x16xi32> to vector<16xi32>
        %shift_left3A_644 = arith.constant 16 : i32
        %shift_left3A_645 = vector.broadcast %shift_left3A_644 : i32 to vector<16xi32>
        %shift_left3A_646 = arith.shli %get3A_643, %shift_left3A_645 : vector<16xi32>
        %bitcast_convert_type3A_647 = tpu.bitcast %shift_left3A_646 : vector<16xi32> -> vector<16xf32>
        %bitcast_convert_type3A_648 = tpu.bitcast %get3A_643 : vector<16xi32> -> vector<16xf32>
        %add3A_649 = arith.addf %bitcast_convert_type3A_593, %bitcast_convert_type3A_647 : vector<16xf32>
        %add3A_650 = arith.addf %bitcast_convert_type3A_594, %bitcast_convert_type3A_648 : vector<16xf32>
        %mul3A_651 = arith.constant 16 : i32
        %mul3A_652 = arith.muli %add3A_76, %mul3A_651 : i32
        %add3A_653 = arith.constant 6 : i32
        %add3A_654 = arith.addi %mul3A_652, %add3A_653 : i32
        %get3A_655 = arith.index_cast %add3A_654 : i32 to index
        %get3A_656 = arith.constant 32 : index
        %get3A_657 = tpu.vector_load %arg8[%get3A_655, %get3A_656] {strides = array<i32>} : memref<128x64xi32, #tpu.memory_space<vmem>>, vector<1x16xi32>,
        %get3A_658 = vector.shape_cast %get3A_657 : vector<1x16xi32> to vector<16xi32>
        %shift_left3A_659 = arith.constant 16 : i32
        %shift_left3A_660 = vector.broadcast %shift_left3A_659 : i32 to vector<16xi32>
        %shift_left3A_661 = arith.shli %get3A_658, %shift_left3A_660 : vector<16xi32>
        %bitcast_convert_type3A_662 = tpu.bitcast %shift_left3A_661 : vector<16xi32> -> vector<16xf32>
        %bitcast_convert_type3A_663 = tpu.bitcast %get3A_658 : vector<16xi32> -> vector<16xf32>
        %add3A_664 = arith.addf %bitcast_convert_type3A_606, %bitcast_convert_type3A_662 : vector<16xf32>
        %add3A_665 = arith.addf %bitcast_convert_type3A_607, %bitcast_convert_type3A_663 : vector<16xf32>
        %mul3A_666 = arith.constant 16 : i32
        %mul3A_667 = arith.muli %add3A_76, %mul3A_666 : i32
        %add3A_668 = arith.constant 7 : i32
        %add3A_669 = arith.addi %mul3A_667, %add3A_668 : i32
        %get3A_670 = arith.index_cast %add3A_669 : i32 to index
        %get3A_671 = arith.constant 32 : index
        %get3A_672 = tpu.vector_load %arg8[%get3A_670, %get3A_671] {strides = array<i32>} : memref<128x64xi32, #tpu.memory_space<vmem>>, vector<1x16xi32>,
        %get3A_673 = vector.shape_cast %get3A_672 : vector<1x16xi32> to vector<16xi32>
        %shift_left3A_674 = arith.constant 16 : i32
        %shift_left3A_675 = vector.broadcast %shift_left3A_674 : i32 to vector<16xi32>
        %shift_left3A_676 = arith.shli %get3A_673, %shift_left3A_675 : vector<16xi32>
        %bitcast_convert_type3A_677 = tpu.bitcast %shift_left3A_676 : vector<16xi32> -> vector<16xf32>
        %bitcast_convert_type3A_678 = tpu.bitcast %get3A_673 : vector<16xi32> -> vector<16xf32>
        %add3A_679 = arith.addf %bitcast_convert_type3A_619, %bitcast_convert_type3A_677 : vector<16xf32>
        %add3A_680 = arith.addf %bitcast_convert_type3A_620, %bitcast_convert_type3A_678 : vector<16xf32>
        %mul3A_681 = arith.constant 16 : i32
        %mul3A_682 = arith.muli %add3A_76, %mul3A_681 : i32
        %add3A_683 = arith.constant 8 : i32
        %add3A_684 = arith.addi %mul3A_682, %add3A_683 : i32
        %get3A_685 = arith.index_cast %add3A_684 : i32 to index
        %get3A_686 = arith.constant 32 : index
        %get3A_687 = tpu.vector_load %arg8[%get3A_685, %get3A_686] {strides = array<i32>} : memref<128x64xi32, #tpu.memory_space<vmem>>, vector<1x16xi32>,
        %get3A_688 = vector.shape_cast %get3A_687 : vector<1x16xi32> to vector<16xi32>
        %shift_left3A_689 = arith.constant 16 : i32
        %shift_left3A_690 = vector.broadcast %shift_left3A_689 : i32 to vector<16xi32>
        %shift_left3A_691 = arith.shli %get3A_688, %shift_left3A_690 : vector<16xi32>
        %bitcast_convert_type3A_692 = tpu.bitcast %shift_left3A_691 : vector<16xi32> -> vector<16xf32>
        %bitcast_convert_type3A_693 = tpu.bitcast %get3A_688 : vector<16xi32> -> vector<16xf32>
        %add3A_694 = arith.addf %add3A_634, %bitcast_convert_type3A_692 : vector<16xf32>
        %add3A_695 = arith.addf %add3A_635, %bitcast_convert_type3A_693 : vector<16xf32>
        %mul3A_696 = arith.constant 16 : i32
        %mul3A_697 = arith.muli %add3A_76, %mul3A_696 : i32
        %add3A_698 = arith.constant 9 : i32
        %add3A_699 = arith.addi %mul3A_697, %add3A_698 : i32
        %get3A_700 = arith.index_cast %add3A_699 : i32 to index
        %get3A_701 = arith.constant 32 : index
        %get3A_702 = tpu.vector_load %arg8[%get3A_700, %get3A_701] {strides = array<i32>} : memref<128x64xi32, #tpu.memory_space<vmem>>, vector<1x16xi32>,
        %get3A_703 = vector.shape_cast %get3A_702 : vector<1x16xi32> to vector<16xi32>
        %shift_left3A_704 = arith.constant 16 : i32
        %shift_left3A_705 = vector.broadcast %shift_left3A_704 : i32 to vector<16xi32>
        %shift_left3A_706 = arith.shli %get3A_703, %shift_left3A_705 : vector<16xi32>
        %bitcast_convert_type3A_707 = tpu.bitcast %shift_left3A_706 : vector<16xi32> -> vector<16xf32>
        %bitcast_convert_type3A_708 = tpu.bitcast %get3A_703 : vector<16xi32> -> vector<16xf32>
        %add3A_709 = arith.addf %add3A_649, %bitcast_convert_type3A_707 : vector<16xf32>
        %add3A_710 = arith.addf %add3A_650, %bitcast_convert_type3A_708 : vector<16xf32>
        %mul3A_711 = arith.constant 16 : i32
        %mul3A_712 = arith.muli %add3A_76, %mul3A_711 : i32
        %add3A_713 = arith.constant 10 : i32
        %add3A_714 = arith.addi %mul3A_712, %add3A_713 : i32
        %get3A_715 = arith.index_cast %add3A_714 : i32 to index
        %get3A_716 = arith.constant 32 : index
        %get3A_717 = tpu.vector_load %arg8[%get3A_715, %get3A_716] {strides = array<i32>} : memref<128x64xi32, #tpu.memory_space<vmem>>, vector<1x16xi32>,
        %get3A_718 = vector.shape_cast %get3A_717 : vector<1x16xi32> to vector<16xi32>
        %shift_left3A_719 = arith.constant 16 : i32
        %shift_left3A_720 = vector.broadcast %shift_left3A_719 : i32 to vector<16xi32>
        %shift_left3A_721 = arith.shli %get3A_718, %shift_left3A_720 : vector<16xi32>
        %bitcast_convert_type3A_722 = tpu.bitcast %shift_left3A_721 : vector<16xi32> -> vector<16xf32>
        %bitcast_convert_type3A_723 = tpu.bitcast %get3A_718 : vector<16xi32> -> vector<16xf32>
        %add3A_724 = arith.addf %add3A_664, %bitcast_convert_type3A_722 : vector<16xf32>
        %add3A_725 = arith.addf %add3A_665, %bitcast_convert_type3A_723 : vector<16xf32>
        %mul3A_726 = arith.constant 16 : i32
        %mul3A_727 = arith.muli %add3A_76, %mul3A_726 : i32
        %add3A_728 = arith.constant 11 : i32
        %add3A_729 = arith.addi %mul3A_727, %add3A_728 : i32
        %get3A_730 = arith.index_cast %add3A_729 : i32 to index
        %get3A_731 = arith.constant 32 : index
        %get3A_732 = tpu.vector_load %arg8[%get3A_730, %get3A_731] {strides = array<i32>} : memref<128x64xi32, #tpu.memory_space<vmem>>, vector<1x16xi32>,
        %get3A_733 = vector.shape_cast %get3A_732 : vector<1x16xi32> to vector<16xi32>
        %shift_left3A_734 = arith.constant 16 : i32
        %shift_left3A_735 = vector.broadcast %shift_left3A_734 : i32 to vector<16xi32>
        %shift_left3A_736 = arith.shli %get3A_733, %shift_left3A_735 : vector<16xi32>
        %bitcast_convert_type3A_737 = tpu.bitcast %shift_left3A_736 : vector<16xi32> -> vector<16xf32>
        %bitcast_convert_type3A_738 = tpu.bitcast %get3A_733 : vector<16xi32> -> vector<16xf32>
        %add3A_739 = arith.addf %add3A_679, %bitcast_convert_type3A_737 : vector<16xf32>
        %add3A_740 = arith.addf %add3A_680, %bitcast_convert_type3A_738 : vector<16xf32>
        %mul3A_741 = arith.constant 16 : i32
        %mul3A_742 = arith.muli %add3A_76, %mul3A_741 : i32
        %add3A_743 = arith.constant 12 : i32
        %add3A_744 = arith.addi %mul3A_742, %add3A_743 : i32
        %get3A_745 = arith.index_cast %add3A_744 : i32 to index
        %get3A_746 = arith.constant 32 : index
        %get3A_747 = tpu.vector_load %arg8[%get3A_745, %get3A_746] {strides = array<i32>} : memref<128x64xi32, #tpu.memory_space<vmem>>, vector<1x16xi32>,
        %get3A_748 = vector.shape_cast %get3A_747 : vector<1x16xi32> to vector<16xi32>
        %shift_left3A_749 = arith.constant 16 : i32
        %shift_left3A_750 = vector.broadcast %shift_left3A_749 : i32 to vector<16xi32>
        %shift_left3A_751 = arith.shli %get3A_748, %shift_left3A_750 : vector<16xi32>
        %bitcast_convert_type3A_752 = tpu.bitcast %shift_left3A_751 : vector<16xi32> -> vector<16xf32>
        %bitcast_convert_type3A_753 = tpu.bitcast %get3A_748 : vector<16xi32> -> vector<16xf32>
        %add3A_754 = arith.addf %add3A_694, %bitcast_convert_type3A_752 : vector<16xf32>
        %add3A_755 = arith.addf %add3A_695, %bitcast_convert_type3A_753 : vector<16xf32>
        %mul3A_756 = arith.constant 16 : i32
        %mul3A_757 = arith.muli %add3A_76, %mul3A_756 : i32
        %add3A_758 = arith.constant 13 : i32
        %add3A_759 = arith.addi %mul3A_757, %add3A_758 : i32
        %get3A_760 = arith.index_cast %add3A_759 : i32 to index
        %get3A_761 = arith.constant 32 : index
        %get3A_762 = tpu.vector_load %arg8[%get3A_760, %get3A_761] {strides = array<i32>} : memref<128x64xi32, #tpu.memory_space<vmem>>, vector<1x16xi32>,
        %get3A_763 = vector.shape_cast %get3A_762 : vector<1x16xi32> to vector<16xi32>
        %shift_left3A_764 = arith.constant 16 : i32
        %shift_left3A_765 = vector.broadcast %shift_left3A_764 : i32 to vector<16xi32>
        %shift_left3A_766 = arith.shli %get3A_763, %shift_left3A_765 : vector<16xi32>
        %bitcast_convert_type3A_767 = tpu.bitcast %shift_left3A_766 : vector<16xi32> -> vector<16xf32>
        %bitcast_convert_type3A_768 = tpu.bitcast %get3A_763 : vector<16xi32> -> vector<16xf32>
        %add3A_769 = arith.addf %add3A_709, %bitcast_convert_type3A_767 : vector<16xf32>
        %add3A_770 = arith.addf %add3A_710, %bitcast_convert_type3A_768 : vector<16xf32>
        %mul3A_771 = arith.constant 16 : i32
        %mul3A_772 = arith.muli %add3A_76, %mul3A_771 : i32
        %add3A_773 = arith.constant 14 : i32
        %add3A_774 = arith.addi %mul3A_772, %add3A_773 : i32
        %get3A_775 = arith.index_cast %add3A_774 : i32 to index
        %get3A_776 = arith.constant 32 : index
        %get3A_777 = tpu.vector_load %arg8[%get3A_775, %get3A_776] {strides = array<i32>} : memref<128x64xi32, #tpu.memory_space<vmem>>, vector<1x16xi32>,
        %get3A_778 = vector.shape_cast %get3A_777 : vector<1x16xi32> to vector<16xi32>
        %shift_left3A_779 = arith.constant 16 : i32
        %shift_left3A_780 = vector.broadcast %shift_left3A_779 : i32 to vector<16xi32>
        %shift_left3A_781 = arith.shli %get3A_778, %shift_left3A_780 : vector<16xi32>
        %bitcast_convert_type3A_782 = tpu.bitcast %shift_left3A_781 : vector<16xi32> -> vector<16xf32>
        %bitcast_convert_type3A_783 = tpu.bitcast %get3A_778 : vector<16xi32> -> vector<16xf32>
        %add3A_784 = arith.addf %add3A_724, %bitcast_convert_type3A_782 : vector<16xf32>
        %add3A_785 = arith.addf %add3A_725, %bitcast_convert_type3A_783 : vector<16xf32>
        %mul3A_786 = arith.constant 16 : i32
        %mul3A_787 = arith.muli %add3A_76, %mul3A_786 : i32
        %add3A_788 = arith.constant 15 : i32
        %add3A_789 = arith.addi %mul3A_787, %add3A_788 : i32
        %get3A_790 = arith.index_cast %add3A_789 : i32 to index
        %get3A_791 = arith.constant 32 : index
        %get3A_792 = tpu.vector_load %arg8[%get3A_790, %get3A_791] {strides = array<i32>} : memref<128x64xi32, #tpu.memory_space<vmem>>, vector<1x16xi32>,
        %get3A_793 = vector.shape_cast %get3A_792 : vector<1x16xi32> to vector<16xi32>
        %shift_left3A_794 = arith.constant 16 : i32
        %shift_left3A_795 = vector.broadcast %shift_left3A_794 : i32 to vector<16xi32>
        %shift_left3A_796 = arith.shli %get3A_793, %shift_left3A_795 : vector<16xi32>
        %bitcast_convert_type3A_797 = tpu.bitcast %shift_left3A_796 : vector<16xi32> -> vector<16xf32>
        %bitcast_convert_type3A_798 = tpu.bitcast %get3A_793 : vector<16xi32> -> vector<16xf32>
        %add3A_799 = arith.addf %add3A_739, %bitcast_convert_type3A_797 : vector<16xf32>
        %add3A_800 = arith.addf %add3A_740, %bitcast_convert_type3A_798 : vector<16xf32>
        %add3A_801 = arith.addf %add3A_754, %add3A_769 : vector<16xf32>
        %add3A_802 = arith.addf %add3A_784, %add3A_799 : vector<16xf32>
        %add3A_803 = arith.addf %add3A_801, %add3A_802 : vector<16xf32>
        %add3A_804 = arith.addf %add3A_755, %add3A_770 : vector<16xf32>
        %add3A_805 = arith.addf %add3A_785, %add3A_800 : vector<16xf32>
        %add3A_806 = arith.addf %add3A_804, %add3A_805 : vector<16xf32>
        %swap3A_807 = arith.index_cast %add3A_76 : i32 to index
        %swap3A_808 = arith.constant 32 : index
        %swap3A_809 = tpu.vector_load %arg11[%swap3A_807, %swap3A_808] {strides = array<i32>} : memref<8x128xf32, #tpu.memory_space<vmem>>, vector<1x16xf32>,
        %swap3A_810 = vector.shape_cast %swap3A_809 : vector<1x16xf32> to vector<16xf32>
        %swap3A_811 = vector.shape_cast %add3A_803 : vector<16xf32> to vector<1x16xf32>
        tpu.vector_store %arg11[%swap3A_807, %swap3A_808], %swap3A_811 {strides = array<i32>} : memref<8x128xf32, #tpu.memory_space<vmem>>, vector<1x16xf32>,
        %swap3A_812 = arith.index_cast %add3A_76 : i32 to index
        %swap3A_813 = arith.constant 96 : index
        %swap3A_814 = tpu.vector_load %arg11[%swap3A_812, %swap3A_813] {strides = array<i32>} : memref<8x128xf32, #tpu.memory_space<vmem>>, vector<1x16xf32>,
        %swap3A_815 = vector.shape_cast %swap3A_814 : vector<1x16xf32> to vector<16xf32>
        %swap3A_816 = vector.shape_cast %add3A_806 : vector<16xf32> to vector<1x16xf32>
        tpu.vector_store %arg11[%swap3A_812, %swap3A_813], %swap3A_816 {strides = array<i32>} : memref<8x128xf32, #tpu.memory_space<vmem>>, vector<1x16xf32>,
        %mul3A_817 = arith.constant 16 : i32
        %mul3A_818 = arith.muli %add3A_76, %mul3A_817 : i32
        %add3A_819 = arith.constant 0 : i32
        %add3A_820 = arith.addi %mul3A_818, %add3A_819 : i32
        %get3A_821 = arith.index_cast %add3A_820 : i32 to index
        %get3A_822 = arith.constant 48 : index
        %get3A_823 = tpu.vector_load %arg8[%get3A_821, %get3A_822] {strides = array<i32>} : memref<128x64xi32, #tpu.memory_space<vmem>>, vector<1x16xi32>,
        %get3A_824 = vector.shape_cast %get3A_823 : vector<1x16xi32> to vector<16xi32>
        %shift_left3A_825 = arith.constant 16 : i32
        %shift_left3A_826 = vector.broadcast %shift_left3A_825 : i32 to vector<16xi32>
        %shift_left3A_827 = arith.shli %get3A_824, %shift_left3A_826 : vector<16xi32>
        %bitcast_convert_type3A_828 = tpu.bitcast %shift_left3A_827 : vector<16xi32> -> vector<16xf32>
        %bitcast_convert_type3A_829 = tpu.bitcast %get3A_824 : vector<16xi32> -> vector<16xf32>
        %mul3A_830 = arith.constant 16 : i32
        %mul3A_831 = arith.muli %add3A_76, %mul3A_830 : i32
        %add3A_832 = arith.constant 1 : i32
        %add3A_833 = arith.addi %mul3A_831, %add3A_832 : i32
        %get3A_834 = arith.index_cast %add3A_833 : i32 to index
        %get3A_835 = arith.constant 48 : index
        %get3A_836 = tpu.vector_load %arg8[%get3A_834, %get3A_835] {strides = array<i32>} : memref<128x64xi32, #tpu.memory_space<vmem>>, vector<1x16xi32>,
        %get3A_837 = vector.shape_cast %get3A_836 : vector<1x16xi32> to vector<16xi32>
        %shift_left3A_838 = arith.constant 16 : i32
        %shift_left3A_839 = vector.broadcast %shift_left3A_838 : i32 to vector<16xi32>
        %shift_left3A_840 = arith.shli %get3A_837, %shift_left3A_839 : vector<16xi32>
        %bitcast_convert_type3A_841 = tpu.bitcast %shift_left3A_840 : vector<16xi32> -> vector<16xf32>
        %bitcast_convert_type3A_842 = tpu.bitcast %get3A_837 : vector<16xi32> -> vector<16xf32>
        %mul3A_843 = arith.constant 16 : i32
        %mul3A_844 = arith.muli %add3A_76, %mul3A_843 : i32
        %add3A_845 = arith.constant 2 : i32
        %add3A_846 = arith.addi %mul3A_844, %add3A_845 : i32
        %get3A_847 = arith.index_cast %add3A_846 : i32 to index
        %get3A_848 = arith.constant 48 : index
        %get3A_849 = tpu.vector_load %arg8[%get3A_847, %get3A_848] {strides = array<i32>} : memref<128x64xi32, #tpu.memory_space<vmem>>, vector<1x16xi32>,
        %get3A_850 = vector.shape_cast %get3A_849 : vector<1x16xi32> to vector<16xi32>
        %shift_left3A_851 = arith.constant 16 : i32
        %shift_left3A_852 = vector.broadcast %shift_left3A_851 : i32 to vector<16xi32>
        %shift_left3A_853 = arith.shli %get3A_850, %shift_left3A_852 : vector<16xi32>
        %bitcast_convert_type3A_854 = tpu.bitcast %shift_left3A_853 : vector<16xi32> -> vector<16xf32>
        %bitcast_convert_type3A_855 = tpu.bitcast %get3A_850 : vector<16xi32> -> vector<16xf32>
        %mul3A_856 = arith.constant 16 : i32
        %mul3A_857 = arith.muli %add3A_76, %mul3A_856 : i32
        %add3A_858 = arith.constant 3 : i32
        %add3A_859 = arith.addi %mul3A_857, %add3A_858 : i32
        %get3A_860 = arith.index_cast %add3A_859 : i32 to index
        %get3A_861 = arith.constant 48 : index
        %get3A_862 = tpu.vector_load %arg8[%get3A_860, %get3A_861] {strides = array<i32>} : memref<128x64xi32, #tpu.memory_space<vmem>>, vector<1x16xi32>,
        %get3A_863 = vector.shape_cast %get3A_862 : vector<1x16xi32> to vector<16xi32>
        %shift_left3A_864 = arith.constant 16 : i32
        %shift_left3A_865 = vector.broadcast %shift_left3A_864 : i32 to vector<16xi32>
        %shift_left3A_866 = arith.shli %get3A_863, %shift_left3A_865 : vector<16xi32>
        %bitcast_convert_type3A_867 = tpu.bitcast %shift_left3A_866 : vector<16xi32> -> vector<16xf32>
        %bitcast_convert_type3A_868 = tpu.bitcast %get3A_863 : vector<16xi32> -> vector<16xf32>
        %mul3A_869 = arith.constant 16 : i32
        %mul3A_870 = arith.muli %add3A_76, %mul3A_869 : i32
        %add3A_871 = arith.constant 4 : i32
        %add3A_872 = arith.addi %mul3A_870, %add3A_871 : i32
        %get3A_873 = arith.index_cast %add3A_872 : i32 to index
        %get3A_874 = arith.constant 48 : index
        %get3A_875 = tpu.vector_load %arg8[%get3A_873, %get3A_874] {strides = array<i32>} : memref<128x64xi32, #tpu.memory_space<vmem>>, vector<1x16xi32>,
        %get3A_876 = vector.shape_cast %get3A_875 : vector<1x16xi32> to vector<16xi32>
        %shift_left3A_877 = arith.constant 16 : i32
        %shift_left3A_878 = vector.broadcast %shift_left3A_877 : i32 to vector<16xi32>
        %shift_left3A_879 = arith.shli %get3A_876, %shift_left3A_878 : vector<16xi32>
        %bitcast_convert_type3A_880 = tpu.bitcast %shift_left3A_879 : vector<16xi32> -> vector<16xf32>
        %bitcast_convert_type3A_881 = tpu.bitcast %get3A_876 : vector<16xi32> -> vector<16xf32>
        %add3A_882 = arith.addf %bitcast_convert_type3A_828, %bitcast_convert_type3A_880 : vector<16xf32>
        %add3A_883 = arith.addf %bitcast_convert_type3A_829, %bitcast_convert_type3A_881 : vector<16xf32>
        %mul3A_884 = arith.constant 16 : i32
        %mul3A_885 = arith.muli %add3A_76, %mul3A_884 : i32
        %add3A_886 = arith.constant 5 : i32
        %add3A_887 = arith.addi %mul3A_885, %add3A_886 : i32
        %get3A_888 = arith.index_cast %add3A_887 : i32 to index
        %get3A_889 = arith.constant 48 : index
        %get3A_890 = tpu.vector_load %arg8[%get3A_888, %get3A_889] {strides = array<i32>} : memref<128x64xi32, #tpu.memory_space<vmem>>, vector<1x16xi32>,
        %get3A_891 = vector.shape_cast %get3A_890 : vector<1x16xi32> to vector<16xi32>
        %shift_left3A_892 = arith.constant 16 : i32
        %shift_left3A_893 = vector.broadcast %shift_left3A_892 : i32 to vector<16xi32>
        %shift_left3A_894 = arith.shli %get3A_891, %shift_left3A_893 : vector<16xi32>
        %bitcast_convert_type3A_895 = tpu.bitcast %shift_left3A_894 : vector<16xi32> -> vector<16xf32>
        %bitcast_convert_type3A_896 = tpu.bitcast %get3A_891 : vector<16xi32> -> vector<16xf32>
        %add3A_897 = arith.addf %bitcast_convert_type3A_841, %bitcast_convert_type3A_895 : vector<16xf32>
        %add3A_898 = arith.addf %bitcast_convert_type3A_842, %bitcast_convert_type3A_896 : vector<16xf32>
        %mul3A_899 = arith.constant 16 : i32
        %mul3A_900 = arith.muli %add3A_76, %mul3A_899 : i32
        %add3A_901 = arith.constant 6 : i32
        %add3A_902 = arith.addi %mul3A_900, %add3A_901 : i32
        %get3A_903 = arith.index_cast %add3A_902 : i32 to index
        %get3A_904 = arith.constant 48 : index
        %get3A_905 = tpu.vector_load %arg8[%get3A_903, %get3A_904] {strides = array<i32>} : memref<128x64xi32, #tpu.memory_space<vmem>>, vector<1x16xi32>,
        %get3A_906 = vector.shape_cast %get3A_905 : vector<1x16xi32> to vector<16xi32>
        %shift_left3A_907 = arith.constant 16 : i32
        %shift_left3A_908 = vector.broadcast %shift_left3A_907 : i32 to vector<16xi32>
        %shift_left3A_909 = arith.shli %get3A_906, %shift_left3A_908 : vector<16xi32>
        %bitcast_convert_type3A_910 = tpu.bitcast %shift_left3A_909 : vector<16xi32> -> vector<16xf32>
        %bitcast_convert_type3A_911 = tpu.bitcast %get3A_906 : vector<16xi32> -> vector<16xf32>
        %add3A_912 = arith.addf %bitcast_convert_type3A_854, %bitcast_convert_type3A_910 : vector<16xf32>
        %add3A_913 = arith.addf %bitcast_convert_type3A_855, %bitcast_convert_type3A_911 : vector<16xf32>
        %mul3A_914 = arith.constant 16 : i32
        %mul3A_915 = arith.muli %add3A_76, %mul3A_914 : i32
        %add3A_916 = arith.constant 7 : i32
        %add3A_917 = arith.addi %mul3A_915, %add3A_916 : i32
        %get3A_918 = arith.index_cast %add3A_917 : i32 to index
        %get3A_919 = arith.constant 48 : index
        %get3A_920 = tpu.vector_load %arg8[%get3A_918, %get3A_919] {strides = array<i32>} : memref<128x64xi32, #tpu.memory_space<vmem>>, vector<1x16xi32>,
        %get3A_921 = vector.shape_cast %get3A_920 : vector<1x16xi32> to vector<16xi32>
        %shift_left3A_922 = arith.constant 16 : i32
        %shift_left3A_923 = vector.broadcast %shift_left3A_922 : i32 to vector<16xi32>
        %shift_left3A_924 = arith.shli %get3A_921, %shift_left3A_923 : vector<16xi32>
        %bitcast_convert_type3A_925 = tpu.bitcast %shift_left3A_924 : vector<16xi32> -> vector<16xf32>
        %bitcast_convert_type3A_926 = tpu.bitcast %get3A_921 : vector<16xi32> -> vector<16xf32>
        %add3A_927 = arith.addf %bitcast_convert_type3A_867, %bitcast_convert_type3A_925 : vector<16xf32>
        %add3A_928 = arith.addf %bitcast_convert_type3A_868, %bitcast_convert_type3A_926 : vector<16xf32>
        %mul3A_929 = arith.constant 16 : i32
        %mul3A_930 = arith.muli %add3A_76, %mul3A_929 : i32
        %add3A_931 = arith.constant 8 : i32
        %add3A_932 = arith.addi %mul3A_930, %add3A_931 : i32
        %get3A_933 = arith.index_cast %add3A_932 : i32 to index
        %get3A_934 = arith.constant 48 : index
        %get3A_935 = tpu.vector_load %arg8[%get3A_933, %get3A_934] {strides = array<i32>} : memref<128x64xi32, #tpu.memory_space<vmem>>, vector<1x16xi32>,
        %get3A_936 = vector.shape_cast %get3A_935 : vector<1x16xi32> to vector<16xi32>
        %shift_left3A_937 = arith.constant 16 : i32
        %shift_left3A_938 = vector.broadcast %shift_left3A_937 : i32 to vector<16xi32>
        %shift_left3A_939 = arith.shli %get3A_936, %shift_left3A_938 : vector<16xi32>
        %bitcast_convert_type3A_940 = tpu.bitcast %shift_left3A_939 : vector<16xi32> -> vector<16xf32>
        %bitcast_convert_type3A_941 = tpu.bitcast %get3A_936 : vector<16xi32> -> vector<16xf32>
        %add3A_942 = arith.addf %add3A_882, %bitcast_convert_type3A_940 : vector<16xf32>
        %add3A_943 = arith.addf %add3A_883, %bitcast_convert_type3A_941 : vector<16xf32>
        %mul3A_944 = arith.constant 16 : i32
        %mul3A_945 = arith.muli %add3A_76, %mul3A_944 : i32
        %add3A_946 = arith.constant 9 : i32
        %add3A_947 = arith.addi %mul3A_945, %add3A_946 : i32
        %get3A_948 = arith.index_cast %add3A_947 : i32 to index
        %get3A_949 = arith.constant 48 : index
        %get3A_950 = tpu.vector_load %arg8[%get3A_948, %get3A_949] {strides = array<i32>} : memref<128x64xi32, #tpu.memory_space<vmem>>, vector<1x16xi32>,
        %get3A_951 = vector.shape_cast %get3A_950 : vector<1x16xi32> to vector<16xi32>
        %shift_left3A_952 = arith.constant 16 : i32
        %shift_left3A_953 = vector.broadcast %shift_left3A_952 : i32 to vector<16xi32>
        %shift_left3A_954 = arith.shli %get3A_951, %shift_left3A_953 : vector<16xi32>
        %bitcast_convert_type3A_955 = tpu.bitcast %shift_left3A_954 : vector<16xi32> -> vector<16xf32>
        %bitcast_convert_type3A_956 = tpu.bitcast %get3A_951 : vector<16xi32> -> vector<16xf32>
        %add3A_957 = arith.addf %add3A_897, %bitcast_convert_type3A_955 : vector<16xf32>
        %add3A_958 = arith.addf %add3A_898, %bitcast_convert_type3A_956 : vector<16xf32>
        %mul3A_959 = arith.constant 16 : i32
        %mul3A_960 = arith.muli %add3A_76, %mul3A_959 : i32
        %add3A_961 = arith.constant 10 : i32
        %add3A_962 = arith.addi %mul3A_960, %add3A_961 : i32
        %get3A_963 = arith.index_cast %add3A_962 : i32 to index
        %get3A_964 = arith.constant 48 : index
        %get3A_965 = tpu.vector_load %arg8[%get3A_963, %get3A_964] {strides = array<i32>} : memref<128x64xi32, #tpu.memory_space<vmem>>, vector<1x16xi32>,
        %get3A_966 = vector.shape_cast %get3A_965 : vector<1x16xi32> to vector<16xi32>
        %shift_left3A_967 = arith.constant 16 : i32
        %shift_left3A_968 = vector.broadcast %shift_left3A_967 : i32 to vector<16xi32>
        %shift_left3A_969 = arith.shli %get3A_966, %shift_left3A_968 : vector<16xi32>
        %bitcast_convert_type3A_970 = tpu.bitcast %shift_left3A_969 : vector<16xi32> -> vector<16xf32>
        %bitcast_convert_type3A_971 = tpu.bitcast %get3A_966 : vector<16xi32> -> vector<16xf32>
        %add3A_972 = arith.addf %add3A_912, %bitcast_convert_type3A_970 : vector<16xf32>
        %add3A_973 = arith.addf %add3A_913, %bitcast_convert_type3A_971 : vector<16xf32>
        %mul3A_974 = arith.constant 16 : i32
        %mul3A_975 = arith.muli %add3A_76, %mul3A_974 : i32
        %add3A_976 = arith.constant 11 : i32
        %add3A_977 = arith.addi %mul3A_975, %add3A_976 : i32
        %get3A_978 = arith.index_cast %add3A_977 : i32 to index
        %get3A_979 = arith.constant 48 : index
        %get3A_980 = tpu.vector_load %arg8[%get3A_978, %get3A_979] {strides = array<i32>} : memref<128x64xi32, #tpu.memory_space<vmem>>, vector<1x16xi32>,
        %get3A_981 = vector.shape_cast %get3A_980 : vector<1x16xi32> to vector<16xi32>
        %shift_left3A_982 = arith.constant 16 : i32
        %shift_left3A_983 = vector.broadcast %shift_left3A_982 : i32 to vector<16xi32>
        %shift_left3A_984 = arith.shli %get3A_981, %shift_left3A_983 : vector<16xi32>
        %bitcast_convert_type3A_985 = tpu.bitcast %shift_left3A_984 : vector<16xi32> -> vector<16xf32>
        %bitcast_convert_type3A_986 = tpu.bitcast %get3A_981 : vector<16xi32> -> vector<16xf32>
        %add3A_987 = arith.addf %add3A_927, %bitcast_convert_type3A_985 : vector<16xf32>
        %add3A_988 = arith.addf %add3A_928, %bitcast_convert_type3A_986 : vector<16xf32>
        %mul3A_989 = arith.constant 16 : i32
        %mul3A_990 = arith.muli %add3A_76, %mul3A_989 : i32
        %add3A_991 = arith.constant 12 : i32
        %add3A_992 = arith.addi %mul3A_990, %add3A_991 : i32
        %get3A_993 = arith.index_cast %add3A_992 : i32 to index
        %get3A_994 = arith.constant 48 : index
        %get3A_995 = tpu.vector_load %arg8[%get3A_993, %get3A_994] {strides = array<i32>} : memref<128x64xi32, #tpu.memory_space<vmem>>, vector<1x16xi32>,
        %get3A_996 = vector.shape_cast %get3A_995 : vector<1x16xi32> to vector<16xi32>
        %shift_left3A_997 = arith.constant 16 : i32
        %shift_left3A_998 = vector.broadcast %shift_left3A_997 : i32 to vector<16xi32>
        %shift_left3A_999 = arith.shli %get3A_996, %shift_left3A_998 : vector<16xi32>
        %bitcast_convert_type3A_1000 = tpu.bitcast %shift_left3A_999 : vector<16xi32> -> vector<16xf32>
        %bitcast_convert_type3A_1001 = tpu.bitcast %get3A_996 : vector<16xi32> -> vector<16xf32>
        %add3A_1002 = arith.addf %add3A_942, %bitcast_convert_type3A_1000 : vector<16xf32>
        %add3A_1003 = arith.addf %add3A_943, %bitcast_convert_type3A_1001 : vector<16xf32>
        %mul3A_1004 = arith.constant 16 : i32
        %mul3A_1005 = arith.muli %add3A_76, %mul3A_1004 : i32
        %add3A_1006 = arith.constant 13 : i32
        %add3A_1007 = arith.addi %mul3A_1005, %add3A_1006 : i32
        %get3A_1008 = arith.index_cast %add3A_1007 : i32 to index
        %get3A_1009 = arith.constant 48 : index
        %get3A_1010 = tpu.vector_load %arg8[%get3A_1008, %get3A_1009] {strides = array<i32>} : memref<128x64xi32, #tpu.memory_space<vmem>>, vector<1x16xi32>,
        %get3A_1011 = vector.shape_cast %get3A_1010 : vector<1x16xi32> to vector<16xi32>
        %shift_left3A_1012 = arith.constant 16 : i32
        %shift_left3A_1013 = vector.broadcast %shift_left3A_1012 : i32 to vector<16xi32>
        %shift_left3A_1014 = arith.shli %get3A_1011, %shift_left3A_1013 : vector<16xi32>
        %bitcast_convert_type3A_1015 = tpu.bitcast %shift_left3A_1014 : vector<16xi32> -> vector<16xf32>
        %bitcast_convert_type3A_1016 = tpu.bitcast %get3A_1011 : vector<16xi32> -> vector<16xf32>
        %add3A_1017 = arith.addf %add3A_957, %bitcast_convert_type3A_1015 : vector<16xf32>
        %add3A_1018 = arith.addf %add3A_958, %bitcast_convert_type3A_1016 : vector<16xf32>
        %mul3A_1019 = arith.constant 16 : i32
        %mul3A_1020 = arith.muli %add3A_76, %mul3A_1019 : i32
        %add3A_1021 = arith.constant 14 : i32
        %add3A_1022 = arith.addi %mul3A_1020, %add3A_1021 : i32
        %get3A_1023 = arith.index_cast %add3A_1022 : i32 to index
        %get3A_1024 = arith.constant 48 : index
        %get3A_1025 = tpu.vector_load %arg8[%get3A_1023, %get3A_1024] {strides = array<i32>} : memref<128x64xi32, #tpu.memory_space<vmem>>, vector<1x16xi32>,
        %get3A_1026 = vector.shape_cast %get3A_1025 : vector<1x16xi32> to vector<16xi32>
        %shift_left3A_1027 = arith.constant 16 : i32
        %shift_left3A_1028 = vector.broadcast %shift_left3A_1027 : i32 to vector<16xi32>
        %shift_left3A_1029 = arith.shli %get3A_1026, %shift_left3A_1028 : vector<16xi32>
        %bitcast_convert_type3A_1030 = tpu.bitcast %shift_left3A_1029 : vector<16xi32> -> vector<16xf32>
        %bitcast_convert_type3A_1031 = tpu.bitcast %get3A_1026 : vector<16xi32> -> vector<16xf32>
        %add3A_1032 = arith.addf %add3A_972, %bitcast_convert_type3A_1030 : vector<16xf32>
        %add3A_1033 = arith.addf %add3A_973, %bitcast_convert_type3A_1031 : vector<16xf32>
        %mul3A_1034 = arith.constant 16 : i32
        %mul3A_1035 = arith.muli %add3A_76, %mul3A_1034 : i32
        %add3A_1036 = arith.constant 15 : i32
        %add3A_1037 = arith.addi %mul3A_1035, %add3A_1036 : i32
        %get3A_1038 = arith.index_cast %add3A_1037 : i32 to index
        %get3A_1039 = arith.constant 48 : index
        %get3A_1040 = tpu.vector_load %arg8[%get3A_1038, %get3A_1039] {strides = array<i32>} : memref<128x64xi32, #tpu.memory_space<vmem>>, vector<1x16xi32>,
        %get3A_1041 = vector.shape_cast %get3A_1040 : vector<1x16xi32> to vector<16xi32>
        %shift_left3A_1042 = arith.constant 16 : i32
        %shift_left3A_1043 = vector.broadcast %shift_left3A_1042 : i32 to vector<16xi32>
        %shift_left3A_1044 = arith.shli %get3A_1041, %shift_left3A_1043 : vector<16xi32>
        %bitcast_convert_type3A_1045 = tpu.bitcast %shift_left3A_1044 : vector<16xi32> -> vector<16xf32>
        %bitcast_convert_type3A_1046 = tpu.bitcast %get3A_1041 : vector<16xi32> -> vector<16xf32>
        %add3A_1047 = arith.addf %add3A_987, %bitcast_convert_type3A_1045 : vector<16xf32>
        %add3A_1048 = arith.addf %add3A_988, %bitcast_convert_type3A_1046 : vector<16xf32>
        %add3A_1049 = arith.addf %add3A_1002, %add3A_1017 : vector<16xf32>
        %add3A_1050 = arith.addf %add3A_1032, %add3A_1047 : vector<16xf32>
        %add3A_1051 = arith.addf %add3A_1049, %add3A_1050 : vector<16xf32>
        %add3A_1052 = arith.addf %add3A_1003, %add3A_1018 : vector<16xf32>
        %add3A_1053 = arith.addf %add3A_1033, %add3A_1048 : vector<16xf32>
        %add3A_1054 = arith.addf %add3A_1052, %add3A_1053 : vector<16xf32>
        %swap3A_1055 = arith.index_cast %add3A_76 : i32 to index
        %swap3A_1056 = arith.constant 48 : index
        %swap3A_1057 = tpu.vector_load %arg11[%swap3A_1055, %swap3A_1056] {strides = array<i32>} : memref<8x128xf32, #tpu.memory_space<vmem>>, vector<1x16xf32>,
        %swap3A_1058 = vector.shape_cast %swap3A_1057 : vector<1x16xf32> to vector<16xf32>
        %swap3A_1059 = vector.shape_cast %add3A_1051 : vector<16xf32> to vector<1x16xf32>
        tpu.vector_store %arg11[%swap3A_1055, %swap3A_1056], %swap3A_1059 {strides = array<i32>} : memref<8x128xf32, #tpu.memory_space<vmem>>, vector<1x16xf32>,
        %swap3A_1060 = arith.index_cast %add3A_76 : i32 to index
        %swap3A_1061 = arith.constant 112 : index
        %swap3A_1062 = tpu.vector_load %arg11[%swap3A_1060, %swap3A_1061] {strides = array<i32>} : memref<8x128xf32, #tpu.memory_space<vmem>>, vector<1x16xf32>,
        %swap3A_1063 = vector.shape_cast %swap3A_1062 : vector<1x16xf32> to vector<16xf32>
        %swap3A_1064 = vector.shape_cast %add3A_1054 : vector<16xf32> to vector<1x16xf32>
        tpu.vector_store %arg11[%swap3A_1060, %swap3A_1061], %swap3A_1064 {strides = array<i32>} : memref<8x128xf32, #tpu.memory_space<vmem>>, vector<1x16xf32>,
      }
      %scan3A_46 = arith.constant 8 : i32
      %add3A_47 = arith.constant 1 : i32
      %add3A_48 = arith.addi %add3A_30, %add3A_47 : i32
      %lt3A_49 = arith.cmpi slt, %add3A_48, %add3A_4 : i32
      %convert_element_type3A_50 = arith.extui %lt3A_49 : i1 to i32
      %cond3A_51 = arith.constant 0 : i32
      %cond3A_52 = arith.cmpi ne, %convert_element_type3A_50, %cond3A_51 : i32
      scf.if %cond3A_52 {
        %mul3A_72 = arith.constant 8 : i32
        %mul3A_73 = arith.muli %add3A_35, %mul3A_72 : i32
        %mul3A_74 = arith.constant 16 : i32
        %mul3A_75 = arith.muli %mul3A_73, %mul3A_74 : i32
        "tpu.region"() ({
          %run_scoped3A = tpu.sem_alloc : memref<!tpu.dma_semaphore, #tpu.memory_space<semaphore_mem>>
          %dma_start3A_79 = tpu.memref_slice %arg4[%mul3A_75] : memref<160000xi32, #tpu.memory_space<hbm>> -> memref<128xi32, #tpu.memory_space<hbm>>
          %dma_start3A_80 = tpu.memref_slice %arg4[%mul3A_75] : memref<160000xi32, #tpu.memory_space<hbm>> -> memref<128xi32, #tpu.memory_space<hbm>>
          tpu.enqueue_dma source(%dma_start3A_80 : memref<128xi32, #tpu.memory_space<hbm>>) target(%arg7 : memref<128xi32, #tpu.memory_space<vmem>>) target_semaphore(%run_scoped3A : memref<!tpu.dma_semaphore, #tpu.memory_space<semaphore_mem>>)
          %dma_wait3A_81 = tpu.memref_slice %arg4[%mul3A_75] : memref<160000xi32, #tpu.memory_space<hbm>> -> memref<128xi32, #tpu.memory_space<hbm>>
          %dma_wait3A_82 = tpu.memref_slice %arg4[%mul3A_75] : memref<160000xi32, #tpu.memory_space<hbm>> -> memref<128xi32, #tpu.memory_space<hbm>>
          tpu.wait_dma2 semaphore(%run_scoped3A : memref<!tpu.dma_semaphore, #tpu.memory_space<semaphore_mem>>) src(%dma_wait3A_82 : memref<128xi32, #tpu.memory_space<hbm>>) dst(%arg7 : memref<128xi32, #tpu.memory_space<vmem>>)
          tpu.yield
        }) : () -> ()
        %dma_start3A_76 = arith.constant 0 : i32
        %dma_start3A_77 = arith.constant 0 : i32
        %dma_start3A_78 = tpu.memref_slice %arg2[%dma_start3A_76, %dma_start3A_77] : memref<10000x64xi32, #tpu.memory_space<hbm>> -> memref<10000x64xi32, #tpu.memory_space<hbm>>
        tpu.enqueue_indirect_dma source(%dma_start3A_78 : memref<10000x64xi32, #tpu.memory_space<hbm>>) target(%arg8 : memref<128x64xi32, #tpu.memory_space<vmem>>) offsets(%arg7 : memref<128xi32, #tpu.memory_space<vmem>>) semaphore(%arg12 : memref<!tpu.dma_semaphore, #tpu.memory_space<semaphore_mem>>)
      } else {
      }
      %dma_wait3A_53 = arith.constant 0 : i32
      %dma_wait3A_54 = arith.constant 0 : i32
      %dma_wait3A_55 = tpu.memref_slice %arg3[%dma_wait3A_53, %dma_wait3A_54] : memref<10000x64xi32, #tpu.memory_space<hbm>> -> memref<10000x64xi32, #tpu.memory_space<hbm>>
      tpu.wait_indirect_dma semaphore(%arg13 : memref<!tpu.dma_semaphore, #tpu.memory_space<semaphore_mem>>) src(%dma_wait3A_55 : memref<10000x64xi32, #tpu.memory_space<hbm>>) dst(%arg10 : memref<128x64xi32, #tpu.memory_space<vmem>>)
      %scan3A_56 = arith.constant 0 : i32
      %scan3A_57 = arith.constant 8 : i32
      %scan3A_58 = arith.addi %scan3A_56, %scan3A_57 : i32
      %scan3A_59 = arith.constant 1 : i32
      scf.for %scan3A_72 = %scan3A_56 to %scan3A_58 step %scan3A_59  : i32 {
        %mul3A_73 = arith.constant 1 : i32
        %mul3A_74 = arith.muli %scan3A_72, %mul3A_73 : i32
        %add3A_75 = arith.constant 0 : i32
        %add3A_76 = arith.addi %add3A_75, %mul3A_74 : i32
        %mul3A_77 = arith.constant 16 : i32
        %mul3A_78 = arith.muli %add3A_76, %mul3A_77 : i32
        %add3A_79 = arith.constant 0 : i32
        %add3A_80 = arith.addi %mul3A_78, %add3A_79 : i32
        %get3A = arith.index_cast %add3A_80 : i32 to index
        %get3A_81 = arith.constant 0 : index
        %get3A_82 = tpu.vector_load %arg10[%get3A, %get3A_81] {strides = array<i32>} : memref<128x64xi32, #tpu.memory_space<vmem>>, vector<1x16xi32>,
        %get3A_83 = vector.shape_cast %get3A_82 : vector<1x16xi32> to vector<16xi32>
        %shift_left3A = arith.constant 16 : i32
        %shift_left3A_84 = vector.broadcast %shift_left3A : i32 to vector<16xi32>
        %shift_left3A_85 = arith.shli %get3A_83, %shift_left3A_84 : vector<16xi32>
        %bitcast_convert_type3A = tpu.bitcast %shift_left3A_85 : vector<16xi32> -> vector<16xf32>
        %bitcast_convert_type3A_86 = tpu.bitcast %get3A_83 : vector<16xi32> -> vector<16xf32>
        %mul3A_87 = arith.constant 16 : i32
        %mul3A_88 = arith.muli %add3A_76, %mul3A_87 : i32
        %add3A_89 = arith.constant 1 : i32
        %add3A_90 = arith.addi %mul3A_88, %add3A_89 : i32
        %get3A_91 = arith.index_cast %add3A_90 : i32 to index
        %get3A_92 = arith.constant 0 : index
        %get3A_93 = tpu.vector_load %arg10[%get3A_91, %get3A_92] {strides = array<i32>} : memref<128x64xi32, #tpu.memory_space<vmem>>, vector<1x16xi32>,
        %get3A_94 = vector.shape_cast %get3A_93 : vector<1x16xi32> to vector<16xi32>
        %shift_left3A_95 = arith.constant 16 : i32
        %shift_left3A_96 = vector.broadcast %shift_left3A_95 : i32 to vector<16xi32>
        %shift_left3A_97 = arith.shli %get3A_94, %shift_left3A_96 : vector<16xi32>
        %bitcast_convert_type3A_98 = tpu.bitcast %shift_left3A_97 : vector<16xi32> -> vector<16xf32>
        %bitcast_convert_type3A_99 = tpu.bitcast %get3A_94 : vector<16xi32> -> vector<16xf32>
        %mul3A_100 = arith.constant 16 : i32
        %mul3A_101 = arith.muli %add3A_76, %mul3A_100 : i32
        %add3A_102 = arith.constant 2 : i32
        %add3A_103 = arith.addi %mul3A_101, %add3A_102 : i32
        %get3A_104 = arith.index_cast %add3A_103 : i32 to index
        %get3A_105 = arith.constant 0 : index
        %get3A_106 = tpu.vector_load %arg10[%get3A_104, %get3A_105] {strides = array<i32>} : memref<128x64xi32, #tpu.memory_space<vmem>>, vector<1x16xi32>,
        %get3A_107 = vector.shape_cast %get3A_106 : vector<1x16xi32> to vector<16xi32>
        %shift_left3A_108 = arith.constant 16 : i32
        %shift_left3A_109 = vector.broadcast %shift_left3A_108 : i32 to vector<16xi32>
        %shift_left3A_110 = arith.shli %get3A_107, %shift_left3A_109 : vector<16xi32>
        %bitcast_convert_type3A_111 = tpu.bitcast %shift_left3A_110 : vector<16xi32> -> vector<16xf32>
        %bitcast_convert_type3A_112 = tpu.bitcast %get3A_107 : vector<16xi32> -> vector<16xf32>
        %mul3A_113 = arith.constant 16 : i32
        %mul3A_114 = arith.muli %add3A_76, %mul3A_113 : i32
        %add3A_115 = arith.constant 3 : i32
        %add3A_116 = arith.addi %mul3A_114, %add3A_115 : i32
        %get3A_117 = arith.index_cast %add3A_116 : i32 to index
        %get3A_118 = arith.constant 0 : index
        %get3A_119 = tpu.vector_load %arg10[%get3A_117, %get3A_118] {strides = array<i32>} : memref<128x64xi32, #tpu.memory_space<vmem>>, vector<1x16xi32>,
        %get3A_120 = vector.shape_cast %get3A_119 : vector<1x16xi32> to vector<16xi32>
        %shift_left3A_121 = arith.constant 16 : i32
        %shift_left3A_122 = vector.broadcast %shift_left3A_121 : i32 to vector<16xi32>
        %shift_left3A_123 = arith.shli %get3A_120, %shift_left3A_122 : vector<16xi32>
        %bitcast_convert_type3A_124 = tpu.bitcast %shift_left3A_123 : vector<16xi32> -> vector<16xf32>
        %bitcast_convert_type3A_125 = tpu.bitcast %get3A_120 : vector<16xi32> -> vector<16xf32>
        %mul3A_126 = arith.constant 16 : i32
        %mul3A_127 = arith.muli %add3A_76, %mul3A_126 : i32
        %add3A_128 = arith.constant 4 : i32
        %add3A_129 = arith.addi %mul3A_127, %add3A_128 : i32
        %get3A_130 = arith.index_cast %add3A_129 : i32 to index
        %get3A_131 = arith.constant 0 : index
        %get3A_132 = tpu.vector_load %arg10[%get3A_130, %get3A_131] {strides = array<i32>} : memref<128x64xi32, #tpu.memory_space<vmem>>, vector<1x16xi32>,
        %get3A_133 = vector.shape_cast %get3A_132 : vector<1x16xi32> to vector<16xi32>
        %shift_left3A_134 = arith.constant 16 : i32
        %shift_left3A_135 = vector.broadcast %shift_left3A_134 : i32 to vector<16xi32>
        %shift_left3A_136 = arith.shli %get3A_133, %shift_left3A_135 : vector<16xi32>
        %bitcast_convert_type3A_137 = tpu.bitcast %shift_left3A_136 : vector<16xi32> -> vector<16xf32>
        %bitcast_convert_type3A_138 = tpu.bitcast %get3A_133 : vector<16xi32> -> vector<16xf32>
        %add3A_139 = arith.addf %bitcast_convert_type3A, %bitcast_convert_type3A_137 : vector<16xf32>
        %add3A_140 = arith.addf %bitcast_convert_type3A_86, %bitcast_convert_type3A_138 : vector<16xf32>
        %mul3A_141 = arith.constant 16 : i32
        %mul3A_142 = arith.muli %add3A_76, %mul3A_141 : i32
        %add3A_143 = arith.constant 5 : i32
        %add3A_144 = arith.addi %mul3A_142, %add3A_143 : i32
        %get3A_145 = arith.index_cast %add3A_144 : i32 to index
        %get3A_146 = arith.constant 0 : index
        %get3A_147 = tpu.vector_load %arg10[%get3A_145, %get3A_146] {strides = array<i32>} : memref<128x64xi32, #tpu.memory_space<vmem>>, vector<1x16xi32>,
        %get3A_148 = vector.shape_cast %get3A_147 : vector<1x16xi32> to vector<16xi32>
        %shift_left3A_149 = arith.constant 16 : i32
        %shift_left3A_150 = vector.broadcast %shift_left3A_149 : i32 to vector<16xi32>
        %shift_left3A_151 = arith.shli %get3A_148, %shift_left3A_150 : vector<16xi32>
        %bitcast_convert_type3A_152 = tpu.bitcast %shift_left3A_151 : vector<16xi32> -> vector<16xf32>
        %bitcast_convert_type3A_153 = tpu.bitcast %get3A_148 : vector<16xi32> -> vector<16xf32>
        %add3A_154 = arith.addf %bitcast_convert_type3A_98, %bitcast_convert_type3A_152 : vector<16xf32>
        %add3A_155 = arith.addf %bitcast_convert_type3A_99, %bitcast_convert_type3A_153 : vector<16xf32>
        %mul3A_156 = arith.constant 16 : i32
        %mul3A_157 = arith.muli %add3A_76, %mul3A_156 : i32
        %add3A_158 = arith.constant 6 : i32
        %add3A_159 = arith.addi %mul3A_157, %add3A_158 : i32
        %get3A_160 = arith.index_cast %add3A_159 : i32 to index
        %get3A_161 = arith.constant 0 : index
        %get3A_162 = tpu.vector_load %arg10[%get3A_160, %get3A_161] {strides = array<i32>} : memref<128x64xi32, #tpu.memory_space<vmem>>, vector<1x16xi32>,
        %get3A_163 = vector.shape_cast %get3A_162 : vector<1x16xi32> to vector<16xi32>
        %shift_left3A_164 = arith.constant 16 : i32
        %shift_left3A_165 = vector.broadcast %shift_left3A_164 : i32 to vector<16xi32>
        %shift_left3A_166 = arith.shli %get3A_163, %shift_left3A_165 : vector<16xi32>
        %bitcast_convert_type3A_167 = tpu.bitcast %shift_left3A_166 : vector<16xi32> -> vector<16xf32>
        %bitcast_convert_type3A_168 = tpu.bitcast %get3A_163 : vector<16xi32> -> vector<16xf32>
        %add3A_169 = arith.addf %bitcast_convert_type3A_111, %bitcast_convert_type3A_167 : vector<16xf32>
        %add3A_170 = arith.addf %bitcast_convert_type3A_112, %bitcast_convert_type3A_168 : vector<16xf32>
        %mul3A_171 = arith.constant 16 : i32
        %mul3A_172 = arith.muli %add3A_76, %mul3A_171 : i32
        %add3A_173 = arith.constant 7 : i32
        %add3A_174 = arith.addi %mul3A_172, %add3A_173 : i32
        %get3A_175 = arith.index_cast %add3A_174 : i32 to index
        %get3A_176 = arith.constant 0 : index
        %get3A_177 = tpu.vector_load %arg10[%get3A_175, %get3A_176] {strides = array<i32>} : memref<128x64xi32, #tpu.memory_space<vmem>>, vector<1x16xi32>,
        %get3A_178 = vector.shape_cast %get3A_177 : vector<1x16xi32> to vector<16xi32>
        %shift_left3A_179 = arith.constant 16 : i32
        %shift_left3A_180 = vector.broadcast %shift_left3A_179 : i32 to vector<16xi32>
        %shift_left3A_181 = arith.shli %get3A_178, %shift_left3A_180 : vector<16xi32>
        %bitcast_convert_type3A_182 = tpu.bitcast %shift_left3A_181 : vector<16xi32> -> vector<16xf32>
        %bitcast_convert_type3A_183 = tpu.bitcast %get3A_178 : vector<16xi32> -> vector<16xf32>
        %add3A_184 = arith.addf %bitcast_convert_type3A_124, %bitcast_convert_type3A_182 : vector<16xf32>
        %add3A_185 = arith.addf %bitcast_convert_type3A_125, %bitcast_convert_type3A_183 : vector<16xf32>
        %mul3A_186 = arith.constant 16 : i32
        %mul3A_187 = arith.muli %add3A_76, %mul3A_186 : i32
        %add3A_188 = arith.constant 8 : i32
        %add3A_189 = arith.addi %mul3A_187, %add3A_188 : i32
        %get3A_190 = arith.index_cast %add3A_189 : i32 to index
        %get3A_191 = arith.constant 0 : index
        %get3A_192 = tpu.vector_load %arg10[%get3A_190, %get3A_191] {strides = array<i32>} : memref<128x64xi32, #tpu.memory_space<vmem>>, vector<1x16xi32>,
        %get3A_193 = vector.shape_cast %get3A_192 : vector<1x16xi32> to vector<16xi32>
        %shift_left3A_194 = arith.constant 16 : i32
        %shift_left3A_195 = vector.broadcast %shift_left3A_194 : i32 to vector<16xi32>
        %shift_left3A_196 = arith.shli %get3A_193, %shift_left3A_195 : vector<16xi32>
        %bitcast_convert_type3A_197 = tpu.bitcast %shift_left3A_196 : vector<16xi32> -> vector<16xf32>
        %bitcast_convert_type3A_198 = tpu.bitcast %get3A_193 : vector<16xi32> -> vector<16xf32>
        %add3A_199 = arith.addf %add3A_139, %bitcast_convert_type3A_197 : vector<16xf32>
        %add3A_200 = arith.addf %add3A_140, %bitcast_convert_type3A_198 : vector<16xf32>
        %mul3A_201 = arith.constant 16 : i32
        %mul3A_202 = arith.muli %add3A_76, %mul3A_201 : i32
        %add3A_203 = arith.constant 9 : i32
        %add3A_204 = arith.addi %mul3A_202, %add3A_203 : i32
        %get3A_205 = arith.index_cast %add3A_204 : i32 to index
        %get3A_206 = arith.constant 0 : index
        %get3A_207 = tpu.vector_load %arg10[%get3A_205, %get3A_206] {strides = array<i32>} : memref<128x64xi32, #tpu.memory_space<vmem>>, vector<1x16xi32>,
        %get3A_208 = vector.shape_cast %get3A_207 : vector<1x16xi32> to vector<16xi32>
        %shift_left3A_209 = arith.constant 16 : i32
        %shift_left3A_210 = vector.broadcast %shift_left3A_209 : i32 to vector<16xi32>
        %shift_left3A_211 = arith.shli %get3A_208, %shift_left3A_210 : vector<16xi32>
        %bitcast_convert_type3A_212 = tpu.bitcast %shift_left3A_211 : vector<16xi32> -> vector<16xf32>
        %bitcast_convert_type3A_213 = tpu.bitcast %get3A_208 : vector<16xi32> -> vector<16xf32>
        %add3A_214 = arith.addf %add3A_154, %bitcast_convert_type3A_212 : vector<16xf32>
        %add3A_215 = arith.addf %add3A_155, %bitcast_convert_type3A_213 : vector<16xf32>
        %mul3A_216 = arith.constant 16 : i32
        %mul3A_217 = arith.muli %add3A_76, %mul3A_216 : i32
        %add3A_218 = arith.constant 10 : i32
        %add3A_219 = arith.addi %mul3A_217, %add3A_218 : i32
        %get3A_220 = arith.index_cast %add3A_219 : i32 to index
        %get3A_221 = arith.constant 0 : index
        %get3A_222 = tpu.vector_load %arg10[%get3A_220, %get3A_221] {strides = array<i32>} : memref<128x64xi32, #tpu.memory_space<vmem>>, vector<1x16xi32>,
        %get3A_223 = vector.shape_cast %get3A_222 : vector<1x16xi32> to vector<16xi32>
        %shift_left3A_224 = arith.constant 16 : i32
        %shift_left3A_225 = vector.broadcast %shift_left3A_224 : i32 to vector<16xi32>
        %shift_left3A_226 = arith.shli %get3A_223, %shift_left3A_225 : vector<16xi32>
        %bitcast_convert_type3A_227 = tpu.bitcast %shift_left3A_226 : vector<16xi32> -> vector<16xf32>
        %bitcast_convert_type3A_228 = tpu.bitcast %get3A_223 : vector<16xi32> -> vector<16xf32>
        %add3A_229 = arith.addf %add3A_169, %bitcast_convert_type3A_227 : vector<16xf32>
        %add3A_230 = arith.addf %add3A_170, %bitcast_convert_type3A_228 : vector<16xf32>
        %mul3A_231 = arith.constant 16 : i32
        %mul3A_232 = arith.muli %add3A_76, %mul3A_231 : i32
        %add3A_233 = arith.constant 11 : i32
        %add3A_234 = arith.addi %mul3A_232, %add3A_233 : i32
        %get3A_235 = arith.index_cast %add3A_234 : i32 to index
        %get3A_236 = arith.constant 0 : index
        %get3A_237 = tpu.vector_load %arg10[%get3A_235, %get3A_236] {strides = array<i32>} : memref<128x64xi32, #tpu.memory_space<vmem>>, vector<1x16xi32>,
        %get3A_238 = vector.shape_cast %get3A_237 : vector<1x16xi32> to vector<16xi32>
        %shift_left3A_239 = arith.constant 16 : i32
        %shift_left3A_240 = vector.broadcast %shift_left3A_239 : i32 to vector<16xi32>
        %shift_left3A_241 = arith.shli %get3A_238, %shift_left3A_240 : vector<16xi32>
        %bitcast_convert_type3A_242 = tpu.bitcast %shift_left3A_241 : vector<16xi32> -> vector<16xf32>
        %bitcast_convert_type3A_243 = tpu.bitcast %get3A_238 : vector<16xi32> -> vector<16xf32>
        %add3A_244 = arith.addf %add3A_184, %bitcast_convert_type3A_242 : vector<16xf32>
        %add3A_245 = arith.addf %add3A_185, %bitcast_convert_type3A_243 : vector<16xf32>
        %mul3A_246 = arith.constant 16 : i32
        %mul3A_247 = arith.muli %add3A_76, %mul3A_246 : i32
        %add3A_248 = arith.constant 12 : i32
        %add3A_249 = arith.addi %mul3A_247, %add3A_248 : i32
        %get3A_250 = arith.index_cast %add3A_249 : i32 to index
        %get3A_251 = arith.constant 0 : index
        %get3A_252 = tpu.vector_load %arg10[%get3A_250, %get3A_251] {strides = array<i32>} : memref<128x64xi32, #tpu.memory_space<vmem>>, vector<1x16xi32>,
        %get3A_253 = vector.shape_cast %get3A_252 : vector<1x16xi32> to vector<16xi32>
        %shift_left3A_254 = arith.constant 16 : i32
        %shift_left3A_255 = vector.broadcast %shift_left3A_254 : i32 to vector<16xi32>
        %shift_left3A_256 = arith.shli %get3A_253, %shift_left3A_255 : vector<16xi32>
        %bitcast_convert_type3A_257 = tpu.bitcast %shift_left3A_256 : vector<16xi32> -> vector<16xf32>
        %bitcast_convert_type3A_258 = tpu.bitcast %get3A_253 : vector<16xi32> -> vector<16xf32>
        %add3A_259 = arith.addf %add3A_199, %bitcast_convert_type3A_257 : vector<16xf32>
        %add3A_260 = arith.addf %add3A_200, %bitcast_convert_type3A_258 : vector<16xf32>
        %mul3A_261 = arith.constant 16 : i32
        %mul3A_262 = arith.muli %add3A_76, %mul3A_261 : i32
        %add3A_263 = arith.constant 13 : i32
        %add3A_264 = arith.addi %mul3A_262, %add3A_263 : i32
        %get3A_265 = arith.index_cast %add3A_264 : i32 to index
        %get3A_266 = arith.constant 0 : index
        %get3A_267 = tpu.vector_load %arg10[%get3A_265, %get3A_266] {strides = array<i32>} : memref<128x64xi32, #tpu.memory_space<vmem>>, vector<1x16xi32>,
        %get3A_268 = vector.shape_cast %get3A_267 : vector<1x16xi32> to vector<16xi32>
        %shift_left3A_269 = arith.constant 16 : i32
        %shift_left3A_270 = vector.broadcast %shift_left3A_269 : i32 to vector<16xi32>
        %shift_left3A_271 = arith.shli %get3A_268, %shift_left3A_270 : vector<16xi32>
        %bitcast_convert_type3A_272 = tpu.bitcast %shift_left3A_271 : vector<16xi32> -> vector<16xf32>
        %bitcast_convert_type3A_273 = tpu.bitcast %get3A_268 : vector<16xi32> -> vector<16xf32>
        %add3A_274 = arith.addf %add3A_214, %bitcast_convert_type3A_272 : vector<16xf32>
        %add3A_275 = arith.addf %add3A_215, %bitcast_convert_type3A_273 : vector<16xf32>
        %mul3A_276 = arith.constant 16 : i32
        %mul3A_277 = arith.muli %add3A_76, %mul3A_276 : i32
        %add3A_278 = arith.constant 14 : i32
        %add3A_279 = arith.addi %mul3A_277, %add3A_278 : i32
        %get3A_280 = arith.index_cast %add3A_279 : i32 to index
        %get3A_281 = arith.constant 0 : index
        %get3A_282 = tpu.vector_load %arg10[%get3A_280, %get3A_281] {strides = array<i32>} : memref<128x64xi32, #tpu.memory_space<vmem>>, vector<1x16xi32>,
        %get3A_283 = vector.shape_cast %get3A_282 : vector<1x16xi32> to vector<16xi32>
        %shift_left3A_284 = arith.constant 16 : i32
        %shift_left3A_285 = vector.broadcast %shift_left3A_284 : i32 to vector<16xi32>
        %shift_left3A_286 = arith.shli %get3A_283, %shift_left3A_285 : vector<16xi32>
        %bitcast_convert_type3A_287 = tpu.bitcast %shift_left3A_286 : vector<16xi32> -> vector<16xf32>
        %bitcast_convert_type3A_288 = tpu.bitcast %get3A_283 : vector<16xi32> -> vector<16xf32>
        %add3A_289 = arith.addf %add3A_229, %bitcast_convert_type3A_287 : vector<16xf32>
        %add3A_290 = arith.addf %add3A_230, %bitcast_convert_type3A_288 : vector<16xf32>
        %mul3A_291 = arith.constant 16 : i32
        %mul3A_292 = arith.muli %add3A_76, %mul3A_291 : i32
        %add3A_293 = arith.constant 15 : i32
        %add3A_294 = arith.addi %mul3A_292, %add3A_293 : i32
        %get3A_295 = arith.index_cast %add3A_294 : i32 to index
        %get3A_296 = arith.constant 0 : index
        %get3A_297 = tpu.vector_load %arg10[%get3A_295, %get3A_296] {strides = array<i32>} : memref<128x64xi32, #tpu.memory_space<vmem>>, vector<1x16xi32>,
        %get3A_298 = vector.shape_cast %get3A_297 : vector<1x16xi32> to vector<16xi32>
        %shift_left3A_299 = arith.constant 16 : i32
        %shift_left3A_300 = vector.broadcast %shift_left3A_299 : i32 to vector<16xi32>
        %shift_left3A_301 = arith.shli %get3A_298, %shift_left3A_300 : vector<16xi32>
        %bitcast_convert_type3A_302 = tpu.bitcast %shift_left3A_301 : vector<16xi32> -> vector<16xf32>
        %bitcast_convert_type3A_303 = tpu.bitcast %get3A_298 : vector<16xi32> -> vector<16xf32>
        %add3A_304 = arith.addf %add3A_244, %bitcast_convert_type3A_302 : vector<16xf32>
        %add3A_305 = arith.addf %add3A_245, %bitcast_convert_type3A_303 : vector<16xf32>
        %add3A_306 = arith.addf %add3A_259, %add3A_274 : vector<16xf32>
        %add3A_307 = arith.addf %add3A_289, %add3A_304 : vector<16xf32>
        %add3A_308 = arith.addf %add3A_306, %add3A_307 : vector<16xf32>
        %add3A_309 = arith.addf %add3A_260, %add3A_275 : vector<16xf32>
        %add3A_310 = arith.addf %add3A_290, %add3A_305 : vector<16xf32>
        %add3A_311 = arith.addf %add3A_309, %add3A_310 : vector<16xf32>
        %get3A_312 = arith.index_cast %add3A_76 : i32 to index
        %get3A_313 = arith.constant 0 : index
        %get3A_314 = tpu.vector_load %arg11[%get3A_312, %get3A_313] {strides = array<i32>} : memref<8x128xf32, #tpu.memory_space<vmem>>, vector<1x16xf32>,
        %get3A_315 = vector.shape_cast %get3A_314 : vector<1x16xf32> to vector<16xf32>
        %add3A_316 = arith.addf %get3A_315, %add3A_308 : vector<16xf32>
        %swap3A = arith.index_cast %add3A_76 : i32 to index
        %swap3A_317 = arith.constant 0 : index
        %swap3A_318 = tpu.vector_load %arg11[%swap3A, %swap3A_317] {strides = array<i32>} : memref<8x128xf32, #tpu.memory_space<vmem>>, vector<1x16xf32>,
        %swap3A_319 = vector.shape_cast %swap3A_318 : vector<1x16xf32> to vector<16xf32>
        %swap3A_320 = vector.shape_cast %add3A_316 : vector<16xf32> to vector<1x16xf32>
        tpu.vector_store %arg11[%swap3A, %swap3A_317], %swap3A_320 {strides = array<i32>} : memref<8x128xf32, #tpu.memory_space<vmem>>, vector<1x16xf32>,
        %get3A_321 = arith.index_cast %add3A_76 : i32 to index
        %get3A_322 = arith.constant 64 : index
        %get3A_323 = tpu.vector_load %arg11[%get3A_321, %get3A_322] {strides = array<i32>} : memref<8x128xf32, #tpu.memory_space<vmem>>, vector<1x16xf32>,
        %get3A_324 = vector.shape_cast %get3A_323 : vector<1x16xf32> to vector<16xf32>
        %add3A_325 = arith.addf %get3A_324, %add3A_311 : vector<16xf32>
        %swap3A_326 = arith.index_cast %add3A_76 : i32 to index
        %swap3A_327 = arith.constant 64 : index
        %swap3A_328 = tpu.vector_load %arg11[%swap3A_326, %swap3A_327] {strides = array<i32>} : memref<8x128xf32, #tpu.memory_space<vmem>>, vector<1x16xf32>,
        %swap3A_329 = vector.shape_cast %swap3A_328 : vector<1x16xf32> to vector<16xf32>
        %swap3A_330 = vector.shape_cast %add3A_325 : vector<16xf32> to vector<1x16xf32>
        tpu.vector_store %arg11[%swap3A_326, %swap3A_327], %swap3A_330 {strides = array<i32>} : memref<8x128xf32, #tpu.memory_space<vmem>>, vector<1x16xf32>,
        %mul3A_331 = arith.constant 16 : i32
        %mul3A_332 = arith.muli %add3A_76, %mul3A_331 : i32
        %add3A_333 = arith.constant 0 : i32
        %add3A_334 = arith.addi %mul3A_332, %add3A_333 : i32
        %get3A_335 = arith.index_cast %add3A_334 : i32 to index
        %get3A_336 = arith.constant 16 : index
        %get3A_337 = tpu.vector_load %arg10[%get3A_335, %get3A_336] {strides = array<i32>} : memref<128x64xi32, #tpu.memory_space<vmem>>, vector<1x16xi32>,
        %get3A_338 = vector.shape_cast %get3A_337 : vector<1x16xi32> to vector<16xi32>
        %shift_left3A_339 = arith.constant 16 : i32
        %shift_left3A_340 = vector.broadcast %shift_left3A_339 : i32 to vector<16xi32>
        %shift_left3A_341 = arith.shli %get3A_338, %shift_left3A_340 : vector<16xi32>
        %bitcast_convert_type3A_342 = tpu.bitcast %shift_left3A_341 : vector<16xi32> -> vector<16xf32>
        %bitcast_convert_type3A_343 = tpu.bitcast %get3A_338 : vector<16xi32> -> vector<16xf32>
        %mul3A_344 = arith.constant 16 : i32
        %mul3A_345 = arith.muli %add3A_76, %mul3A_344 : i32
        %add3A_346 = arith.constant 1 : i32
        %add3A_347 = arith.addi %mul3A_345, %add3A_346 : i32
        %get3A_348 = arith.index_cast %add3A_347 : i32 to index
        %get3A_349 = arith.constant 16 : index
        %get3A_350 = tpu.vector_load %arg10[%get3A_348, %get3A_349] {strides = array<i32>} : memref<128x64xi32, #tpu.memory_space<vmem>>, vector<1x16xi32>,
        %get3A_351 = vector.shape_cast %get3A_350 : vector<1x16xi32> to vector<16xi32>
        %shift_left3A_352 = arith.constant 16 : i32
        %shift_left3A_353 = vector.broadcast %shift_left3A_352 : i32 to vector<16xi32>
        %shift_left3A_354 = arith.shli %get3A_351, %shift_left3A_353 : vector<16xi32>
        %bitcast_convert_type3A_355 = tpu.bitcast %shift_left3A_354 : vector<16xi32> -> vector<16xf32>
        %bitcast_convert_type3A_356 = tpu.bitcast %get3A_351 : vector<16xi32> -> vector<16xf32>
        %mul3A_357 = arith.constant 16 : i32
        %mul3A_358 = arith.muli %add3A_76, %mul3A_357 : i32
        %add3A_359 = arith.constant 2 : i32
        %add3A_360 = arith.addi %mul3A_358, %add3A_359 : i32
        %get3A_361 = arith.index_cast %add3A_360 : i32 to index
        %get3A_362 = arith.constant 16 : index
        %get3A_363 = tpu.vector_load %arg10[%get3A_361, %get3A_362] {strides = array<i32>} : memref<128x64xi32, #tpu.memory_space<vmem>>, vector<1x16xi32>,
        %get3A_364 = vector.shape_cast %get3A_363 : vector<1x16xi32> to vector<16xi32>
        %shift_left3A_365 = arith.constant 16 : i32
        %shift_left3A_366 = vector.broadcast %shift_left3A_365 : i32 to vector<16xi32>
        %shift_left3A_367 = arith.shli %get3A_364, %shift_left3A_366 : vector<16xi32>
        %bitcast_convert_type3A_368 = tpu.bitcast %shift_left3A_367 : vector<16xi32> -> vector<16xf32>
        %bitcast_convert_type3A_369 = tpu.bitcast %get3A_364 : vector<16xi32> -> vector<16xf32>
        %mul3A_370 = arith.constant 16 : i32
        %mul3A_371 = arith.muli %add3A_76, %mul3A_370 : i32
        %add3A_372 = arith.constant 3 : i32
        %add3A_373 = arith.addi %mul3A_371, %add3A_372 : i32
        %get3A_374 = arith.index_cast %add3A_373 : i32 to index
        %get3A_375 = arith.constant 16 : index
        %get3A_376 = tpu.vector_load %arg10[%get3A_374, %get3A_375] {strides = array<i32>} : memref<128x64xi32, #tpu.memory_space<vmem>>, vector<1x16xi32>,
        %get3A_377 = vector.shape_cast %get3A_376 : vector<1x16xi32> to vector<16xi32>
        %shift_left3A_378 = arith.constant 16 : i32
        %shift_left3A_379 = vector.broadcast %shift_left3A_378 : i32 to vector<16xi32>
        %shift_left3A_380 = arith.shli %get3A_377, %shift_left3A_379 : vector<16xi32>
        %bitcast_convert_type3A_381 = tpu.bitcast %shift_left3A_380 : vector<16xi32> -> vector<16xf32>
        %bitcast_convert_type3A_382 = tpu.bitcast %get3A_377 : vector<16xi32> -> vector<16xf32>
        %mul3A_383 = arith.constant 16 : i32
        %mul3A_384 = arith.muli %add3A_76, %mul3A_383 : i32
        %add3A_385 = arith.constant 4 : i32
        %add3A_386 = arith.addi %mul3A_384, %add3A_385 : i32
        %get3A_387 = arith.index_cast %add3A_386 : i32 to index
        %get3A_388 = arith.constant 16 : index
        %get3A_389 = tpu.vector_load %arg10[%get3A_387, %get3A_388] {strides = array<i32>} : memref<128x64xi32, #tpu.memory_space<vmem>>, vector<1x16xi32>,
        %get3A_390 = vector.shape_cast %get3A_389 : vector<1x16xi32> to vector<16xi32>
        %shift_left3A_391 = arith.constant 16 : i32
        %shift_left3A_392 = vector.broadcast %shift_left3A_391 : i32 to vector<16xi32>
        %shift_left3A_393 = arith.shli %get3A_390, %shift_left3A_392 : vector<16xi32>
        %bitcast_convert_type3A_394 = tpu.bitcast %shift_left3A_393 : vector<16xi32> -> vector<16xf32>
        %bitcast_convert_type3A_395 = tpu.bitcast %get3A_390 : vector<16xi32> -> vector<16xf32>
        %add3A_396 = arith.addf %bitcast_convert_type3A_342, %bitcast_convert_type3A_394 : vector<16xf32>
        %add3A_397 = arith.addf %bitcast_convert_type3A_343, %bitcast_convert_type3A_395 : vector<16xf32>
        %mul3A_398 = arith.constant 16 : i32
        %mul3A_399 = arith.muli %add3A_76, %mul3A_398 : i32
        %add3A_400 = arith.constant 5 : i32
        %add3A_401 = arith.addi %mul3A_399, %add3A_400 : i32
        %get3A_402 = arith.index_cast %add3A_401 : i32 to index
        %get3A_403 = arith.constant 16 : index
        %get3A_404 = tpu.vector_load %arg10[%get3A_402, %get3A_403] {strides = array<i32>} : memref<128x64xi32, #tpu.memory_space<vmem>>, vector<1x16xi32>,
        %get3A_405 = vector.shape_cast %get3A_404 : vector<1x16xi32> to vector<16xi32>
        %shift_left3A_406 = arith.constant 16 : i32
        %shift_left3A_407 = vector.broadcast %shift_left3A_406 : i32 to vector<16xi32>
        %shift_left3A_408 = arith.shli %get3A_405, %shift_left3A_407 : vector<16xi32>
        %bitcast_convert_type3A_409 = tpu.bitcast %shift_left3A_408 : vector<16xi32> -> vector<16xf32>
        %bitcast_convert_type3A_410 = tpu.bitcast %get3A_405 : vector<16xi32> -> vector<16xf32>
        %add3A_411 = arith.addf %bitcast_convert_type3A_355, %bitcast_convert_type3A_409 : vector<16xf32>
        %add3A_412 = arith.addf %bitcast_convert_type3A_356, %bitcast_convert_type3A_410 : vector<16xf32>
        %mul3A_413 = arith.constant 16 : i32
        %mul3A_414 = arith.muli %add3A_76, %mul3A_413 : i32
        %add3A_415 = arith.constant 6 : i32
        %add3A_416 = arith.addi %mul3A_414, %add3A_415 : i32
        %get3A_417 = arith.index_cast %add3A_416 : i32 to index
        %get3A_418 = arith.constant 16 : index
        %get3A_419 = tpu.vector_load %arg10[%get3A_417, %get3A_418] {strides = array<i32>} : memref<128x64xi32, #tpu.memory_space<vmem>>, vector<1x16xi32>,
        %get3A_420 = vector.shape_cast %get3A_419 : vector<1x16xi32> to vector<16xi32>
        %shift_left3A_421 = arith.constant 16 : i32
        %shift_left3A_422 = vector.broadcast %shift_left3A_421 : i32 to vector<16xi32>
        %shift_left3A_423 = arith.shli %get3A_420, %shift_left3A_422 : vector<16xi32>
        %bitcast_convert_type3A_424 = tpu.bitcast %shift_left3A_423 : vector<16xi32> -> vector<16xf32>
        %bitcast_convert_type3A_425 = tpu.bitcast %get3A_420 : vector<16xi32> -> vector<16xf32>
        %add3A_426 = arith.addf %bitcast_convert_type3A_368, %bitcast_convert_type3A_424 : vector<16xf32>
        %add3A_427 = arith.addf %bitcast_convert_type3A_369, %bitcast_convert_type3A_425 : vector<16xf32>
        %mul3A_428 = arith.constant 16 : i32
        %mul3A_429 = arith.muli %add3A_76, %mul3A_428 : i32
        %add3A_430 = arith.constant 7 : i32
        %add3A_431 = arith.addi %mul3A_429, %add3A_430 : i32
        %get3A_432 = arith.index_cast %add3A_431 : i32 to index
        %get3A_433 = arith.constant 16 : index
        %get3A_434 = tpu.vector_load %arg10[%get3A_432, %get3A_433] {strides = array<i32>} : memref<128x64xi32, #tpu.memory_space<vmem>>, vector<1x16xi32>,
        %get3A_435 = vector.shape_cast %get3A_434 : vector<1x16xi32> to vector<16xi32>
        %shift_left3A_436 = arith.constant 16 : i32
        %shift_left3A_437 = vector.broadcast %shift_left3A_436 : i32 to vector<16xi32>
        %shift_left3A_438 = arith.shli %get3A_435, %shift_left3A_437 : vector<16xi32>
        %bitcast_convert_type3A_439 = tpu.bitcast %shift_left3A_438 : vector<16xi32> -> vector<16xf32>
        %bitcast_convert_type3A_440 = tpu.bitcast %get3A_435 : vector<16xi32> -> vector<16xf32>
        %add3A_441 = arith.addf %bitcast_convert_type3A_381, %bitcast_convert_type3A_439 : vector<16xf32>
        %add3A_442 = arith.addf %bitcast_convert_type3A_382, %bitcast_convert_type3A_440 : vector<16xf32>
        %mul3A_443 = arith.constant 16 : i32
        %mul3A_444 = arith.muli %add3A_76, %mul3A_443 : i32
        %add3A_445 = arith.constant 8 : i32
        %add3A_446 = arith.addi %mul3A_444, %add3A_445 : i32
        %get3A_447 = arith.index_cast %add3A_446 : i32 to index
        %get3A_448 = arith.constant 16 : index
        %get3A_449 = tpu.vector_load %arg10[%get3A_447, %get3A_448] {strides = array<i32>} : memref<128x64xi32, #tpu.memory_space<vmem>>, vector<1x16xi32>,
        %get3A_450 = vector.shape_cast %get3A_449 : vector<1x16xi32> to vector<16xi32>
        %shift_left3A_451 = arith.constant 16 : i32
        %shift_left3A_452 = vector.broadcast %shift_left3A_451 : i32 to vector<16xi32>
        %shift_left3A_453 = arith.shli %get3A_450, %shift_left3A_452 : vector<16xi32>
        %bitcast_convert_type3A_454 = tpu.bitcast %shift_left3A_453 : vector<16xi32> -> vector<16xf32>
        %bitcast_convert_type3A_455 = tpu.bitcast %get3A_450 : vector<16xi32> -> vector<16xf32>
        %add3A_456 = arith.addf %add3A_396, %bitcast_convert_type3A_454 : vector<16xf32>
        %add3A_457 = arith.addf %add3A_397, %bitcast_convert_type3A_455 : vector<16xf32>
        %mul3A_458 = arith.constant 16 : i32
        %mul3A_459 = arith.muli %add3A_76, %mul3A_458 : i32
        %add3A_460 = arith.constant 9 : i32
        %add3A_461 = arith.addi %mul3A_459, %add3A_460 : i32
        %get3A_462 = arith.index_cast %add3A_461 : i32 to index
        %get3A_463 = arith.constant 16 : index
        %get3A_464 = tpu.vector_load %arg10[%get3A_462, %get3A_463] {strides = array<i32>} : memref<128x64xi32, #tpu.memory_space<vmem>>, vector<1x16xi32>,
        %get3A_465 = vector.shape_cast %get3A_464 : vector<1x16xi32> to vector<16xi32>
        %shift_left3A_466 = arith.constant 16 : i32
        %shift_left3A_467 = vector.broadcast %shift_left3A_466 : i32 to vector<16xi32>
        %shift_left3A_468 = arith.shli %get3A_465, %shift_left3A_467 : vector<16xi32>
        %bitcast_convert_type3A_469 = tpu.bitcast %shift_left3A_468 : vector<16xi32> -> vector<16xf32>
        %bitcast_convert_type3A_470 = tpu.bitcast %get3A_465 : vector<16xi32> -> vector<16xf32>
        %add3A_471 = arith.addf %add3A_411, %bitcast_convert_type3A_469 : vector<16xf32>
        %add3A_472 = arith.addf %add3A_412, %bitcast_convert_type3A_470 : vector<16xf32>
        %mul3A_473 = arith.constant 16 : i32
        %mul3A_474 = arith.muli %add3A_76, %mul3A_473 : i32
        %add3A_475 = arith.constant 10 : i32
        %add3A_476 = arith.addi %mul3A_474, %add3A_475 : i32
        %get3A_477 = arith.index_cast %add3A_476 : i32 to index
        %get3A_478 = arith.constant 16 : index
        %get3A_479 = tpu.vector_load %arg10[%get3A_477, %get3A_478] {strides = array<i32>} : memref<128x64xi32, #tpu.memory_space<vmem>>, vector<1x16xi32>,
        %get3A_480 = vector.shape_cast %get3A_479 : vector<1x16xi32> to vector<16xi32>
        %shift_left3A_481 = arith.constant 16 : i32
        %shift_left3A_482 = vector.broadcast %shift_left3A_481 : i32 to vector<16xi32>
        %shift_left3A_483 = arith.shli %get3A_480, %shift_left3A_482 : vector<16xi32>
        %bitcast_convert_type3A_484 = tpu.bitcast %shift_left3A_483 : vector<16xi32> -> vector<16xf32>
        %bitcast_convert_type3A_485 = tpu.bitcast %get3A_480 : vector<16xi32> -> vector<16xf32>
        %add3A_486 = arith.addf %add3A_426, %bitcast_convert_type3A_484 : vector<16xf32>
        %add3A_487 = arith.addf %add3A_427, %bitcast_convert_type3A_485 : vector<16xf32>
        %mul3A_488 = arith.constant 16 : i32
        %mul3A_489 = arith.muli %add3A_76, %mul3A_488 : i32
        %add3A_490 = arith.constant 11 : i32
        %add3A_491 = arith.addi %mul3A_489, %add3A_490 : i32
        %get3A_492 = arith.index_cast %add3A_491 : i32 to index
        %get3A_493 = arith.constant 16 : index
        %get3A_494 = tpu.vector_load %arg10[%get3A_492, %get3A_493] {strides = array<i32>} : memref<128x64xi32, #tpu.memory_space<vmem>>, vector<1x16xi32>,
        %get3A_495 = vector.shape_cast %get3A_494 : vector<1x16xi32> to vector<16xi32>
        %shift_left3A_496 = arith.constant 16 : i32
        %shift_left3A_497 = vector.broadcast %shift_left3A_496 : i32 to vector<16xi32>
        %shift_left3A_498 = arith.shli %get3A_495, %shift_left3A_497 : vector<16xi32>
        %bitcast_convert_type3A_499 = tpu.bitcast %shift_left3A_498 : vector<16xi32> -> vector<16xf32>
        %bitcast_convert_type3A_500 = tpu.bitcast %get3A_495 : vector<16xi32> -> vector<16xf32>
        %add3A_501 = arith.addf %add3A_441, %bitcast_convert_type3A_499 : vector<16xf32>
        %add3A_502 = arith.addf %add3A_442, %bitcast_convert_type3A_500 : vector<16xf32>
        %mul3A_503 = arith.constant 16 : i32
        %mul3A_504 = arith.muli %add3A_76, %mul3A_503 : i32
        %add3A_505 = arith.constant 12 : i32
        %add3A_506 = arith.addi %mul3A_504, %add3A_505 : i32
        %get3A_507 = arith.index_cast %add3A_506 : i32 to index
        %get3A_508 = arith.constant 16 : index
        %get3A_509 = tpu.vector_load %arg10[%get3A_507, %get3A_508] {strides = array<i32>} : memref<128x64xi32, #tpu.memory_space<vmem>>, vector<1x16xi32>,
        %get3A_510 = vector.shape_cast %get3A_509 : vector<1x16xi32> to vector<16xi32>
        %shift_left3A_511 = arith.constant 16 : i32
        %shift_left3A_512 = vector.broadcast %shift_left3A_511 : i32 to vector<16xi32>
        %shift_left3A_513 = arith.shli %get3A_510, %shift_left3A_512 : vector<16xi32>
        %bitcast_convert_type3A_514 = tpu.bitcast %shift_left3A_513 : vector<16xi32> -> vector<16xf32>
        %bitcast_convert_type3A_515 = tpu.bitcast %get3A_510 : vector<16xi32> -> vector<16xf32>
        %add3A_516 = arith.addf %add3A_456, %bitcast_convert_type3A_514 : vector<16xf32>
        %add3A_517 = arith.addf %add3A_457, %bitcast_convert_type3A_515 : vector<16xf32>
        %mul3A_518 = arith.constant 16 : i32
        %mul3A_519 = arith.muli %add3A_76, %mul3A_518 : i32
        %add3A_520 = arith.constant 13 : i32
        %add3A_521 = arith.addi %mul3A_519, %add3A_520 : i32
        %get3A_522 = arith.index_cast %add3A_521 : i32 to index
        %get3A_523 = arith.constant 16 : index
        %get3A_524 = tpu.vector_load %arg10[%get3A_522, %get3A_523] {strides = array<i32>} : memref<128x64xi32, #tpu.memory_space<vmem>>, vector<1x16xi32>,
        %get3A_525 = vector.shape_cast %get3A_524 : vector<1x16xi32> to vector<16xi32>
        %shift_left3A_526 = arith.constant 16 : i32
        %shift_left3A_527 = vector.broadcast %shift_left3A_526 : i32 to vector<16xi32>
        %shift_left3A_528 = arith.shli %get3A_525, %shift_left3A_527 : vector<16xi32>
        %bitcast_convert_type3A_529 = tpu.bitcast %shift_left3A_528 : vector<16xi32> -> vector<16xf32>
        %bitcast_convert_type3A_530 = tpu.bitcast %get3A_525 : vector<16xi32> -> vector<16xf32>
        %add3A_531 = arith.addf %add3A_471, %bitcast_convert_type3A_529 : vector<16xf32>
        %add3A_532 = arith.addf %add3A_472, %bitcast_convert_type3A_530 : vector<16xf32>
        %mul3A_533 = arith.constant 16 : i32
        %mul3A_534 = arith.muli %add3A_76, %mul3A_533 : i32
        %add3A_535 = arith.constant 14 : i32
        %add3A_536 = arith.addi %mul3A_534, %add3A_535 : i32
        %get3A_537 = arith.index_cast %add3A_536 : i32 to index
        %get3A_538 = arith.constant 16 : index
        %get3A_539 = tpu.vector_load %arg10[%get3A_537, %get3A_538] {strides = array<i32>} : memref<128x64xi32, #tpu.memory_space<vmem>>, vector<1x16xi32>,
        %get3A_540 = vector.shape_cast %get3A_539 : vector<1x16xi32> to vector<16xi32>
        %shift_left3A_541 = arith.constant 16 : i32
        %shift_left3A_542 = vector.broadcast %shift_left3A_541 : i32 to vector<16xi32>
        %shift_left3A_543 = arith.shli %get3A_540, %shift_left3A_542 : vector<16xi32>
        %bitcast_convert_type3A_544 = tpu.bitcast %shift_left3A_543 : vector<16xi32> -> vector<16xf32>
        %bitcast_convert_type3A_545 = tpu.bitcast %get3A_540 : vector<16xi32> -> vector<16xf32>
        %add3A_546 = arith.addf %add3A_486, %bitcast_convert_type3A_544 : vector<16xf32>
        %add3A_547 = arith.addf %add3A_487, %bitcast_convert_type3A_545 : vector<16xf32>
        %mul3A_548 = arith.constant 16 : i32
        %mul3A_549 = arith.muli %add3A_76, %mul3A_548 : i32
        %add3A_550 = arith.constant 15 : i32
        %add3A_551 = arith.addi %mul3A_549, %add3A_550 : i32
        %get3A_552 = arith.index_cast %add3A_551 : i32 to index
        %get3A_553 = arith.constant 16 : index
        %get3A_554 = tpu.vector_load %arg10[%get3A_552, %get3A_553] {strides = array<i32>} : memref<128x64xi32, #tpu.memory_space<vmem>>, vector<1x16xi32>,
        %get3A_555 = vector.shape_cast %get3A_554 : vector<1x16xi32> to vector<16xi32>
        %shift_left3A_556 = arith.constant 16 : i32
        %shift_left3A_557 = vector.broadcast %shift_left3A_556 : i32 to vector<16xi32>
        %shift_left3A_558 = arith.shli %get3A_555, %shift_left3A_557 : vector<16xi32>
        %bitcast_convert_type3A_559 = tpu.bitcast %shift_left3A_558 : vector<16xi32> -> vector<16xf32>
        %bitcast_convert_type3A_560 = tpu.bitcast %get3A_555 : vector<16xi32> -> vector<16xf32>
        %add3A_561 = arith.addf %add3A_501, %bitcast_convert_type3A_559 : vector<16xf32>
        %add3A_562 = arith.addf %add3A_502, %bitcast_convert_type3A_560 : vector<16xf32>
        %add3A_563 = arith.addf %add3A_516, %add3A_531 : vector<16xf32>
        %add3A_564 = arith.addf %add3A_546, %add3A_561 : vector<16xf32>
        %add3A_565 = arith.addf %add3A_563, %add3A_564 : vector<16xf32>
        %add3A_566 = arith.addf %add3A_517, %add3A_532 : vector<16xf32>
        %add3A_567 = arith.addf %add3A_547, %add3A_562 : vector<16xf32>
        %add3A_568 = arith.addf %add3A_566, %add3A_567 : vector<16xf32>
        %get3A_569 = arith.index_cast %add3A_76 : i32 to index
        %get3A_570 = arith.constant 16 : index
        %get3A_571 = tpu.vector_load %arg11[%get3A_569, %get3A_570] {strides = array<i32>} : memref<8x128xf32, #tpu.memory_space<vmem>>, vector<1x16xf32>,
        %get3A_572 = vector.shape_cast %get3A_571 : vector<1x16xf32> to vector<16xf32>
        %add3A_573 = arith.addf %get3A_572, %add3A_565 : vector<16xf32>
        %swap3A_574 = arith.index_cast %add3A_76 : i32 to index
        %swap3A_575 = arith.constant 16 : index
        %swap3A_576 = tpu.vector_load %arg11[%swap3A_574, %swap3A_575] {strides = array<i32>} : memref<8x128xf32, #tpu.memory_space<vmem>>, vector<1x16xf32>,
        %swap3A_577 = vector.shape_cast %swap3A_576 : vector<1x16xf32> to vector<16xf32>
        %swap3A_578 = vector.shape_cast %add3A_573 : vector<16xf32> to vector<1x16xf32>
        tpu.vector_store %arg11[%swap3A_574, %swap3A_575], %swap3A_578 {strides = array<i32>} : memref<8x128xf32, #tpu.memory_space<vmem>>, vector<1x16xf32>,
        %get3A_579 = arith.index_cast %add3A_76 : i32 to index
        %get3A_580 = arith.constant 80 : index
        %get3A_581 = tpu.vector_load %arg11[%get3A_579, %get3A_580] {strides = array<i32>} : memref<8x128xf32, #tpu.memory_space<vmem>>, vector<1x16xf32>,
        %get3A_582 = vector.shape_cast %get3A_581 : vector<1x16xf32> to vector<16xf32>
        %add3A_583 = arith.addf %get3A_582, %add3A_568 : vector<16xf32>
        %swap3A_584 = arith.index_cast %add3A_76 : i32 to index
        %swap3A_585 = arith.constant 80 : index
        %swap3A_586 = tpu.vector_load %arg11[%swap3A_584, %swap3A_585] {strides = array<i32>} : memref<8x128xf32, #tpu.memory_space<vmem>>, vector<1x16xf32>,
        %swap3A_587 = vector.shape_cast %swap3A_586 : vector<1x16xf32> to vector<16xf32>
        %swap3A_588 = vector.shape_cast %add3A_583 : vector<16xf32> to vector<1x16xf32>
        tpu.vector_store %arg11[%swap3A_584, %swap3A_585], %swap3A_588 {strides = array<i32>} : memref<8x128xf32, #tpu.memory_space<vmem>>, vector<1x16xf32>,
        %mul3A_589 = arith.constant 16 : i32
        %mul3A_590 = arith.muli %add3A_76, %mul3A_589 : i32
        %add3A_591 = arith.constant 0 : i32
        %add3A_592 = arith.addi %mul3A_590, %add3A_591 : i32
        %get3A_593 = arith.index_cast %add3A_592 : i32 to index
        %get3A_594 = arith.constant 32 : index
        %get3A_595 = tpu.vector_load %arg10[%get3A_593, %get3A_594] {strides = array<i32>} : memref<128x64xi32, #tpu.memory_space<vmem>>, vector<1x16xi32>,
        %get3A_596 = vector.shape_cast %get3A_595 : vector<1x16xi32> to vector<16xi32>
        %shift_left3A_597 = arith.constant 16 : i32
        %shift_left3A_598 = vector.broadcast %shift_left3A_597 : i32 to vector<16xi32>
        %shift_left3A_599 = arith.shli %get3A_596, %shift_left3A_598 : vector<16xi32>
        %bitcast_convert_type3A_600 = tpu.bitcast %shift_left3A_599 : vector<16xi32> -> vector<16xf32>
        %bitcast_convert_type3A_601 = tpu.bitcast %get3A_596 : vector<16xi32> -> vector<16xf32>
        %mul3A_602 = arith.constant 16 : i32
        %mul3A_603 = arith.muli %add3A_76, %mul3A_602 : i32
        %add3A_604 = arith.constant 1 : i32
        %add3A_605 = arith.addi %mul3A_603, %add3A_604 : i32
        %get3A_606 = arith.index_cast %add3A_605 : i32 to index
        %get3A_607 = arith.constant 32 : index
        %get3A_608 = tpu.vector_load %arg10[%get3A_606, %get3A_607] {strides = array<i32>} : memref<128x64xi32, #tpu.memory_space<vmem>>, vector<1x16xi32>,
        %get3A_609 = vector.shape_cast %get3A_608 : vector<1x16xi32> to vector<16xi32>
        %shift_left3A_610 = arith.constant 16 : i32
        %shift_left3A_611 = vector.broadcast %shift_left3A_610 : i32 to vector<16xi32>
        %shift_left3A_612 = arith.shli %get3A_609, %shift_left3A_611 : vector<16xi32>
        %bitcast_convert_type3A_613 = tpu.bitcast %shift_left3A_612 : vector<16xi32> -> vector<16xf32>
        %bitcast_convert_type3A_614 = tpu.bitcast %get3A_609 : vector<16xi32> -> vector<16xf32>
        %mul3A_615 = arith.constant 16 : i32
        %mul3A_616 = arith.muli %add3A_76, %mul3A_615 : i32
        %add3A_617 = arith.constant 2 : i32
        %add3A_618 = arith.addi %mul3A_616, %add3A_617 : i32
        %get3A_619 = arith.index_cast %add3A_618 : i32 to index
        %get3A_620 = arith.constant 32 : index
        %get3A_621 = tpu.vector_load %arg10[%get3A_619, %get3A_620] {strides = array<i32>} : memref<128x64xi32, #tpu.memory_space<vmem>>, vector<1x16xi32>,
        %get3A_622 = vector.shape_cast %get3A_621 : vector<1x16xi32> to vector<16xi32>
        %shift_left3A_623 = arith.constant 16 : i32
        %shift_left3A_624 = vector.broadcast %shift_left3A_623 : i32 to vector<16xi32>
        %shift_left3A_625 = arith.shli %get3A_622, %shift_left3A_624 : vector<16xi32>
        %bitcast_convert_type3A_626 = tpu.bitcast %shift_left3A_625 : vector<16xi32> -> vector<16xf32>
        %bitcast_convert_type3A_627 = tpu.bitcast %get3A_622 : vector<16xi32> -> vector<16xf32>
        %mul3A_628 = arith.constant 16 : i32
        %mul3A_629 = arith.muli %add3A_76, %mul3A_628 : i32
        %add3A_630 = arith.constant 3 : i32
        %add3A_631 = arith.addi %mul3A_629, %add3A_630 : i32
        %get3A_632 = arith.index_cast %add3A_631 : i32 to index
        %get3A_633 = arith.constant 32 : index
        %get3A_634 = tpu.vector_load %arg10[%get3A_632, %get3A_633] {strides = array<i32>} : memref<128x64xi32, #tpu.memory_space<vmem>>, vector<1x16xi32>,
        %get3A_635 = vector.shape_cast %get3A_634 : vector<1x16xi32> to vector<16xi32>
        %shift_left3A_636 = arith.constant 16 : i32
        %shift_left3A_637 = vector.broadcast %shift_left3A_636 : i32 to vector<16xi32>
        %shift_left3A_638 = arith.shli %get3A_635, %shift_left3A_637 : vector<16xi32>
        %bitcast_convert_type3A_639 = tpu.bitcast %shift_left3A_638 : vector<16xi32> -> vector<16xf32>
        %bitcast_convert_type3A_640 = tpu.bitcast %get3A_635 : vector<16xi32> -> vector<16xf32>
        %mul3A_641 = arith.constant 16 : i32
        %mul3A_642 = arith.muli %add3A_76, %mul3A_641 : i32
        %add3A_643 = arith.constant 4 : i32
        %add3A_644 = arith.addi %mul3A_642, %add3A_643 : i32
        %get3A_645 = arith.index_cast %add3A_644 : i32 to index
        %get3A_646 = arith.constant 32 : index
        %get3A_647 = tpu.vector_load %arg10[%get3A_645, %get3A_646] {strides = array<i32>} : memref<128x64xi32, #tpu.memory_space<vmem>>, vector<1x16xi32>,
        %get3A_648 = vector.shape_cast %get3A_647 : vector<1x16xi32> to vector<16xi32>
        %shift_left3A_649 = arith.constant 16 : i32
        %shift_left3A_650 = vector.broadcast %shift_left3A_649 : i32 to vector<16xi32>
        %shift_left3A_651 = arith.shli %get3A_648, %shift_left3A_650 : vector<16xi32>
        %bitcast_convert_type3A_652 = tpu.bitcast %shift_left3A_651 : vector<16xi32> -> vector<16xf32>
        %bitcast_convert_type3A_653 = tpu.bitcast %get3A_648 : vector<16xi32> -> vector<16xf32>
        %add3A_654 = arith.addf %bitcast_convert_type3A_600, %bitcast_convert_type3A_652 : vector<16xf32>
        %add3A_655 = arith.addf %bitcast_convert_type3A_601, %bitcast_convert_type3A_653 : vector<16xf32>
        %mul3A_656 = arith.constant 16 : i32
        %mul3A_657 = arith.muli %add3A_76, %mul3A_656 : i32
        %add3A_658 = arith.constant 5 : i32
        %add3A_659 = arith.addi %mul3A_657, %add3A_658 : i32
        %get3A_660 = arith.index_cast %add3A_659 : i32 to index
        %get3A_661 = arith.constant 32 : index
        %get3A_662 = tpu.vector_load %arg10[%get3A_660, %get3A_661] {strides = array<i32>} : memref<128x64xi32, #tpu.memory_space<vmem>>, vector<1x16xi32>,
        %get3A_663 = vector.shape_cast %get3A_662 : vector<1x16xi32> to vector<16xi32>
        %shift_left3A_664 = arith.constant 16 : i32
        %shift_left3A_665 = vector.broadcast %shift_left3A_664 : i32 to vector<16xi32>
        %shift_left3A_666 = arith.shli %get3A_663, %shift_left3A_665 : vector<16xi32>
        %bitcast_convert_type3A_667 = tpu.bitcast %shift_left3A_666 : vector<16xi32> -> vector<16xf32>
        %bitcast_convert_type3A_668 = tpu.bitcast %get3A_663 : vector<16xi32> -> vector<16xf32>
        %add3A_669 = arith.addf %bitcast_convert_type3A_613, %bitcast_convert_type3A_667 : vector<16xf32>
        %add3A_670 = arith.addf %bitcast_convert_type3A_614, %bitcast_convert_type3A_668 : vector<16xf32>
        %mul3A_671 = arith.constant 16 : i32
        %mul3A_672 = arith.muli %add3A_76, %mul3A_671 : i32
        %add3A_673 = arith.constant 6 : i32
        %add3A_674 = arith.addi %mul3A_672, %add3A_673 : i32
        %get3A_675 = arith.index_cast %add3A_674 : i32 to index
        %get3A_676 = arith.constant 32 : index
        %get3A_677 = tpu.vector_load %arg10[%get3A_675, %get3A_676] {strides = array<i32>} : memref<128x64xi32, #tpu.memory_space<vmem>>, vector<1x16xi32>,
        %get3A_678 = vector.shape_cast %get3A_677 : vector<1x16xi32> to vector<16xi32>
        %shift_left3A_679 = arith.constant 16 : i32
        %shift_left3A_680 = vector.broadcast %shift_left3A_679 : i32 to vector<16xi32>
        %shift_left3A_681 = arith.shli %get3A_678, %shift_left3A_680 : vector<16xi32>
        %bitcast_convert_type3A_682 = tpu.bitcast %shift_left3A_681 : vector<16xi32> -> vector<16xf32>
        %bitcast_convert_type3A_683 = tpu.bitcast %get3A_678 : vector<16xi32> -> vector<16xf32>
        %add3A_684 = arith.addf %bitcast_convert_type3A_626, %bitcast_convert_type3A_682 : vector<16xf32>
        %add3A_685 = arith.addf %bitcast_convert_type3A_627, %bitcast_convert_type3A_683 : vector<16xf32>
        %mul3A_686 = arith.constant 16 : i32
        %mul3A_687 = arith.muli %add3A_76, %mul3A_686 : i32
        %add3A_688 = arith.constant 7 : i32
        %add3A_689 = arith.addi %mul3A_687, %add3A_688 : i32
        %get3A_690 = arith.index_cast %add3A_689 : i32 to index
        %get3A_691 = arith.constant 32 : index
        %get3A_692 = tpu.vector_load %arg10[%get3A_690, %get3A_691] {strides = array<i32>} : memref<128x64xi32, #tpu.memory_space<vmem>>, vector<1x16xi32>,
        %get3A_693 = vector.shape_cast %get3A_692 : vector<1x16xi32> to vector<16xi32>
        %shift_left3A_694 = arith.constant 16 : i32
        %shift_left3A_695 = vector.broadcast %shift_left3A_694 : i32 to vector<16xi32>
        %shift_left3A_696 = arith.shli %get3A_693, %shift_left3A_695 : vector<16xi32>
        %bitcast_convert_type3A_697 = tpu.bitcast %shift_left3A_696 : vector<16xi32> -> vector<16xf32>
        %bitcast_convert_type3A_698 = tpu.bitcast %get3A_693 : vector<16xi32> -> vector<16xf32>
        %add3A_699 = arith.addf %bitcast_convert_type3A_639, %bitcast_convert_type3A_697 : vector<16xf32>
        %add3A_700 = arith.addf %bitcast_convert_type3A_640, %bitcast_convert_type3A_698 : vector<16xf32>
        %mul3A_701 = arith.constant 16 : i32
        %mul3A_702 = arith.muli %add3A_76, %mul3A_701 : i32
        %add3A_703 = arith.constant 8 : i32
        %add3A_704 = arith.addi %mul3A_702, %add3A_703 : i32
        %get3A_705 = arith.index_cast %add3A_704 : i32 to index
        %get3A_706 = arith.constant 32 : index
        %get3A_707 = tpu.vector_load %arg10[%get3A_705, %get3A_706] {strides = array<i32>} : memref<128x64xi32, #tpu.memory_space<vmem>>, vector<1x16xi32>,
        %get3A_708 = vector.shape_cast %get3A_707 : vector<1x16xi32> to vector<16xi32>
        %shift_left3A_709 = arith.constant 16 : i32
        %shift_left3A_710 = vector.broadcast %shift_left3A_709 : i32 to vector<16xi32>
        %shift_left3A_711 = arith.shli %get3A_708, %shift_left3A_710 : vector<16xi32>
        %bitcast_convert_type3A_712 = tpu.bitcast %shift_left3A_711 : vector<16xi32> -> vector<16xf32>
        %bitcast_convert_type3A_713 = tpu.bitcast %get3A_708 : vector<16xi32> -> vector<16xf32>
        %add3A_714 = arith.addf %add3A_654, %bitcast_convert_type3A_712 : vector<16xf32>
        %add3A_715 = arith.addf %add3A_655, %bitcast_convert_type3A_713 : vector<16xf32>
        %mul3A_716 = arith.constant 16 : i32
        %mul3A_717 = arith.muli %add3A_76, %mul3A_716 : i32
        %add3A_718 = arith.constant 9 : i32
        %add3A_719 = arith.addi %mul3A_717, %add3A_718 : i32
        %get3A_720 = arith.index_cast %add3A_719 : i32 to index
        %get3A_721 = arith.constant 32 : index
        %get3A_722 = tpu.vector_load %arg10[%get3A_720, %get3A_721] {strides = array<i32>} : memref<128x64xi32, #tpu.memory_space<vmem>>, vector<1x16xi32>,
        %get3A_723 = vector.shape_cast %get3A_722 : vector<1x16xi32> to vector<16xi32>
        %shift_left3A_724 = arith.constant 16 : i32
        %shift_left3A_725 = vector.broadcast %shift_left3A_724 : i32 to vector<16xi32>
        %shift_left3A_726 = arith.shli %get3A_723, %shift_left3A_725 : vector<16xi32>
        %bitcast_convert_type3A_727 = tpu.bitcast %shift_left3A_726 : vector<16xi32> -> vector<16xf32>
        %bitcast_convert_type3A_728 = tpu.bitcast %get3A_723 : vector<16xi32> -> vector<16xf32>
        %add3A_729 = arith.addf %add3A_669, %bitcast_convert_type3A_727 : vector<16xf32>
        %add3A_730 = arith.addf %add3A_670, %bitcast_convert_type3A_728 : vector<16xf32>
        %mul3A_731 = arith.constant 16 : i32
        %mul3A_732 = arith.muli %add3A_76, %mul3A_731 : i32
        %add3A_733 = arith.constant 10 : i32
        %add3A_734 = arith.addi %mul3A_732, %add3A_733 : i32
        %get3A_735 = arith.index_cast %add3A_734 : i32 to index
        %get3A_736 = arith.constant 32 : index
        %get3A_737 = tpu.vector_load %arg10[%get3A_735, %get3A_736] {strides = array<i32>} : memref<128x64xi32, #tpu.memory_space<vmem>>, vector<1x16xi32>,
        %get3A_738 = vector.shape_cast %get3A_737 : vector<1x16xi32> to vector<16xi32>
        %shift_left3A_739 = arith.constant 16 : i32
        %shift_left3A_740 = vector.broadcast %shift_left3A_739 : i32 to vector<16xi32>
        %shift_left3A_741 = arith.shli %get3A_738, %shift_left3A_740 : vector<16xi32>
        %bitcast_convert_type3A_742 = tpu.bitcast %shift_left3A_741 : vector<16xi32> -> vector<16xf32>
        %bitcast_convert_type3A_743 = tpu.bitcast %get3A_738 : vector<16xi32> -> vector<16xf32>
        %add3A_744 = arith.addf %add3A_684, %bitcast_convert_type3A_742 : vector<16xf32>
        %add3A_745 = arith.addf %add3A_685, %bitcast_convert_type3A_743 : vector<16xf32>
        %mul3A_746 = arith.constant 16 : i32
        %mul3A_747 = arith.muli %add3A_76, %mul3A_746 : i32
        %add3A_748 = arith.constant 11 : i32
        %add3A_749 = arith.addi %mul3A_747, %add3A_748 : i32
        %get3A_750 = arith.index_cast %add3A_749 : i32 to index
        %get3A_751 = arith.constant 32 : index
        %get3A_752 = tpu.vector_load %arg10[%get3A_750, %get3A_751] {strides = array<i32>} : memref<128x64xi32, #tpu.memory_space<vmem>>, vector<1x16xi32>,
        %get3A_753 = vector.shape_cast %get3A_752 : vector<1x16xi32> to vector<16xi32>
        %shift_left3A_754 = arith.constant 16 : i32
        %shift_left3A_755 = vector.broadcast %shift_left3A_754 : i32 to vector<16xi32>
        %shift_left3A_756 = arith.shli %get3A_753, %shift_left3A_755 : vector<16xi32>
        %bitcast_convert_type3A_757 = tpu.bitcast %shift_left3A_756 : vector<16xi32> -> vector<16xf32>
        %bitcast_convert_type3A_758 = tpu.bitcast %get3A_753 : vector<16xi32> -> vector<16xf32>
        %add3A_759 = arith.addf %add3A_699, %bitcast_convert_type3A_757 : vector<16xf32>
        %add3A_760 = arith.addf %add3A_700, %bitcast_convert_type3A_758 : vector<16xf32>
        %mul3A_761 = arith.constant 16 : i32
        %mul3A_762 = arith.muli %add3A_76, %mul3A_761 : i32
        %add3A_763 = arith.constant 12 : i32
        %add3A_764 = arith.addi %mul3A_762, %add3A_763 : i32
        %get3A_765 = arith.index_cast %add3A_764 : i32 to index
        %get3A_766 = arith.constant 32 : index
        %get3A_767 = tpu.vector_load %arg10[%get3A_765, %get3A_766] {strides = array<i32>} : memref<128x64xi32, #tpu.memory_space<vmem>>, vector<1x16xi32>,
        %get3A_768 = vector.shape_cast %get3A_767 : vector<1x16xi32> to vector<16xi32>
        %shift_left3A_769 = arith.constant 16 : i32
        %shift_left3A_770 = vector.broadcast %shift_left3A_769 : i32 to vector<16xi32>
        %shift_left3A_771 = arith.shli %get3A_768, %shift_left3A_770 : vector<16xi32>
        %bitcast_convert_type3A_772 = tpu.bitcast %shift_left3A_771 : vector<16xi32> -> vector<16xf32>
        %bitcast_convert_type3A_773 = tpu.bitcast %get3A_768 : vector<16xi32> -> vector<16xf32>
        %add3A_774 = arith.addf %add3A_714, %bitcast_convert_type3A_772 : vector<16xf32>
        %add3A_775 = arith.addf %add3A_715, %bitcast_convert_type3A_773 : vector<16xf32>
        %mul3A_776 = arith.constant 16 : i32
        %mul3A_777 = arith.muli %add3A_76, %mul3A_776 : i32
        %add3A_778 = arith.constant 13 : i32
        %add3A_779 = arith.addi %mul3A_777, %add3A_778 : i32
        %get3A_780 = arith.index_cast %add3A_779 : i32 to index
        %get3A_781 = arith.constant 32 : index
        %get3A_782 = tpu.vector_load %arg10[%get3A_780, %get3A_781] {strides = array<i32>} : memref<128x64xi32, #tpu.memory_space<vmem>>, vector<1x16xi32>,
        %get3A_783 = vector.shape_cast %get3A_782 : vector<1x16xi32> to vector<16xi32>
        %shift_left3A_784 = arith.constant 16 : i32
        %shift_left3A_785 = vector.broadcast %shift_left3A_784 : i32 to vector<16xi32>
        %shift_left3A_786 = arith.shli %get3A_783, %shift_left3A_785 : vector<16xi32>
        %bitcast_convert_type3A_787 = tpu.bitcast %shift_left3A_786 : vector<16xi32> -> vector<16xf32>
        %bitcast_convert_type3A_788 = tpu.bitcast %get3A_783 : vector<16xi32> -> vector<16xf32>
        %add3A_789 = arith.addf %add3A_729, %bitcast_convert_type3A_787 : vector<16xf32>
        %add3A_790 = arith.addf %add3A_730, %bitcast_convert_type3A_788 : vector<16xf32>
        %mul3A_791 = arith.constant 16 : i32
        %mul3A_792 = arith.muli %add3A_76, %mul3A_791 : i32
        %add3A_793 = arith.constant 14 : i32
        %add3A_794 = arith.addi %mul3A_792, %add3A_793 : i32
        %get3A_795 = arith.index_cast %add3A_794 : i32 to index
        %get3A_796 = arith.constant 32 : index
        %get3A_797 = tpu.vector_load %arg10[%get3A_795, %get3A_796] {strides = array<i32>} : memref<128x64xi32, #tpu.memory_space<vmem>>, vector<1x16xi32>,
        %get3A_798 = vector.shape_cast %get3A_797 : vector<1x16xi32> to vector<16xi32>
        %shift_left3A_799 = arith.constant 16 : i32
        %shift_left3A_800 = vector.broadcast %shift_left3A_799 : i32 to vector<16xi32>
        %shift_left3A_801 = arith.shli %get3A_798, %shift_left3A_800 : vector<16xi32>
        %bitcast_convert_type3A_802 = tpu.bitcast %shift_left3A_801 : vector<16xi32> -> vector<16xf32>
        %bitcast_convert_type3A_803 = tpu.bitcast %get3A_798 : vector<16xi32> -> vector<16xf32>
        %add3A_804 = arith.addf %add3A_744, %bitcast_convert_type3A_802 : vector<16xf32>
        %add3A_805 = arith.addf %add3A_745, %bitcast_convert_type3A_803 : vector<16xf32>
        %mul3A_806 = arith.constant 16 : i32
        %mul3A_807 = arith.muli %add3A_76, %mul3A_806 : i32
        %add3A_808 = arith.constant 15 : i32
        %add3A_809 = arith.addi %mul3A_807, %add3A_808 : i32
        %get3A_810 = arith.index_cast %add3A_809 : i32 to index
        %get3A_811 = arith.constant 32 : index
        %get3A_812 = tpu.vector_load %arg10[%get3A_810, %get3A_811] {strides = array<i32>} : memref<128x64xi32, #tpu.memory_space<vmem>>, vector<1x16xi32>,
        %get3A_813 = vector.shape_cast %get3A_812 : vector<1x16xi32> to vector<16xi32>
        %shift_left3A_814 = arith.constant 16 : i32
        %shift_left3A_815 = vector.broadcast %shift_left3A_814 : i32 to vector<16xi32>
        %shift_left3A_816 = arith.shli %get3A_813, %shift_left3A_815 : vector<16xi32>
        %bitcast_convert_type3A_817 = tpu.bitcast %shift_left3A_816 : vector<16xi32> -> vector<16xf32>
        %bitcast_convert_type3A_818 = tpu.bitcast %get3A_813 : vector<16xi32> -> vector<16xf32>
        %add3A_819 = arith.addf %add3A_759, %bitcast_convert_type3A_817 : vector<16xf32>
        %add3A_820 = arith.addf %add3A_760, %bitcast_convert_type3A_818 : vector<16xf32>
        %add3A_821 = arith.addf %add3A_774, %add3A_789 : vector<16xf32>
        %add3A_822 = arith.addf %add3A_804, %add3A_819 : vector<16xf32>
        %add3A_823 = arith.addf %add3A_821, %add3A_822 : vector<16xf32>
        %add3A_824 = arith.addf %add3A_775, %add3A_790 : vector<16xf32>
        %add3A_825 = arith.addf %add3A_805, %add3A_820 : vector<16xf32>
        %add3A_826 = arith.addf %add3A_824, %add3A_825 : vector<16xf32>
        %get3A_827 = arith.index_cast %add3A_76 : i32 to index
        %get3A_828 = arith.constant 32 : index
        %get3A_829 = tpu.vector_load %arg11[%get3A_827, %get3A_828] {strides = array<i32>} : memref<8x128xf32, #tpu.memory_space<vmem>>, vector<1x16xf32>,
        %get3A_830 = vector.shape_cast %get3A_829 : vector<1x16xf32> to vector<16xf32>
        %add3A_831 = arith.addf %get3A_830, %add3A_823 : vector<16xf32>
        %swap3A_832 = arith.index_cast %add3A_76 : i32 to index
        %swap3A_833 = arith.constant 32 : index
        %swap3A_834 = tpu.vector_load %arg11[%swap3A_832, %swap3A_833] {strides = array<i32>} : memref<8x128xf32, #tpu.memory_space<vmem>>, vector<1x16xf32>,
        %swap3A_835 = vector.shape_cast %swap3A_834 : vector<1x16xf32> to vector<16xf32>
        %swap3A_836 = vector.shape_cast %add3A_831 : vector<16xf32> to vector<1x16xf32>
        tpu.vector_store %arg11[%swap3A_832, %swap3A_833], %swap3A_836 {strides = array<i32>} : memref<8x128xf32, #tpu.memory_space<vmem>>, vector<1x16xf32>,
        %get3A_837 = arith.index_cast %add3A_76 : i32 to index
        %get3A_838 = arith.constant 96 : index
        %get3A_839 = tpu.vector_load %arg11[%get3A_837, %get3A_838] {strides = array<i32>} : memref<8x128xf32, #tpu.memory_space<vmem>>, vector<1x16xf32>,
        %get3A_840 = vector.shape_cast %get3A_839 : vector<1x16xf32> to vector<16xf32>
        %add3A_841 = arith.addf %get3A_840, %add3A_826 : vector<16xf32>
        %swap3A_842 = arith.index_cast %add3A_76 : i32 to index
        %swap3A_843 = arith.constant 96 : index
        %swap3A_844 = tpu.vector_load %arg11[%swap3A_842, %swap3A_843] {strides = array<i32>} : memref<8x128xf32, #tpu.memory_space<vmem>>, vector<1x16xf32>,
        %swap3A_845 = vector.shape_cast %swap3A_844 : vector<1x16xf32> to vector<16xf32>
        %swap3A_846 = vector.shape_cast %add3A_841 : vector<16xf32> to vector<1x16xf32>
        tpu.vector_store %arg11[%swap3A_842, %swap3A_843], %swap3A_846 {strides = array<i32>} : memref<8x128xf32, #tpu.memory_space<vmem>>, vector<1x16xf32>,
        %mul3A_847 = arith.constant 16 : i32
        %mul3A_848 = arith.muli %add3A_76, %mul3A_847 : i32
        %add3A_849 = arith.constant 0 : i32
        %add3A_850 = arith.addi %mul3A_848, %add3A_849 : i32
        %get3A_851 = arith.index_cast %add3A_850 : i32 to index
        %get3A_852 = arith.constant 48 : index
        %get3A_853 = tpu.vector_load %arg10[%get3A_851, %get3A_852] {strides = array<i32>} : memref<128x64xi32, #tpu.memory_space<vmem>>, vector<1x16xi32>,
        %get3A_854 = vector.shape_cast %get3A_853 : vector<1x16xi32> to vector<16xi32>
        %shift_left3A_855 = arith.constant 16 : i32
        %shift_left3A_856 = vector.broadcast %shift_left3A_855 : i32 to vector<16xi32>
        %shift_left3A_857 = arith.shli %get3A_854, %shift_left3A_856 : vector<16xi32>
        %bitcast_convert_type3A_858 = tpu.bitcast %shift_left3A_857 : vector<16xi32> -> vector<16xf32>
        %bitcast_convert_type3A_859 = tpu.bitcast %get3A_854 : vector<16xi32> -> vector<16xf32>
        %mul3A_860 = arith.constant 16 : i32
        %mul3A_861 = arith.muli %add3A_76, %mul3A_860 : i32
        %add3A_862 = arith.constant 1 : i32
        %add3A_863 = arith.addi %mul3A_861, %add3A_862 : i32
        %get3A_864 = arith.index_cast %add3A_863 : i32 to index
        %get3A_865 = arith.constant 48 : index
        %get3A_866 = tpu.vector_load %arg10[%get3A_864, %get3A_865] {strides = array<i32>} : memref<128x64xi32, #tpu.memory_space<vmem>>, vector<1x16xi32>,
        %get3A_867 = vector.shape_cast %get3A_866 : vector<1x16xi32> to vector<16xi32>
        %shift_left3A_868 = arith.constant 16 : i32
        %shift_left3A_869 = vector.broadcast %shift_left3A_868 : i32 to vector<16xi32>
        %shift_left3A_870 = arith.shli %get3A_867, %shift_left3A_869 : vector<16xi32>
        %bitcast_convert_type3A_871 = tpu.bitcast %shift_left3A_870 : vector<16xi32> -> vector<16xf32>
        %bitcast_convert_type3A_872 = tpu.bitcast %get3A_867 : vector<16xi32> -> vector<16xf32>
        %mul3A_873 = arith.constant 16 : i32
        %mul3A_874 = arith.muli %add3A_76, %mul3A_873 : i32
        %add3A_875 = arith.constant 2 : i32
        %add3A_876 = arith.addi %mul3A_874, %add3A_875 : i32
        %get3A_877 = arith.index_cast %add3A_876 : i32 to index
        %get3A_878 = arith.constant 48 : index
        %get3A_879 = tpu.vector_load %arg10[%get3A_877, %get3A_878] {strides = array<i32>} : memref<128x64xi32, #tpu.memory_space<vmem>>, vector<1x16xi32>,
        %get3A_880 = vector.shape_cast %get3A_879 : vector<1x16xi32> to vector<16xi32>
        %shift_left3A_881 = arith.constant 16 : i32
        %shift_left3A_882 = vector.broadcast %shift_left3A_881 : i32 to vector<16xi32>
        %shift_left3A_883 = arith.shli %get3A_880, %shift_left3A_882 : vector<16xi32>
        %bitcast_convert_type3A_884 = tpu.bitcast %shift_left3A_883 : vector<16xi32> -> vector<16xf32>
        %bitcast_convert_type3A_885 = tpu.bitcast %get3A_880 : vector<16xi32> -> vector<16xf32>
        %mul3A_886 = arith.constant 16 : i32
        %mul3A_887 = arith.muli %add3A_76, %mul3A_886 : i32
        %add3A_888 = arith.constant 3 : i32
        %add3A_889 = arith.addi %mul3A_887, %add3A_888 : i32
        %get3A_890 = arith.index_cast %add3A_889 : i32 to index
        %get3A_891 = arith.constant 48 : index
        %get3A_892 = tpu.vector_load %arg10[%get3A_890, %get3A_891] {strides = array<i32>} : memref<128x64xi32, #tpu.memory_space<vmem>>, vector<1x16xi32>,
        %get3A_893 = vector.shape_cast %get3A_892 : vector<1x16xi32> to vector<16xi32>
        %shift_left3A_894 = arith.constant 16 : i32
        %shift_left3A_895 = vector.broadcast %shift_left3A_894 : i32 to vector<16xi32>
        %shift_left3A_896 = arith.shli %get3A_893, %shift_left3A_895 : vector<16xi32>
        %bitcast_convert_type3A_897 = tpu.bitcast %shift_left3A_896 : vector<16xi32> -> vector<16xf32>
        %bitcast_convert_type3A_898 = tpu.bitcast %get3A_893 : vector<16xi32> -> vector<16xf32>
        %mul3A_899 = arith.constant 16 : i32
        %mul3A_900 = arith.muli %add3A_76, %mul3A_899 : i32
        %add3A_901 = arith.constant 4 : i32
        %add3A_902 = arith.addi %mul3A_900, %add3A_901 : i32
        %get3A_903 = arith.index_cast %add3A_902 : i32 to index
        %get3A_904 = arith.constant 48 : index
        %get3A_905 = tpu.vector_load %arg10[%get3A_903, %get3A_904] {strides = array<i32>} : memref<128x64xi32, #tpu.memory_space<vmem>>, vector<1x16xi32>,
        %get3A_906 = vector.shape_cast %get3A_905 : vector<1x16xi32> to vector<16xi32>
        %shift_left3A_907 = arith.constant 16 : i32
        %shift_left3A_908 = vector.broadcast %shift_left3A_907 : i32 to vector<16xi32>
        %shift_left3A_909 = arith.shli %get3A_906, %shift_left3A_908 : vector<16xi32>
        %bitcast_convert_type3A_910 = tpu.bitcast %shift_left3A_909 : vector<16xi32> -> vector<16xf32>
        %bitcast_convert_type3A_911 = tpu.bitcast %get3A_906 : vector<16xi32> -> vector<16xf32>
        %add3A_912 = arith.addf %bitcast_convert_type3A_858, %bitcast_convert_type3A_910 : vector<16xf32>
        %add3A_913 = arith.addf %bitcast_convert_type3A_859, %bitcast_convert_type3A_911 : vector<16xf32>
        %mul3A_914 = arith.constant 16 : i32
        %mul3A_915 = arith.muli %add3A_76, %mul3A_914 : i32
        %add3A_916 = arith.constant 5 : i32
        %add3A_917 = arith.addi %mul3A_915, %add3A_916 : i32
        %get3A_918 = arith.index_cast %add3A_917 : i32 to index
        %get3A_919 = arith.constant 48 : index
        %get3A_920 = tpu.vector_load %arg10[%get3A_918, %get3A_919] {strides = array<i32>} : memref<128x64xi32, #tpu.memory_space<vmem>>, vector<1x16xi32>,
        %get3A_921 = vector.shape_cast %get3A_920 : vector<1x16xi32> to vector<16xi32>
        %shift_left3A_922 = arith.constant 16 : i32
        %shift_left3A_923 = vector.broadcast %shift_left3A_922 : i32 to vector<16xi32>
        %shift_left3A_924 = arith.shli %get3A_921, %shift_left3A_923 : vector<16xi32>
        %bitcast_convert_type3A_925 = tpu.bitcast %shift_left3A_924 : vector<16xi32> -> vector<16xf32>
        %bitcast_convert_type3A_926 = tpu.bitcast %get3A_921 : vector<16xi32> -> vector<16xf32>
        %add3A_927 = arith.addf %bitcast_convert_type3A_871, %bitcast_convert_type3A_925 : vector<16xf32>
        %add3A_928 = arith.addf %bitcast_convert_type3A_872, %bitcast_convert_type3A_926 : vector<16xf32>
        %mul3A_929 = arith.constant 16 : i32
        %mul3A_930 = arith.muli %add3A_76, %mul3A_929 : i32
        %add3A_931 = arith.constant 6 : i32
        %add3A_932 = arith.addi %mul3A_930, %add3A_931 : i32
        %get3A_933 = arith.index_cast %add3A_932 : i32 to index
        %get3A_934 = arith.constant 48 : index
        %get3A_935 = tpu.vector_load %arg10[%get3A_933, %get3A_934] {strides = array<i32>} : memref<128x64xi32, #tpu.memory_space<vmem>>, vector<1x16xi32>,
        %get3A_936 = vector.shape_cast %get3A_935 : vector<1x16xi32> to vector<16xi32>
        %shift_left3A_937 = arith.constant 16 : i32
        %shift_left3A_938 = vector.broadcast %shift_left3A_937 : i32 to vector<16xi32>
        %shift_left3A_939 = arith.shli %get3A_936, %shift_left3A_938 : vector<16xi32>
        %bitcast_convert_type3A_940 = tpu.bitcast %shift_left3A_939 : vector<16xi32> -> vector<16xf32>
        %bitcast_convert_type3A_941 = tpu.bitcast %get3A_936 : vector<16xi32> -> vector<16xf32>
        %add3A_942 = arith.addf %bitcast_convert_type3A_884, %bitcast_convert_type3A_940 : vector<16xf32>
        %add3A_943 = arith.addf %bitcast_convert_type3A_885, %bitcast_convert_type3A_941 : vector<16xf32>
        %mul3A_944 = arith.constant 16 : i32
        %mul3A_945 = arith.muli %add3A_76, %mul3A_944 : i32
        %add3A_946 = arith.constant 7 : i32
        %add3A_947 = arith.addi %mul3A_945, %add3A_946 : i32
        %get3A_948 = arith.index_cast %add3A_947 : i32 to index
        %get3A_949 = arith.constant 48 : index
        %get3A_950 = tpu.vector_load %arg10[%get3A_948, %get3A_949] {strides = array<i32>} : memref<128x64xi32, #tpu.memory_space<vmem>>, vector<1x16xi32>,
        %get3A_951 = vector.shape_cast %get3A_950 : vector<1x16xi32> to vector<16xi32>
        %shift_left3A_952 = arith.constant 16 : i32
        %shift_left3A_953 = vector.broadcast %shift_left3A_952 : i32 to vector<16xi32>
        %shift_left3A_954 = arith.shli %get3A_951, %shift_left3A_953 : vector<16xi32>
        %bitcast_convert_type3A_955 = tpu.bitcast %shift_left3A_954 : vector<16xi32> -> vector<16xf32>
        %bitcast_convert_type3A_956 = tpu.bitcast %get3A_951 : vector<16xi32> -> vector<16xf32>
        %add3A_957 = arith.addf %bitcast_convert_type3A_897, %bitcast_convert_type3A_955 : vector<16xf32>
        %add3A_958 = arith.addf %bitcast_convert_type3A_898, %bitcast_convert_type3A_956 : vector<16xf32>
        %mul3A_959 = arith.constant 16 : i32
        %mul3A_960 = arith.muli %add3A_76, %mul3A_959 : i32
        %add3A_961 = arith.constant 8 : i32
        %add3A_962 = arith.addi %mul3A_960, %add3A_961 : i32
        %get3A_963 = arith.index_cast %add3A_962 : i32 to index
        %get3A_964 = arith.constant 48 : index
        %get3A_965 = tpu.vector_load %arg10[%get3A_963, %get3A_964] {strides = array<i32>} : memref<128x64xi32, #tpu.memory_space<vmem>>, vector<1x16xi32>,
        %get3A_966 = vector.shape_cast %get3A_965 : vector<1x16xi32> to vector<16xi32>
        %shift_left3A_967 = arith.constant 16 : i32
        %shift_left3A_968 = vector.broadcast %shift_left3A_967 : i32 to vector<16xi32>
        %shift_left3A_969 = arith.shli %get3A_966, %shift_left3A_968 : vector<16xi32>
        %bitcast_convert_type3A_970 = tpu.bitcast %shift_left3A_969 : vector<16xi32> -> vector<16xf32>
        %bitcast_convert_type3A_971 = tpu.bitcast %get3A_966 : vector<16xi32> -> vector<16xf32>
        %add3A_972 = arith.addf %add3A_912, %bitcast_convert_type3A_970 : vector<16xf32>
        %add3A_973 = arith.addf %add3A_913, %bitcast_convert_type3A_971 : vector<16xf32>
        %mul3A_974 = arith.constant 16 : i32
        %mul3A_975 = arith.muli %add3A_76, %mul3A_974 : i32
        %add3A_976 = arith.constant 9 : i32
        %add3A_977 = arith.addi %mul3A_975, %add3A_976 : i32
        %get3A_978 = arith.index_cast %add3A_977 : i32 to index
        %get3A_979 = arith.constant 48 : index
        %get3A_980 = tpu.vector_load %arg10[%get3A_978, %get3A_979] {strides = array<i32>} : memref<128x64xi32, #tpu.memory_space<vmem>>, vector<1x16xi32>,
        %get3A_981 = vector.shape_cast %get3A_980 : vector<1x16xi32> to vector<16xi32>
        %shift_left3A_982 = arith.constant 16 : i32
        %shift_left3A_983 = vector.broadcast %shift_left3A_982 : i32 to vector<16xi32>
        %shift_left3A_984 = arith.shli %get3A_981, %shift_left3A_983 : vector<16xi32>
        %bitcast_convert_type3A_985 = tpu.bitcast %shift_left3A_984 : vector<16xi32> -> vector<16xf32>
        %bitcast_convert_type3A_986 = tpu.bitcast %get3A_981 : vector<16xi32> -> vector<16xf32>
        %add3A_987 = arith.addf %add3A_927, %bitcast_convert_type3A_985 : vector<16xf32>
        %add3A_988 = arith.addf %add3A_928, %bitcast_convert_type3A_986 : vector<16xf32>
        %mul3A_989 = arith.constant 16 : i32
        %mul3A_990 = arith.muli %add3A_76, %mul3A_989 : i32
        %add3A_991 = arith.constant 10 : i32
        %add3A_992 = arith.addi %mul3A_990, %add3A_991 : i32
        %get3A_993 = arith.index_cast %add3A_992 : i32 to index
        %get3A_994 = arith.constant 48 : index
        %get3A_995 = tpu.vector_load %arg10[%get3A_993, %get3A_994] {strides = array<i32>} : memref<128x64xi32, #tpu.memory_space<vmem>>, vector<1x16xi32>,
        %get3A_996 = vector.shape_cast %get3A_995 : vector<1x16xi32> to vector<16xi32>
        %shift_left3A_997 = arith.constant 16 : i32
        %shift_left3A_998 = vector.broadcast %shift_left3A_997 : i32 to vector<16xi32>
        %shift_left3A_999 = arith.shli %get3A_996, %shift_left3A_998 : vector<16xi32>
        %bitcast_convert_type3A_1000 = tpu.bitcast %shift_left3A_999 : vector<16xi32> -> vector<16xf32>
        %bitcast_convert_type3A_1001 = tpu.bitcast %get3A_996 : vector<16xi32> -> vector<16xf32>
        %add3A_1002 = arith.addf %add3A_942, %bitcast_convert_type3A_1000 : vector<16xf32>
        %add3A_1003 = arith.addf %add3A_943, %bitcast_convert_type3A_1001 : vector<16xf32>
        %mul3A_1004 = arith.constant 16 : i32
        %mul3A_1005 = arith.muli %add3A_76, %mul3A_1004 : i32
        %add3A_1006 = arith.constant 11 : i32
        %add3A_1007 = arith.addi %mul3A_1005, %add3A_1006 : i32
        %get3A_1008 = arith.index_cast %add3A_1007 : i32 to index
        %get3A_1009 = arith.constant 48 : index
        %get3A_1010 = tpu.vector_load %arg10[%get3A_1008, %get3A_1009] {strides = array<i32>} : memref<128x64xi32, #tpu.memory_space<vmem>>, vector<1x16xi32>,
        %get3A_1011 = vector.shape_cast %get3A_1010 : vector<1x16xi32> to vector<16xi32>
        %shift_left3A_1012 = arith.constant 16 : i32
        %shift_left3A_1013 = vector.broadcast %shift_left3A_1012 : i32 to vector<16xi32>
        %shift_left3A_1014 = arith.shli %get3A_1011, %shift_left3A_1013 : vector<16xi32>
        %bitcast_convert_type3A_1015 = tpu.bitcast %shift_left3A_1014 : vector<16xi32> -> vector<16xf32>
        %bitcast_convert_type3A_1016 = tpu.bitcast %get3A_1011 : vector<16xi32> -> vector<16xf32>
        %add3A_1017 = arith.addf %add3A_957, %bitcast_convert_type3A_1015 : vector<16xf32>
        %add3A_1018 = arith.addf %add3A_958, %bitcast_convert_type3A_1016 : vector<16xf32>
        %mul3A_1019 = arith.constant 16 : i32
        %mul3A_1020 = arith.muli %add3A_76, %mul3A_1019 : i32
        %add3A_1021 = arith.constant 12 : i32
        %add3A_1022 = arith.addi %mul3A_1020, %add3A_1021 : i32
        %get3A_1023 = arith.index_cast %add3A_1022 : i32 to index
        %get3A_1024 = arith.constant 48 : index
        %get3A_1025 = tpu.vector_load %arg10[%get3A_1023, %get3A_1024] {strides = array<i32>} : memref<128x64xi32, #tpu.memory_space<vmem>>, vector<1x16xi32>,
        %get3A_1026 = vector.shape_cast %get3A_1025 : vector<1x16xi32> to vector<16xi32>
        %shift_left3A_1027 = arith.constant 16 : i32
        %shift_left3A_1028 = vector.broadcast %shift_left3A_1027 : i32 to vector<16xi32>
        %shift_left3A_1029 = arith.shli %get3A_1026, %shift_left3A_1028 : vector<16xi32>
        %bitcast_convert_type3A_1030 = tpu.bitcast %shift_left3A_1029 : vector<16xi32> -> vector<16xf32>
        %bitcast_convert_type3A_1031 = tpu.bitcast %get3A_1026 : vector<16xi32> -> vector<16xf32>
        %add3A_1032 = arith.addf %add3A_972, %bitcast_convert_type3A_1030 : vector<16xf32>
        %add3A_1033 = arith.addf %add3A_973, %bitcast_convert_type3A_1031 : vector<16xf32>
        %mul3A_1034 = arith.constant 16 : i32
        %mul3A_1035 = arith.muli %add3A_76, %mul3A_1034 : i32
        %add3A_1036 = arith.constant 13 : i32
        %add3A_1037 = arith.addi %mul3A_1035, %add3A_1036 : i32
        %get3A_1038 = arith.index_cast %add3A_1037 : i32 to index
        %get3A_1039 = arith.constant 48 : index
        %get3A_1040 = tpu.vector_load %arg10[%get3A_1038, %get3A_1039] {strides = array<i32>} : memref<128x64xi32, #tpu.memory_space<vmem>>, vector<1x16xi32>,
        %get3A_1041 = vector.shape_cast %get3A_1040 : vector<1x16xi32> to vector<16xi32>
        %shift_left3A_1042 = arith.constant 16 : i32
        %shift_left3A_1043 = vector.broadcast %shift_left3A_1042 : i32 to vector<16xi32>
        %shift_left3A_1044 = arith.shli %get3A_1041, %shift_left3A_1043 : vector<16xi32>
        %bitcast_convert_type3A_1045 = tpu.bitcast %shift_left3A_1044 : vector<16xi32> -> vector<16xf32>
        %bitcast_convert_type3A_1046 = tpu.bitcast %get3A_1041 : vector<16xi32> -> vector<16xf32>
        %add3A_1047 = arith.addf %add3A_987, %bitcast_convert_type3A_1045 : vector<16xf32>
        %add3A_1048 = arith.addf %add3A_988, %bitcast_convert_type3A_1046 : vector<16xf32>
        %mul3A_1049 = arith.constant 16 : i32
        %mul3A_1050 = arith.muli %add3A_76, %mul3A_1049 : i32
        %add3A_1051 = arith.constant 14 : i32
        %add3A_1052 = arith.addi %mul3A_1050, %add3A_1051 : i32
        %get3A_1053 = arith.index_cast %add3A_1052 : i32 to index
        %get3A_1054 = arith.constant 48 : index
        %get3A_1055 = tpu.vector_load %arg10[%get3A_1053, %get3A_1054] {strides = array<i32>} : memref<128x64xi32, #tpu.memory_space<vmem>>, vector<1x16xi32>,
        %get3A_1056 = vector.shape_cast %get3A_1055 : vector<1x16xi32> to vector<16xi32>
        %shift_left3A_1057 = arith.constant 16 : i32
        %shift_left3A_1058 = vector.broadcast %shift_left3A_1057 : i32 to vector<16xi32>
        %shift_left3A_1059 = arith.shli %get3A_1056, %shift_left3A_1058 : vector<16xi32>
        %bitcast_convert_type3A_1060 = tpu.bitcast %shift_left3A_1059 : vector<16xi32> -> vector<16xf32>
        %bitcast_convert_type3A_1061 = tpu.bitcast %get3A_1056 : vector<16xi32> -> vector<16xf32>
        %add3A_1062 = arith.addf %add3A_1002, %bitcast_convert_type3A_1060 : vector<16xf32>
        %add3A_1063 = arith.addf %add3A_1003, %bitcast_convert_type3A_1061 : vector<16xf32>
        %mul3A_1064 = arith.constant 16 : i32
        %mul3A_1065 = arith.muli %add3A_76, %mul3A_1064 : i32
        %add3A_1066 = arith.constant 15 : i32
        %add3A_1067 = arith.addi %mul3A_1065, %add3A_1066 : i32
        %get3A_1068 = arith.index_cast %add3A_1067 : i32 to index
        %get3A_1069 = arith.constant 48 : index
        %get3A_1070 = tpu.vector_load %arg10[%get3A_1068, %get3A_1069] {strides = array<i32>} : memref<128x64xi32, #tpu.memory_space<vmem>>, vector<1x16xi32>,
        %get3A_1071 = vector.shape_cast %get3A_1070 : vector<1x16xi32> to vector<16xi32>
        %shift_left3A_1072 = arith.constant 16 : i32
        %shift_left3A_1073 = vector.broadcast %shift_left3A_1072 : i32 to vector<16xi32>
        %shift_left3A_1074 = arith.shli %get3A_1071, %shift_left3A_1073 : vector<16xi32>
        %bitcast_convert_type3A_1075 = tpu.bitcast %shift_left3A_1074 : vector<16xi32> -> vector<16xf32>
        %bitcast_convert_type3A_1076 = tpu.bitcast %get3A_1071 : vector<16xi32> -> vector<16xf32>
        %add3A_1077 = arith.addf %add3A_1017, %bitcast_convert_type3A_1075 : vector<16xf32>
        %add3A_1078 = arith.addf %add3A_1018, %bitcast_convert_type3A_1076 : vector<16xf32>
        %add3A_1079 = arith.addf %add3A_1032, %add3A_1047 : vector<16xf32>
        %add3A_1080 = arith.addf %add3A_1062, %add3A_1077 : vector<16xf32>
        %add3A_1081 = arith.addf %add3A_1079, %add3A_1080 : vector<16xf32>
        %add3A_1082 = arith.addf %add3A_1033, %add3A_1048 : vector<16xf32>
        %add3A_1083 = arith.addf %add3A_1063, %add3A_1078 : vector<16xf32>
        %add3A_1084 = arith.addf %add3A_1082, %add3A_1083 : vector<16xf32>
        %get3A_1085 = arith.index_cast %add3A_76 : i32 to index
        %get3A_1086 = arith.constant 48 : index
        %get3A_1087 = tpu.vector_load %arg11[%get3A_1085, %get3A_1086] {strides = array<i32>} : memref<8x128xf32, #tpu.memory_space<vmem>>, vector<1x16xf32>,
        %get3A_1088 = vector.shape_cast %get3A_1087 : vector<1x16xf32> to vector<16xf32>
        %add3A_1089 = arith.addf %get3A_1088, %add3A_1081 : vector<16xf32>
        %swap3A_1090 = arith.index_cast %add3A_76 : i32 to index
        %swap3A_1091 = arith.constant 48 : index
        %swap3A_1092 = tpu.vector_load %arg11[%swap3A_1090, %swap3A_1091] {strides = array<i32>} : memref<8x128xf32, #tpu.memory_space<vmem>>, vector<1x16xf32>,
        %swap3A_1093 = vector.shape_cast %swap3A_1092 : vector<1x16xf32> to vector<16xf32>
        %swap3A_1094 = vector.shape_cast %add3A_1089 : vector<16xf32> to vector<1x16xf32>
        tpu.vector_store %arg11[%swap3A_1090, %swap3A_1091], %swap3A_1094 {strides = array<i32>} : memref<8x128xf32, #tpu.memory_space<vmem>>, vector<1x16xf32>,
        %get3A_1095 = arith.index_cast %add3A_76 : i32 to index
        %get3A_1096 = arith.constant 112 : index
        %get3A_1097 = tpu.vector_load %arg11[%get3A_1095, %get3A_1096] {strides = array<i32>} : memref<8x128xf32, #tpu.memory_space<vmem>>, vector<1x16xf32>,
        %get3A_1098 = vector.shape_cast %get3A_1097 : vector<1x16xf32> to vector<16xf32>
        %add3A_1099 = arith.addf %get3A_1098, %add3A_1084 : vector<16xf32>
        %swap3A_1100 = arith.index_cast %add3A_76 : i32 to index
        %swap3A_1101 = arith.constant 112 : index
        %swap3A_1102 = tpu.vector_load %arg11[%swap3A_1100, %swap3A_1101] {strides = array<i32>} : memref<8x128xf32, #tpu.memory_space<vmem>>, vector<1x16xf32>,
        %swap3A_1103 = vector.shape_cast %swap3A_1102 : vector<1x16xf32> to vector<16xf32>
        %swap3A_1104 = vector.shape_cast %add3A_1099 : vector<16xf32> to vector<1x16xf32>
        tpu.vector_store %arg11[%swap3A_1100, %swap3A_1101], %swap3A_1104 {strides = array<i32>} : memref<8x128xf32, #tpu.memory_space<vmem>>, vector<1x16xf32>,
      }
      %scan3A_60 = arith.constant 8 : i32
      %add3A_61 = arith.constant 1 : i32
      %add3A_62 = arith.addi %add3A_30, %add3A_61 : i32
      %lt3A_63 = arith.cmpi slt, %add3A_62, %add3A_4 : i32
      %convert_element_type3A_64 = arith.extui %lt3A_63 : i1 to i32
      %cond3A_65 = arith.constant 0 : i32
      %cond3A_66 = arith.cmpi ne, %convert_element_type3A_64, %cond3A_65 : i32
      scf.if %cond3A_66 {
        %mul3A_72 = arith.constant 8 : i32
        %mul3A_73 = arith.muli %add3A_35, %mul3A_72 : i32
        %mul3A_74 = arith.constant 16 : i32
        %mul3A_75 = arith.muli %mul3A_73, %mul3A_74 : i32
        "tpu.region"() ({
          %run_scoped3A = tpu.sem_alloc : memref<!tpu.dma_semaphore, #tpu.memory_space<semaphore_mem>>
          %dma_start3A_79 = tpu.memref_slice %arg5[%mul3A_75] : memref<160000xi32, #tpu.memory_space<hbm>> -> memref<128xi32, #tpu.memory_space<hbm>>
          %dma_start3A_80 = tpu.memref_slice %arg5[%mul3A_75] : memref<160000xi32, #tpu.memory_space<hbm>> -> memref<128xi32, #tpu.memory_space<hbm>>
          tpu.enqueue_dma source(%dma_start3A_80 : memref<128xi32, #tpu.memory_space<hbm>>) target(%arg9 : memref<128xi32, #tpu.memory_space<vmem>>) target_semaphore(%run_scoped3A : memref<!tpu.dma_semaphore, #tpu.memory_space<semaphore_mem>>)
          %dma_wait3A_81 = tpu.memref_slice %arg5[%mul3A_75] : memref<160000xi32, #tpu.memory_space<hbm>> -> memref<128xi32, #tpu.memory_space<hbm>>
          %dma_wait3A_82 = tpu.memref_slice %arg5[%mul3A_75] : memref<160000xi32, #tpu.memory_space<hbm>> -> memref<128xi32, #tpu.memory_space<hbm>>
          tpu.wait_dma2 semaphore(%run_scoped3A : memref<!tpu.dma_semaphore, #tpu.memory_space<semaphore_mem>>) src(%dma_wait3A_82 : memref<128xi32, #tpu.memory_space<hbm>>) dst(%arg9 : memref<128xi32, #tpu.memory_space<vmem>>)
          tpu.yield
        }) : () -> ()
        %dma_start3A_76 = arith.constant 0 : i32
        %dma_start3A_77 = arith.constant 0 : i32
        %dma_start3A_78 = tpu.memref_slice %arg3[%dma_start3A_76, %dma_start3A_77] : memref<10000x64xi32, #tpu.memory_space<hbm>> -> memref<10000x64xi32, #tpu.memory_space<hbm>>
        tpu.enqueue_indirect_dma source(%dma_start3A_78 : memref<10000x64xi32, #tpu.memory_space<hbm>>) target(%arg10 : memref<128x64xi32, #tpu.memory_space<vmem>>) offsets(%arg9 : memref<128xi32, #tpu.memory_space<vmem>>) semaphore(%arg13 : memref<!tpu.dma_semaphore, #tpu.memory_space<semaphore_mem>>)
      } else {
      }
      %mul3A_67 = arith.constant 8 : i32
      %mul3A_68 = arith.muli %add3A_33, %mul3A_67 : i32
      %dma_start3A = arith.constant 0 : i32
      %dma_start3A_69 = tpu.memref_slice %arg6[%mul3A_68, %dma_start3A] : memref<10000x128xf32, #tpu.memory_space<hbm>> -> memref<8x128xf32, #tpu.memory_space<hbm>>
      %dma_start3A_70 = arith.constant 0 : i32
      %dma_start3A_71 = tpu.memref_slice %arg6[%mul3A_68, %dma_start3A_70] : memref<10000x128xf32, #tpu.memory_space<hbm>> -> memref<8x128xf32, #tpu.memory_space<hbm>>
      tpu.enqueue_dma source(%arg11 : memref<8x128xf32, #tpu.memory_space<vmem>>) target(%dma_start3A_71 : memref<8x128xf32, #tpu.memory_space<hbm>>) target_semaphore(%arg14 : memref<!tpu.dma_semaphore, #tpu.memory_space<semaphore_mem>>)
    }
    %gt3A_23 = arith.constant 0 : i32
    %gt3A_24 = arith.cmpi sgt, %add3A_4, %gt3A_23 : i32
    %convert_element_type3A_25 = arith.extui %gt3A_24 : i1 to i32
    %cond3A_26 = arith.constant 0 : i32
    %cond3A_27 = arith.cmpi ne, %convert_element_type3A_25, %cond3A_26 : i32
    scf.if %cond3A_27 {
      %sub3A_28 = arith.constant 1 : i32
      %sub3A_29 = arith.subi %add3A_4, %sub3A_28 : i32
      %mul3A_30 = arith.constant 32 : i32
      %mul3A_31 = arith.muli %sub3A_29, %mul3A_30 : i32
      %add3A_32 = arith.addi %add3A, %mul3A_31 : i32
      %mul3A_33 = arith.constant 8 : i32
      %mul3A_34 = arith.muli %add3A_32, %mul3A_33 : i32
      %dma_wait3A = arith.constant 0 : i32
      %dma_wait3A_35 = tpu.memref_slice %arg6[%mul3A_34, %dma_wait3A] : memref<10000x128xf32, #tpu.memory_space<hbm>> -> memref<8x128xf32, #tpu.memory_space<hbm>>
      %dma_wait3A_36 = arith.constant 0 : i32
      %dma_wait3A_37 = tpu.memref_slice %arg6[%mul3A_34, %dma_wait3A_36] : memref<10000x128xf32, #tpu.memory_space<hbm>> -> memref<8x128xf32, #tpu.memory_space<hbm>>
      tpu.wait_dma2 semaphore(%arg14 : memref<!tpu.dma_semaphore, #tpu.memory_space<semaphore_mem>>) src(%arg11 : memref<8x128xf32, #tpu.memory_space<vmem>>) dst(%dma_wait3A_37 : memref<8x128xf32, #tpu.memory_space<hbm>>)
    } else {
    }
    return
  }
}

</mosaic_0001>

<sc_bundles>
// kernel: _sc_gather_fused.3.cloned.1.call-start
scs
__scs_entry_jumppad:
0x0: {  	(pc) =	sbr.rel $0x88, $3  }
0x1: {  	(tag) =	ssettag $0x0;
	lr =	simm.s32 $0x1  }
0x2: {  	[smem:$0x3F9D] =	sst lr;
	_ =	strace $0xD0000000  }
0x3: {  	_ = 	snop  }
0x4: {  	_ = 	snop  }
0x5: {  	_ = 	snop  }
0x6: {  	_ = 	snop  }
0x7: {  	_ = 	snop  }
__scs_overlays_trampoline_lowered:
0x8: {  	[smem:$0x3FAC] =	sst s0  }
0x9: {  	[smem:$0x3FAD] =	sst s1  }
0xa: {  	[smem:$0x3FAE] =	sst s2  }
0xb: {  	[smem:$0x3FAF] =	sst s3  }
0xc: {  	[smem:$0x3FB0] =	sst s4  }
0xd: {  	[smem:$0x3FB1] =	sst s5  }
0xe: {  	[smem:$0x3FB2] =	sst s6  }
0xf: {  	[smem:$0x3FB3] =	sst s7  }
0x10: {  	[smem:$0x3FB4] =	sst s8  }
0x11: {  	[smem:$0x3FB5] =	sst s9;
	s0 =	simm.s32 @!p0 $0x0  }
0x12: {  	s1 =	sld [smem:$0x3F9B];
	s0 =	simm.s32 @p0 $0x1  }
0x13: {  	[smem:$0x3FB6] =	sst s0;
	s0 =	simm.s32 @!p1 $0x0  }
0x14: {  	s2 =	sld [smem:$0x3F9A];
	s0 =	simm.s32 @p1 $0x1  }
0x15: {  	[smem:$0x3FB7] =	sst s0;
	s0 =	simm.s32 @!p2 $0x0  }
0x16: {  	s3 =	sld [smem:$0x3FDB];
	s0 =	simm.s32 @p2 $0x1  }
0x17: {  	s4 =	simm.s32 $0x1BF5;
	[smem:$0x3FB9] =	sst s0  }
0x18: {  	s0 =	sld [smem:$0x3F9C];
	_ =	swait.ge [sflag:s4], $0x0  }
0x19: {  	s7 =	sld [smem:$0x3F9D]  }
0x1a: {  	s8 =	sadd.s32 $0xFFFFE003, lr  }
0x1b: {  	s9 =	sadd.s32 $0xFFFFFEF7, lr;
	s5 =	simm.s32 $0xFFFFFFFF;
	p2 =	slt.u32 s8, $0xFFFFF086  }
0x1c: {  	p1 =	slt.u32 s9, $0xF7A;
	s5 =	simm.s32 @!p2 $0x0  }
0x1d: {  	s5 =	simm.s32 @p1 $0x1;
	p0 =	seq.s32 s7, s2  }
0x1e: {  	s7 =	smul.u32 @!p0 $0xF7A, s2;
	p2 =	seq.s32 @!p0 s5, $0x0  }
0x1f: {  	s9 =	smul.u32 $0xF7A, s1;
	s8 =	simm.s32 @!p0 $0x1BF5;
	p2 =	por !p2, p0  }
0x20: {  	[sflag:s8] =	ssyncset.s32 @!p0 $0xFFFFF086;
	s6 =	sadd.s32 @!p0 s3, s7;
	s7 =	simm.s32 @!p0 $0x108  }
0x21: {  	s3 =	sadd.s32 s3, s9;
	s6 =	sadd.s32 @!p0 $0x88, s6;
	s7 =	simm.s32 @p2 $0x1082  }
0x22: {  	[simem:s7], [sflag:s8] =	dma.local @!p0 [hbm:s6], $0xF7A  }
0x23: {  	s9 =	sor.u32 $0xD0000000, s2;
	s6 =	simm.s32 $0x108;
	_ =	swait.ge @!p0 [sflag:s8], $0x0  }
0x24: {  	s3 =	sadd.s32 $0x88, s3;
	s6 =	simm.s32 @!p1 $0x1082;
	[sflag:s4] =	ssyncset.s32 $0xFFFFF086  }
0x25: {  	[simem:s6], [sflag:s4] =	dma.local [hbm:s3], $0xF7A  }
0x26: {  	[smem:$0x3F9D] =	sst s1;
	(tag) =	ssettag s2;
	_ =	strace s9  }
0x27: {  	s1 =	sld [smem:$0x3FAD]  }
0x28: {  	s2 =	sld [smem:$0x3FAE]  }
0x29: {  	s4 =	sld [smem:$0x3FB0]  }
0x2a: {  	p0 =	seq.s32 s5, $0x0;
	s5 =	sld [smem:$0x3FB1]  }
0x2b: {  	s6 =	sld [smem:$0x3FB2]  }
0x2c: {  	s7 =	sld [smem:$0x3FB3]  }
0x2d: {  	s3 =	simm.s32 $0x108;
	s8 =	sld [smem:$0x3FB4]  }
0x2e: {  	s3 =	simm.s32 @!p0 $0x1082;
	s9 =	sld [smem:$0x3FB5]  }
0x2f: {  	lr =	sadd.s32 s0, s3;
	s0 =	sld [smem:$0x3FAC]  }
0x30: {  	s3 =	sld [smem:$0x3FAF]  }
0x31: {  	[smem:$0x3FB8] =	sst s10  }
0x32: {  	s10 =	sld [smem:$0x3FB6];
	_ =	sdelay $0x3  }
0x33: {  	p0 =	seq.s32 s10, $0x1;
	s10 =	sld [smem:$0x3FB8];
	_ =	sdelay $0x3  }
0x34: {  	[smem:$0x3FB8] =	sst s10  }
0x35: {  	s10 =	sld [smem:$0x3FB7];
	_ =	sdelay $0x3  }
0x36: {  	p1 =	seq.s32 s10, $0x1;
	s10 =	sld [smem:$0x3FB8];
	_ =	sdelay $0x3  }
0x37: {  	[smem:$0x3FB8] =	sst s10  }
0x38: {  	s10 =	sld [smem:$0x3FB9]  }
0x39: {  	_ = 	snop;
	(pc) =	sbr.ind lr, $3  }
0x3a: {  	_ = 	snop  }
0x3b: {  	_ = 	snop  }
0x3c: {  	p2 =	seq.s32 s10, $0x1;
	s10 =	sld [smem:$0x3FB8]  }
0x3d: {  	_ =	shalt  }
0x3e: {  	_ =	shalt  }
0x3f: {  	_ =	shalt  }
0x40: {  	_ =	shalt  }
0x41: {  	_ =	shalt  }
0x42: {  	_ =	shalt  }
0x43: {  	_ =	shalt  }
0x44: {  	_ =	shalt  }
0x45: {  	_ =	shalt  }
0x46: {  	_ =	shalt  }
0x47: {  	_ =	shalt  }
0x48: {  	_ =	shalt  }
0x49: {  	_ =	shalt  }
0x4a: {  	_ =	shalt  }
0x4b: {  	_ =	shalt  }
0x4c: {  	_ =	shalt  }
0x4d: {  	_ =	shalt  }
0x4e: {  	_ =	shalt  }
0x4f: {  	_ =	shalt  }
0x50: {  	_ =	shalt  }
0x51: {  	_ =	shalt  }
0x52: {  	_ =	shalt  }
0x53: {  	_ =	shalt  }
0x54: {  	_ =	shalt  }
0x55: {  	_ =	shalt  }
0x56: {  	_ =	shalt  }
0x57: {  	_ =	shalt  }
0x58: {  	_ =	shalt  }
0x59: {  	_ =	shalt  }
0x5a: {  	_ =	shalt  }
0x5b: {  	_ =	shalt  }
0x5c: {  	_ =	shalt  }
0x5d: {  	_ =	shalt  }
0x5e: {  	_ =	shalt  }
0x5f: {  	_ =	shalt  }
0x60: {  	_ =	shalt  }
0x61: {  	_ =	shalt  }
0x62: {  	_ =	shalt  }
0x63: {  	_ =	shalt  }
0x64: {  	_ =	shalt  }
0x65: {  	_ =	shalt  }
0x66: {  	_ =	shalt  }
0x67: {  	_ =	shalt  }
0x68: {  	_ =	shalt  }
0x69: {  	_ =	shalt  }
0x6a: {  	_ =	shalt  }
0x6b: {  	_ =	shalt  }
0x6c: {  	_ =	shalt  }
0x6d: {  	_ =	shalt  }
0x6e: {  	_ =	shalt  }
0x6f: {  	_ =	shalt  }
0x70: {  	_ =	shalt  }
0x71: {  	_ =	shalt  }
0x72: {  	_ =	shalt  }
0x73: {  	_ =	shalt  }
0x74: {  	_ =	shalt  }
0x75: {  	_ =	shalt  }
0x76: {  	_ =	shalt  }
0x77: {  	_ =	shalt  }
0x78: {  	_ =	shalt  }
0x79: {  	_ =	shalt  }
0x7a: {  	_ =	shalt  }
0x7b: {  	_ =	shalt  }
0x7c: {  	_ =	shalt  }
0x7d: {  	_ =	shalt  }
0x7e: {  	_ =	shalt  }
0x7f: {  	_ =	shalt  }
0x80: {  	_ =	shalt  }
0x81: {  	_ =	shalt  }
0x82: {  	_ =	shalt  }
0x83: {  	_ =	shalt  }
0x84: {  	_ =	shalt  }
0x85: {  	_ =	shalt  }
0x86: {  	_ =	shalt  }
0x87: {  	_ =	shalt  }
.Lfunc_end0:
.L_simem_size_0:
called_computation_lowered:
.L_overlay_start_0:
0x88: {  	s2 =	sld [smem:$0x3FD9]  }
0x89: {  	s3 =	sld [smem:$0x3FFE];
	_ =	sdelay $0x1  }
0x8a: {  	s1 =	srdreg.scid  }
0x8b: {  	s0 =	sand.u32 $0x1, s1  }
0x8c: {  	s17 =	sshll.u32 s0, $0xA;
	s2 =	sadd.s32 s3, s2  }
0x8d: {  	s2 =	sadd.s32 s2, s17  }
0x8e: {  	[smem:$0x3FC4] =	sst s2  }
0x8f: {  	_ = 	snop  }
0x90: {  	s2 =	sld [smem:$0x3FC7]  }
0x91: {  	s18 =	sld [smem:$0x3FC6]  }
0x92: {  	s4 =	sld [smem:$0x3FD0];
	(tm) =	ssettm $0x1  }
0x93: {  	s5 =	sld [smem:$0x3FFB];
	_ =	sdelay $0x3  }
0x94: {  	_ =	strace s5  }
0x95: {  	s5 =	sld [smem:$0x3FFC];
	_ =	sdelay $0x3  }
0x96: {  	_ =	strace s5  }
0x97: {  	s5 =	sld [smem:$0x3FFD];
	_ =	sdelay $0x3  }
0x98: {  	_ =	strace s5  }
0x99: {  	_ =	strace $0x8FFFFFFF  }
0x9a: {  	s19 =	sld [smem:$0x3FDB];
	_ =	sdelay $0x1  }
0x9b: {  	s6 =	simm.s32 $_scs_section_size  }
0x9c: {  	s7 =	simm.s32 $_size__tile_overlayer_lowered;
	s8 =	simm.s32 $_tile_overlayer_lowered  }
0x9d: {  	s22 =	simm.s32 $0x1BFF;
	s21 =	sshll.u32 s8, $0x1;
	s5 =	sadd.s32 s6, s19  }
0x9e: {  	s9 =	simm.s32 $0x0;
	s20 =	sshll.u32 s7, $0x1;
	s7 =	sadd.s32 s21, s5  }
0x9f: {  	[timem:s9], [sflag:s22] =	dma.local [hbm:s7], s20  }
0xa0: {  	_ =	swait.ge [sflag:s22], s20  }
0xa1: {  	s6 =	ssub.s32 $0x0, s20;
	[sflag:s22] =	ssyncset.done $0x0  }
0xa2: {  	[sflag:s22] =	ssyncadd.s32 s6;
	_ =	sdelay $0x1  }
0xa3: {  	s23 =	simm.s32 $0x1B8B  }
0xa4: {  	_ =	swait.ge [sflag:s23], $0x1  }
0xa5: {  	[sflag:s23] =	ssyncset.done $0x0  }
0xa6: {  	s25 =	simm.s32 $0x1B8E;
	s24 =	sld [smem:$0x3FFE];
	[sflag:s23] =	ssyncadd.s32 $0xFFFFFFFF  }
0xa7: {  	s26 =	simm.s32 $execute0_lowered;
	[smem:$0x3FD2] =	sst s25  }
0xa8: {  	s7 =	sshll.u32 s26, $0x1;
	_ =	strace $0x80000046;
	[dreg:$0x1] =	wrdreg $0xFFFFFFFF  }
0xa9: {  	s28 =	simm.s32 $_size_execute0_lowered;
	s5 =	sadd.s32 s5, s7;
	[dreg:$0x0] =	wrdreg $0x0  }
0xaa: {  	s7 =	sshll.u32 s28, $0x1;
	[dreg:$0x2] =	wrdreg s5  }
0xab: {  	[dreg:$0x3] =	wrdreg s7  }
0xac: {  	[dreg:$0x4] =	wrdreg $0xC0  }
0xad: {  	_ =	task [dreg:s9], $0x5FFFF  }
0xae: {  	[dreg:$0x1] =	wrdreg $0xFFFFFFFF  }
0xaf: {  	[dreg:$0x0] =	wrdreg $0x60  }
0xb0: {  	[dreg:$0x2] =	wrdreg s24  }
0xb1: {  	[dreg:$0x3] =	wrdreg s2  }
0xb2: {  	[dreg:$0x4] =	wrdreg s18  }
0xb3: {  	[dreg:$0x5] =	wrdreg s4  }
0xb4: {  	[dreg:$0x6] =	wrdreg $0x9  }
0xb5: {  	_ =	task.clear_ibuf [dreg:s9], $0x7FFFF;
	_ =	strace $0x90000046  }
0xb6: {  	s29 =	simm.s32 $0x9;
	_ =	strace $0x80000048  }
0xb7: {  	_ =	swait.ge [sflag:s29], $0x1  }
0xb8: {  	[sflag:s29] =	ssyncadd.s32 $0xFFFFFFFF  }
0xb9: {  	_ =	strace $0x90000048  }
0xba: {  	_ =	sfence  }
0xbb: {  	s30 =	sld [smem:$0x0];
	_ =	sdelay $0x2  }
0xbc: {  	s31 =	sshll.u32 s1, $0xD;
	s1 =	sshrl.u32 s1, $0x2  }
0xbd: {  	s3 =	sand.u32 $0x4000, s31;
	s1 =	sadd.s32 s1, s30  }
0xbe: {  	s0 =	sor.u32 s3, s0;
	s1 =	sshll.u32 s1, $0x11  }
0xbf: {  	s0 =	sor.u32 s1, s0  }
0xc0: {  	s0 =	sadd.s32 $0x8F2B, s0  }
0xc1: {  	[sflag:s0] =	ssyncadd.remote.s32 $0x1  }
0xc2: {  	_ =	sfence.sel $0xFFFF  }
0xc3: {  	[dreg:$0x0] =	wrdreg $0xFFFFFFFF;
	(pc) =	sbr.abs _section_cstart, $3  }
0xc4: {  	[dreg:$0x1] =	wrdreg $0xFFFFFFFF  }
0xc5: {  	_ =	task.clear_ibuf [dreg:s9], $0x2FFFF;
	_ =	strace $0x9FFFFFFF  }
0xc6: {  	(tm) =	ssettm $0x7FFFFFFF  }
0xc7: {  	_ =	shalt  }
tec
execute0_lowered:
.L_overlay_start_1:
0x0: {  	(tag) =	ssettag $0x1  }
0x1: {  	s7 =	rddreg [dreg:$0x0]  }
0x2: {  	s1 =	rddreg [dreg:$0x1]  }
0x3: {  	s2 =	rddreg [dreg:$0x2]  }
0x4: {  	s3 =	rddreg [dreg:$0x3]  }
0x5: {  	s0 =	rddreg [dreg:$0x4];
	s4 =	simm.s32 $0x0;
	s5 =	srdreg.scid  }
0x6: {  	s13 =	simm.s32 $0x4;
	s14 =	simm.s32 $0x80;
	s15 =	simm.s32 $0x2080  }
0x7: {  	s16 =	simm.s32 $0x2100;
	s17 =	simm.s32 $0x1;
	s18 =	simm.s32 $0x2  }
0x8: {  	s19 =	simm.s32 $0x4100;
	s20 =	simm.s32 $0x3;
	s21 =	simm.s32 $0x0  }
0x9: {  	[smem:$0x7FF] =	sst s4;
	s8 =	sand.u32 $0x1, s5;
	s6 =	sadd.s32 $0x600, s7  }
0xa: {  	s5 =	stileid.u32;
	s7 =	sadd.s32 $0x14000, s7;
	_ =	strace $0x80000047  }
0xb: {  	s10 =	ssub.s32 $0x2, s8;
	s9 =	sshll.u32 s5, $0x1;
	p0 =	seq.s32 s5, $0x0  }
0xc: {  	s11 =	sshrl.u32 s10, $0x1;
	s8 =	sor.u32 s8, s9;
	s9 =	simm.s32 $0x28  }
0xd: {  	s12 =	ssub.s32 s10, s11;
	s9 =	simm.s32 @!p0 $0x27;
	s31 =	sshll.u32 s8, $0x4  }
0xe: {  	s10 =	sadd.s32 s1, s31;
	s11 =	sadd.s32 s2, s31;
	s12 =	smax.u32 s12, $0x1  }
.LBB2_1:
0xf: {  	[tilespmem:s4], [sflag:$0x4] =	stream.linear.gather [hbm4b:s10+s4], $0x80, $0x38;
	[tilespmem:$0x4500] =	vst v63  }
0x10: {  	_ =	swait.ge [sflag:s13], $0x80  }
0x11: {  	[sflag:s13] =	ssyncset.done $0x0  }
0x12: {  	[sflag:s13] =	ssyncadd.s32 $0xFFFFFF80  }
0x13: {  	[tilespmem:s14], [sflag:$0x1] =	stream.indirect.gather [hbm4b:s6+s14], $0x40, s4, s14, $0xb8;
	[tilespmem:$0x4500] =	vst v63  }
0x14: {  	_ = 	snop  }
0x15: {  	[tilespmem:s15], [sflag:$0x4] =	stream.linear.gather [hbm4b:s11+s4], $0x80, $0x38;
	[tilespmem:$0x4500] =	vst v63  }
0x16: {  	_ =	swait.ge [sflag:s13], $0x80  }
0x17: {  	[sflag:s13] =	ssyncset.done $0x0  }
0x18: {  	s22 =	simm.s32 $0x0;
	[sflag:s13] =	ssyncadd.s32 $0xFFFFFF80  }
0x19: {  	[tilespmem:s16], [sflag:$0x2] =	stream.indirect.gather [hbm4b:s7+s14], $0x40, s15, s14, $0xb8;
	[tilespmem:$0x4500] =	vst v63  }
.LBB2_2:
0x1a: {  	_ =	swait.ge [sflag:s17], $0x2000  }
0x1b: {  	p0 =	seq.s32 s22, $0x0;
	[sflag:s17] =	ssyncset.done $0x0  }
0x1c: {  	s25 =	simm.s32 @!p0 $0x3;
	[sflag:s17] =	ssyncadd.s32 $0xFFFFE000  }
0x1d: {  	s23 =	sshll.u32 s22, $0x5;
	_ =	swait.ge @!p0 [sflag:s25], $0x400  }
0x1e: {  	s26 =	simm.s32 $0x280;
	s23 =	sor.u32 s8, s23;
	[sflag:s25] =	ssyncset.done @!p0 $0x0  }
0x1f: {  	s24 =	sadd.s32 $0x20, s23;
	[sflag:s25] =	ssyncadd.s32 @!p0 $0xFFFFFC00;
	s25 =	simm.s32 $0x0  }
.LBB2_3:
0x20: {  	v0 =	vld [tilespmem:s26+$0xFFFFFE00]  }
0x21: {  	v1 =	vld [tilespmem:s26+$0xFFFFFE40]  }
0x22: {  	v2 =	vld [tilespmem:s26+$0xFFFFFE80]  }
0x23: {  	v3 =	vld [tilespmem:s26+$0xFFFFFEC0]  }
0x24: {  	v4 =	vld [tilespmem:s26+$0xFFFFFF00]  }
0x25: {  	v5 =	vld [tilespmem:s26+$0xFFFFFF40]  }
0x26: {  	v6 =	vld [tilespmem:s26+$0xFFFFFF80]  }
0x27: {  	v7 =	vld [tilespmem:s26+$0xFFFFFFC0]  }
0x28: {  	v9 =	vld [tilespmem:s26+$0x0]  }
0x29: {  	v13 =	vld [tilespmem:s26+$0x40];
	v8 =	vshll.u32 v0, $0x10;
	v10 =	vshll.u32 v1, $0x10  }
0x2a: {  	v15 =	vld [tilespmem:s26+$0x80];
	v11 =	vshll.u32 v2, $0x10;
	v12 =	vshll.u32 v4, $0x10;
	v14 =	vshll.u32 v3, $0x10  }
0x2b: {  	v31 =	vld [tilespmem:s26+$0xC0];
	v28 =	vshll.u32 v5, $0x10;
	v0 =	vadd.f32 v4, v0;
	v1 =	vadd.f32 v5, v1  }
0x2c: {  	v34 =	vld [tilespmem:s26+$0x100];
	v30 =	vshll.u32 v6, $0x10;
	v2 =	vadd.f32 v6, v2;
	v3 =	vadd.f32 v7, v3  }
0x2d: {  	v37 =	vld [tilespmem:s26+$0x140];
	v33 =	vshll.u32 v7, $0x10;
	v8 =	vadd.f32 v12, v8;
	v29 =	vadd.f32 v28, v10  }
0x2e: {  	v40 =	vld [tilespmem:s26+$0x180];
	v36 =	vshll.u32 v9, $0x10;
	v32 =	vadd.f32 v30, v11;
	v35 =	vadd.f32 v33, v14  }
0x2f: {  	v42 =	vld [tilespmem:s26+$0x1C0];
	v39 =	vshll.u32 v13, $0x10;
	v0 =	vadd.f32 v9, v0;
	v1 =	vadd.f32 v13, v1  }
0x30: {  	v41 =	vshll.u32 v15, $0x10;
	v2 =	vadd.f32 v15, v2;
	v3 =	vadd.f32 v31, v3  }
0x31: {  	v43 =	vshll.u32 v31, $0x10;
	v38 =	vadd.f32 v36, v8;
	v4 =	vadd.f32 v39, v29  }
0x32: {  	v44 =	vshll.u32 v34, $0x10;
	v5 =	vadd.f32 v41, v32;
	v6 =	vadd.f32 v43, v35  }
0x33: {  	v45 =	vshll.u32 v37, $0x10;
	v0 =	vadd.f32 v34, v0;
	v1 =	vadd.f32 v37, v1  }
0x34: {  	v46 =	vshll.u32 v40, $0x10;
	v2 =	vadd.f32 v40, v2;
	v3 =	vadd.f32 v42, v3  }
0x35: {  	v47 =	vshll.u32 v42, $0x10;
	v7 =	vadd.f32 v44, v38;
	v4 =	vadd.f32 v45, v4  }
0x36: {  	v5 =	vadd.f32 v46, v5;
	v6 =	vadd.f32 v47, v6  }
0x37: {  	v0 =	vadd.f32 v1, v0;
	v48 =	vadd.f32 v3, v2  }
0x38: {  	v4 =	vadd.f32 v4, v7;
	v5 =	vadd.f32 v6, v5  }
0x39: {  	v0 =	vadd.f32 v48, v0  }
0x3a: {  	s28 =	sshra.s32 s25, $0x2;
	v49 =	vadd.f32 v5, v4  }
0x3b: {  	[tilespmem:s28+$0x4140] =	vst v0  }
0x3c: {  	[tilespmem:s28+$0x4100] =	vst v49  }
0x3d: {  	v0 =	vld [tilespmem:s26+$0xFFFFFE10]  }
0x3e: {  	v50 =	vld [tilespmem:s26+$0xFFFFFE50]  }
0x3f: {  	v2 =	vld [tilespmem:s26+$0xFFFFFE90]  }
0x40: {  	v51 =	vld [tilespmem:s26+$0xFFFFFED0]  }
0x41: {  	v52 =	vld [tilespmem:s26+$0xFFFFFF10]  }
0x42: {  	v53 =	vld [tilespmem:s26+$0xFFFFFF50]  }
0x43: {  	v54 =	vld [tilespmem:s26+$0xFFFFFF90]  }
0x44: {  	v55 =	vld [tilespmem:s26+$0xFFFFFFD0]  }
0x45: {  	v57 =	vld [tilespmem:s26+$0x10]  }
0x46: {  	v61 =	vld [tilespmem:s26+$0x50];
	v56 =	vshll.u32 v0, $0x10;
	v58 =	vshll.u32 v50, $0x10  }
0x47: {  	v18 =	vld [tilespmem:s26+$0x90];
	v59 =	vshll.u32 v2, $0x10;
	v60 =	vshll.u32 v52, $0x10;
	v62 =	vshll.u32 v51, $0x10  }
0x48: {  	v21 =	vld [tilespmem:s26+$0xD0];
	v63 =	vshll.u32 v53, $0x10;
	v0 =	vadd.f32 v52, v0;
	v1 =	vadd.f32 v53, v50  }
0x49: {  	v24 =	vld [tilespmem:s26+$0x110];
	v20 =	vshll.u32 v54, $0x10;
	v2 =	vadd.f32 v54, v2;
	v3 =	vadd.f32 v55, v51  }
0x4a: {  	v27 =	vld [tilespmem:s26+$0x150];
	v23 =	vshll.u32 v55, $0x10;
	v8 =	vadd.f32 v60, v56;
	v19 =	vadd.f32 v63, v58  }
0x4b: {  	v30 =	vld [tilespmem:s26+$0x190];
	v26 =	vshll.u32 v57, $0x10;
	v22 =	vadd.f32 v20, v59;
	v25 =	vadd.f32 v23, v62  }
0x4c: {  	v32 =	vld [tilespmem:s26+$0x1D0];
	v29 =	vshll.u32 v61, $0x10;
	v0 =	vadd.f32 v57, v0;
	v1 =	vadd.f32 v61, v1  }
0x4d: {  	v31 =	vshll.u32 v18, $0x10;
	v2 =	vadd.f32 v18, v2;
	v3 =	vadd.f32 v21, v3  }
0x4e: {  	v33 =	vshll.u32 v21, $0x10;
	v28 =	vadd.f32 v26, v8;
	v4 =	vadd.f32 v29, v19  }
0x4f: {  	v34 =	vshll.u32 v24, $0x10;
	v5 =	vadd.f32 v31, v22;
	v6 =	vadd.f32 v33, v25  }
0x50: {  	v35 =	vshll.u32 v27, $0x10;
	v0 =	vadd.f32 v24, v0;
	v1 =	vadd.f32 v27, v1  }
0x51: {  	v36 =	vshll.u32 v30, $0x10;
	v2 =	vadd.f32 v30, v2;
	v3 =	vadd.f32 v32, v3  }
0x52: {  	v37 =	vshll.u32 v32, $0x10;
	v7 =	vadd.f32 v34, v28;
	v4 =	vadd.f32 v35, v4  }
0x53: {  	v5 =	vadd.f32 v36, v5;
	v6 =	vadd.f32 v37, v6  }
0x54: {  	v0 =	vadd.f32 v1, v0;
	v38 =	vadd.f32 v3, v2  }
0x55: {  	v4 =	vadd.f32 v4, v7;
	v5 =	vadd.f32 v6, v5  }
0x56: {  	v0 =	vadd.f32 v38, v0  }
0x57: {  	v39 =	vadd.f32 v5, v4  }
0x58: {  	[tilespmem:s28+$0x4150] =	vst v0  }
0x59: {  	[tilespmem:s28+$0x4110] =	vst v39  }
0x5a: {  	v0 =	vld [tilespmem:s26+$0xFFFFFE20]  }
0x5b: {  	v40 =	vld [tilespmem:s26+$0xFFFFFE60]  }
0x5c: {  	v2 =	vld [tilespmem:s26+$0xFFFFFEA0]  }
0x5d: {  	v41 =	vld [tilespmem:s26+$0xFFFFFEE0]  }
0x5e: {  	v42 =	vld [tilespmem:s26+$0xFFFFFF20]  }
0x5f: {  	v43 =	vld [tilespmem:s26+$0xFFFFFF60]  }
0x60: {  	v44 =	vld [tilespmem:s26+$0xFFFFFFA0]  }
0x61: {  	v45 =	vld [tilespmem:s26+$0xFFFFFFE0]  }
0x62: {  	v47 =	vld [tilespmem:s26+$0x20]  }
0x63: {  	v51 =	vld [tilespmem:s26+$0x60];
	v46 =	vshll.u32 v0, $0x10;
	v48 =	vshll.u32 v40, $0x10  }
0x64: {  	v54 =	vld [tilespmem:s26+$0xA0];
	v49 =	vshll.u32 v2, $0x10;
	v50 =	vshll.u32 v42, $0x10;
	v52 =	vshll.u32 v41, $0x10  }
0x65: {  	v57 =	vld [tilespmem:s26+$0xE0];
	v53 =	vshll.u32 v43, $0x10;
	v0 =	vadd.f32 v42, v0;
	v1 =	vadd.f32 v43, v40  }
0x66: {  	v60 =	vld [tilespmem:s26+$0x120];
	v56 =	vshll.u32 v44, $0x10;
	v2 =	vadd.f32 v44, v2;
	v3 =	vadd.f32 v45, v41  }
0x67: {  	v63 =	vld [tilespmem:s26+$0x160];
	v59 =	vshll.u32 v45, $0x10;
	v8 =	vadd.f32 v50, v46;
	v55 =	vadd.f32 v53, v48  }
0x68: {  	v18 =	vld [tilespmem:s26+$0x1A0];
	v62 =	vshll.u32 v47, $0x10;
	v58 =	vadd.f32 v56, v49;
	v61 =	vadd.f32 v59, v52  }
0x69: {  	v20 =	vld [tilespmem:s26+$0x1E0];
	v17 =	vshll.u32 v51, $0x10;
	v0 =	vadd.f32 v47, v0;
	v1 =	vadd.f32 v51, v1  }
0x6a: {  	v19 =	vshll.u32 v54, $0x10;
	v2 =	vadd.f32 v54, v2;
	v3 =	vadd.f32 v57, v3  }
0x6b: {  	v21 =	vshll.u32 v57, $0x10;
	v16 =	vadd.f32 v62, v8;
	v4 =	vadd.f32 v17, v55  }
0x6c: {  	v22 =	vshll.u32 v60, $0x10;
	v5 =	vadd.f32 v19, v58;
	v6 =	vadd.f32 v21, v61  }
0x6d: {  	v23 =	vshll.u32 v63, $0x10;
	v0 =	vadd.f32 v60, v0;
	v1 =	vadd.f32 v63, v1  }
0x6e: {  	v24 =	vshll.u32 v18, $0x10;
	v2 =	vadd.f32 v18, v2;
	v3 =	vadd.f32 v20, v3  }
0x6f: {  	v25 =	vshll.u32 v20, $0x10;
	v7 =	vadd.f32 v22, v16;
	v4 =	vadd.f32 v23, v4  }
0x70: {  	v5 =	vadd.f32 v24, v5;
	v6 =	vadd.f32 v25, v6  }
0x71: {  	v0 =	vadd.f32 v1, v0;
	v26 =	vadd.f32 v3, v2  }
0x72: {  	v4 =	vadd.f32 v4, v7;
	v5 =	vadd.f32 v6, v5  }
0x73: {  	v0 =	vadd.f32 v26, v0  }
0x74: {  	v27 =	vadd.f32 v5, v4  }
0x75: {  	[tilespmem:s28+$0x4160] =	vst v0  }
0x76: {  	[tilespmem:s28+$0x4120] =	vst v27  }
0x77: {  	v0 =	vld [tilespmem:s26+$0xFFFFFE30]  }
0x78: {  	v28 =	vld [tilespmem:s26+$0xFFFFFE70]  }
0x79: {  	v2 =	vld [tilespmem:s26+$0xFFFFFEB0]  }
0x7a: {  	v29 =	vld [tilespmem:s26+$0xFFFFFEF0]  }
0x7b: {  	v30 =	vld [tilespmem:s26+$0xFFFFFF30]  }
0x7c: {  	v31 =	vld [tilespmem:s26+$0xFFFFFF70]  }
0x7d: {  	v32 =	vld [tilespmem:s26+$0xFFFFFFB0]  }
0x7e: {  	v33 =	vld [tilespmem:s26+$0xFFFFFFF0]  }
0x7f: {  	v35 =	vld [tilespmem:s26+$0x30]  }
0x80: {  	v39 =	vld [tilespmem:s26+$0x70];
	v34 =	vshll.u32 v0, $0x10;
	v36 =	vshll.u32 v28, $0x10  }
0x81: {  	v42 =	vld [tilespmem:s26+$0xB0];
	v37 =	vshll.u32 v2, $0x10;
	v38 =	vshll.u32 v30, $0x10;
	v40 =	vshll.u32 v29, $0x10  }
0x82: {  	v45 =	vld [tilespmem:s26+$0xF0];
	v41 =	vshll.u32 v31, $0x10;
	v0 =	vadd.f32 v30, v0;
	v1 =	vadd.f32 v31, v28  }
0x83: {  	v48 =	vld [tilespmem:s26+$0x130];
	v44 =	vshll.u32 v32, $0x10;
	v2 =	vadd.f32 v32, v2;
	v3 =	vadd.f32 v33, v29  }
0x84: {  	v51 =	vld [tilespmem:s26+$0x170];
	v47 =	vshll.u32 v33, $0x10;
	v8 =	vadd.f32 v38, v34;
	v43 =	vadd.f32 v41, v36  }
0x85: {  	v54 =	vld [tilespmem:s26+$0x1B0];
	v50 =	vshll.u32 v35, $0x10;
	v46 =	vadd.f32 v44, v37;
	v49 =	vadd.f32 v47, v40  }
0x86: {  	v56 =	vld [tilespmem:s26+$0x1F0];
	v53 =	vshll.u32 v39, $0x10;
	v0 =	vadd.f32 v35, v0;
	v1 =	vadd.f32 v39, v1  }
0x87: {  	v55 =	vshll.u32 v42, $0x10;
	v2 =	vadd.f32 v42, v2;
	v3 =	vadd.f32 v45, v3  }
0x88: {  	v57 =	vshll.u32 v45, $0x10;
	v52 =	vadd.f32 v50, v8;
	v4 =	vadd.f32 v53, v43  }
0x89: {  	v58 =	vshll.u32 v48, $0x10;
	v5 =	vadd.f32 v55, v46;
	v6 =	vadd.f32 v57, v49  }
0x8a: {  	v59 =	vshll.u32 v51, $0x10;
	v0 =	vadd.f32 v48, v0;
	v1 =	vadd.f32 v51, v1  }
0x8b: {  	v60 =	vshll.u32 v54, $0x10;
	v2 =	vadd.f32 v54, v2;
	v3 =	vadd.f32 v56, v3  }
0x8c: {  	v61 =	vshll.u32 v56, $0x10;
	v7 =	vadd.f32 v58, v52;
	v4 =	vadd.f32 v59, v4  }
0x8d: {  	v5 =	vadd.f32 v60, v5;
	v6 =	vadd.f32 v61, v6  }
0x8e: {  	p0 =	sne.s32 s25, $0xE00;
	v0 =	vadd.f32 v1, v0;
	v62 =	vadd.f32 v3, v2  }
.Ltmp0:
0x8f: {  	v4 =	vadd.f32 v4, v7;
	v5 =	vadd.f32 v6, v5;
	(pc) =	sbr.rel @p0 .LBB2_3-.Ltmp0, $4  }
0x90: {  	v0 =	vadd.f32 v62, v0  }
0x91: {  	v63 =	vadd.f32 v5, v4  }
0x92: {  	[tilespmem:s28+$0x4170] =	vst v0  }
0x93: {  	s25 =	sadd.s32 $0x200, s25;
	s26 =	sadd.s32 $0x400, s26;
	[tilespmem:s28+$0x4130] =	vst v63  }
0x94: {  	s22 =	sadd.s32 $0x1, s22  }
0x95: {  	p0 =	sge.u32 s22, s9  }
0x96: {  	s24 =	sshll.u32 @!p0 s24, $0x4  }
0x97: {  	s24 =	sand.u32 @!p0 $0x1FFFFFF0, s24  }
0x98: {  	s26 =	simm.s32 @!p0 $0x0;
	s25 =	sadd.s32 @!p0 s1, s24  }
0x99: {  	[tilespmem:s26], [sflag:$0x4] =	stream.linear.gather @!p0 [hbm4b:s25+s26], $0x80, $0x38;
	[tilespmem:$0x4500] =	vst v63  }
0x9a: {  	s25 =	simm.s32 @!p0 $0x4  }
0x9b: {  	_ =	swait.ge @!p0 [sflag:s25], $0x80  }
0x9c: {  	[sflag:s25] =	ssyncset.done @!p0 $0x0  }
0x9d: {  	[sflag:s25] =	ssyncadd.s32 @!p0 $0xFFFFFF80;
	s25 =	simm.s32 @!p0 $0x80  }
0x9e: {  	[tilespmem:s25], [sflag:$0x1] =	stream.indirect.gather @!p0 [hbm4b:s6+s25], $0x40, s26, s25, $0xb8;
	[tilespmem:$0x4500] =	vst v63  }
0x9f: {  	_ =	swait.ge [sflag:s18], $0x2000  }
0xa0: {  	[sflag:s18] =	ssyncset.done $0x0  }
0xa1: {  	s25 =	simm.s32 $0x0;
	s26 =	simm.s32 $0x2300;
	[sflag:s18] =	ssyncadd.s32 $0xFFFFE000  }
.LBB2_5:
0xa2: {  	v0 =	vld [tilespmem:s26+$0xFFFFFE00]  }
0xa3: {  	v1 =	vld [tilespmem:s26+$0xFFFFFE40]  }
0xa4: {  	v2 =	vld [tilespmem:s26+$0xFFFFFE80]  }
0xa5: {  	v3 =	vld [tilespmem:s26+$0xFFFFFEC0]  }
0xa6: {  	v4 =	vld [tilespmem:s26+$0xFFFFFF00]  }
0xa7: {  	v5 =	vld [tilespmem:s26+$0xFFFFFF40]  }
0xa8: {  	v6 =	vld [tilespmem:s26+$0xFFFFFF80]  }
0xa9: {  	v7 =	vld [tilespmem:s26+$0xFFFFFFC0]  }
0xaa: {  	v9 =	vld [tilespmem:s26+$0x0]  }
0xab: {  	v13 =	vld [tilespmem:s26+$0x40];
	v8 =	vshll.u32 v0, $0x10;
	v10 =	vshll.u32 v1, $0x10  }
0xac: {  	v15 =	vld [tilespmem:s26+$0x80];
	v11 =	vshll.u32 v2, $0x10;
	v12 =	vshll.u32 v4, $0x10;
	v14 =	vshll.u32 v3, $0x10  }
0xad: {  	v22 =	vld [tilespmem:s26+$0xC0];
	v19 =	vshll.u32 v5, $0x10;
	v0 =	vadd.f32 v4, v0;
	v1 =	vadd.f32 v5, v1  }
0xae: {  	v25 =	vld [tilespmem:s26+$0x100];
	v21 =	vshll.u32 v6, $0x10;
	v2 =	vadd.f32 v6, v2;
	v3 =	vadd.f32 v7, v3  }
0xaf: {  	v28 =	vld [tilespmem:s26+$0x140];
	v24 =	vshll.u32 v7, $0x10;
	v8 =	vadd.f32 v12, v8;
	v20 =	vadd.f32 v19, v10  }
0xb0: {  	v31 =	vld [tilespmem:s26+$0x180];
	v27 =	vshll.u32 v9, $0x10;
	v23 =	vadd.f32 v21, v11;
	v26 =	vadd.f32 v24, v14  }
0xb1: {  	v33 =	vld [tilespmem:s26+$0x1C0];
	v30 =	vshll.u32 v13, $0x10;
	v0 =	vadd.f32 v9, v0;
	v1 =	vadd.f32 v13, v1  }
0xb2: {  	v32 =	vshll.u32 v15, $0x10;
	v2 =	vadd.f32 v15, v2;
	v3 =	vadd.f32 v22, v3  }
0xb3: {  	v34 =	vshll.u32 v22, $0x10;
	v29 =	vadd.f32 v27, v8;
	v4 =	vadd.f32 v30, v20  }
0xb4: {  	v35 =	vshll.u32 v25, $0x10;
	v5 =	vadd.f32 v32, v23;
	v6 =	vadd.f32 v34, v26  }
0xb5: {  	v36 =	vshll.u32 v28, $0x10;
	v0 =	vadd.f32 v25, v0;
	v1 =	vadd.f32 v28, v1  }
0xb6: {  	v37 =	vshll.u32 v31, $0x10;
	v2 =	vadd.f32 v31, v2;
	v3 =	vadd.f32 v33, v3  }
0xb7: {  	s28 =	sshra.s32 s25, $0x2;
	v38 =	vshll.u32 v33, $0x10;
	v7 =	vadd.f32 v35, v29;
	v4 =	vadd.f32 v36, v4  }
0xb8: {  	v40 =	vld [tilespmem:s28+$0x4140];
	v5 =	vadd.f32 v37, v5;
	v6 =	vadd.f32 v38, v6  }
0xb9: {  	v39 =	vld [tilespmem:s28+$0x4100];
	v0 =	vadd.f32 v1, v0;
	v41 =	vadd.f32 v3, v2  }
0xba: {  	v4 =	vadd.f32 v4, v7;
	v5 =	vadd.f32 v6, v5  }
0xbb: {  	v0 =	vadd.f32 v41, v0  }
0xbc: {  	v42 =	vadd.f32 v5, v4  }
0xbd: {  	v0 =	vadd.f32 v0, v40  }
0xbe: {  	v43 =	vadd.f32 v42, v39  }
0xbf: {  	[tilespmem:s28+$0x4140] =	vst v0  }
0xc0: {  	[tilespmem:s28+$0x4100] =	vst v43  }
0xc1: {  	v0 =	vld [tilespmem:s26+$0xFFFFFE10]  }
0xc2: {  	v1 =	vld [tilespmem:s26+$0xFFFFFE50]  }
0xc3: {  	v44 =	vld [tilespmem:s26+$0xFFFFFE90]  }
0xc4: {  	v45 =	vld [tilespmem:s26+$0xFFFFFED0]  }
0xc5: {  	v46 =	vld [tilespmem:s26+$0xFFFFFF10]  }
0xc6: {  	v47 =	vld [tilespmem:s26+$0xFFFFFF50]  }
0xc7: {  	v48 =	vld [tilespmem:s26+$0xFFFFFF90]  }
0xc8: {  	v49 =	vld [tilespmem:s26+$0xFFFFFFD0]  }
0xc9: {  	v51 =	vld [tilespmem:s26+$0x10]  }
0xca: {  	v55 =	vld [tilespmem:s26+$0x50];
	v50 =	vshll.u32 v0, $0x10;
	v52 =	vshll.u32 v1, $0x10  }
0xcb: {  	v58 =	vld [tilespmem:s26+$0x90];
	v53 =	vshll.u32 v44, $0x10;
	v54 =	vshll.u32 v46, $0x10;
	v56 =	vshll.u32 v45, $0x10  }
0xcc: {  	v61 =	vld [tilespmem:s26+$0xD0];
	v57 =	vshll.u32 v47, $0x10;
	v0 =	vadd.f32 v46, v0;
	v1 =	vadd.f32 v47, v1  }
0xcd: {  	v16 =	vld [tilespmem:s26+$0x110];
	v60 =	vshll.u32 v48, $0x10;
	v2 =	vadd.f32 v48, v44;
	v3 =	vadd.f32 v49, v45  }
0xce: {  	v19 =	vld [tilespmem:s26+$0x150];
	v63 =	vshll.u32 v49, $0x10;
	v8 =	vadd.f32 v54, v50;
	v59 =	vadd.f32 v57, v52  }
0xcf: {  	v22 =	vld [tilespmem:s26+$0x190];
	v18 =	vshll.u32 v51, $0x10;
	v62 =	vadd.f32 v60, v53;
	v17 =	vadd.f32 v63, v56  }
0xd0: {  	v24 =	vld [tilespmem:s26+$0x1D0];
	v21 =	vshll.u32 v55, $0x10;
	v0 =	vadd.f32 v51, v0;
	v1 =	vadd.f32 v55, v1  }
0xd1: {  	v23 =	vshll.u32 v58, $0x10;
	v2 =	vadd.f32 v58, v2;
	v3 =	vadd.f32 v61, v3  }
0xd2: {  	v25 =	vshll.u32 v61, $0x10;
	v20 =	vadd.f32 v18, v8;
	v4 =	vadd.f32 v21, v59  }
0xd3: {  	v26 =	vshll.u32 v16, $0x10;
	v5 =	vadd.f32 v23, v62;
	v6 =	vadd.f32 v25, v17  }
0xd4: {  	v27 =	vshll.u32 v19, $0x10;
	v0 =	vadd.f32 v16, v0;
	v1 =	vadd.f32 v19, v1  }
0xd5: {  	v28 =	vshll.u32 v22, $0x10;
	v2 =	vadd.f32 v22, v2;
	v3 =	vadd.f32 v24, v3  }
0xd6: {  	v29 =	vshll.u32 v24, $0x10;
	v7 =	vadd.f32 v26, v20;
	v4 =	vadd.f32 v27, v4  }
0xd7: {  	v31 =	vld [tilespmem:s28+$0x4150];
	v5 =	vadd.f32 v28, v5;
	v6 =	vadd.f32 v29, v6  }
0xd8: {  	v30 =	vld [tilespmem:s28+$0x4110];
	v0 =	vadd.f32 v1, v0;
	v32 =	vadd.f32 v3, v2  }
0xd9: {  	v4 =	vadd.f32 v4, v7;
	v5 =	vadd.f32 v6, v5  }
0xda: {  	v0 =	vadd.f32 v32, v0  }
0xdb: {  	v33 =	vadd.f32 v5, v4  }
0xdc: {  	v0 =	vadd.f32 v0, v31  }
0xdd: {  	v34 =	vadd.f32 v33, v30  }
0xde: {  	[tilespmem:s28+$0x4150] =	vst v0  }
0xdf: {  	[tilespmem:s28+$0x4110] =	vst v34  }
0xe0: {  	v0 =	vld [tilespmem:s26+$0xFFFFFE20]  }
0xe1: {  	v1 =	vld [tilespmem:s26+$0xFFFFFE60]  }
0xe2: {  	v35 =	vld [tilespmem:s26+$0xFFFFFEA0]  }
0xe3: {  	v36 =	vld [tilespmem:s26+$0xFFFFFEE0]  }
0xe4: {  	v37 =	vld [tilespmem:s26+$0xFFFFFF20]  }
0xe5: {  	v38 =	vld [tilespmem:s26+$0xFFFFFF60]  }
0xe6: {  	v39 =	vld [tilespmem:s26+$0xFFFFFFA0]  }
0xe7: {  	v40 =	vld [tilespmem:s26+$0xFFFFFFE0]  }
0xe8: {  	v42 =	vld [tilespmem:s26+$0x20]  }
0xe9: {  	v46 =	vld [tilespmem:s26+$0x60];
	v41 =	vshll.u32 v0, $0x10;
	v43 =	vshll.u32 v1, $0x10  }
0xea: {  	v49 =	vld [tilespmem:s26+$0xA0];
	v44 =	vshll.u32 v35, $0x10;
	v45 =	vshll.u32 v37, $0x10;
	v47 =	vshll.u32 v36, $0x10  }
0xeb: {  	v52 =	vld [tilespmem:s26+$0xE0];
	v48 =	vshll.u32 v38, $0x10;
	v0 =	vadd.f32 v37, v0;
	v1 =	vadd.f32 v38, v1  }
0xec: {  	v55 =	vld [tilespmem:s26+$0x120];
	v51 =	vshll.u32 v39, $0x10;
	v2 =	vadd.f32 v39, v35;
	v3 =	vadd.f32 v40, v36  }
0xed: {  	v58 =	vld [tilespmem:s26+$0x160];
	v54 =	vshll.u32 v40, $0x10;
	v8 =	vadd.f32 v45, v41;
	v50 =	vadd.f32 v48, v43  }
0xee: {  	v61 =	vld [tilespmem:s26+$0x1A0];
	v57 =	vshll.u32 v42, $0x10;
	v53 =	vadd.f32 v51, v44;
	v56 =	vadd.f32 v54, v47  }
0xef: {  	v63 =	vld [tilespmem:s26+$0x1E0];
	v60 =	vshll.u32 v46, $0x10;
	v0 =	vadd.f32 v42, v0;
	v1 =	vadd.f32 v46, v1  }
0xf0: {  	v62 =	vshll.u32 v49, $0x10;
	v2 =	vadd.f32 v49, v2;
	v3 =	vadd.f32 v52, v3  }
0xf1: {  	v13 =	vshll.u32 v52, $0x10;
	v59 =	vadd.f32 v57, v8;
	v4 =	vadd.f32 v60, v50  }
0xf2: {  	v16 =	vshll.u32 v55, $0x10;
	v5 =	vadd.f32 v62, v53;
	v6 =	vadd.f32 v13, v56  }
0xf3: {  	v17 =	vshll.u32 v58, $0x10;
	v0 =	vadd.f32 v55, v0;
	v1 =	vadd.f32 v58, v1  }
0xf4: {  	v18 =	vshll.u32 v61, $0x10;
	v2 =	vadd.f32 v61, v2;
	v3 =	vadd.f32 v63, v3  }
0xf5: {  	v19 =	vshll.u32 v63, $0x10;
	v7 =	vadd.f32 v16, v59;
	v4 =	vadd.f32 v17, v4  }
0xf6: {  	v21 =	vld [tilespmem:s28+$0x4160];
	v5 =	vadd.f32 v18, v5;
	v6 =	vadd.f32 v19, v6  }
0xf7: {  	v20 =	vld [tilespmem:s28+$0x4120];
	v0 =	vadd.f32 v1, v0;
	v22 =	vadd.f32 v3, v2  }
0xf8: {  	v4 =	vadd.f32 v4, v7;
	v5 =	vadd.f32 v6, v5  }
0xf9: {  	v0 =	vadd.f32 v22, v0  }
0xfa: {  	v23 =	vadd.f32 v5, v4  }
0xfb: {  	v0 =	vadd.f32 v0, v21  }
0xfc: {  	v24 =	vadd.f32 v23, v20  }
0xfd: {  	[tilespmem:s28+$0x4160] =	vst v0  }
0xfe: {  	[tilespmem:s28+$0x4120] =	vst v24  }
0xff: {  	v0 =	vld [tilespmem:s26+$0xFFFFFE30]  }
0x100: {  	v1 =	vld [tilespmem:s26+$0xFFFFFE70]  }
0x101: {  	v25 =	vld [tilespmem:s26+$0xFFFFFEB0]  }
0x102: {  	v26 =	vld [tilespmem:s26+$0xFFFFFEF0]  }
0x103: {  	v27 =	vld [tilespmem:s26+$0xFFFFFF30]  }
0x104: {  	v28 =	vld [tilespmem:s26+$0xFFFFFF70]  }
0x105: {  	v29 =	vld [tilespmem:s26+$0xFFFFFFB0]  }
0x106: {  	v30 =	vld [tilespmem:s26+$0xFFFFFFF0]  }
0x107: {  	v32 =	vld [tilespmem:s26+$0x30]  }
0x108: {  	v36 =	vld [tilespmem:s26+$0x70];
	v31 =	vshll.u32 v0, $0x10;
	v33 =	vshll.u32 v1, $0x10  }
0x109: {  	v39 =	vld [tilespmem:s26+$0xB0];
	v34 =	vshll.u32 v25, $0x10;
	v35 =	vshll.u32 v27, $0x10;
	v37 =	vshll.u32 v26, $0x10  }
0x10a: {  	v42 =	vld [tilespmem:s26+$0xF0];
	v38 =	vshll.u32 v28, $0x10;
	v0 =	vadd.f32 v27, v0;
	v1 =	vadd.f32 v28, v1  }
0x10b: {  	v45 =	vld [tilespmem:s26+$0x130];
	v41 =	vshll.u32 v29, $0x10;
	v2 =	vadd.f32 v29, v25;
	v3 =	vadd.f32 v30, v26  }
0x10c: {  	v48 =	vld [tilespmem:s26+$0x170];
	v44 =	vshll.u32 v30, $0x10;
	v8 =	vadd.f32 v35, v31;
	v40 =	vadd.f32 v38, v33  }
0x10d: {  	v51 =	vld [tilespmem:s26+$0x1B0];
	v47 =	vshll.u32 v32, $0x10;
	v43 =	vadd.f32 v41, v34;
	v46 =	vadd.f32 v44, v37  }
0x10e: {  	v53 =	vld [tilespmem:s26+$0x1F0];
	v50 =	vshll.u32 v36, $0x10;
	v0 =	vadd.f32 v32, v0;
	v1 =	vadd.f32 v36, v1  }
0x10f: {  	v52 =	vshll.u32 v39, $0x10;
	v2 =	vadd.f32 v39, v2;
	v3 =	vadd.f32 v42, v3  }
0x110: {  	v54 =	vshll.u32 v42, $0x10;
	v49 =	vadd.f32 v47, v8;
	v4 =	vadd.f32 v50, v40  }
0x111: {  	v55 =	vshll.u32 v45, $0x10;
	v5 =	vadd.f32 v52, v43;
	v6 =	vadd.f32 v54, v46  }
0x112: {  	v56 =	vshll.u32 v48, $0x10;
	v0 =	vadd.f32 v45, v0;
	v1 =	vadd.f32 v48, v1  }
0x113: {  	v57 =	vshll.u32 v51, $0x10;
	v2 =	vadd.f32 v51, v2;
	v3 =	vadd.f32 v53, v3  }
0x114: {  	v58 =	vshll.u32 v53, $0x10;
	v7 =	vadd.f32 v55, v49;
	v4 =	vadd.f32 v56, v4  }
0x115: {  	v60 =	vld [tilespmem:s28+$0x4170];
	v5 =	vadd.f32 v57, v5;
	v6 =	vadd.f32 v58, v6  }
0x116: {  	v59 =	vld [tilespmem:s28+$0x4130];
	v0 =	vadd.f32 v1, v0;
	v61 =	vadd.f32 v3, v2  }
0x117: {  	v4 =	vadd.f32 v4, v7;
	v5 =	vadd.f32 v6, v5  }
0x118: {  	p1 =	sne.s32 s25, $0xE00;
	v0 =	vadd.f32 v61, v0  }
.Ltmp1:
0x119: {  	v62 =	vadd.f32 v5, v4;
	(pc) =	sbr.rel @p1 .LBB2_5-.Ltmp1, $4  }
0x11a: {  	v0 =	vadd.f32 v0, v60  }
0x11b: {  	v63 =	vadd.f32 v62, v59  }
0x11c: {  	[tilespmem:s28+$0x4170] =	vst v0  }
0x11d: {  	s25 =	sadd.s32 $0x200, s25;
	s26 =	sadd.s32 $0x400, s26;
	[tilespmem:s28+$0x4130] =	vst v63  }
0x11e: {  	s24 =	sadd.s32 @!p0 s2, s24;
	s25 =	simm.s32 @!p0 $0x0;
	s26 =	simm.s32 @!p0 $0x2080  }
0x11f: {  	[tilespmem:s26], [sflag:$0x4] =	stream.linear.gather @!p0 [hbm4b:s24+s25], $0x80, $0x38;
	[tilespmem:$0x4500] =	vst v63  }
0x120: {  	s24 =	simm.s32 @!p0 $0x4  }
0x121: {  	_ =	swait.ge @!p0 [sflag:s24], $0x80  }
0x122: {  	[sflag:s24] =	ssyncset.done @!p0 $0x0  }
0x123: {  	s25 =	simm.s32 @!p0 $0x2100;
	[sflag:s24] =	ssyncadd.s32 @!p0 $0xFFFFFF80;
	s24 =	simm.s32 @!p0 $0x80  }
0x124: {  	[tilespmem:s25], [sflag:$0x2] =	stream.indirect.gather @!p0 [hbm4b:s7+s24], $0x40, s26, s24, $0xb8;
	[tilespmem:$0x4500] =	vst v63  }
0x125: {  	p0 =	sne.s32 s22, s9  }
.Ltmp2:
0x126: {  	_ = 	snop;
	(pc) =	sbr.rel @p0 .LBB2_2-.Ltmp2, $4  }
0x127: {  	_ = 	snop  }
0x128: {  	s23 =	sshll.u32 s23, $0x7  }
0x129: {  	s23 =	sadd.s32 s3, s23  }
0x12a: {  	[hbm4b:s23+s4] =	stream.linear.scatter [tilespmem:s19], [sflag:$0x3], $0x400, $0x38;
	[tilespmem:$0x4500] =	vst v63  }
0x12b: {  	s21 =	sadd.s32 $0x1, s21  }
0x12c: {  	p0 =	sne.s32 s21, s12  }
.Ltmp3:
0x12d: {  	_ = 	snop;
	(pc) =	sbr.rel @p0 .LBB2_1-.Ltmp3, $4  }
0x12e: {  	_ = 	snop  }
0x12f: {  	_ =	swait.ge [sflag:s20], $0x400  }
0x130: {  	[sflag:s20] =	ssyncset.done $0x0  }
0x131: {  	[sflag:s20] =	ssyncadd.s32 $0xFFFFFC00  }
0x132: {  	_ =	sfence.sel $0x180000  }
0x133: {  	[bflag:$0x0] =	sbarrier.arrive $0xFFFF  }
0x134: {  	p0 =	sne.s32 s5, $0x0;
	_ =	strace $0x90000047  }
0x135: {  	s0 =	sadd.s32 @!p0 $0x100000, s0;
	[bflag:$0x2] =	sbarrier.arrive $0xFFFF  }
0x136: {  	[sflag:s0] =	ssyncadd.tile.s32 @!p0 $0x1;
	_ =	shalt  }
.Lfunc_end2:
_tile_overlayer_lowered:
.L_overlay_start_2:
0x137: {  	(tag) =	ssettag $0x2  }
0x138: {  	s0 =	rddreg [dreg:$0x0];
	s2 =	stileid.u32  }
0x139: {  	s1 =	rddreg [dreg:$0x1];
	p0 =	sne.s32 s2, $0x0  }
0x13a: {  	s3 =	rddreg [dreg:$0x2];
	[bflag:$0x3] =	sbarrier.arrive $0xFFFF;
	s2 =	simm.s32 @!p0 $0x1C04  }
0x13b: {  	[timem:s3], [sflag:s2] =	dma.local @!p0 [hbm:s0], s1  }
0x13c: {  	s0 =	simm.s32 @!p0 $0x4  }
0x13d: {  	_ =	swait.ge @!p0 [sflag:s0], s1  }
0x13e: {  	s1 =	ssub.s32 @!p0 $0x0, s1;
	[sflag:s0] =	ssyncset.done @!p0 $0x0  }
0x13f: {  	[sflag:s0] =	ssyncadd.s32 @!p0 s1  }
0x140: {  	[bflag:$0x3] =	sbarrier.arrive $0xFFFF  }
0x141: {  	_ =	shalt  }

</sc_bundles>
